<compile_context>
chip_gen: v7x
topology: tpu7x:2x2x1
jax: 0.10.2.dev20260603
libtpu: 0.0.44.dev20260713+nightly
codegen_flags: <defaults>
</compile_context>

<pallas_src>
import functools

import jax
import jax.numpy as jnp
from jax import lax
from jax.experimental import pallas as pl
from jax.experimental.pallas import tpu as pltpu
from jax.experimental.pallas import tpu_sc as plsc

N = 10000
D = 128
E = 320000
G = 64
HALF = N // 2
DUMP = HALF
ACCR = HALF + 8
NT = 16
EW = E // NT
K = 80
NC = EW // K
KP = 32
NCP = EW // KP
ST = 320
ST15 = 200
R = 1000

_mesh = plsc.VectorSubcoreMesh(core_axis_name="c", subcore_axis_name="s")


NW = 32
EWD = E // NW
NCD = EWD // K
T0 = 640
T15 = 400


@functools.partial(
    pl.kernel,
    mesh=_mesh,
    out_type=jax.ShapeDtypeStruct((2, N, D), jnp.float32),
    scratch_types=[
        pltpu.VMEM((NCD, K), jnp.int32),
        pltpu.VMEM((K,), jnp.int32),
        pltpu.VMEM((K, D), jnp.float32),
        pltpu.VMEM_SHARED((N, D), jnp.float32),
    ],
)
def _deg(dst_hbm, out_hbm, dst_v, idx_v, ones_v, acc_s):
    cid = lax.axis_index("c")
    sid = lax.axis_index("s")
    wid = cid * 16 + sid
    base = sid * T0
    one = jnp.ones((16,), jnp.float32)

    def fill(i, _):
        for l in range(D // 16):
            ones_v[i, pl.ds(l * 16, 16)] = one
        return 0

    def zfill(i, _):
        for l in range(D // 16):
            ones_v[i, pl.ds(l * 16, 16)] = jnp.zeros((16,), jnp.float32)
        return 0

    lax.fori_loop(0, K, zfill, 0)

    @pl.when(sid < 15)
    def _():
        for j in range(T0 // K):
            pltpu.sync_copy(ones_v, acc_s.at[pl.ds(base + j * K, K)])

    @pl.when(sid == 15)
    def _():
        for j in range(T15 // K):
            pltpu.sync_copy(ones_v, acc_s.at[pl.ds(base + j * K, K)])

    lax.fori_loop(0, K, fill, 0)
    pltpu.sync_copy(dst_hbm.at[wid], dst_v)
    plsc.subcore_barrier()

    def step(c, _):
        for j in range(K // 16):
            idx_v[pl.ds(j * 16, 16)] = dst_v[c, pl.ds(j * 16, 16)]
        pltpu.sync_copy(ones_v, acc_s.at[idx_v], add=True)
        return 0

    lax.fori_loop(0, NCD, step, 0)
    plsc.subcore_barrier()

    @pl.when(sid < 15)
    def _():
        pltpu.sync_copy(acc_s.at[pl.ds(base, T0)],
                        out_hbm.at[cid, pl.ds(base, T0)])

    @pl.when(sid == 15)
    def _():
        pltpu.sync_copy(acc_s.at[pl.ds(base, T15)],
                        out_hbm.at[cid, pl.ds(base, T15)])


@functools.partial(
    pl.kernel,
    mesh=_mesh,
    out_type=jax.ShapeDtypeStruct((N, D), jnp.float32),
    scratch_types=[
        pltpu.VMEM((EW,), jnp.int32),
        pltpu.VMEM((EW,), jnp.int32),
        pltpu.VMEM((5, KP), jnp.int32),
        pltpu.VMEM((KP,), jnp.int32),
        pltpu.VMEM((KP,), jnp.int32),
        pltpu.VMEM((KP,), jnp.int32),
        pltpu.VMEM((KP,), jnp.int32),
        pltpu.VMEM((KP,), jnp.int32),
        pltpu.VMEM((5, KP, D), jnp.float32),
        pltpu.SemaphoreType.DMA((5,)),
        pltpu.SemaphoreType.DMA((5,)),
        pltpu.VMEM_SHARED((ACCR, D), jnp.float32),
    ],
)
def _prop(hs_hbm, src_hbm, dst_hbm, out_hbm,
          src_v, dst_v, gidx_v, ix0, ix1, ix2, ix3, ix4,
          rows_v, gsem, ssem, acc_s):
    cid = lax.axis_index("c")
    sid = lax.axis_index("s")
    clo = cid * HALF
    base = sid * ST

    @pl.when(sid < 15)
    def _():
        pltpu.sync_copy(hs_hbm.at[pl.ds(clo + base, ST)],
                        acc_s.at[pl.ds(base, ST)])

    @pl.when(sid == 15)
    def _():
        pltpu.sync_copy(hs_hbm.at[pl.ds(clo + base, ST15)],
                        acc_s.at[pl.ds(base, ST15)])

    pltpu.sync_copy(src_hbm.at[sid], src_v)
    pltpu.sync_copy(dst_hbm.at[sid], dst_v)
    plsc.subcore_barrier()

    ix = (ix0, ix1, ix2, ix3, ix4)

    def build_gidx(c, b):
        for j in range(KP // 16):
            gidx_v[b, pl.ds(j * 16, 16)] = src_v[pl.ds(c * KP + j * 16, 16)]

    def clamp_flat(c, b):
        for j in range(KP // 16):
            dv = dst_v[pl.ds(c * KP + j * 16, 16)]
            inr = (dv >= clo) & (dv < clo + HALF)
            ix[b][pl.ds(j * 16, 16)] = jnp.where(inr, dv - clo, DUMP)

    def start_gather(b):
        pltpu.async_copy(hs_hbm.at[gidx_v.at[b]], rows_v.at[b], gsem.at[b])

    def wait_gather(b):
        pltpu.make_async_copy(hs_hbm.at[gidx_v.at[b]],
                              rows_v.at[b], gsem.at[b]).wait()

    def start_scatter(b):
        pltpu.make_async_copy(rows_v.at[b], acc_s.at[ix[b]],
                              ssem.at[b]).start(add=True)

    def wait_scatter(b):
        pltpu.make_async_copy(rows_v.at[b], acc_s.at[ix[b]],
                              ssem.at[b]).wait()

    for b in range(3):
        build_gidx(jnp.int32(b), b)
        start_gather(b)

    def turn(t, b):
        bg = (b + 3) % 5

        @pl.when(t + 3 < NCP)
        def _():
            @pl.when(t >= 2)
            def _():
                wait_scatter(bg)

            build_gidx(t + 3, bg)
            start_gather(bg)

        wait_gather(b)
        clamp_flat(t, b)
        start_scatter(b)

    def grp(p, _):
        for b in range(5):
            turn(p * 5 + b, b)
        return 0

    lax.fori_loop(0, NCP // 5, grp, 0)
    for b in range(5):
        wait_scatter(b)
    plsc.subcore_barrier()

    @pl.when(sid < 15)
    def _():
        pltpu.sync_copy(acc_s.at[pl.ds(base, ST)],
                        out_hbm.at[pl.ds(clo + base, ST)])

    @pl.when(sid == 15)
    def _():
        pltpu.sync_copy(acc_s.at[pl.ds(base, ST15)],
                        out_hbm.at[pl.ds(clo + base, ST15)])


def _mm1_body(x_ref, w_ref, d0_ref, d1_ref, o_ref):
    dis = lax.rsqrt(1.0 + d0_ref[...] + d1_ref[...])
    o_ref[...] = jnp.dot(x_ref[...], w_ref[...],
                         preferred_element_type=jnp.float32) * dis


def _mid_body(t_ref, d0_ref, d1_ref, b1_ref, w2_ref, o_ref):
    dis = lax.rsqrt(1.0 + d0_ref[...] + d1_ref[...])
    a = jnp.maximum(t_ref[...] * dis + b1_ref[...], 0.0)
    o_ref[...] = jnp.dot(a, w2_ref[...],
                         preferred_element_type=jnp.float32) * dis


def _final_body(t_ref, d0_ref, d1_ref, b2_ref, bat_ref, o_ref):
    dis = lax.rsqrt(1.0 + d0_ref[...] + d1_ref[...])
    h2 = t_ref[...] * dis + b2_ref[...]
    gids = lax.broadcasted_iota(jnp.int32, (R, G), 1)
    oh = (gids == bat_ref[...]).astype(jnp.float32)
    contrib = lax.dot_general(oh, h2, (((0,), (0,)), ((), ())),
                              preferred_element_type=jnp.float32)

    @pl.when(pl.program_id(0) == 0)
    def _():
        o_ref[...] = jnp.zeros_like(o_ref)

    o_ref[...] += contrib


def _mm1(x, W1, d0, d1):
    return pl.pallas_call(
        _mm1_body,
        grid=(N // R,),
        in_specs=[
            pl.BlockSpec((R, D), lambda i: (i, 0)),
            pl.BlockSpec((D, D), lambda i: (0, 0)),
            pl.BlockSpec((R, 1), lambda i: (i, 0)),
            pl.BlockSpec((R, 1), lambda i: (i, 0)),
        ],
        out_specs=pl.BlockSpec((R, D), lambda i: (i, 0)),
        out_shape=jax.ShapeDtypeStruct((N, D), jnp.float32),
    )(x, W1, d0, d1)


def _mid(tmp1, d0, d1, b1, W2):
    return pl.pallas_call(
        _mid_body,
        grid=(N // R,),
        in_specs=[
            pl.BlockSpec((R, D), lambda i: (i, 0)),
            pl.BlockSpec((R, 1), lambda i: (i, 0)),
            pl.BlockSpec((R, 1), lambda i: (i, 0)),
            pl.BlockSpec((1, D), lambda i: (0, 0)),
            pl.BlockSpec((D, D), lambda i: (0, 0)),
        ],
        out_specs=pl.BlockSpec((R, D), lambda i: (i, 0)),
        out_shape=jax.ShapeDtypeStruct((N, D), jnp.float32),
    )(tmp1, d0, d1, b1, W2)


def _final(tmp2, d0, d1, b2, bat_col):
    return pl.pallas_call(
        _final_body,
        grid=(N // R,),
        in_specs=[
            pl.BlockSpec((R, D), lambda i: (i, 0)),
            pl.BlockSpec((R, 1), lambda i: (i, 0)),
            pl.BlockSpec((R, 1), lambda i: (i, 0)),
            pl.BlockSpec((1, D), lambda i: (0, 0)),
            pl.BlockSpec((R, 1), lambda i: (i, 0)),
        ],
        out_specs=pl.BlockSpec((G, D), lambda i: (0, 0)),
        out_shape=jax.ShapeDtypeStruct((G, D), jnp.float32),
        compiler_params=pltpu.CompilerParams(
            dimension_semantics=("arbitrary",)),
    )(tmp2, d0, d1, b2, bat_col)


def kernel(x, edge_index, batch, W1, b1, W2, b2):
    dst_d = edge_index[1].reshape(NW, NCD, K)
    src_p = edge_index[0].reshape(NT, EW)
    dst_p = edge_index[1].reshape(NT, EW)
    degf = _deg(dst_d)
    d0 = degf[0, :, :1]
    d1 = degf[1, :, :1]
    h1s = _mm1(x, W1, d0, d1)
    tmp1 = _prop(h1s, src_p, dst_p)
    h2s = _mid(tmp1, d0, d1, b1.reshape(1, D), W2)
    tmp2 = _prop(h2s, src_p, dst_p)
    return _final(tmp2, d0, d1, b2.reshape(1, D), batch.reshape(N, 1))

# --- scband reference (transcript-rebuilt; emitter-appended) ---
"""Pipeline reference for scband-feature-net-83940840833059 (READ-ONLY COPY).

The authoritative reference and input builder live on the scoring server;
editing this copy changes nothing except your own understanding.
"""

import jax, jax.numpy as jnp
import numpy as np

N = 10000
E = 320000
D_IN = 128
D_H = 128
D_OUT = 128
G = 64


def setup_inputs(seed: int = 0) -> dict:
    key = jax.random.key(seed)
    ks = jax.random.split(key, 8)
    x = jax.random.normal(ks[0], (N, D_IN), dtype=jnp.float32)
    edge_index = jax.random.randint(ks[1], (2, E), 0, N, dtype=jnp.int32)
    batch = jnp.sort(jax.random.randint(ks[2], (N,), 0, G, dtype=jnp.int32))
    W1 = jax.random.normal(ks[3], (D_IN, D_H), dtype=jnp.float32) * (1.0 / np.sqrt(D_IN))
    b1 = jnp.zeros((D_H,), dtype=jnp.float32)
    W2 = jax.random.normal(ks[4], (D_H, D_OUT), dtype=jnp.float32) * (1.0 / np.sqrt(D_H))
    b2 = jnp.zeros((D_OUT,), dtype=jnp.float32)
    return {"x": x, "edge_index": edge_index, "batch": batch, "W1": W1, "b1": b1, "W2": W2, "b2": b2}


def gcn_conv(x, edge_index, W, b):
    # PyG GCNConv: add self-loops, symmetric normalization D^-1/2 (A+I) D^-1/2 X W + b
    num_nodes = x.shape[0]
    loop = jnp.arange(num_nodes, dtype=edge_index.dtype)
    src = jnp.concatenate([edge_index[0], loop])
    dst = jnp.concatenate([edge_index[1], loop])
    deg = jnp.zeros((num_nodes,), dtype=x.dtype).at[dst].add(1.0)
    deg_inv_sqrt = jnp.where(deg > 0, 1.0 / jnp.sqrt(deg), 0.0)
    norm = deg_inv_sqrt[src] * deg_inv_sqrt[dst]
    h = x @ W
    msg = h[src] * norm[:, None]
    out = jnp.zeros((num_nodes, W.shape[1]), dtype=x.dtype).at[dst].add(msg)
    return out + b


def reference(x, edge_index, batch, W1, b1, W2, b2):
    h = jax.nn.relu(gcn_conv(x, edge_index, W1, b1))
    h = gcn_conv(h, edge_index, W2, b2)
    out = jax.ops.segment_sum(h, batch, num_segments=G)
    return out

if __name__ == "__main__":
    import jax
    _d = setup_inputs()
    print(jax.jit(kernel)(*tuple(_d.values())))

</pallas_src>

<mosaic_0001>
#map = affine_map<(d0, d1) -> (0, 0, 0)>
module attributes {stable_mosaic.version = 14 : i64} {
  func.func @_deg(%arg0: i32, %arg1: i32, %arg2: memref<32x125x80xi32, #tpu.memory_space<hbm>>, %arg3: memref<2x10000x128xf32, #tpu.memory_space<hbm>>, %arg4: memref<125x80xi32, #tpu.memory_space<vmem>>, %arg5: memref<80xi32, #tpu.memory_space<vmem>>, %arg6: memref<80x128xf32, #tpu.memory_space<vmem>>, %arg7: memref<10000x128xf32, #tpu.memory_space<vmem_shared>>) attributes {dimension_semantics = [#tpu.dimension_semantics<core_parallel>, #tpu.dimension_semantics<subcore_parallel>], iteration_bounds = array<i64: 2, 16>, scalar_prefetch = 0 : i64, scratch_operands = 4 : i64, tpu.core_type = #tpu.core_type<sc_vector_subcore>, window_params = [{transform_indices = #map}, {transform_indices = #map}]} {
    %mul3A = arith.constant 16 : i32
    %mul3A_0 = arith.muli %arg0, %mul3A : i32
    %add3A = arith.addi %mul3A_0, %arg1 : i32
    %mul3A_1 = arith.constant 640 : i32
    %mul3A_2 = arith.muli %arg1, %mul3A_1 : i32
    %broadcast_in_dim3A = arith.constant 1.000000e+00 : f32
    %broadcast_in_dim3A_3 = vector.broadcast %broadcast_in_dim3A : f32 to vector<16xf32>
    %scan3A = arith.constant 0 : i32
    %scan3A_4 = arith.constant 0 : i32
    %scan3A_5 = arith.constant 80 : i32
    %scan3A_6 = arith.addi %scan3A_4, %scan3A_5 : i32
    %scan3A_7 = arith.constant 1 : i32
    %scan3A_8 = scf.for %scan3A_41 = %scan3A_4 to %scan3A_6 step %scan3A_7 iter_args(%scan3A_42 = %scan3A) -> (i32)  : i32 {
      %broadcast_in_dim3A_43 = arith.constant 0.000000e+00 : f32
      %broadcast_in_dim3A_44 = vector.broadcast %broadcast_in_dim3A_43 : f32 to vector<16xf32>
      %swap3A = arith.index_cast %scan3A_41 : i32 to index
      %swap3A_45 = arith.constant 0 : index
      %swap3A_46 = tpu.vector_load %arg6[%swap3A, %swap3A_45] {strides = array<i32>} : memref<80x128xf32, #tpu.memory_space<vmem>>, vector<1x16xf32>,
      %swap3A_47 = vector.shape_cast %swap3A_46 : vector<1x16xf32> to vector<16xf32>
      %swap3A_48 = vector.shape_cast %broadcast_in_dim3A_44 : vector<16xf32> to vector<1x16xf32>
      tpu.vector_store %arg6[%swap3A, %swap3A_45], %swap3A_48 {strides = array<i32>} : memref<80x128xf32, #tpu.memory_space<vmem>>, vector<1x16xf32>,
      %broadcast_in_dim3A_49 = arith.constant 0.000000e+00 : f32
      %broadcast_in_dim3A_50 = vector.broadcast %broadcast_in_dim3A_49 : f32 to vector<16xf32>
      %swap3A_51 = arith.index_cast %scan3A_41 : i32 to index
      %swap3A_52 = arith.constant 16 : index
      %swap3A_53 = tpu.vector_load %arg6[%swap3A_51, %swap3A_52] {strides = array<i32>} : memref<80x128xf32, #tpu.memory_space<vmem>>, vector<1x16xf32>,
      %swap3A_54 = vector.shape_cast %swap3A_53 : vector<1x16xf32> to vector<16xf32>
      %swap3A_55 = vector.shape_cast %broadcast_in_dim3A_50 : vector<16xf32> to vector<1x16xf32>
      tpu.vector_store %arg6[%swap3A_51, %swap3A_52], %swap3A_55 {strides = array<i32>} : memref<80x128xf32, #tpu.memory_space<vmem>>, vector<1x16xf32>,
      %broadcast_in_dim3A_56 = arith.constant 0.000000e+00 : f32
      %broadcast_in_dim3A_57 = vector.broadcast %broadcast_in_dim3A_56 : f32 to vector<16xf32>
      %swap3A_58 = arith.index_cast %scan3A_41 : i32 to index
      %swap3A_59 = arith.constant 32 : index
      %swap3A_60 = tpu.vector_load %arg6[%swap3A_58, %swap3A_59] {strides = array<i32>} : memref<80x128xf32, #tpu.memory_space<vmem>>, vector<1x16xf32>,
      %swap3A_61 = vector.shape_cast %swap3A_60 : vector<1x16xf32> to vector<16xf32>
      %swap3A_62 = vector.shape_cast %broadcast_in_dim3A_57 : vector<16xf32> to vector<1x16xf32>
      tpu.vector_store %arg6[%swap3A_58, %swap3A_59], %swap3A_62 {strides = array<i32>} : memref<80x128xf32, #tpu.memory_space<vmem>>, vector<1x16xf32>,
      %broadcast_in_dim3A_63 = arith.constant 0.000000e+00 : f32
      %broadcast_in_dim3A_64 = vector.broadcast %broadcast_in_dim3A_63 : f32 to vector<16xf32>
      %swap3A_65 = arith.index_cast %scan3A_41 : i32 to index
      %swap3A_66 = arith.constant 48 : index
      %swap3A_67 = tpu.vector_load %arg6[%swap3A_65, %swap3A_66] {strides = array<i32>} : memref<80x128xf32, #tpu.memory_space<vmem>>, vector<1x16xf32>,
      %swap3A_68 = vector.shape_cast %swap3A_67 : vector<1x16xf32> to vector<16xf32>
      %swap3A_69 = vector.shape_cast %broadcast_in_dim3A_64 : vector<16xf32> to vector<1x16xf32>
      tpu.vector_store %arg6[%swap3A_65, %swap3A_66], %swap3A_69 {strides = array<i32>} : memref<80x128xf32, #tpu.memory_space<vmem>>, vector<1x16xf32>,
      %broadcast_in_dim3A_70 = arith.constant 0.000000e+00 : f32
      %broadcast_in_dim3A_71 = vector.broadcast %broadcast_in_dim3A_70 : f32 to vector<16xf32>
      %swap3A_72 = arith.index_cast %scan3A_41 : i32 to index
      %swap3A_73 = arith.constant 64 : index
      %swap3A_74 = tpu.vector_load %arg6[%swap3A_72, %swap3A_73] {strides = array<i32>} : memref<80x128xf32, #tpu.memory_space<vmem>>, vector<1x16xf32>,
      %swap3A_75 = vector.shape_cast %swap3A_74 : vector<1x16xf32> to vector<16xf32>
      %swap3A_76 = vector.shape_cast %broadcast_in_dim3A_71 : vector<16xf32> to vector<1x16xf32>
      tpu.vector_store %arg6[%swap3A_72, %swap3A_73], %swap3A_76 {strides = array<i32>} : memref<80x128xf32, #tpu.memory_space<vmem>>, vector<1x16xf32>,
      %broadcast_in_dim3A_77 = arith.constant 0.000000e+00 : f32
      %broadcast_in_dim3A_78 = vector.broadcast %broadcast_in_dim3A_77 : f32 to vector<16xf32>
      %swap3A_79 = arith.index_cast %scan3A_41 : i32 to index
      %swap3A_80 = arith.constant 80 : index
      %swap3A_81 = tpu.vector_load %arg6[%swap3A_79, %swap3A_80] {strides = array<i32>} : memref<80x128xf32, #tpu.memory_space<vmem>>, vector<1x16xf32>,
      %swap3A_82 = vector.shape_cast %swap3A_81 : vector<1x16xf32> to vector<16xf32>
      %swap3A_83 = vector.shape_cast %broadcast_in_dim3A_78 : vector<16xf32> to vector<1x16xf32>
      tpu.vector_store %arg6[%swap3A_79, %swap3A_80], %swap3A_83 {strides = array<i32>} : memref<80x128xf32, #tpu.memory_space<vmem>>, vector<1x16xf32>,
      %broadcast_in_dim3A_84 = arith.constant 0.000000e+00 : f32
      %broadcast_in_dim3A_85 = vector.broadcast %broadcast_in_dim3A_84 : f32 to vector<16xf32>
      %swap3A_86 = arith.index_cast %scan3A_41 : i32 to index
      %swap3A_87 = arith.constant 96 : index
      %swap3A_88 = tpu.vector_load %arg6[%swap3A_86, %swap3A_87] {strides = array<i32>} : memref<80x128xf32, #tpu.memory_space<vmem>>, vector<1x16xf32>,
      %swap3A_89 = vector.shape_cast %swap3A_88 : vector<1x16xf32> to vector<16xf32>
      %swap3A_90 = vector.shape_cast %broadcast_in_dim3A_85 : vector<16xf32> to vector<1x16xf32>
      tpu.vector_store %arg6[%swap3A_86, %swap3A_87], %swap3A_90 {strides = array<i32>} : memref<80x128xf32, #tpu.memory_space<vmem>>, vector<1x16xf32>,
      %broadcast_in_dim3A_91 = arith.constant 0.000000e+00 : f32
      %broadcast_in_dim3A_92 = vector.broadcast %broadcast_in_dim3A_91 : f32 to vector<16xf32>
      %swap3A_93 = arith.index_cast %scan3A_41 : i32 to index
      %swap3A_94 = arith.constant 112 : index
      %swap3A_95 = tpu.vector_load %arg6[%swap3A_93, %swap3A_94] {strides = array<i32>} : memref<80x128xf32, #tpu.memory_space<vmem>>, vector<1x16xf32>,
      %swap3A_96 = vector.shape_cast %swap3A_95 : vector<1x16xf32> to vector<16xf32>
      %swap3A_97 = vector.shape_cast %broadcast_in_dim3A_92 : vector<16xf32> to vector<1x16xf32>
      tpu.vector_store %arg6[%swap3A_93, %swap3A_94], %swap3A_97 {strides = array<i32>} : memref<80x128xf32, #tpu.memory_space<vmem>>, vector<1x16xf32>,
      %scan3A_98 = arith.constant 0 : i32
      scf.yield %scan3A_98 : i32
    }
    %scan3A_9 = arith.constant 80 : i32
    %lt3A = arith.constant 15 : i32
    %lt3A_10 = arith.cmpi slt, %arg1, %lt3A : i32
    %convert_element_type3A = arith.extui %lt3A_10 : i1 to i32
    %cond3A = arith.constant 0 : i32
    %cond3A_11 = arith.cmpi ne, %convert_element_type3A, %cond3A : i32
    scf.if %cond3A_11 {
      %add3A_41 = arith.constant 0 : i32
      %add3A_42 = arith.addi %mul3A_2, %add3A_41 : i32
      "tpu.region"() ({
        %run_scoped3A = tpu.sem_alloc : memref<!tpu.dma_semaphore, #tpu.memory_space<semaphore_mem>>
        %dma_start3A = arith.constant 0 : i32
        %dma_start3A_57 = tpu.memref_slice %arg7[%add3A_42, %dma_start3A] : memref<10000x128xf32, #tpu.memory_space<vmem_shared>> -> memref<80x128xf32, #tpu.memory_space<vmem_shared>>
        %dma_start3A_58 = arith.constant 0 : i32
        %dma_start3A_59 = tpu.memref_slice %arg7[%add3A_42, %dma_start3A_58] : memref<10000x128xf32, #tpu.memory_space<vmem_shared>> -> memref<80x128xf32, #tpu.memory_space<vmem_shared>>
        tpu.enqueue_dma source(%arg6 : memref<80x128xf32, #tpu.memory_space<vmem>>) target(%dma_start3A_59 : memref<80x128xf32, #tpu.memory_space<vmem_shared>>) target_semaphore(%run_scoped3A : memref<!tpu.dma_semaphore, #tpu.memory_space<semaphore_mem>>)
        %dma_wait3A = arith.constant 0 : i32
        %dma_wait3A_60 = tpu.memref_slice %arg7[%add3A_42, %dma_wait3A] : memref<10000x128xf32, #tpu.memory_space<vmem_shared>> -> memref<80x128xf32, #tpu.memory_space<vmem_shared>>
        %dma_wait3A_61 = arith.constant 0 : i32
        %dma_wait3A_62 = tpu.memref_slice %arg7[%add3A_42, %dma_wait3A_61] : memref<10000x128xf32, #tpu.memory_space<vmem_shared>> -> memref<80x128xf32, #tpu.memory_space<vmem_shared>>
        tpu.wait_dma2 semaphore(%run_scoped3A : memref<!tpu.dma_semaphore, #tpu.memory_space<semaphore_mem>>) src(%arg6 : memref<80x128xf32, #tpu.memory_space<vmem>>) dst(%dma_wait3A_62 : memref<80x128xf32, #tpu.memory_space<vmem_shared>>)
        tpu.yield
      }) : () -> ()
      %add3A_43 = arith.constant 80 : i32
      %add3A_44 = arith.addi %mul3A_2, %add3A_43 : i32
      "tpu.region"() ({
        %run_scoped3A = tpu.sem_alloc : memref<!tpu.dma_semaphore, #tpu.memory_space<semaphore_mem>>
        %dma_start3A = arith.constant 0 : i32
        %dma_start3A_57 = tpu.memref_slice %arg7[%add3A_44, %dma_start3A] : memref<10000x128xf32, #tpu.memory_space<vmem_shared>> -> memref<80x128xf32, #tpu.memory_space<vmem_shared>>
        %dma_start3A_58 = arith.constant 0 : i32
        %dma_start3A_59 = tpu.memref_slice %arg7[%add3A_44, %dma_start3A_58] : memref<10000x128xf32, #tpu.memory_space<vmem_shared>> -> memref<80x128xf32, #tpu.memory_space<vmem_shared>>
        tpu.enqueue_dma source(%arg6 : memref<80x128xf32, #tpu.memory_space<vmem>>) target(%dma_start3A_59 : memref<80x128xf32, #tpu.memory_space<vmem_shared>>) target_semaphore(%run_scoped3A : memref<!tpu.dma_semaphore, #tpu.memory_space<semaphore_mem>>)
        %dma_wait3A = arith.constant 0 : i32
        %dma_wait3A_60 = tpu.memref_slice %arg7[%add3A_44, %dma_wait3A] : memref<10000x128xf32, #tpu.memory_space<vmem_shared>> -> memref<80x128xf32, #tpu.memory_space<vmem_shared>>
        %dma_wait3A_61 = arith.constant 0 : i32
        %dma_wait3A_62 = tpu.memref_slice %arg7[%add3A_44, %dma_wait3A_61] : memref<10000x128xf32, #tpu.memory_space<vmem_shared>> -> memref<80x128xf32, #tpu.memory_space<vmem_shared>>
        tpu.wait_dma2 semaphore(%run_scoped3A : memref<!tpu.dma_semaphore, #tpu.memory_space<semaphore_mem>>) src(%arg6 : memref<80x128xf32, #tpu.memory_space<vmem>>) dst(%dma_wait3A_62 : memref<80x128xf32, #tpu.memory_space<vmem_shared>>)
        tpu.yield
      }) : () -> ()
      %add3A_45 = arith.constant 160 : i32
      %add3A_46 = arith.addi %mul3A_2, %add3A_45 : i32
      "tpu.region"() ({
        %run_scoped3A = tpu.sem_alloc : memref<!tpu.dma_semaphore, #tpu.memory_space<semaphore_mem>>
        %dma_start3A = arith.constant 0 : i32
        %dma_start3A_57 = tpu.memref_slice %arg7[%add3A_46, %dma_start3A] : memref<10000x128xf32, #tpu.memory_space<vmem_shared>> -> memref<80x128xf32, #tpu.memory_space<vmem_shared>>
        %dma_start3A_58 = arith.constant 0 : i32
        %dma_start3A_59 = tpu.memref_slice %arg7[%add3A_46, %dma_start3A_58] : memref<10000x128xf32, #tpu.memory_space<vmem_shared>> -> memref<80x128xf32, #tpu.memory_space<vmem_shared>>
        tpu.enqueue_dma source(%arg6 : memref<80x128xf32, #tpu.memory_space<vmem>>) target(%dma_start3A_59 : memref<80x128xf32, #tpu.memory_space<vmem_shared>>) target_semaphore(%run_scoped3A : memref<!tpu.dma_semaphore, #tpu.memory_space<semaphore_mem>>)
        %dma_wait3A = arith.constant 0 : i32
        %dma_wait3A_60 = tpu.memref_slice %arg7[%add3A_46, %dma_wait3A] : memref<10000x128xf32, #tpu.memory_space<vmem_shared>> -> memref<80x128xf32, #tpu.memory_space<vmem_shared>>
        %dma_wait3A_61 = arith.constant 0 : i32
        %dma_wait3A_62 = tpu.memref_slice %arg7[%add3A_46, %dma_wait3A_61] : memref<10000x128xf32, #tpu.memory_space<vmem_shared>> -> memref<80x128xf32, #tpu.memory_space<vmem_shared>>
        tpu.wait_dma2 semaphore(%run_scoped3A : memref<!tpu.dma_semaphore, #tpu.memory_space<semaphore_mem>>) src(%arg6 : memref<80x128xf32, #tpu.memory_space<vmem>>) dst(%dma_wait3A_62 : memref<80x128xf32, #tpu.memory_space<vmem_shared>>)
        tpu.yield
      }) : () -> ()
      %add3A_47 = arith.constant 240 : i32
      %add3A_48 = arith.addi %mul3A_2, %add3A_47 : i32
      "tpu.region"() ({
        %run_scoped3A = tpu.sem_alloc : memref<!tpu.dma_semaphore, #tpu.memory_space<semaphore_mem>>
        %dma_start3A = arith.constant 0 : i32
        %dma_start3A_57 = tpu.memref_slice %arg7[%add3A_48, %dma_start3A] : memref<10000x128xf32, #tpu.memory_space<vmem_shared>> -> memref<80x128xf32, #tpu.memory_space<vmem_shared>>
        %dma_start3A_58 = arith.constant 0 : i32
        %dma_start3A_59 = tpu.memref_slice %arg7[%add3A_48, %dma_start3A_58] : memref<10000x128xf32, #tpu.memory_space<vmem_shared>> -> memref<80x128xf32, #tpu.memory_space<vmem_shared>>
        tpu.enqueue_dma source(%arg6 : memref<80x128xf32, #tpu.memory_space<vmem>>) target(%dma_start3A_59 : memref<80x128xf32, #tpu.memory_space<vmem_shared>>) target_semaphore(%run_scoped3A : memref<!tpu.dma_semaphore, #tpu.memory_space<semaphore_mem>>)
        %dma_wait3A = arith.constant 0 : i32
        %dma_wait3A_60 = tpu.memref_slice %arg7[%add3A_48, %dma_wait3A] : memref<10000x128xf32, #tpu.memory_space<vmem_shared>> -> memref<80x128xf32, #tpu.memory_space<vmem_shared>>
        %dma_wait3A_61 = arith.constant 0 : i32
        %dma_wait3A_62 = tpu.memref_slice %arg7[%add3A_48, %dma_wait3A_61] : memref<10000x128xf32, #tpu.memory_space<vmem_shared>> -> memref<80x128xf32, #tpu.memory_space<vmem_shared>>
        tpu.wait_dma2 semaphore(%run_scoped3A : memref<!tpu.dma_semaphore, #tpu.memory_space<semaphore_mem>>) src(%arg6 : memref<80x128xf32, #tpu.memory_space<vmem>>) dst(%dma_wait3A_62 : memref<80x128xf32, #tpu.memory_space<vmem_shared>>)
        tpu.yield
      }) : () -> ()
      %add3A_49 = arith.constant 320 : i32
      %add3A_50 = arith.addi %mul3A_2, %add3A_49 : i32
      "tpu.region"() ({
        %run_scoped3A = tpu.sem_alloc : memref<!tpu.dma_semaphore, #tpu.memory_space<semaphore_mem>>
        %dma_start3A = arith.constant 0 : i32
        %dma_start3A_57 = tpu.memref_slice %arg7[%add3A_50, %dma_start3A] : memref<10000x128xf32, #tpu.memory_space<vmem_shared>> -> memref<80x128xf32, #tpu.memory_space<vmem_shared>>
        %dma_start3A_58 = arith.constant 0 : i32
        %dma_start3A_59 = tpu.memref_slice %arg7[%add3A_50, %dma_start3A_58] : memref<10000x128xf32, #tpu.memory_space<vmem_shared>> -> memref<80x128xf32, #tpu.memory_space<vmem_shared>>
        tpu.enqueue_dma source(%arg6 : memref<80x128xf32, #tpu.memory_space<vmem>>) target(%dma_start3A_59 : memref<80x128xf32, #tpu.memory_space<vmem_shared>>) target_semaphore(%run_scoped3A : memref<!tpu.dma_semaphore, #tpu.memory_space<semaphore_mem>>)
        %dma_wait3A = arith.constant 0 : i32
        %dma_wait3A_60 = tpu.memref_slice %arg7[%add3A_50, %dma_wait3A] : memref<10000x128xf32, #tpu.memory_space<vmem_shared>> -> memref<80x128xf32, #tpu.memory_space<vmem_shared>>
        %dma_wait3A_61 = arith.constant 0 : i32
        %dma_wait3A_62 = tpu.memref_slice %arg7[%add3A_50, %dma_wait3A_61] : memref<10000x128xf32, #tpu.memory_space<vmem_shared>> -> memref<80x128xf32, #tpu.memory_space<vmem_shared>>
        tpu.wait_dma2 semaphore(%run_scoped3A : memref<!tpu.dma_semaphore, #tpu.memory_space<semaphore_mem>>) src(%arg6 : memref<80x128xf32, #tpu.memory_space<vmem>>) dst(%dma_wait3A_62 : memref<80x128xf32, #tpu.memory_space<vmem_shared>>)
        tpu.yield
      }) : () -> ()
      %add3A_51 = arith.constant 400 : i32
      %add3A_52 = arith.addi %mul3A_2, %add3A_51 : i32
      "tpu.region"() ({
        %run_scoped3A = tpu.sem_alloc : memref<!tpu.dma_semaphore, #tpu.memory_space<semaphore_mem>>
        %dma_start3A = arith.constant 0 : i32
        %dma_start3A_57 = tpu.memref_slice %arg7[%add3A_52, %dma_start3A] : memref<10000x128xf32, #tpu.memory_space<vmem_shared>> -> memref<80x128xf32, #tpu.memory_space<vmem_shared>>
        %dma_start3A_58 = arith.constant 0 : i32
        %dma_start3A_59 = tpu.memref_slice %arg7[%add3A_52, %dma_start3A_58] : memref<10000x128xf32, #tpu.memory_space<vmem_shared>> -> memref<80x128xf32, #tpu.memory_space<vmem_shared>>
        tpu.enqueue_dma source(%arg6 : memref<80x128xf32, #tpu.memory_space<vmem>>) target(%dma_start3A_59 : memref<80x128xf32, #tpu.memory_space<vmem_shared>>) target_semaphore(%run_scoped3A : memref<!tpu.dma_semaphore, #tpu.memory_space<semaphore_mem>>)
        %dma_wait3A = arith.constant 0 : i32
        %dma_wait3A_60 = tpu.memref_slice %arg7[%add3A_52, %dma_wait3A] : memref<10000x128xf32, #tpu.memory_space<vmem_shared>> -> memref<80x128xf32, #tpu.memory_space<vmem_shared>>
        %dma_wait3A_61 = arith.constant 0 : i32
        %dma_wait3A_62 = tpu.memref_slice %arg7[%add3A_52, %dma_wait3A_61] : memref<10000x128xf32, #tpu.memory_space<vmem_shared>> -> memref<80x128xf32, #tpu.memory_space<vmem_shared>>
        tpu.wait_dma2 semaphore(%run_scoped3A : memref<!tpu.dma_semaphore, #tpu.memory_space<semaphore_mem>>) src(%arg6 : memref<80x128xf32, #tpu.memory_space<vmem>>) dst(%dma_wait3A_62 : memref<80x128xf32, #tpu.memory_space<vmem_shared>>)
        tpu.yield
      }) : () -> ()
      %add3A_53 = arith.constant 480 : i32
      %add3A_54 = arith.addi %mul3A_2, %add3A_53 : i32
      "tpu.region"() ({
        %run_scoped3A = tpu.sem_alloc : memref<!tpu.dma_semaphore, #tpu.memory_space<semaphore_mem>>
        %dma_start3A = arith.constant 0 : i32
        %dma_start3A_57 = tpu.memref_slice %arg7[%add3A_54, %dma_start3A] : memref<10000x128xf32, #tpu.memory_space<vmem_shared>> -> memref<80x128xf32, #tpu.memory_space<vmem_shared>>
        %dma_start3A_58 = arith.constant 0 : i32
        %dma_start3A_59 = tpu.memref_slice %arg7[%add3A_54, %dma_start3A_58] : memref<10000x128xf32, #tpu.memory_space<vmem_shared>> -> memref<80x128xf32, #tpu.memory_space<vmem_shared>>
        tpu.enqueue_dma source(%arg6 : memref<80x128xf32, #tpu.memory_space<vmem>>) target(%dma_start3A_59 : memref<80x128xf32, #tpu.memory_space<vmem_shared>>) target_semaphore(%run_scoped3A : memref<!tpu.dma_semaphore, #tpu.memory_space<semaphore_mem>>)
        %dma_wait3A = arith.constant 0 : i32
        %dma_wait3A_60 = tpu.memref_slice %arg7[%add3A_54, %dma_wait3A] : memref<10000x128xf32, #tpu.memory_space<vmem_shared>> -> memref<80x128xf32, #tpu.memory_space<vmem_shared>>
        %dma_wait3A_61 = arith.constant 0 : i32
        %dma_wait3A_62 = tpu.memref_slice %arg7[%add3A_54, %dma_wait3A_61] : memref<10000x128xf32, #tpu.memory_space<vmem_shared>> -> memref<80x128xf32, #tpu.memory_space<vmem_shared>>
        tpu.wait_dma2 semaphore(%run_scoped3A : memref<!tpu.dma_semaphore, #tpu.memory_space<semaphore_mem>>) src(%arg6 : memref<80x128xf32, #tpu.memory_space<vmem>>) dst(%dma_wait3A_62 : memref<80x128xf32, #tpu.memory_space<vmem_shared>>)
        tpu.yield
      }) : () -> ()
      %add3A_55 = arith.constant 560 : i32
      %add3A_56 = arith.addi %mul3A_2, %add3A_55 : i32
      "tpu.region"() ({
        %run_scoped3A = tpu.sem_alloc : memref<!tpu.dma_semaphore, #tpu.memory_space<semaphore_mem>>
        %dma_start3A = arith.constant 0 : i32
        %dma_start3A_57 = tpu.memref_slice %arg7[%add3A_56, %dma_start3A] : memref<10000x128xf32, #tpu.memory_space<vmem_shared>> -> memref<80x128xf32, #tpu.memory_space<vmem_shared>>
        %dma_start3A_58 = arith.constant 0 : i32
        %dma_start3A_59 = tpu.memref_slice %arg7[%add3A_56, %dma_start3A_58] : memref<10000x128xf32, #tpu.memory_space<vmem_shared>> -> memref<80x128xf32, #tpu.memory_space<vmem_shared>>
        tpu.enqueue_dma source(%arg6 : memref<80x128xf32, #tpu.memory_space<vmem>>) target(%dma_start3A_59 : memref<80x128xf32, #tpu.memory_space<vmem_shared>>) target_semaphore(%run_scoped3A : memref<!tpu.dma_semaphore, #tpu.memory_space<semaphore_mem>>)
        %dma_wait3A = arith.constant 0 : i32
        %dma_wait3A_60 = tpu.memref_slice %arg7[%add3A_56, %dma_wait3A] : memref<10000x128xf32, #tpu.memory_space<vmem_shared>> -> memref<80x128xf32, #tpu.memory_space<vmem_shared>>
        %dma_wait3A_61 = arith.constant 0 : i32
        %dma_wait3A_62 = tpu.memref_slice %arg7[%add3A_56, %dma_wait3A_61] : memref<10000x128xf32, #tpu.memory_space<vmem_shared>> -> memref<80x128xf32, #tpu.memory_space<vmem_shared>>
        tpu.wait_dma2 semaphore(%run_scoped3A : memref<!tpu.dma_semaphore, #tpu.memory_space<semaphore_mem>>) src(%arg6 : memref<80x128xf32, #tpu.memory_space<vmem>>) dst(%dma_wait3A_62 : memref<80x128xf32, #tpu.memory_space<vmem_shared>>)
        tpu.yield
      }) : () -> ()
    } else {
    }
    %eq3A = arith.constant 15 : i32
    %eq3A_12 = arith.cmpi eq, %arg1, %eq3A : i32
    %convert_element_type3A_13 = arith.extui %eq3A_12 : i1 to i32
    %cond3A_14 = arith.constant 0 : i32
    %cond3A_15 = arith.cmpi ne, %convert_element_type3A_13, %cond3A_14 : i32
    scf.if %cond3A_15 {
      %add3A_41 = arith.constant 0 : i32
      %add3A_42 = arith.addi %mul3A_2, %add3A_41 : i32
      "tpu.region"() ({
        %run_scoped3A = tpu.sem_alloc : memref<!tpu.dma_semaphore, #tpu.memory_space<semaphore_mem>>
        %dma_start3A = arith.constant 0 : i32
        %dma_start3A_51 = tpu.memref_slice %arg7[%add3A_42, %dma_start3A] : memref<10000x128xf32, #tpu.memory_space<vmem_shared>> -> memref<80x128xf32, #tpu.memory_space<vmem_shared>>
        %dma_start3A_52 = arith.constant 0 : i32
        %dma_start3A_53 = tpu.memref_slice %arg7[%add3A_42, %dma_start3A_52] : memref<10000x128xf32, #tpu.memory_space<vmem_shared>> -> memref<80x128xf32, #tpu.memory_space<vmem_shared>>
        tpu.enqueue_dma source(%arg6 : memref<80x128xf32, #tpu.memory_space<vmem>>) target(%dma_start3A_53 : memref<80x128xf32, #tpu.memory_space<vmem_shared>>) target_semaphore(%run_scoped3A : memref<!tpu.dma_semaphore, #tpu.memory_space<semaphore_mem>>)
        %dma_wait3A = arith.constant 0 : i32
        %dma_wait3A_54 = tpu.memref_slice %arg7[%add3A_42, %dma_wait3A] : memref<10000x128xf32, #tpu.memory_space<vmem_shared>> -> memref<80x128xf32, #tpu.memory_space<vmem_shared>>
        %dma_wait3A_55 = arith.constant 0 : i32
        %dma_wait3A_56 = tpu.memref_slice %arg7[%add3A_42, %dma_wait3A_55] : memref<10000x128xf32, #tpu.memory_space<vmem_shared>> -> memref<80x128xf32, #tpu.memory_space<vmem_shared>>
        tpu.wait_dma2 semaphore(%run_scoped3A : memref<!tpu.dma_semaphore, #tpu.memory_space<semaphore_mem>>) src(%arg6 : memref<80x128xf32, #tpu.memory_space<vmem>>) dst(%dma_wait3A_56 : memref<80x128xf32, #tpu.memory_space<vmem_shared>>)
        tpu.yield
      }) : () -> ()
      %add3A_43 = arith.constant 80 : i32
      %add3A_44 = arith.addi %mul3A_2, %add3A_43 : i32
      "tpu.region"() ({
        %run_scoped3A = tpu.sem_alloc : memref<!tpu.dma_semaphore, #tpu.memory_space<semaphore_mem>>
        %dma_start3A = arith.constant 0 : i32
        %dma_start3A_51 = tpu.memref_slice %arg7[%add3A_44, %dma_start3A] : memref<10000x128xf32, #tpu.memory_space<vmem_shared>> -> memref<80x128xf32, #tpu.memory_space<vmem_shared>>
        %dma_start3A_52 = arith.constant 0 : i32
        %dma_start3A_53 = tpu.memref_slice %arg7[%add3A_44, %dma_start3A_52] : memref<10000x128xf32, #tpu.memory_space<vmem_shared>> -> memref<80x128xf32, #tpu.memory_space<vmem_shared>>
        tpu.enqueue_dma source(%arg6 : memref<80x128xf32, #tpu.memory_space<vmem>>) target(%dma_start3A_53 : memref<80x128xf32, #tpu.memory_space<vmem_shared>>) target_semaphore(%run_scoped3A : memref<!tpu.dma_semaphore, #tpu.memory_space<semaphore_mem>>)
        %dma_wait3A = arith.constant 0 : i32
        %dma_wait3A_54 = tpu.memref_slice %arg7[%add3A_44, %dma_wait3A] : memref<10000x128xf32, #tpu.memory_space<vmem_shared>> -> memref<80x128xf32, #tpu.memory_space<vmem_shared>>
        %dma_wait3A_55 = arith.constant 0 : i32
        %dma_wait3A_56 = tpu.memref_slice %arg7[%add3A_44, %dma_wait3A_55] : memref<10000x128xf32, #tpu.memory_space<vmem_shared>> -> memref<80x128xf32, #tpu.memory_space<vmem_shared>>
        tpu.wait_dma2 semaphore(%run_scoped3A : memref<!tpu.dma_semaphore, #tpu.memory_space<semaphore_mem>>) src(%arg6 : memref<80x128xf32, #tpu.memory_space<vmem>>) dst(%dma_wait3A_56 : memref<80x128xf32, #tpu.memory_space<vmem_shared>>)
        tpu.yield
      }) : () -> ()
      %add3A_45 = arith.constant 160 : i32
      %add3A_46 = arith.addi %mul3A_2, %add3A_45 : i32
      "tpu.region"() ({
        %run_scoped3A = tpu.sem_alloc : memref<!tpu.dma_semaphore, #tpu.memory_space<semaphore_mem>>
        %dma_start3A = arith.constant 0 : i32
        %dma_start3A_51 = tpu.memref_slice %arg7[%add3A_46, %dma_start3A] : memref<10000x128xf32, #tpu.memory_space<vmem_shared>> -> memref<80x128xf32, #tpu.memory_space<vmem_shared>>
        %dma_start3A_52 = arith.constant 0 : i32
        %dma_start3A_53 = tpu.memref_slice %arg7[%add3A_46, %dma_start3A_52] : memref<10000x128xf32, #tpu.memory_space<vmem_shared>> -> memref<80x128xf32, #tpu.memory_space<vmem_shared>>
        tpu.enqueue_dma source(%arg6 : memref<80x128xf32, #tpu.memory_space<vmem>>) target(%dma_start3A_53 : memref<80x128xf32, #tpu.memory_space<vmem_shared>>) target_semaphore(%run_scoped3A : memref<!tpu.dma_semaphore, #tpu.memory_space<semaphore_mem>>)
        %dma_wait3A = arith.constant 0 : i32
        %dma_wait3A_54 = tpu.memref_slice %arg7[%add3A_46, %dma_wait3A] : memref<10000x128xf32, #tpu.memory_space<vmem_shared>> -> memref<80x128xf32, #tpu.memory_space<vmem_shared>>
        %dma_wait3A_55 = arith.constant 0 : i32
        %dma_wait3A_56 = tpu.memref_slice %arg7[%add3A_46, %dma_wait3A_55] : memref<10000x128xf32, #tpu.memory_space<vmem_shared>> -> memref<80x128xf32, #tpu.memory_space<vmem_shared>>
        tpu.wait_dma2 semaphore(%run_scoped3A : memref<!tpu.dma_semaphore, #tpu.memory_space<semaphore_mem>>) src(%arg6 : memref<80x128xf32, #tpu.memory_space<vmem>>) dst(%dma_wait3A_56 : memref<80x128xf32, #tpu.memory_space<vmem_shared>>)
        tpu.yield
      }) : () -> ()
      %add3A_47 = arith.constant 240 : i32
      %add3A_48 = arith.addi %mul3A_2, %add3A_47 : i32
      "tpu.region"() ({
        %run_scoped3A = tpu.sem_alloc : memref<!tpu.dma_semaphore, #tpu.memory_space<semaphore_mem>>
        %dma_start3A = arith.constant 0 : i32
        %dma_start3A_51 = tpu.memref_slice %arg7[%add3A_48, %dma_start3A] : memref<10000x128xf32, #tpu.memory_space<vmem_shared>> -> memref<80x128xf32, #tpu.memory_space<vmem_shared>>
        %dma_start3A_52 = arith.constant 0 : i32
        %dma_start3A_53 = tpu.memref_slice %arg7[%add3A_48, %dma_start3A_52] : memref<10000x128xf32, #tpu.memory_space<vmem_shared>> -> memref<80x128xf32, #tpu.memory_space<vmem_shared>>
        tpu.enqueue_dma source(%arg6 : memref<80x128xf32, #tpu.memory_space<vmem>>) target(%dma_start3A_53 : memref<80x128xf32, #tpu.memory_space<vmem_shared>>) target_semaphore(%run_scoped3A : memref<!tpu.dma_semaphore, #tpu.memory_space<semaphore_mem>>)
        %dma_wait3A = arith.constant 0 : i32
        %dma_wait3A_54 = tpu.memref_slice %arg7[%add3A_48, %dma_wait3A] : memref<10000x128xf32, #tpu.memory_space<vmem_shared>> -> memref<80x128xf32, #tpu.memory_space<vmem_shared>>
        %dma_wait3A_55 = arith.constant 0 : i32
        %dma_wait3A_56 = tpu.memref_slice %arg7[%add3A_48, %dma_wait3A_55] : memref<10000x128xf32, #tpu.memory_space<vmem_shared>> -> memref<80x128xf32, #tpu.memory_space<vmem_shared>>
        tpu.wait_dma2 semaphore(%run_scoped3A : memref<!tpu.dma_semaphore, #tpu.memory_space<semaphore_mem>>) src(%arg6 : memref<80x128xf32, #tpu.memory_space<vmem>>) dst(%dma_wait3A_56 : memref<80x128xf32, #tpu.memory_space<vmem_shared>>)
        tpu.yield
      }) : () -> ()
      %add3A_49 = arith.constant 320 : i32
      %add3A_50 = arith.addi %mul3A_2, %add3A_49 : i32
      "tpu.region"() ({
        %run_scoped3A = tpu.sem_alloc : memref<!tpu.dma_semaphore, #tpu.memory_space<semaphore_mem>>
        %dma_start3A = arith.constant 0 : i32
        %dma_start3A_51 = tpu.memref_slice %arg7[%add3A_50, %dma_start3A] : memref<10000x128xf32, #tpu.memory_space<vmem_shared>> -> memref<80x128xf32, #tpu.memory_space<vmem_shared>>
        %dma_start3A_52 = arith.constant 0 : i32
        %dma_start3A_53 = tpu.memref_slice %arg7[%add3A_50, %dma_start3A_52] : memref<10000x128xf32, #tpu.memory_space<vmem_shared>> -> memref<80x128xf32, #tpu.memory_space<vmem_shared>>
        tpu.enqueue_dma source(%arg6 : memref<80x128xf32, #tpu.memory_space<vmem>>) target(%dma_start3A_53 : memref<80x128xf32, #tpu.memory_space<vmem_shared>>) target_semaphore(%run_scoped3A : memref<!tpu.dma_semaphore, #tpu.memory_space<semaphore_mem>>)
        %dma_wait3A = arith.constant 0 : i32
        %dma_wait3A_54 = tpu.memref_slice %arg7[%add3A_50, %dma_wait3A] : memref<10000x128xf32, #tpu.memory_space<vmem_shared>> -> memref<80x128xf32, #tpu.memory_space<vmem_shared>>
        %dma_wait3A_55 = arith.constant 0 : i32
        %dma_wait3A_56 = tpu.memref_slice %arg7[%add3A_50, %dma_wait3A_55] : memref<10000x128xf32, #tpu.memory_space<vmem_shared>> -> memref<80x128xf32, #tpu.memory_space<vmem_shared>>
        tpu.wait_dma2 semaphore(%run_scoped3A : memref<!tpu.dma_semaphore, #tpu.memory_space<semaphore_mem>>) src(%arg6 : memref<80x128xf32, #tpu.memory_space<vmem>>) dst(%dma_wait3A_56 : memref<80x128xf32, #tpu.memory_space<vmem_shared>>)
        tpu.yield
      }) : () -> ()
    } else {
    }
    %scan3A_16 = arith.constant 0 : i32
    %scan3A_17 = arith.constant 0 : i32
    %scan3A_18 = arith.constant 80 : i32
    %scan3A_19 = arith.addi %scan3A_17, %scan3A_18 : i32
    %scan3A_20 = arith.constant 1 : i32
    %scan3A_21 = scf.for %scan3A_41 = %scan3A_17 to %scan3A_19 step %scan3A_20 iter_args(%scan3A_42 = %scan3A_16) -> (i32)  : i32 {
      %swap3A = arith.index_cast %scan3A_41 : i32 to index
      %swap3A_43 = arith.constant 0 : index
      %swap3A_44 = tpu.vector_load %arg6[%swap3A, %swap3A_43] {strides = array<i32>} : memref<80x128xf32, #tpu.memory_space<vmem>>, vector<1x16xf32>,
      %swap3A_45 = vector.shape_cast %swap3A_44 : vector<1x16xf32> to vector<16xf32>
      %swap3A_46 = vector.shape_cast %broadcast_in_dim3A_3 : vector<16xf32> to vector<1x16xf32>
      tpu.vector_store %arg6[%swap3A, %swap3A_43], %swap3A_46 {strides = array<i32>} : memref<80x128xf32, #tpu.memory_space<vmem>>, vector<1x16xf32>,
      %swap3A_47 = arith.index_cast %scan3A_41 : i32 to index
      %swap3A_48 = arith.constant 16 : index
      %swap3A_49 = tpu.vector_load %arg6[%swap3A_47, %swap3A_48] {strides = array<i32>} : memref<80x128xf32, #tpu.memory_space<vmem>>, vector<1x16xf32>,
      %swap3A_50 = vector.shape_cast %swap3A_49 : vector<1x16xf32> to vector<16xf32>
      %swap3A_51 = vector.shape_cast %broadcast_in_dim3A_3 : vector<16xf32> to vector<1x16xf32>
      tpu.vector_store %arg6[%swap3A_47, %swap3A_48], %swap3A_51 {strides = array<i32>} : memref<80x128xf32, #tpu.memory_space<vmem>>, vector<1x16xf32>,
      %swap3A_52 = arith.index_cast %scan3A_41 : i32 to index
      %swap3A_53 = arith.constant 32 : index
      %swap3A_54 = tpu.vector_load %arg6[%swap3A_52, %swap3A_53] {strides = array<i32>} : memref<80x128xf32, #tpu.memory_space<vmem>>, vector<1x16xf32>,
      %swap3A_55 = vector.shape_cast %swap3A_54 : vector<1x16xf32> to vector<16xf32>
      %swap3A_56 = vector.shape_cast %broadcast_in_dim3A_3 : vector<16xf32> to vector<1x16xf32>
      tpu.vector_store %arg6[%swap3A_52, %swap3A_53], %swap3A_56 {strides = array<i32>} : memref<80x128xf32, #tpu.memory_space<vmem>>, vector<1x16xf32>,
      %swap3A_57 = arith.index_cast %scan3A_41 : i32 to index
      %swap3A_58 = arith.constant 48 : index
      %swap3A_59 = tpu.vector_load %arg6[%swap3A_57, %swap3A_58] {strides = array<i32>} : memref<80x128xf32, #tpu.memory_space<vmem>>, vector<1x16xf32>,
      %swap3A_60 = vector.shape_cast %swap3A_59 : vector<1x16xf32> to vector<16xf32>
      %swap3A_61 = vector.shape_cast %broadcast_in_dim3A_3 : vector<16xf32> to vector<1x16xf32>
      tpu.vector_store %arg6[%swap3A_57, %swap3A_58], %swap3A_61 {strides = array<i32>} : memref<80x128xf32, #tpu.memory_space<vmem>>, vector<1x16xf32>,
      %swap3A_62 = arith.index_cast %scan3A_41 : i32 to index
      %swap3A_63 = arith.constant 64 : index
      %swap3A_64 = tpu.vector_load %arg6[%swap3A_62, %swap3A_63] {strides = array<i32>} : memref<80x128xf32, #tpu.memory_space<vmem>>, vector<1x16xf32>,
      %swap3A_65 = vector.shape_cast %swap3A_64 : vector<1x16xf32> to vector<16xf32>
      %swap3A_66 = vector.shape_cast %broadcast_in_dim3A_3 : vector<16xf32> to vector<1x16xf32>
      tpu.vector_store %arg6[%swap3A_62, %swap3A_63], %swap3A_66 {strides = array<i32>} : memref<80x128xf32, #tpu.memory_space<vmem>>, vector<1x16xf32>,
      %swap3A_67 = arith.index_cast %scan3A_41 : i32 to index
      %swap3A_68 = arith.constant 80 : index
      %swap3A_69 = tpu.vector_load %arg6[%swap3A_67, %swap3A_68] {strides = array<i32>} : memref<80x128xf32, #tpu.memory_space<vmem>>, vector<1x16xf32>,
      %swap3A_70 = vector.shape_cast %swap3A_69 : vector<1x16xf32> to vector<16xf32>
      %swap3A_71 = vector.shape_cast %broadcast_in_dim3A_3 : vector<16xf32> to vector<1x16xf32>
      tpu.vector_store %arg6[%swap3A_67, %swap3A_68], %swap3A_71 {strides = array<i32>} : memref<80x128xf32, #tpu.memory_space<vmem>>, vector<1x16xf32>,
      %swap3A_72 = arith.index_cast %scan3A_41 : i32 to index
      %swap3A_73 = arith.constant 96 : index
      %swap3A_74 = tpu.vector_load %arg6[%swap3A_72, %swap3A_73] {strides = array<i32>} : memref<80x128xf32, #tpu.memory_space<vmem>>, vector<1x16xf32>,
      %swap3A_75 = vector.shape_cast %swap3A_74 : vector<1x16xf32> to vector<16xf32>
      %swap3A_76 = vector.shape_cast %broadcast_in_dim3A_3 : vector<16xf32> to vector<1x16xf32>
      tpu.vector_store %arg6[%swap3A_72, %swap3A_73], %swap3A_76 {strides = array<i32>} : memref<80x128xf32, #tpu.memory_space<vmem>>, vector<1x16xf32>,
      %swap3A_77 = arith.index_cast %scan3A_41 : i32 to index
      %swap3A_78 = arith.constant 112 : index
      %swap3A_79 = tpu.vector_load %arg6[%swap3A_77, %swap3A_78] {strides = array<i32>} : memref<80x128xf32, #tpu.memory_space<vmem>>, vector<1x16xf32>,
      %swap3A_80 = vector.shape_cast %swap3A_79 : vector<1x16xf32> to vector<16xf32>
      %swap3A_81 = vector.shape_cast %broadcast_in_dim3A_3 : vector<16xf32> to vector<1x16xf32>
      tpu.vector_store %arg6[%swap3A_77, %swap3A_78], %swap3A_81 {strides = array<i32>} : memref<80x128xf32, #tpu.memory_space<vmem>>, vector<1x16xf32>,
      %scan3A_82 = arith.constant 0 : i32
      scf.yield %scan3A_82 : i32
    }
    %scan3A_22 = arith.constant 80 : i32
    "tpu.region"() ({
      %run_scoped3A = tpu.sem_alloc : memref<!tpu.dma_semaphore, #tpu.memory_space<semaphore_mem>>
      %dma_start3A = arith.constant 0 : i32
      %dma_start3A_41 = arith.constant 0 : i32
      %dma_start3A_42 = tpu.memref_slice %arg2[%add3A, %dma_start3A, %dma_start3A_41] : memref<32x125x80xi32, #tpu.memory_space<hbm>> -> memref<1x125x80xi32, #tpu.memory_space<hbm>>
      %dma_start3A_43 = tpu.memref_squeeze %dma_start3A_42 : memref<1x125x80xi32, #tpu.memory_space<hbm>> -> memref<125x80xi32, #tpu.memory_space<hbm>>
      %dma_start3A_44 = arith.constant 0 : i32
      %dma_start3A_45 = arith.constant 0 : i32
      %dma_start3A_46 = tpu.memref_slice %arg2[%add3A, %dma_start3A_44, %dma_start3A_45] : memref<32x125x80xi32, #tpu.memory_space<hbm>> -> memref<1x125x80xi32, #tpu.memory_space<hbm>>
      %dma_start3A_47 = tpu.memref_squeeze %dma_start3A_46 : memref<1x125x80xi32, #tpu.memory_space<hbm>> -> memref<125x80xi32, #tpu.memory_space<hbm>>
      tpu.enqueue_dma source(%dma_start3A_47 : memref<125x80xi32, #tpu.memory_space<hbm>>) target(%arg4 : memref<125x80xi32, #tpu.memory_space<vmem>>) target_semaphore(%run_scoped3A : memref<!tpu.dma_semaphore, #tpu.memory_space<semaphore_mem>>)
      %dma_wait3A = arith.constant 0 : i32
      %dma_wait3A_48 = arith.constant 0 : i32
      %dma_wait3A_49 = tpu.memref_slice %arg2[%add3A, %dma_wait3A, %dma_wait3A_48] : memref<32x125x80xi32, #tpu.memory_space<hbm>> -> memref<1x125x80xi32, #tpu.memory_space<hbm>>
      %dma_wait3A_50 = tpu.memref_squeeze %dma_wait3A_49 : memref<1x125x80xi32, #tpu.memory_space<hbm>> -> memref<125x80xi32, #tpu.memory_space<hbm>>
      %dma_wait3A_51 = arith.constant 0 : i32
      %dma_wait3A_52 = arith.constant 0 : i32
      %dma_wait3A_53 = tpu.memref_slice %arg2[%add3A, %dma_wait3A_51, %dma_wait3A_52] : memref<32x125x80xi32, #tpu.memory_space<hbm>> -> memref<1x125x80xi32, #tpu.memory_space<hbm>>
      %dma_wait3A_54 = tpu.memref_squeeze %dma_wait3A_53 : memref<1x125x80xi32, #tpu.memory_space<hbm>> -> memref<125x80xi32, #tpu.memory_space<hbm>>
      tpu.wait_dma2 semaphore(%run_scoped3A : memref<!tpu.dma_semaphore, #tpu.memory_space<semaphore_mem>>) src(%dma_wait3A_54 : memref<125x80xi32, #tpu.memory_space<hbm>>) dst(%arg4 : memref<125x80xi32, #tpu.memory_space<vmem>>)
      tpu.yield
    }) : () -> ()
    %barrier3A = arith.constant 0 : index
    tpu.barrier barrier_id(%barrier3A)
    %scan3A_23 = arith.constant 0 : i32
    %scan3A_24 = arith.constant 0 : i32
    %scan3A_25 = arith.constant 125 : i32
    %scan3A_26 = arith.addi %scan3A_24, %scan3A_25 : i32
    %scan3A_27 = arith.constant 1 : i32
    %scan3A_28 = scf.for %scan3A_41 = %scan3A_24 to %scan3A_26 step %scan3A_27 iter_args(%scan3A_42 = %scan3A_23) -> (i32)  : i32 {
      %get3A = arith.index_cast %scan3A_41 : i32 to index
      %get3A_43 = arith.constant 0 : index
      %get3A_44 = tpu.vector_load %arg4[%get3A, %get3A_43] {strides = array<i32>} : memref<125x80xi32, #tpu.memory_space<vmem>>, vector<1x16xi32>,
      %get3A_45 = vector.shape_cast %get3A_44 : vector<1x16xi32> to vector<16xi32>
      %swap3A = arith.constant 0 : index
      %swap3A_46 = tpu.vector_load %arg5[%swap3A] {strides = array<i32>} : memref<80xi32, #tpu.memory_space<vmem>>, vector<16xi32>,
      %swap3A_47 = vector.shape_cast %swap3A_46 : vector<16xi32> to vector<16xi32>
      %swap3A_48 = vector.shape_cast %get3A_45 : vector<16xi32> to vector<16xi32>
      tpu.vector_store %arg5[%swap3A], %swap3A_48 {strides = array<i32>} : memref<80xi32, #tpu.memory_space<vmem>>, vector<16xi32>,
      %get3A_49 = arith.index_cast %scan3A_41 : i32 to index
      %get3A_50 = arith.constant 16 : index
      %get3A_51 = tpu.vector_load %arg4[%get3A_49, %get3A_50] {strides = array<i32>} : memref<125x80xi32, #tpu.memory_space<vmem>>, vector<1x16xi32>,
      %get3A_52 = vector.shape_cast %get3A_51 : vector<1x16xi32> to vector<16xi32>
      %swap3A_53 = arith.constant 16 : index
      %swap3A_54 = tpu.vector_load %arg5[%swap3A_53] {strides = array<i32>} : memref<80xi32, #tpu.memory_space<vmem>>, vector<16xi32>,
      %swap3A_55 = vector.shape_cast %swap3A_54 : vector<16xi32> to vector<16xi32>
      %swap3A_56 = vector.shape_cast %get3A_52 : vector<16xi32> to vector<16xi32>
      tpu.vector_store %arg5[%swap3A_53], %swap3A_56 {strides = array<i32>} : memref<80xi32, #tpu.memory_space<vmem>>, vector<16xi32>,
      %get3A_57 = arith.index_cast %scan3A_41 : i32 to index
      %get3A_58 = arith.constant 32 : index
      %get3A_59 = tpu.vector_load %arg4[%get3A_57, %get3A_58] {strides = array<i32>} : memref<125x80xi32, #tpu.memory_space<vmem>>, vector<1x16xi32>,
      %get3A_60 = vector.shape_cast %get3A_59 : vector<1x16xi32> to vector<16xi32>
      %swap3A_61 = arith.constant 32 : index
      %swap3A_62 = tpu.vector_load %arg5[%swap3A_61] {strides = array<i32>} : memref<80xi32, #tpu.memory_space<vmem>>, vector<16xi32>,
      %swap3A_63 = vector.shape_cast %swap3A_62 : vector<16xi32> to vector<16xi32>
      %swap3A_64 = vector.shape_cast %get3A_60 : vector<16xi32> to vector<16xi32>
      tpu.vector_store %arg5[%swap3A_61], %swap3A_64 {strides = array<i32>} : memref<80xi32, #tpu.memory_space<vmem>>, vector<16xi32>,
      %get3A_65 = arith.index_cast %scan3A_41 : i32 to index
      %get3A_66 = arith.constant 48 : index
      %get3A_67 = tpu.vector_load %arg4[%get3A_65, %get3A_66] {strides = array<i32>} : memref<125x80xi32, #tpu.memory_space<vmem>>, vector<1x16xi32>,
      %get3A_68 = vector.shape_cast %get3A_67 : vector<1x16xi32> to vector<16xi32>
      %swap3A_69 = arith.constant 48 : index
      %swap3A_70 = tpu.vector_load %arg5[%swap3A_69] {strides = array<i32>} : memref<80xi32, #tpu.memory_space<vmem>>, vector<16xi32>,
      %swap3A_71 = vector.shape_cast %swap3A_70 : vector<16xi32> to vector<16xi32>
      %swap3A_72 = vector.shape_cast %get3A_68 : vector<16xi32> to vector<16xi32>
      tpu.vector_store %arg5[%swap3A_69], %swap3A_72 {strides = array<i32>} : memref<80xi32, #tpu.memory_space<vmem>>, vector<16xi32>,
      %get3A_73 = arith.index_cast %scan3A_41 : i32 to index
      %get3A_74 = arith.constant 64 : index
      %get3A_75 = tpu.vector_load %arg4[%get3A_73, %get3A_74] {strides = array<i32>} : memref<125x80xi32, #tpu.memory_space<vmem>>, vector<1x16xi32>,
      %get3A_76 = vector.shape_cast %get3A_75 : vector<1x16xi32> to vector<16xi32>
      %swap3A_77 = arith.constant 64 : index
      %swap3A_78 = tpu.vector_load %arg5[%swap3A_77] {strides = array<i32>} : memref<80xi32, #tpu.memory_space<vmem>>, vector<16xi32>,
      %swap3A_79 = vector.shape_cast %swap3A_78 : vector<16xi32> to vector<16xi32>
      %swap3A_80 = vector.shape_cast %get3A_76 : vector<16xi32> to vector<16xi32>
      tpu.vector_store %arg5[%swap3A_77], %swap3A_80 {strides = array<i32>} : memref<80xi32, #tpu.memory_space<vmem>>, vector<16xi32>,
      "tpu.region"() ({
        %run_scoped3A = tpu.sem_alloc : memref<!tpu.dma_semaphore, #tpu.memory_space<semaphore_mem>>
        %dma_start3A = arith.constant 0 : i32
        %dma_start3A_82 = arith.constant 0 : i32
        %dma_start3A_83 = tpu.memref_slice %arg7[%dma_start3A, %dma_start3A_82] : memref<10000x128xf32, #tpu.memory_space<vmem_shared>> -> memref<10000x128xf32, #tpu.memory_space<vmem_shared>>
        tpu.enqueue_indirect_dma source(%arg6 : memref<80x128xf32, #tpu.memory_space<vmem>>) target(%dma_start3A_83 : memref<10000x128xf32, #tpu.memory_space<vmem_shared>>) offsets(%arg5 : memref<80xi32, #tpu.memory_space<vmem>>) semaphore(%run_scoped3A : memref<!tpu.dma_semaphore, #tpu.memory_space<semaphore_mem>>) {add = true}
        %dma_wait3A = arith.constant 0 : i32
        %dma_wait3A_84 = arith.constant 0 : i32
        %dma_wait3A_85 = tpu.memref_slice %arg7[%dma_wait3A, %dma_wait3A_84] : memref<10000x128xf32, #tpu.memory_space<vmem_shared>> -> memref<10000x128xf32, #tpu.memory_space<vmem_shared>>
        tpu.wait_indirect_dma semaphore(%run_scoped3A : memref<!tpu.dma_semaphore, #tpu.memory_space<semaphore_mem>>) src(%arg6 : memref<80x128xf32, #tpu.memory_space<vmem>>) dst(%dma_wait3A_85 : memref<10000x128xf32, #tpu.memory_space<vmem_shared>>)
        tpu.yield
      }) : () -> ()
      %scan3A_81 = arith.constant 0 : i32
      scf.yield %scan3A_81 : i32
    }
    %scan3A_29 = arith.constant 125 : i32
    %barrier3A_30 = arith.constant 0 : index
    tpu.barrier barrier_id(%barrier3A_30)
    %lt3A_31 = arith.constant 15 : i32
    %lt3A_32 = arith.cmpi slt, %arg1, %lt3A_31 : i32
    %convert_element_type3A_33 = arith.extui %lt3A_32 : i1 to i32
    %cond3A_34 = arith.constant 0 : i32
    %cond3A_35 = arith.cmpi ne, %convert_element_type3A_33, %cond3A_34 : i32
    scf.if %cond3A_35 {
      "tpu.region"() ({
        %run_scoped3A = tpu.sem_alloc : memref<!tpu.dma_semaphore, #tpu.memory_space<semaphore_mem>>
        %dma_start3A = arith.constant 0 : i32
        %dma_start3A_41 = tpu.memref_slice %arg3[%arg0, %mul3A_2, %dma_start3A] : memref<2x10000x128xf32, #tpu.memory_space<hbm>> -> memref<1x640x128xf32, #tpu.memory_space<hbm>>
        %dma_start3A_42 = tpu.memref_squeeze %dma_start3A_41 : memref<1x640x128xf32, #tpu.memory_space<hbm>> -> memref<640x128xf32, #tpu.memory_space<hbm>>
        %dma_start3A_43 = arith.constant 0 : i32
        %dma_start3A_44 = tpu.memref_slice %arg7[%mul3A_2, %dma_start3A_43] : memref<10000x128xf32, #tpu.memory_space<vmem_shared>> -> memref<640x128xf32, #tpu.memory_space<vmem_shared>>
        tpu.enqueue_dma source(%dma_start3A_44 : memref<640x128xf32, #tpu.memory_space<vmem_shared>>) target(%dma_start3A_42 : memref<640x128xf32, #tpu.memory_space<hbm>>) target_semaphore(%run_scoped3A : memref<!tpu.dma_semaphore, #tpu.memory_space<semaphore_mem>>)
        %dma_wait3A = arith.constant 0 : i32
        %dma_wait3A_45 = tpu.memref_slice %arg3[%arg0, %mul3A_2, %dma_wait3A] : memref<2x10000x128xf32, #tpu.memory_space<hbm>> -> memref<1x640x128xf32, #tpu.memory_space<hbm>>
        %dma_wait3A_46 = tpu.memref_squeeze %dma_wait3A_45 : memref<1x640x128xf32, #tpu.memory_space<hbm>> -> memref<640x128xf32, #tpu.memory_space<hbm>>
        %dma_wait3A_47 = arith.constant 0 : i32
        %dma_wait3A_48 = tpu.memref_slice %arg7[%mul3A_2, %dma_wait3A_47] : memref<10000x128xf32, #tpu.memory_space<vmem_shared>> -> memref<640x128xf32, #tpu.memory_space<vmem_shared>>
        tpu.wait_dma2 semaphore(%run_scoped3A : memref<!tpu.dma_semaphore, #tpu.memory_space<semaphore_mem>>) src(%dma_wait3A_48 : memref<640x128xf32, #tpu.memory_space<vmem_shared>>) dst(%dma_wait3A_46 : memref<640x128xf32, #tpu.memory_space<hbm>>)
        tpu.yield
      }) : () -> ()
    } else {
    }
    %eq3A_36 = arith.constant 15 : i32
    %eq3A_37 = arith.cmpi eq, %arg1, %eq3A_36 : i32
    %convert_element_type3A_38 = arith.extui %eq3A_37 : i1 to i32
    %cond3A_39 = arith.constant 0 : i32
    %cond3A_40 = arith.cmpi ne, %convert_element_type3A_38, %cond3A_39 : i32
    scf.if %cond3A_40 {
      "tpu.region"() ({
        %run_scoped3A = tpu.sem_alloc : memref<!tpu.dma_semaphore, #tpu.memory_space<semaphore_mem>>
        %dma_start3A = arith.constant 0 : i32
        %dma_start3A_41 = tpu.memref_slice %arg3[%arg0, %mul3A_2, %dma_start3A] : memref<2x10000x128xf32, #tpu.memory_space<hbm>> -> memref<1x400x128xf32, #tpu.memory_space<hbm>>
        %dma_start3A_42 = tpu.memref_squeeze %dma_start3A_41 : memref<1x400x128xf32, #tpu.memory_space<hbm>> -> memref<400x128xf32, #tpu.memory_space<hbm>>
        %dma_start3A_43 = arith.constant 0 : i32
        %dma_start3A_44 = tpu.memref_slice %arg7[%mul3A_2, %dma_start3A_43] : memref<10000x128xf32, #tpu.memory_space<vmem_shared>> -> memref<400x128xf32, #tpu.memory_space<vmem_shared>>
        tpu.enqueue_dma source(%dma_start3A_44 : memref<400x128xf32, #tpu.memory_space<vmem_shared>>) target(%dma_start3A_42 : memref<400x128xf32, #tpu.memory_space<hbm>>) target_semaphore(%run_scoped3A : memref<!tpu.dma_semaphore, #tpu.memory_space<semaphore_mem>>)
        %dma_wait3A = arith.constant 0 : i32
        %dma_wait3A_45 = tpu.memref_slice %arg3[%arg0, %mul3A_2, %dma_wait3A] : memref<2x10000x128xf32, #tpu.memory_space<hbm>> -> memref<1x400x128xf32, #tpu.memory_space<hbm>>
        %dma_wait3A_46 = tpu.memref_squeeze %dma_wait3A_45 : memref<1x400x128xf32, #tpu.memory_space<hbm>> -> memref<400x128xf32, #tpu.memory_space<hbm>>
        %dma_wait3A_47 = arith.constant 0 : i32
        %dma_wait3A_48 = tpu.memref_slice %arg7[%mul3A_2, %dma_wait3A_47] : memref<10000x128xf32, #tpu.memory_space<vmem_shared>> -> memref<400x128xf32, #tpu.memory_space<vmem_shared>>
        tpu.wait_dma2 semaphore(%run_scoped3A : memref<!tpu.dma_semaphore, #tpu.memory_space<semaphore_mem>>) src(%dma_wait3A_48 : memref<400x128xf32, #tpu.memory_space<vmem_shared>>) dst(%dma_wait3A_46 : memref<400x128xf32, #tpu.memory_space<hbm>>)
        tpu.yield
      }) : () -> ()
    } else {
    }
    return
  }
}

#map = affine_map<(d0, d1) -> (0, 0)>
module attributes {stable_mosaic.version = 14 : i64} {
  func.func @_prop(%arg0: i32, %arg1: i32, %arg2: memref<10000x128xf32, #tpu.memory_space<hbm>>, %arg3: memref<16x20000xi32, #tpu.memory_space<hbm>>, %arg4: memref<16x20000xi32, #tpu.memory_space<hbm>>, %arg5: memref<10000x128xf32, #tpu.memory_space<hbm>>, %arg6: memref<20000xi32, #tpu.memory_space<vmem>>, %arg7: memref<20000xi32, #tpu.memory_space<vmem>>, %arg8: memref<5x32xi32, #tpu.memory_space<vmem>>, %arg9: memref<32xi32, #tpu.memory_space<vmem>>, %arg10: memref<32xi32, #tpu.memory_space<vmem>>, %arg11: memref<32xi32, #tpu.memory_space<vmem>>, %arg12: memref<32xi32, #tpu.memory_space<vmem>>, %arg13: memref<32xi32, #tpu.memory_space<vmem>>, %arg14: memref<5x32x128xf32, #tpu.memory_space<vmem>>, %arg15: memref<5x!tpu.dma_semaphore, #tpu.memory_space<semaphore_mem>>, %arg16: memref<5x!tpu.dma_semaphore, #tpu.memory_space<semaphore_mem>>, %arg17: memref<5008x128xf32, #tpu.memory_space<vmem_shared>>) attributes {dimension_semantics = [#tpu.dimension_semantics<core_parallel>, #tpu.dimension_semantics<subcore_parallel>], iteration_bounds = array<i64: 2, 16>, scalar_prefetch = 0 : i64, scratch_operands = 12 : i64, tpu.core_type = #tpu.core_type<sc_vector_subcore>, window_params = [{transform_indices = #map}, {transform_indices = #map}, {transform_indices = #map}, {transform_indices = #map}]} {
    %mul3A = arith.constant 5000 : i32
    %mul3A_0 = arith.muli %arg0, %mul3A : i32
    %mul3A_1 = arith.constant 320 : i32
    %mul3A_2 = arith.muli %arg1, %mul3A_1 : i32
    %lt3A = arith.constant 15 : i32
    %lt3A_3 = arith.cmpi slt, %arg1, %lt3A : i32
    %convert_element_type3A = arith.extui %lt3A_3 : i1 to i32
    %cond3A = arith.constant 0 : i32
    %cond3A_4 = arith.cmpi ne, %convert_element_type3A, %cond3A : i32
    scf.if %cond3A_4 {
      %add3A_205 = arith.addi %mul3A_0, %mul3A_2 : i32
      "tpu.region"() ({
        %run_scoped3A = tpu.sem_alloc : memref<!tpu.dma_semaphore, #tpu.memory_space<semaphore_mem>>
        %dma_start3A_206 = arith.constant 0 : i32
        %dma_start3A_207 = tpu.memref_slice %arg17[%mul3A_2, %dma_start3A_206] : memref<5008x128xf32, #tpu.memory_space<vmem_shared>> -> memref<320x128xf32, #tpu.memory_space<vmem_shared>>
        %dma_start3A_208 = arith.constant 0 : i32
        %dma_start3A_209 = tpu.memref_slice %arg2[%add3A_205, %dma_start3A_208] : memref<10000x128xf32, #tpu.memory_space<hbm>> -> memref<320x128xf32, #tpu.memory_space<hbm>>
        tpu.enqueue_dma source(%dma_start3A_209 : memref<320x128xf32, #tpu.memory_space<hbm>>) target(%dma_start3A_207 : memref<320x128xf32, #tpu.memory_space<vmem_shared>>) target_semaphore(%run_scoped3A : memref<!tpu.dma_semaphore, #tpu.memory_space<semaphore_mem>>)
        %dma_wait3A_210 = arith.constant 0 : i32
        %dma_wait3A_211 = tpu.memref_slice %arg17[%mul3A_2, %dma_wait3A_210] : memref<5008x128xf32, #tpu.memory_space<vmem_shared>> -> memref<320x128xf32, #tpu.memory_space<vmem_shared>>
        %dma_wait3A_212 = arith.constant 0 : i32
        %dma_wait3A_213 = tpu.memref_slice %arg2[%add3A_205, %dma_wait3A_212] : memref<10000x128xf32, #tpu.memory_space<hbm>> -> memref<320x128xf32, #tpu.memory_space<hbm>>
        tpu.wait_dma2 semaphore(%run_scoped3A : memref<!tpu.dma_semaphore, #tpu.memory_space<semaphore_mem>>) src(%dma_wait3A_213 : memref<320x128xf32, #tpu.memory_space<hbm>>) dst(%dma_wait3A_211 : memref<320x128xf32, #tpu.memory_space<vmem_shared>>)
        tpu.yield
      }) : () -> ()
    } else {
    }
    %eq3A = arith.constant 15 : i32
    %eq3A_5 = arith.cmpi eq, %arg1, %eq3A : i32
    %convert_element_type3A_6 = arith.extui %eq3A_5 : i1 to i32
    %cond3A_7 = arith.constant 0 : i32
    %cond3A_8 = arith.cmpi ne, %convert_element_type3A_6, %cond3A_7 : i32
    scf.if %cond3A_8 {
      %add3A_205 = arith.addi %mul3A_0, %mul3A_2 : i32
      "tpu.region"() ({
        %run_scoped3A = tpu.sem_alloc : memref<!tpu.dma_semaphore, #tpu.memory_space<semaphore_mem>>
        %dma_start3A_206 = arith.constant 0 : i32
        %dma_start3A_207 = tpu.memref_slice %arg17[%mul3A_2, %dma_start3A_206] : memref<5008x128xf32, #tpu.memory_space<vmem_shared>> -> memref<200x128xf32, #tpu.memory_space<vmem_shared>>
        %dma_start3A_208 = arith.constant 0 : i32
        %dma_start3A_209 = tpu.memref_slice %arg2[%add3A_205, %dma_start3A_208] : memref<10000x128xf32, #tpu.memory_space<hbm>> -> memref<200x128xf32, #tpu.memory_space<hbm>>
        tpu.enqueue_dma source(%dma_start3A_209 : memref<200x128xf32, #tpu.memory_space<hbm>>) target(%dma_start3A_207 : memref<200x128xf32, #tpu.memory_space<vmem_shared>>) target_semaphore(%run_scoped3A : memref<!tpu.dma_semaphore, #tpu.memory_space<semaphore_mem>>)
        %dma_wait3A_210 = arith.constant 0 : i32
        %dma_wait3A_211 = tpu.memref_slice %arg17[%mul3A_2, %dma_wait3A_210] : memref<5008x128xf32, #tpu.memory_space<vmem_shared>> -> memref<200x128xf32, #tpu.memory_space<vmem_shared>>
        %dma_wait3A_212 = arith.constant 0 : i32
        %dma_wait3A_213 = tpu.memref_slice %arg2[%add3A_205, %dma_wait3A_212] : memref<10000x128xf32, #tpu.memory_space<hbm>> -> memref<200x128xf32, #tpu.memory_space<hbm>>
        tpu.wait_dma2 semaphore(%run_scoped3A : memref<!tpu.dma_semaphore, #tpu.memory_space<semaphore_mem>>) src(%dma_wait3A_213 : memref<200x128xf32, #tpu.memory_space<hbm>>) dst(%dma_wait3A_211 : memref<200x128xf32, #tpu.memory_space<vmem_shared>>)
        tpu.yield
      }) : () -> ()
    } else {
    }
    "tpu.region"() ({
      %run_scoped3A = tpu.sem_alloc : memref<!tpu.dma_semaphore, #tpu.memory_space<semaphore_mem>>
      %dma_start3A_205 = arith.constant 0 : i32
      %dma_start3A_206 = tpu.memref_slice %arg3[%arg1, %dma_start3A_205] : memref<16x20000xi32, #tpu.memory_space<hbm>> -> memref<1x20000xi32, #tpu.memory_space<hbm>>
      %dma_start3A_207 = tpu.memref_squeeze %dma_start3A_206 : memref<1x20000xi32, #tpu.memory_space<hbm>> -> memref<20000xi32, #tpu.memory_space<hbm>>
      %dma_start3A_208 = arith.constant 0 : i32
      %dma_start3A_209 = tpu.memref_slice %arg3[%arg1, %dma_start3A_208] : memref<16x20000xi32, #tpu.memory_space<hbm>> -> memref<1x20000xi32, #tpu.memory_space<hbm>>
      %dma_start3A_210 = tpu.memref_squeeze %dma_start3A_209 : memref<1x20000xi32, #tpu.memory_space<hbm>> -> memref<20000xi32, #tpu.memory_space<hbm>>
      tpu.enqueue_dma source(%dma_start3A_210 : memref<20000xi32, #tpu.memory_space<hbm>>) target(%arg6 : memref<20000xi32, #tpu.memory_space<vmem>>) target_semaphore(%run_scoped3A : memref<!tpu.dma_semaphore, #tpu.memory_space<semaphore_mem>>)
      %dma_wait3A_211 = arith.constant 0 : i32
      %dma_wait3A_212 = tpu.memref_slice %arg3[%arg1, %dma_wait3A_211] : memref<16x20000xi32, #tpu.memory_space<hbm>> -> memref<1x20000xi32, #tpu.memory_space<hbm>>
      %dma_wait3A_213 = tpu.memref_squeeze %dma_wait3A_212 : memref<1x20000xi32, #tpu.memory_space<hbm>> -> memref<20000xi32, #tpu.memory_space<hbm>>
      %dma_wait3A_214 = arith.constant 0 : i32
      %dma_wait3A_215 = tpu.memref_slice %arg3[%arg1, %dma_wait3A_214] : memref<16x20000xi32, #tpu.memory_space<hbm>> -> memref<1x20000xi32, #tpu.memory_space<hbm>>
      %dma_wait3A_216 = tpu.memref_squeeze %dma_wait3A_215 : memref<1x20000xi32, #tpu.memory_space<hbm>> -> memref<20000xi32, #tpu.memory_space<hbm>>
      tpu.wait_dma2 semaphore(%run_scoped3A : memref<!tpu.dma_semaphore, #tpu.memory_space<semaphore_mem>>) src(%dma_wait3A_216 : memref<20000xi32, #tpu.memory_space<hbm>>) dst(%arg6 : memref<20000xi32, #tpu.memory_space<vmem>>)
      tpu.yield
    }) : () -> ()
    "tpu.region"() ({
      %run_scoped3A = tpu.sem_alloc : memref<!tpu.dma_semaphore, #tpu.memory_space<semaphore_mem>>
      %dma_start3A_205 = arith.constant 0 : i32
      %dma_start3A_206 = tpu.memref_slice %arg4[%arg1, %dma_start3A_205] : memref<16x20000xi32, #tpu.memory_space<hbm>> -> memref<1x20000xi32, #tpu.memory_space<hbm>>
      %dma_start3A_207 = tpu.memref_squeeze %dma_start3A_206 : memref<1x20000xi32, #tpu.memory_space<hbm>> -> memref<20000xi32, #tpu.memory_space<hbm>>
      %dma_start3A_208 = arith.constant 0 : i32
      %dma_start3A_209 = tpu.memref_slice %arg4[%arg1, %dma_start3A_208] : memref<16x20000xi32, #tpu.memory_space<hbm>> -> memref<1x20000xi32, #tpu.memory_space<hbm>>
      %dma_start3A_210 = tpu.memref_squeeze %dma_start3A_209 : memref<1x20000xi32, #tpu.memory_space<hbm>> -> memref<20000xi32, #tpu.memory_space<hbm>>
      tpu.enqueue_dma source(%dma_start3A_210 : memref<20000xi32, #tpu.memory_space<hbm>>) target(%arg7 : memref<20000xi32, #tpu.memory_space<vmem>>) target_semaphore(%run_scoped3A : memref<!tpu.dma_semaphore, #tpu.memory_space<semaphore_mem>>)
      %dma_wait3A_211 = arith.constant 0 : i32
      %dma_wait3A_212 = tpu.memref_slice %arg4[%arg1, %dma_wait3A_211] : memref<16x20000xi32, #tpu.memory_space<hbm>> -> memref<1x20000xi32, #tpu.memory_space<hbm>>
      %dma_wait3A_213 = tpu.memref_squeeze %dma_wait3A_212 : memref<1x20000xi32, #tpu.memory_space<hbm>> -> memref<20000xi32, #tpu.memory_space<hbm>>
      %dma_wait3A_214 = arith.constant 0 : i32
      %dma_wait3A_215 = tpu.memref_slice %arg4[%arg1, %dma_wait3A_214] : memref<16x20000xi32, #tpu.memory_space<hbm>> -> memref<1x20000xi32, #tpu.memory_space<hbm>>
      %dma_wait3A_216 = tpu.memref_squeeze %dma_wait3A_215 : memref<1x20000xi32, #tpu.memory_space<hbm>> -> memref<20000xi32, #tpu.memory_space<hbm>>
      tpu.wait_dma2 semaphore(%run_scoped3A : memref<!tpu.dma_semaphore, #tpu.memory_space<semaphore_mem>>) src(%dma_wait3A_216 : memref<20000xi32, #tpu.memory_space<hbm>>) dst(%arg7 : memref<20000xi32, #tpu.memory_space<vmem>>)
      tpu.yield
    }) : () -> ()
    %barrier3A = arith.constant 0 : index
    tpu.barrier barrier_id(%barrier3A)
    %mul3A_9 = arith.constant 0 : i32
    %mul3A_10 = arith.constant 32 : i32
    %mul3A_11 = arith.muli %mul3A_9, %mul3A_10 : i32
    %add3A = arith.constant 0 : i32
    %add3A_12 = arith.addi %mul3A_11, %add3A : i32
    %get3A = arith.index_cast %add3A_12 : i32 to index
    %get3A_13 = tpu.vector_load %arg6[%get3A] {strides = array<i32>} : memref<20000xi32, #tpu.memory_space<vmem>>, vector<16xi32>,
    %get3A_14 = vector.shape_cast %get3A_13 : vector<16xi32> to vector<16xi32>
    %swap3A = arith.constant 0 : i32
    %swap3A_15 = arith.index_cast %swap3A : i32 to index
    %swap3A_16 = arith.constant 0 : index
    %swap3A_17 = tpu.vector_load %arg8[%swap3A_15, %swap3A_16] {strides = array<i32>} : memref<5x32xi32, #tpu.memory_space<vmem>>, vector<1x16xi32>,
    %swap3A_18 = vector.shape_cast %swap3A_17 : vector<1x16xi32> to vector<16xi32>
    %swap3A_19 = vector.shape_cast %get3A_14 : vector<16xi32> to vector<1x16xi32>
    tpu.vector_store %arg8[%swap3A_15, %swap3A_16], %swap3A_19 {strides = array<i32>} : memref<5x32xi32, #tpu.memory_space<vmem>>, vector<1x16xi32>,
    %mul3A_20 = arith.constant 0 : i32
    %mul3A_21 = arith.constant 32 : i32
    %mul3A_22 = arith.muli %mul3A_20, %mul3A_21 : i32
    %add3A_23 = arith.constant 16 : i32
    %add3A_24 = arith.addi %mul3A_22, %add3A_23 : i32
    %get3A_25 = arith.index_cast %add3A_24 : i32 to index
    %get3A_26 = tpu.vector_load %arg6[%get3A_25] {strides = array<i32>} : memref<20000xi32, #tpu.memory_space<vmem>>, vector<16xi32>,
    %get3A_27 = vector.shape_cast %get3A_26 : vector<16xi32> to vector<16xi32>
    %swap3A_28 = arith.constant 0 : i32
    %swap3A_29 = arith.index_cast %swap3A_28 : i32 to index
    %swap3A_30 = arith.constant 16 : index
    %swap3A_31 = tpu.vector_load %arg8[%swap3A_29, %swap3A_30] {strides = array<i32>} : memref<5x32xi32, #tpu.memory_space<vmem>>, vector<1x16xi32>,
    %swap3A_32 = vector.shape_cast %swap3A_31 : vector<1x16xi32> to vector<16xi32>
    %swap3A_33 = vector.shape_cast %get3A_27 : vector<16xi32> to vector<1x16xi32>
    tpu.vector_store %arg8[%swap3A_29, %swap3A_30], %swap3A_33 {strides = array<i32>} : memref<5x32xi32, #tpu.memory_space<vmem>>, vector<1x16xi32>,
    %dma_start3A = arith.constant 0 : i32
    %dma_start3A_34 = arith.constant 0 : i32
    %dma_start3A_35 = arith.constant 0 : i32
    %dma_start3A_36 = arith.constant 0 : i32
    %dma_start3A_37 = arith.constant 0 : i32
    %dma_start3A_38 = tpu.memref_slice %arg14[%dma_start3A_34, %dma_start3A_36, %dma_start3A_37] : memref<5x32x128xf32, #tpu.memory_space<vmem>> -> memref<1x32x128xf32, #tpu.memory_space<vmem>>
    %dma_start3A_39 = tpu.memref_squeeze %dma_start3A_38 : memref<1x32x128xf32, #tpu.memory_space<vmem>> -> memref<32x128xf32, #tpu.memory_space<vmem>>
    %dma_start3A_40 = arith.constant 0 : i32
    %dma_start3A_41 = tpu.memref_slice %arg8[%dma_start3A, %dma_start3A_40] : memref<5x32xi32, #tpu.memory_space<vmem>> -> memref<1x32xi32, #tpu.memory_space<vmem>>
    %dma_start3A_42 = tpu.memref_squeeze %dma_start3A_41 : memref<1x32xi32, #tpu.memory_space<vmem>> -> memref<32xi32, #tpu.memory_space<vmem>>
    %dma_start3A_43 = arith.constant 0 : i32
    %dma_start3A_44 = arith.constant 0 : i32
    %dma_start3A_45 = tpu.memref_slice %arg2[%dma_start3A_43, %dma_start3A_44] : memref<10000x128xf32, #tpu.memory_space<hbm>> -> memref<10000x128xf32, #tpu.memory_space<hbm>>
    %dma_start3A_46 = tpu.memref_slice %arg15[%dma_start3A_35] : memref<5x!tpu.dma_semaphore, #tpu.memory_space<semaphore_mem>> -> memref<1x!tpu.dma_semaphore, #tpu.memory_space<semaphore_mem>>
    %dma_start3A_47 = tpu.memref_squeeze %dma_start3A_46 : memref<1x!tpu.dma_semaphore, #tpu.memory_space<semaphore_mem>> -> memref<!tpu.dma_semaphore, #tpu.memory_space<semaphore_mem>>
    tpu.enqueue_indirect_dma source(%dma_start3A_45 : memref<10000x128xf32, #tpu.memory_space<hbm>>) target(%dma_start3A_39 : memref<32x128xf32, #tpu.memory_space<vmem>>) offsets(%dma_start3A_42 : memref<32xi32, #tpu.memory_space<vmem>>) semaphore(%dma_start3A_47 : memref<!tpu.dma_semaphore, #tpu.memory_space<semaphore_mem>>)
    %mul3A_48 = arith.constant 1 : i32
    %mul3A_49 = arith.constant 32 : i32
    %mul3A_50 = arith.muli %mul3A_48, %mul3A_49 : i32
    %add3A_51 = arith.constant 0 : i32
    %add3A_52 = arith.addi %mul3A_50, %add3A_51 : i32
    %get3A_53 = arith.index_cast %add3A_52 : i32 to index
    %get3A_54 = tpu.vector_load %arg6[%get3A_53] {strides = array<i32>} : memref<20000xi32, #tpu.memory_space<vmem>>, vector<16xi32>,
    %get3A_55 = vector.shape_cast %get3A_54 : vector<16xi32> to vector<16xi32>
    %swap3A_56 = arith.constant 1 : i32
    %swap3A_57 = arith.index_cast %swap3A_56 : i32 to index
    %swap3A_58 = arith.constant 0 : index
    %swap3A_59 = tpu.vector_load %arg8[%swap3A_57, %swap3A_58] {strides = array<i32>} : memref<5x32xi32, #tpu.memory_space<vmem>>, vector<1x16xi32>,
    %swap3A_60 = vector.shape_cast %swap3A_59 : vector<1x16xi32> to vector<16xi32>
    %swap3A_61 = vector.shape_cast %get3A_55 : vector<16xi32> to vector<1x16xi32>
    tpu.vector_store %arg8[%swap3A_57, %swap3A_58], %swap3A_61 {strides = array<i32>} : memref<5x32xi32, #tpu.memory_space<vmem>>, vector<1x16xi32>,
    %mul3A_62 = arith.constant 1 : i32
    %mul3A_63 = arith.constant 32 : i32
    %mul3A_64 = arith.muli %mul3A_62, %mul3A_63 : i32
    %add3A_65 = arith.constant 16 : i32
    %add3A_66 = arith.addi %mul3A_64, %add3A_65 : i32
    %get3A_67 = arith.index_cast %add3A_66 : i32 to index
    %get3A_68 = tpu.vector_load %arg6[%get3A_67] {strides = array<i32>} : memref<20000xi32, #tpu.memory_space<vmem>>, vector<16xi32>,
    %get3A_69 = vector.shape_cast %get3A_68 : vector<16xi32> to vector<16xi32>
    %swap3A_70 = arith.constant 1 : i32
    %swap3A_71 = arith.index_cast %swap3A_70 : i32 to index
    %swap3A_72 = arith.constant 16 : index
    %swap3A_73 = tpu.vector_load %arg8[%swap3A_71, %swap3A_72] {strides = array<i32>} : memref<5x32xi32, #tpu.memory_space<vmem>>, vector<1x16xi32>,
    %swap3A_74 = vector.shape_cast %swap3A_73 : vector<1x16xi32> to vector<16xi32>
    %swap3A_75 = vector.shape_cast %get3A_69 : vector<16xi32> to vector<1x16xi32>
    tpu.vector_store %arg8[%swap3A_71, %swap3A_72], %swap3A_75 {strides = array<i32>} : memref<5x32xi32, #tpu.memory_space<vmem>>, vector<1x16xi32>,
    %dma_start3A_76 = arith.constant 1 : i32
    %dma_start3A_77 = arith.constant 1 : i32
    %dma_start3A_78 = arith.constant 1 : i32
    %dma_start3A_79 = arith.constant 0 : i32
    %dma_start3A_80 = arith.constant 0 : i32
    %dma_start3A_81 = tpu.memref_slice %arg14[%dma_start3A_77, %dma_start3A_79, %dma_start3A_80] : memref<5x32x128xf32, #tpu.memory_space<vmem>> -> memref<1x32x128xf32, #tpu.memory_space<vmem>>
    %dma_start3A_82 = tpu.memref_squeeze %dma_start3A_81 : memref<1x32x128xf32, #tpu.memory_space<vmem>> -> memref<32x128xf32, #tpu.memory_space<vmem>>
    %dma_start3A_83 = arith.constant 0 : i32
    %dma_start3A_84 = tpu.memref_slice %arg8[%dma_start3A_76, %dma_start3A_83] : memref<5x32xi32, #tpu.memory_space<vmem>> -> memref<1x32xi32, #tpu.memory_space<vmem>>
    %dma_start3A_85 = tpu.memref_squeeze %dma_start3A_84 : memref<1x32xi32, #tpu.memory_space<vmem>> -> memref<32xi32, #tpu.memory_space<vmem>>
    %dma_start3A_86 = arith.constant 0 : i32
    %dma_start3A_87 = arith.constant 0 : i32
    %dma_start3A_88 = tpu.memref_slice %arg2[%dma_start3A_86, %dma_start3A_87] : memref<10000x128xf32, #tpu.memory_space<hbm>> -> memref<10000x128xf32, #tpu.memory_space<hbm>>
    %dma_start3A_89 = tpu.memref_slice %arg15[%dma_start3A_78] : memref<5x!tpu.dma_semaphore, #tpu.memory_space<semaphore_mem>> -> memref<1x!tpu.dma_semaphore, #tpu.memory_space<semaphore_mem>>
    %dma_start3A_90 = tpu.memref_squeeze %dma_start3A_89 : memref<1x!tpu.dma_semaphore, #tpu.memory_space<semaphore_mem>> -> memref<!tpu.dma_semaphore, #tpu.memory_space<semaphore_mem>>
    tpu.enqueue_indirect_dma source(%dma_start3A_88 : memref<10000x128xf32, #tpu.memory_space<hbm>>) target(%dma_start3A_82 : memref<32x128xf32, #tpu.memory_space<vmem>>) offsets(%dma_start3A_85 : memref<32xi32, #tpu.memory_space<vmem>>) semaphore(%dma_start3A_90 : memref<!tpu.dma_semaphore, #tpu.memory_space<semaphore_mem>>)
    %mul3A_91 = arith.constant 2 : i32
    %mul3A_92 = arith.constant 32 : i32
    %mul3A_93 = arith.muli %mul3A_91, %mul3A_92 : i32
    %add3A_94 = arith.constant 0 : i32
    %add3A_95 = arith.addi %mul3A_93, %add3A_94 : i32
    %get3A_96 = arith.index_cast %add3A_95 : i32 to index
    %get3A_97 = tpu.vector_load %arg6[%get3A_96] {strides = array<i32>} : memref<20000xi32, #tpu.memory_space<vmem>>, vector<16xi32>,
    %get3A_98 = vector.shape_cast %get3A_97 : vector<16xi32> to vector<16xi32>
    %swap3A_99 = arith.constant 2 : i32
    %swap3A_100 = arith.index_cast %swap3A_99 : i32 to index
    %swap3A_101 = arith.constant 0 : index
    %swap3A_102 = tpu.vector_load %arg8[%swap3A_100, %swap3A_101] {strides = array<i32>} : memref<5x32xi32, #tpu.memory_space<vmem>>, vector<1x16xi32>,
    %swap3A_103 = vector.shape_cast %swap3A_102 : vector<1x16xi32> to vector<16xi32>
    %swap3A_104 = vector.shape_cast %get3A_98 : vector<16xi32> to vector<1x16xi32>
    tpu.vector_store %arg8[%swap3A_100, %swap3A_101], %swap3A_104 {strides = array<i32>} : memref<5x32xi32, #tpu.memory_space<vmem>>, vector<1x16xi32>,
    %mul3A_105 = arith.constant 2 : i32
    %mul3A_106 = arith.constant 32 : i32
    %mul3A_107 = arith.muli %mul3A_105, %mul3A_106 : i32
    %add3A_108 = arith.constant 16 : i32
    %add3A_109 = arith.addi %mul3A_107, %add3A_108 : i32
    %get3A_110 = arith.index_cast %add3A_109 : i32 to index
    %get3A_111 = tpu.vector_load %arg6[%get3A_110] {strides = array<i32>} : memref<20000xi32, #tpu.memory_space<vmem>>, vector<16xi32>,
    %get3A_112 = vector.shape_cast %get3A_111 : vector<16xi32> to vector<16xi32>
    %swap3A_113 = arith.constant 2 : i32
    %swap3A_114 = arith.index_cast %swap3A_113 : i32 to index
    %swap3A_115 = arith.constant 16 : index
    %swap3A_116 = tpu.vector_load %arg8[%swap3A_114, %swap3A_115] {strides = array<i32>} : memref<5x32xi32, #tpu.memory_space<vmem>>, vector<1x16xi32>,
    %swap3A_117 = vector.shape_cast %swap3A_116 : vector<1x16xi32> to vector<16xi32>
    %swap3A_118 = vector.shape_cast %get3A_112 : vector<16xi32> to vector<1x16xi32>
    tpu.vector_store %arg8[%swap3A_114, %swap3A_115], %swap3A_118 {strides = array<i32>} : memref<5x32xi32, #tpu.memory_space<vmem>>, vector<1x16xi32>,
    %dma_start3A_119 = arith.constant 2 : i32
    %dma_start3A_120 = arith.constant 2 : i32
    %dma_start3A_121 = arith.constant 2 : i32
    %dma_start3A_122 = arith.constant 0 : i32
    %dma_start3A_123 = arith.constant 0 : i32
    %dma_start3A_124 = tpu.memref_slice %arg14[%dma_start3A_120, %dma_start3A_122, %dma_start3A_123] : memref<5x32x128xf32, #tpu.memory_space<vmem>> -> memref<1x32x128xf32, #tpu.memory_space<vmem>>
    %dma_start3A_125 = tpu.memref_squeeze %dma_start3A_124 : memref<1x32x128xf32, #tpu.memory_space<vmem>> -> memref<32x128xf32, #tpu.memory_space<vmem>>
    %dma_start3A_126 = arith.constant 0 : i32
    %dma_start3A_127 = tpu.memref_slice %arg8[%dma_start3A_119, %dma_start3A_126] : memref<5x32xi32, #tpu.memory_space<vmem>> -> memref<1x32xi32, #tpu.memory_space<vmem>>
    %dma_start3A_128 = tpu.memref_squeeze %dma_start3A_127 : memref<1x32xi32, #tpu.memory_space<vmem>> -> memref<32xi32, #tpu.memory_space<vmem>>
    %dma_start3A_129 = arith.constant 0 : i32
    %dma_start3A_130 = arith.constant 0 : i32
    %dma_start3A_131 = tpu.memref_slice %arg2[%dma_start3A_129, %dma_start3A_130] : memref<10000x128xf32, #tpu.memory_space<hbm>> -> memref<10000x128xf32, #tpu.memory_space<hbm>>
    %dma_start3A_132 = tpu.memref_slice %arg15[%dma_start3A_121] : memref<5x!tpu.dma_semaphore, #tpu.memory_space<semaphore_mem>> -> memref<1x!tpu.dma_semaphore, #tpu.memory_space<semaphore_mem>>
    %dma_start3A_133 = tpu.memref_squeeze %dma_start3A_132 : memref<1x!tpu.dma_semaphore, #tpu.memory_space<semaphore_mem>> -> memref<!tpu.dma_semaphore, #tpu.memory_space<semaphore_mem>>
    tpu.enqueue_indirect_dma source(%dma_start3A_131 : memref<10000x128xf32, #tpu.memory_space<hbm>>) target(%dma_start3A_125 : memref<32x128xf32, #tpu.memory_space<vmem>>) offsets(%dma_start3A_128 : memref<32xi32, #tpu.memory_space<vmem>>) semaphore(%dma_start3A_133 : memref<!tpu.dma_semaphore, #tpu.memory_space<semaphore_mem>>)
    %scan3A = arith.constant 0 : i32
    %scan3A_134 = arith.constant 0 : i32
    %scan3A_135 = arith.constant 125 : i32
    %scan3A_136 = arith.addi %scan3A_134, %scan3A_135 : i32
    %scan3A_137 = arith.constant 1 : i32
    %scan3A_138 = scf.for %scan3A_205 = %scan3A_134 to %scan3A_136 step %scan3A_137 iter_args(%scan3A_206 = %scan3A) -> (i32)  : i32 {
      %mul3A_207 = arith.constant 5 : i32
      %mul3A_208 = arith.muli %scan3A_205, %mul3A_207 : i32
      %add3A_209 = arith.constant 0 : i32
      %add3A_210 = arith.addi %mul3A_208, %add3A_209 : i32
      %add3A_211 = arith.constant 3 : i32
      %add3A_212 = arith.addi %add3A_210, %add3A_211 : i32
      %lt3A_213 = arith.constant 625 : i32
      %lt3A_214 = arith.cmpi slt, %add3A_212, %lt3A_213 : i32
      %convert_element_type3A_215 = arith.extui %lt3A_214 : i1 to i32
      %cond3A_216 = arith.constant 0 : i32
      %cond3A_217 = arith.cmpi ne, %convert_element_type3A_215, %cond3A_216 : i32
      scf.if %cond3A_217 {
        %ge3A_617 = arith.constant 2 : i32
        %ge3A_618 = arith.cmpi sge, %add3A_210, %ge3A_617 : i32
        %convert_element_type3A_619 = arith.extui %ge3A_618 : i1 to i32
        %cond3A_620 = arith.constant 0 : i32
        %cond3A_621 = arith.cmpi ne, %convert_element_type3A_619, %cond3A_620 : i32
        scf.if %cond3A_621 {
          %dma_wait3A_665 = arith.constant 3 : i32
          %dma_wait3A_666 = arith.constant 3 : i32
          %dma_wait3A_667 = arith.constant 0 : i32
          %dma_wait3A_668 = arith.constant 0 : i32
          %dma_wait3A_669 = tpu.memref_slice %arg14[%dma_wait3A_665, %dma_wait3A_667, %dma_wait3A_668] : memref<5x32x128xf32, #tpu.memory_space<vmem>> -> memref<1x32x128xf32, #tpu.memory_space<vmem>>
          %dma_wait3A_670 = tpu.memref_squeeze %dma_wait3A_669 : memref<1x32x128xf32, #tpu.memory_space<vmem>> -> memref<32x128xf32, #tpu.memory_space<vmem>>
          %dma_wait3A_671 = arith.constant 0 : i32
          %dma_wait3A_672 = arith.constant 0 : i32
          %dma_wait3A_673 = tpu.memref_slice %arg17[%dma_wait3A_671, %dma_wait3A_672] : memref<5008x128xf32, #tpu.memory_space<vmem_shared>> -> memref<5008x128xf32, #tpu.memory_space<vmem_shared>>
          %dma_wait3A_674 = tpu.memref_slice %arg16[%dma_wait3A_666] : memref<5x!tpu.dma_semaphore, #tpu.memory_space<semaphore_mem>> -> memref<1x!tpu.dma_semaphore, #tpu.memory_space<semaphore_mem>>
          %dma_wait3A_675 = tpu.memref_squeeze %dma_wait3A_674 : memref<1x!tpu.dma_semaphore, #tpu.memory_space<semaphore_mem>> -> memref<!tpu.dma_semaphore, #tpu.memory_space<semaphore_mem>>
          tpu.wait_indirect_dma semaphore(%dma_wait3A_675 : memref<!tpu.dma_semaphore, #tpu.memory_space<semaphore_mem>>) src(%dma_wait3A_670 : memref<32x128xf32, #tpu.memory_space<vmem>>) dst(%dma_wait3A_673 : memref<5008x128xf32, #tpu.memory_space<vmem_shared>>)
        } else {
        }
        %add3A_622 = arith.constant 3 : i32
        %add3A_623 = arith.addi %add3A_210, %add3A_622 : i32
        %mul3A_624 = arith.constant 32 : i32
        %mul3A_625 = arith.muli %add3A_623, %mul3A_624 : i32
        %add3A_626 = arith.constant 0 : i32
        %add3A_627 = arith.addi %mul3A_625, %add3A_626 : i32
        %get3A_628 = arith.index_cast %add3A_627 : i32 to index
        %get3A_629 = tpu.vector_load %arg6[%get3A_628] {strides = array<i32>} : memref<20000xi32, #tpu.memory_space<vmem>>, vector<16xi32>,
        %get3A_630 = vector.shape_cast %get3A_629 : vector<16xi32> to vector<16xi32>
        %swap3A_631 = arith.constant 3 : i32
        %swap3A_632 = arith.index_cast %swap3A_631 : i32 to index
        %swap3A_633 = arith.constant 0 : index
        %swap3A_634 = tpu.vector_load %arg8[%swap3A_632, %swap3A_633] {strides = array<i32>} : memref<5x32xi32, #tpu.memory_space<vmem>>, vector<1x16xi32>,
        %swap3A_635 = vector.shape_cast %swap3A_634 : vector<1x16xi32> to vector<16xi32>
        %swap3A_636 = vector.shape_cast %get3A_630 : vector<16xi32> to vector<1x16xi32>
        tpu.vector_store %arg8[%swap3A_632, %swap3A_633], %swap3A_636 {strides = array<i32>} : memref<5x32xi32, #tpu.memory_space<vmem>>, vector<1x16xi32>,
        %mul3A_637 = arith.constant 32 : i32
        %mul3A_638 = arith.muli %add3A_623, %mul3A_637 : i32
        %add3A_639 = arith.constant 16 : i32
        %add3A_640 = arith.addi %mul3A_638, %add3A_639 : i32
        %get3A_641 = arith.index_cast %add3A_640 : i32 to index
        %get3A_642 = tpu.vector_load %arg6[%get3A_641] {strides = array<i32>} : memref<20000xi32, #tpu.memory_space<vmem>>, vector<16xi32>,
        %get3A_643 = vector.shape_cast %get3A_642 : vector<16xi32> to vector<16xi32>
        %swap3A_644 = arith.constant 3 : i32
        %swap3A_645 = arith.index_cast %swap3A_644 : i32 to index
        %swap3A_646 = arith.constant 16 : index
        %swap3A_647 = tpu.vector_load %arg8[%swap3A_645, %swap3A_646] {strides = array<i32>} : memref<5x32xi32, #tpu.memory_space<vmem>>, vector<1x16xi32>,
        %swap3A_648 = vector.shape_cast %swap3A_647 : vector<1x16xi32> to vector<16xi32>
        %swap3A_649 = vector.shape_cast %get3A_643 : vector<16xi32> to vector<1x16xi32>
        tpu.vector_store %arg8[%swap3A_645, %swap3A_646], %swap3A_649 {strides = array<i32>} : memref<5x32xi32, #tpu.memory_space<vmem>>, vector<1x16xi32>,
        %dma_start3A_650 = arith.constant 3 : i32
        %dma_start3A_651 = arith.constant 3 : i32
        %dma_start3A_652 = arith.constant 3 : i32
        %dma_start3A_653 = arith.constant 0 : i32
        %dma_start3A_654 = arith.constant 0 : i32
        %dma_start3A_655 = tpu.memref_slice %arg14[%dma_start3A_651, %dma_start3A_653, %dma_start3A_654] : memref<5x32x128xf32, #tpu.memory_space<vmem>> -> memref<1x32x128xf32, #tpu.memory_space<vmem>>
        %dma_start3A_656 = tpu.memref_squeeze %dma_start3A_655 : memref<1x32x128xf32, #tpu.memory_space<vmem>> -> memref<32x128xf32, #tpu.memory_space<vmem>>
        %dma_start3A_657 = arith.constant 0 : i32
        %dma_start3A_658 = tpu.memref_slice %arg8[%dma_start3A_650, %dma_start3A_657] : memref<5x32xi32, #tpu.memory_space<vmem>> -> memref<1x32xi32, #tpu.memory_space<vmem>>
        %dma_start3A_659 = tpu.memref_squeeze %dma_start3A_658 : memref<1x32xi32, #tpu.memory_space<vmem>> -> memref<32xi32, #tpu.memory_space<vmem>>
        %dma_start3A_660 = arith.constant 0 : i32
        %dma_start3A_661 = arith.constant 0 : i32
        %dma_start3A_662 = tpu.memref_slice %arg2[%dma_start3A_660, %dma_start3A_661] : memref<10000x128xf32, #tpu.memory_space<hbm>> -> memref<10000x128xf32, #tpu.memory_space<hbm>>
        %dma_start3A_663 = tpu.memref_slice %arg15[%dma_start3A_652] : memref<5x!tpu.dma_semaphore, #tpu.memory_space<semaphore_mem>> -> memref<1x!tpu.dma_semaphore, #tpu.memory_space<semaphore_mem>>
        %dma_start3A_664 = tpu.memref_squeeze %dma_start3A_663 : memref<1x!tpu.dma_semaphore, #tpu.memory_space<semaphore_mem>> -> memref<!tpu.dma_semaphore, #tpu.memory_space<semaphore_mem>>
        tpu.enqueue_indirect_dma source(%dma_start3A_662 : memref<10000x128xf32, #tpu.memory_space<hbm>>) target(%dma_start3A_656 : memref<32x128xf32, #tpu.memory_space<vmem>>) offsets(%dma_start3A_659 : memref<32xi32, #tpu.memory_space<vmem>>) semaphore(%dma_start3A_664 : memref<!tpu.dma_semaphore, #tpu.memory_space<semaphore_mem>>)
      } else {
      }
      %dma_wait3A_218 = arith.constant 0 : i32
      %dma_wait3A_219 = arith.constant 0 : i32
      %dma_wait3A_220 = arith.constant 0 : i32
      %dma_wait3A_221 = arith.constant 0 : i32
      %dma_wait3A_222 = arith.constant 0 : i32
      %dma_wait3A_223 = tpu.memref_slice %arg14[%dma_wait3A_219, %dma_wait3A_221, %dma_wait3A_222] : memref<5x32x128xf32, #tpu.memory_space<vmem>> -> memref<1x32x128xf32, #tpu.memory_space<vmem>>
      %dma_wait3A_224 = tpu.memref_squeeze %dma_wait3A_223 : memref<1x32x128xf32, #tpu.memory_space<vmem>> -> memref<32x128xf32, #tpu.memory_space<vmem>>
      %dma_wait3A_225 = arith.constant 0 : i32
      %dma_wait3A_226 = tpu.memref_slice %arg8[%dma_wait3A_218, %dma_wait3A_225] : memref<5x32xi32, #tpu.memory_space<vmem>> -> memref<1x32xi32, #tpu.memory_space<vmem>>
      %dma_wait3A_227 = tpu.memref_squeeze %dma_wait3A_226 : memref<1x32xi32, #tpu.memory_space<vmem>> -> memref<32xi32, #tpu.memory_space<vmem>>
      %dma_wait3A_228 = arith.constant 0 : i32
      %dma_wait3A_229 = arith.constant 0 : i32
      %dma_wait3A_230 = tpu.memref_slice %arg2[%dma_wait3A_228, %dma_wait3A_229] : memref<10000x128xf32, #tpu.memory_space<hbm>> -> memref<10000x128xf32, #tpu.memory_space<hbm>>
      %dma_wait3A_231 = tpu.memref_slice %arg15[%dma_wait3A_220] : memref<5x!tpu.dma_semaphore, #tpu.memory_space<semaphore_mem>> -> memref<1x!tpu.dma_semaphore, #tpu.memory_space<semaphore_mem>>
      %dma_wait3A_232 = tpu.memref_squeeze %dma_wait3A_231 : memref<1x!tpu.dma_semaphore, #tpu.memory_space<semaphore_mem>> -> memref<!tpu.dma_semaphore, #tpu.memory_space<semaphore_mem>>
      tpu.wait_indirect_dma semaphore(%dma_wait3A_232 : memref<!tpu.dma_semaphore, #tpu.memory_space<semaphore_mem>>) src(%dma_wait3A_230 : memref<10000x128xf32, #tpu.memory_space<hbm>>) dst(%dma_wait3A_224 : memref<32x128xf32, #tpu.memory_space<vmem>>)
      %mul3A_233 = arith.constant 32 : i32
      %mul3A_234 = arith.muli %add3A_210, %mul3A_233 : i32
      %add3A_235 = arith.constant 0 : i32
      %add3A_236 = arith.addi %mul3A_234, %add3A_235 : i32
      %get3A_237 = arith.index_cast %add3A_236 : i32 to index
      %get3A_238 = tpu.vector_load %arg7[%get3A_237] {strides = array<i32>} : memref<20000xi32, #tpu.memory_space<vmem>>, vector<16xi32>,
      %get3A_239 = vector.shape_cast %get3A_238 : vector<16xi32> to vector<16xi32>
      %ge3A = vector.broadcast %mul3A_0 : i32 to vector<16xi32>
      %ge3A_240 = arith.cmpi sge, %get3A_239, %ge3A : vector<16xi32>
      %add3A_241 = arith.constant 5000 : i32
      %add3A_242 = arith.addi %mul3A_0, %add3A_241 : i32
      %lt3A_243 = vector.broadcast %add3A_242 : i32 to vector<16xi32>
      %lt3A_244 = arith.cmpi slt, %get3A_239, %lt3A_243 : vector<16xi32>
      %and3A = arith.andi %ge3A_240, %lt3A_244 : vector<16xi1>
      %sub3A = vector.broadcast %mul3A_0 : i32 to vector<16xi32>
      %sub3A_245 = arith.subi %get3A_239, %sub3A : vector<16xi32>
      %jit3A = arith.constant 5000 : i32
      %broadcast_in_dim3A = vector.broadcast %jit3A : i32 to vector<16xi32>
      %select_n3A = arith.select %and3A, %sub3A_245, %broadcast_in_dim3A : vector<16xi1>, vector<16xi32>
      %swap3A_246 = arith.constant 0 : index
      %swap3A_247 = tpu.vector_load %arg9[%swap3A_246] {strides = array<i32>} : memref<32xi32, #tpu.memory_space<vmem>>, vector<16xi32>,
      %swap3A_248 = vector.shape_cast %swap3A_247 : vector<16xi32> to vector<16xi32>
      %swap3A_249 = vector.shape_cast %select_n3A : vector<16xi32> to vector<16xi32>
      tpu.vector_store %arg9[%swap3A_246], %swap3A_249 {strides = array<i32>} : memref<32xi32, #tpu.memory_space<vmem>>, vector<16xi32>,
      %mul3A_250 = arith.constant 32 : i32
      %mul3A_251 = arith.muli %add3A_210, %mul3A_250 : i32
      %add3A_252 = arith.constant 16 : i32
      %add3A_253 = arith.addi %mul3A_251, %add3A_252 : i32
      %get3A_254 = arith.index_cast %add3A_253 : i32 to index
      %get3A_255 = tpu.vector_load %arg7[%get3A_254] {strides = array<i32>} : memref<20000xi32, #tpu.memory_space<vmem>>, vector<16xi32>,
      %get3A_256 = vector.shape_cast %get3A_255 : vector<16xi32> to vector<16xi32>
      %ge3A_257 = vector.broadcast %mul3A_0 : i32 to vector<16xi32>
      %ge3A_258 = arith.cmpi sge, %get3A_256, %ge3A_257 : vector<16xi32>
      %add3A_259 = arith.constant 5000 : i32
      %add3A_260 = arith.addi %mul3A_0, %add3A_259 : i32
      %lt3A_261 = vector.broadcast %add3A_260 : i32 to vector<16xi32>
      %lt3A_262 = arith.cmpi slt, %get3A_256, %lt3A_261 : vector<16xi32>
      %and3A_263 = arith.andi %ge3A_258, %lt3A_262 : vector<16xi1>
      %sub3A_264 = vector.broadcast %mul3A_0 : i32 to vector<16xi32>
      %sub3A_265 = arith.subi %get3A_256, %sub3A_264 : vector<16xi32>
      %jit3A_266 = arith.constant 5000 : i32
      %broadcast_in_dim3A_267 = vector.broadcast %jit3A_266 : i32 to vector<16xi32>
      %select_n3A_268 = arith.select %and3A_263, %sub3A_265, %broadcast_in_dim3A_267 : vector<16xi1>, vector<16xi32>
      %swap3A_269 = arith.constant 16 : index
      %swap3A_270 = tpu.vector_load %arg9[%swap3A_269] {strides = array<i32>} : memref<32xi32, #tpu.memory_space<vmem>>, vector<16xi32>,
      %swap3A_271 = vector.shape_cast %swap3A_270 : vector<16xi32> to vector<16xi32>
      %swap3A_272 = vector.shape_cast %select_n3A_268 : vector<16xi32> to vector<16xi32>
      tpu.vector_store %arg9[%swap3A_269], %swap3A_272 {strides = array<i32>} : memref<32xi32, #tpu.memory_space<vmem>>, vector<16xi32>,
      %dma_start3A_273 = arith.constant 0 : i32
      %dma_start3A_274 = arith.constant 0 : i32
      %dma_start3A_275 = arith.constant 0 : i32
      %dma_start3A_276 = arith.constant 0 : i32
      %dma_start3A_277 = tpu.memref_slice %arg14[%dma_start3A_273, %dma_start3A_275, %dma_start3A_276] : memref<5x32x128xf32, #tpu.memory_space<vmem>> -> memref<1x32x128xf32, #tpu.memory_space<vmem>>
      %dma_start3A_278 = tpu.memref_squeeze %dma_start3A_277 : memref<1x32x128xf32, #tpu.memory_space<vmem>> -> memref<32x128xf32, #tpu.memory_space<vmem>>
      %dma_start3A_279 = arith.constant 0 : i32
      %dma_start3A_280 = arith.constant 0 : i32
      %dma_start3A_281 = tpu.memref_slice %arg17[%dma_start3A_279, %dma_start3A_280] : memref<5008x128xf32, #tpu.memory_space<vmem_shared>> -> memref<5008x128xf32, #tpu.memory_space<vmem_shared>>
      %dma_start3A_282 = tpu.memref_slice %arg16[%dma_start3A_274] : memref<5x!tpu.dma_semaphore, #tpu.memory_space<semaphore_mem>> -> memref<1x!tpu.dma_semaphore, #tpu.memory_space<semaphore_mem>>
      %dma_start3A_283 = tpu.memref_squeeze %dma_start3A_282 : memref<1x!tpu.dma_semaphore, #tpu.memory_space<semaphore_mem>> -> memref<!tpu.dma_semaphore, #tpu.memory_space<semaphore_mem>>
      tpu.enqueue_indirect_dma source(%dma_start3A_278 : memref<32x128xf32, #tpu.memory_space<vmem>>) target(%dma_start3A_281 : memref<5008x128xf32, #tpu.memory_space<vmem_shared>>) offsets(%arg9 : memref<32xi32, #tpu.memory_space<vmem>>) semaphore(%dma_start3A_283 : memref<!tpu.dma_semaphore, #tpu.memory_space<semaphore_mem>>) {add = true}
      %mul3A_284 = arith.constant 5 : i32
      %mul3A_285 = arith.muli %scan3A_205, %mul3A_284 : i32
      %add3A_286 = arith.constant 1 : i32
      %add3A_287 = arith.addi %mul3A_285, %add3A_286 : i32
      %add3A_288 = arith.constant 3 : i32
      %add3A_289 = arith.addi %add3A_287, %add3A_288 : i32
      %lt3A_290 = arith.constant 625 : i32
      %lt3A_291 = arith.cmpi slt, %add3A_289, %lt3A_290 : i32
      %convert_element_type3A_292 = arith.extui %lt3A_291 : i1 to i32
      %cond3A_293 = arith.constant 0 : i32
      %cond3A_294 = arith.cmpi ne, %convert_element_type3A_292, %cond3A_293 : i32
      scf.if %cond3A_294 {
        %ge3A_617 = arith.constant 2 : i32
        %ge3A_618 = arith.cmpi sge, %add3A_287, %ge3A_617 : i32
        %convert_element_type3A_619 = arith.extui %ge3A_618 : i1 to i32
        %cond3A_620 = arith.constant 0 : i32
        %cond3A_621 = arith.cmpi ne, %convert_element_type3A_619, %cond3A_620 : i32
        scf.if %cond3A_621 {
          %dma_wait3A_665 = arith.constant 4 : i32
          %dma_wait3A_666 = arith.constant 4 : i32
          %dma_wait3A_667 = arith.constant 0 : i32
          %dma_wait3A_668 = arith.constant 0 : i32
          %dma_wait3A_669 = tpu.memref_slice %arg14[%dma_wait3A_665, %dma_wait3A_667, %dma_wait3A_668] : memref<5x32x128xf32, #tpu.memory_space<vmem>> -> memref<1x32x128xf32, #tpu.memory_space<vmem>>
          %dma_wait3A_670 = tpu.memref_squeeze %dma_wait3A_669 : memref<1x32x128xf32, #tpu.memory_space<vmem>> -> memref<32x128xf32, #tpu.memory_space<vmem>>
          %dma_wait3A_671 = arith.constant 0 : i32
          %dma_wait3A_672 = arith.constant 0 : i32
          %dma_wait3A_673 = tpu.memref_slice %arg17[%dma_wait3A_671, %dma_wait3A_672] : memref<5008x128xf32, #tpu.memory_space<vmem_shared>> -> memref<5008x128xf32, #tpu.memory_space<vmem_shared>>
          %dma_wait3A_674 = tpu.memref_slice %arg16[%dma_wait3A_666] : memref<5x!tpu.dma_semaphore, #tpu.memory_space<semaphore_mem>> -> memref<1x!tpu.dma_semaphore, #tpu.memory_space<semaphore_mem>>
          %dma_wait3A_675 = tpu.memref_squeeze %dma_wait3A_674 : memref<1x!tpu.dma_semaphore, #tpu.memory_space<semaphore_mem>> -> memref<!tpu.dma_semaphore, #tpu.memory_space<semaphore_mem>>
          tpu.wait_indirect_dma semaphore(%dma_wait3A_675 : memref<!tpu.dma_semaphore, #tpu.memory_space<semaphore_mem>>) src(%dma_wait3A_670 : memref<32x128xf32, #tpu.memory_space<vmem>>) dst(%dma_wait3A_673 : memref<5008x128xf32, #tpu.memory_space<vmem_shared>>)
        } else {
        }
        %add3A_622 = arith.constant 3 : i32
        %add3A_623 = arith.addi %add3A_287, %add3A_622 : i32
        %mul3A_624 = arith.constant 32 : i32
        %mul3A_625 = arith.muli %add3A_623, %mul3A_624 : i32
        %add3A_626 = arith.constant 0 : i32
        %add3A_627 = arith.addi %mul3A_625, %add3A_626 : i32
        %get3A_628 = arith.index_cast %add3A_627 : i32 to index
        %get3A_629 = tpu.vector_load %arg6[%get3A_628] {strides = array<i32>} : memref<20000xi32, #tpu.memory_space<vmem>>, vector<16xi32>,
        %get3A_630 = vector.shape_cast %get3A_629 : vector<16xi32> to vector<16xi32>
        %swap3A_631 = arith.constant 4 : i32
        %swap3A_632 = arith.index_cast %swap3A_631 : i32 to index
        %swap3A_633 = arith.constant 0 : index
        %swap3A_634 = tpu.vector_load %arg8[%swap3A_632, %swap3A_633] {strides = array<i32>} : memref<5x32xi32, #tpu.memory_space<vmem>>, vector<1x16xi32>,
        %swap3A_635 = vector.shape_cast %swap3A_634 : vector<1x16xi32> to vector<16xi32>
        %swap3A_636 = vector.shape_cast %get3A_630 : vector<16xi32> to vector<1x16xi32>
        tpu.vector_store %arg8[%swap3A_632, %swap3A_633], %swap3A_636 {strides = array<i32>} : memref<5x32xi32, #tpu.memory_space<vmem>>, vector<1x16xi32>,
        %mul3A_637 = arith.constant 32 : i32
        %mul3A_638 = arith.muli %add3A_623, %mul3A_637 : i32
        %add3A_639 = arith.constant 16 : i32
        %add3A_640 = arith.addi %mul3A_638, %add3A_639 : i32
        %get3A_641 = arith.index_cast %add3A_640 : i32 to index
        %get3A_642 = tpu.vector_load %arg6[%get3A_641] {strides = array<i32>} : memref<20000xi32, #tpu.memory_space<vmem>>, vector<16xi32>,
        %get3A_643 = vector.shape_cast %get3A_642 : vector<16xi32> to vector<16xi32>
        %swap3A_644 = arith.constant 4 : i32
        %swap3A_645 = arith.index_cast %swap3A_644 : i32 to index
        %swap3A_646 = arith.constant 16 : index
        %swap3A_647 = tpu.vector_load %arg8[%swap3A_645, %swap3A_646] {strides = array<i32>} : memref<5x32xi32, #tpu.memory_space<vmem>>, vector<1x16xi32>,
        %swap3A_648 = vector.shape_cast %swap3A_647 : vector<1x16xi32> to vector<16xi32>
        %swap3A_649 = vector.shape_cast %get3A_643 : vector<16xi32> to vector<1x16xi32>
        tpu.vector_store %arg8[%swap3A_645, %swap3A_646], %swap3A_649 {strides = array<i32>} : memref<5x32xi32, #tpu.memory_space<vmem>>, vector<1x16xi32>,
        %dma_start3A_650 = arith.constant 4 : i32
        %dma_start3A_651 = arith.constant 4 : i32
        %dma_start3A_652 = arith.constant 4 : i32
        %dma_start3A_653 = arith.constant 0 : i32
        %dma_start3A_654 = arith.constant 0 : i32
        %dma_start3A_655 = tpu.memref_slice %arg14[%dma_start3A_651, %dma_start3A_653, %dma_start3A_654] : memref<5x32x128xf32, #tpu.memory_space<vmem>> -> memref<1x32x128xf32, #tpu.memory_space<vmem>>
        %dma_start3A_656 = tpu.memref_squeeze %dma_start3A_655 : memref<1x32x128xf32, #tpu.memory_space<vmem>> -> memref<32x128xf32, #tpu.memory_space<vmem>>
        %dma_start3A_657 = arith.constant 0 : i32
        %dma_start3A_658 = tpu.memref_slice %arg8[%dma_start3A_650, %dma_start3A_657] : memref<5x32xi32, #tpu.memory_space<vmem>> -> memref<1x32xi32, #tpu.memory_space<vmem>>
        %dma_start3A_659 = tpu.memref_squeeze %dma_start3A_658 : memref<1x32xi32, #tpu.memory_space<vmem>> -> memref<32xi32, #tpu.memory_space<vmem>>
        %dma_start3A_660 = arith.constant 0 : i32
        %dma_start3A_661 = arith.constant 0 : i32
        %dma_start3A_662 = tpu.memref_slice %arg2[%dma_start3A_660, %dma_start3A_661] : memref<10000x128xf32, #tpu.memory_space<hbm>> -> memref<10000x128xf32, #tpu.memory_space<hbm>>
        %dma_start3A_663 = tpu.memref_slice %arg15[%dma_start3A_652] : memref<5x!tpu.dma_semaphore, #tpu.memory_space<semaphore_mem>> -> memref<1x!tpu.dma_semaphore, #tpu.memory_space<semaphore_mem>>
        %dma_start3A_664 = tpu.memref_squeeze %dma_start3A_663 : memref<1x!tpu.dma_semaphore, #tpu.memory_space<semaphore_mem>> -> memref<!tpu.dma_semaphore, #tpu.memory_space<semaphore_mem>>
        tpu.enqueue_indirect_dma source(%dma_start3A_662 : memref<10000x128xf32, #tpu.memory_space<hbm>>) target(%dma_start3A_656 : memref<32x128xf32, #tpu.memory_space<vmem>>) offsets(%dma_start3A_659 : memref<32xi32, #tpu.memory_space<vmem>>) semaphore(%dma_start3A_664 : memref<!tpu.dma_semaphore, #tpu.memory_space<semaphore_mem>>)
      } else {
      }
      %dma_wait3A_295 = arith.constant 1 : i32
      %dma_wait3A_296 = arith.constant 1 : i32
      %dma_wait3A_297 = arith.constant 1 : i32
      %dma_wait3A_298 = arith.constant 0 : i32
      %dma_wait3A_299 = arith.constant 0 : i32
      %dma_wait3A_300 = tpu.memref_slice %arg14[%dma_wait3A_296, %dma_wait3A_298, %dma_wait3A_299] : memref<5x32x128xf32, #tpu.memory_space<vmem>> -> memref<1x32x128xf32, #tpu.memory_space<vmem>>
      %dma_wait3A_301 = tpu.memref_squeeze %dma_wait3A_300 : memref<1x32x128xf32, #tpu.memory_space<vmem>> -> memref<32x128xf32, #tpu.memory_space<vmem>>
      %dma_wait3A_302 = arith.constant 0 : i32
      %dma_wait3A_303 = tpu.memref_slice %arg8[%dma_wait3A_295, %dma_wait3A_302] : memref<5x32xi32, #tpu.memory_space<vmem>> -> memref<1x32xi32, #tpu.memory_space<vmem>>
      %dma_wait3A_304 = tpu.memref_squeeze %dma_wait3A_303 : memref<1x32xi32, #tpu.memory_space<vmem>> -> memref<32xi32, #tpu.memory_space<vmem>>
      %dma_wait3A_305 = arith.constant 0 : i32
      %dma_wait3A_306 = arith.constant 0 : i32
      %dma_wait3A_307 = tpu.memref_slice %arg2[%dma_wait3A_305, %dma_wait3A_306] : memref<10000x128xf32, #tpu.memory_space<hbm>> -> memref<10000x128xf32, #tpu.memory_space<hbm>>
      %dma_wait3A_308 = tpu.memref_slice %arg15[%dma_wait3A_297] : memref<5x!tpu.dma_semaphore, #tpu.memory_space<semaphore_mem>> -> memref<1x!tpu.dma_semaphore, #tpu.memory_space<semaphore_mem>>
      %dma_wait3A_309 = tpu.memref_squeeze %dma_wait3A_308 : memref<1x!tpu.dma_semaphore, #tpu.memory_space<semaphore_mem>> -> memref<!tpu.dma_semaphore, #tpu.memory_space<semaphore_mem>>
      tpu.wait_indirect_dma semaphore(%dma_wait3A_309 : memref<!tpu.dma_semaphore, #tpu.memory_space<semaphore_mem>>) src(%dma_wait3A_307 : memref<10000x128xf32, #tpu.memory_space<hbm>>) dst(%dma_wait3A_301 : memref<32x128xf32, #tpu.memory_space<vmem>>)
      %mul3A_310 = arith.constant 32 : i32
      %mul3A_311 = arith.muli %add3A_287, %mul3A_310 : i32
      %add3A_312 = arith.constant 0 : i32
      %add3A_313 = arith.addi %mul3A_311, %add3A_312 : i32
      %get3A_314 = arith.index_cast %add3A_313 : i32 to index
      %get3A_315 = tpu.vector_load %arg7[%get3A_314] {strides = array<i32>} : memref<20000xi32, #tpu.memory_space<vmem>>, vector<16xi32>,
      %get3A_316 = vector.shape_cast %get3A_315 : vector<16xi32> to vector<16xi32>
      %ge3A_317 = vector.broadcast %mul3A_0 : i32 to vector<16xi32>
      %ge3A_318 = arith.cmpi sge, %get3A_316, %ge3A_317 : vector<16xi32>
      %add3A_319 = arith.constant 5000 : i32
      %add3A_320 = arith.addi %mul3A_0, %add3A_319 : i32
      %lt3A_321 = vector.broadcast %add3A_320 : i32 to vector<16xi32>
      %lt3A_322 = arith.cmpi slt, %get3A_316, %lt3A_321 : vector<16xi32>
      %and3A_323 = arith.andi %ge3A_318, %lt3A_322 : vector<16xi1>
      %sub3A_324 = vector.broadcast %mul3A_0 : i32 to vector<16xi32>
      %sub3A_325 = arith.subi %get3A_316, %sub3A_324 : vector<16xi32>
      %jit3A_326 = arith.constant 5000 : i32
      %broadcast_in_dim3A_327 = vector.broadcast %jit3A_326 : i32 to vector<16xi32>
      %select_n3A_328 = arith.select %and3A_323, %sub3A_325, %broadcast_in_dim3A_327 : vector<16xi1>, vector<16xi32>
      %swap3A_329 = arith.constant 0 : index
      %swap3A_330 = tpu.vector_load %arg10[%swap3A_329] {strides = array<i32>} : memref<32xi32, #tpu.memory_space<vmem>>, vector<16xi32>,
      %swap3A_331 = vector.shape_cast %swap3A_330 : vector<16xi32> to vector<16xi32>
      %swap3A_332 = vector.shape_cast %select_n3A_328 : vector<16xi32> to vector<16xi32>
      tpu.vector_store %arg10[%swap3A_329], %swap3A_332 {strides = array<i32>} : memref<32xi32, #tpu.memory_space<vmem>>, vector<16xi32>,
      %mul3A_333 = arith.constant 32 : i32
      %mul3A_334 = arith.muli %add3A_287, %mul3A_333 : i32
      %add3A_335 = arith.constant 16 : i32
      %add3A_336 = arith.addi %mul3A_334, %add3A_335 : i32
      %get3A_337 = arith.index_cast %add3A_336 : i32 to index
      %get3A_338 = tpu.vector_load %arg7[%get3A_337] {strides = array<i32>} : memref<20000xi32, #tpu.memory_space<vmem>>, vector<16xi32>,
      %get3A_339 = vector.shape_cast %get3A_338 : vector<16xi32> to vector<16xi32>
      %ge3A_340 = vector.broadcast %mul3A_0 : i32 to vector<16xi32>
      %ge3A_341 = arith.cmpi sge, %get3A_339, %ge3A_340 : vector<16xi32>
      %add3A_342 = arith.constant 5000 : i32
      %add3A_343 = arith.addi %mul3A_0, %add3A_342 : i32
      %lt3A_344 = vector.broadcast %add3A_343 : i32 to vector<16xi32>
      %lt3A_345 = arith.cmpi slt, %get3A_339, %lt3A_344 : vector<16xi32>
      %and3A_346 = arith.andi %ge3A_341, %lt3A_345 : vector<16xi1>
      %sub3A_347 = vector.broadcast %mul3A_0 : i32 to vector<16xi32>
      %sub3A_348 = arith.subi %get3A_339, %sub3A_347 : vector<16xi32>
      %jit3A_349 = arith.constant 5000 : i32
      %broadcast_in_dim3A_350 = vector.broadcast %jit3A_349 : i32 to vector<16xi32>
      %select_n3A_351 = arith.select %and3A_346, %sub3A_348, %broadcast_in_dim3A_350 : vector<16xi1>, vector<16xi32>
      %swap3A_352 = arith.constant 16 : index
      %swap3A_353 = tpu.vector_load %arg10[%swap3A_352] {strides = array<i32>} : memref<32xi32, #tpu.memory_space<vmem>>, vector<16xi32>,
      %swap3A_354 = vector.shape_cast %swap3A_353 : vector<16xi32> to vector<16xi32>
      %swap3A_355 = vector.shape_cast %select_n3A_351 : vector<16xi32> to vector<16xi32>
      tpu.vector_store %arg10[%swap3A_352], %swap3A_355 {strides = array<i32>} : memref<32xi32, #tpu.memory_space<vmem>>, vector<16xi32>,
      %dma_start3A_356 = arith.constant 1 : i32
      %dma_start3A_357 = arith.constant 1 : i32
      %dma_start3A_358 = arith.constant 0 : i32
      %dma_start3A_359 = arith.constant 0 : i32
      %dma_start3A_360 = tpu.memref_slice %arg14[%dma_start3A_356, %dma_start3A_358, %dma_start3A_359] : memref<5x32x128xf32, #tpu.memory_space<vmem>> -> memref<1x32x128xf32, #tpu.memory_space<vmem>>
      %dma_start3A_361 = tpu.memref_squeeze %dma_start3A_360 : memref<1x32x128xf32, #tpu.memory_space<vmem>> -> memref<32x128xf32, #tpu.memory_space<vmem>>
      %dma_start3A_362 = arith.constant 0 : i32
      %dma_start3A_363 = arith.constant 0 : i32
      %dma_start3A_364 = tpu.memref_slice %arg17[%dma_start3A_362, %dma_start3A_363] : memref<5008x128xf32, #tpu.memory_space<vmem_shared>> -> memref<5008x128xf32, #tpu.memory_space<vmem_shared>>
      %dma_start3A_365 = tpu.memref_slice %arg16[%dma_start3A_357] : memref<5x!tpu.dma_semaphore, #tpu.memory_space<semaphore_mem>> -> memref<1x!tpu.dma_semaphore, #tpu.memory_space<semaphore_mem>>
      %dma_start3A_366 = tpu.memref_squeeze %dma_start3A_365 : memref<1x!tpu.dma_semaphore, #tpu.memory_space<semaphore_mem>> -> memref<!tpu.dma_semaphore, #tpu.memory_space<semaphore_mem>>
      tpu.enqueue_indirect_dma source(%dma_start3A_361 : memref<32x128xf32, #tpu.memory_space<vmem>>) target(%dma_start3A_364 : memref<5008x128xf32, #tpu.memory_space<vmem_shared>>) offsets(%arg10 : memref<32xi32, #tpu.memory_space<vmem>>) semaphore(%dma_start3A_366 : memref<!tpu.dma_semaphore, #tpu.memory_space<semaphore_mem>>) {add = true}
      %mul3A_367 = arith.constant 5 : i32
      %mul3A_368 = arith.muli %scan3A_205, %mul3A_367 : i32
      %add3A_369 = arith.constant 2 : i32
      %add3A_370 = arith.addi %mul3A_368, %add3A_369 : i32
      %add3A_371 = arith.constant 3 : i32
      %add3A_372 = arith.addi %add3A_370, %add3A_371 : i32
      %lt3A_373 = arith.constant 625 : i32
      %lt3A_374 = arith.cmpi slt, %add3A_372, %lt3A_373 : i32
      %convert_element_type3A_375 = arith.extui %lt3A_374 : i1 to i32
      %cond3A_376 = arith.constant 0 : i32
      %cond3A_377 = arith.cmpi ne, %convert_element_type3A_375, %cond3A_376 : i32
      scf.if %cond3A_377 {
        %ge3A_617 = arith.constant 2 : i32
        %ge3A_618 = arith.cmpi sge, %add3A_370, %ge3A_617 : i32
        %convert_element_type3A_619 = arith.extui %ge3A_618 : i1 to i32
        %cond3A_620 = arith.constant 0 : i32
        %cond3A_621 = arith.cmpi ne, %convert_element_type3A_619, %cond3A_620 : i32
        scf.if %cond3A_621 {
          %dma_wait3A_665 = arith.constant 0 : i32
          %dma_wait3A_666 = arith.constant 0 : i32
          %dma_wait3A_667 = arith.constant 0 : i32
          %dma_wait3A_668 = arith.constant 0 : i32
          %dma_wait3A_669 = tpu.memref_slice %arg14[%dma_wait3A_665, %dma_wait3A_667, %dma_wait3A_668] : memref<5x32x128xf32, #tpu.memory_space<vmem>> -> memref<1x32x128xf32, #tpu.memory_space<vmem>>
          %dma_wait3A_670 = tpu.memref_squeeze %dma_wait3A_669 : memref<1x32x128xf32, #tpu.memory_space<vmem>> -> memref<32x128xf32, #tpu.memory_space<vmem>>
          %dma_wait3A_671 = arith.constant 0 : i32
          %dma_wait3A_672 = arith.constant 0 : i32
          %dma_wait3A_673 = tpu.memref_slice %arg17[%dma_wait3A_671, %dma_wait3A_672] : memref<5008x128xf32, #tpu.memory_space<vmem_shared>> -> memref<5008x128xf32, #tpu.memory_space<vmem_shared>>
          %dma_wait3A_674 = tpu.memref_slice %arg16[%dma_wait3A_666] : memref<5x!tpu.dma_semaphore, #tpu.memory_space<semaphore_mem>> -> memref<1x!tpu.dma_semaphore, #tpu.memory_space<semaphore_mem>>
          %dma_wait3A_675 = tpu.memref_squeeze %dma_wait3A_674 : memref<1x!tpu.dma_semaphore, #tpu.memory_space<semaphore_mem>> -> memref<!tpu.dma_semaphore, #tpu.memory_space<semaphore_mem>>
          tpu.wait_indirect_dma semaphore(%dma_wait3A_675 : memref<!tpu.dma_semaphore, #tpu.memory_space<semaphore_mem>>) src(%dma_wait3A_670 : memref<32x128xf32, #tpu.memory_space<vmem>>) dst(%dma_wait3A_673 : memref<5008x128xf32, #tpu.memory_space<vmem_shared>>)
        } else {
        }
        %add3A_622 = arith.constant 3 : i32
        %add3A_623 = arith.addi %add3A_370, %add3A_622 : i32
        %mul3A_624 = arith.constant 32 : i32
        %mul3A_625 = arith.muli %add3A_623, %mul3A_624 : i32
        %add3A_626 = arith.constant 0 : i32
        %add3A_627 = arith.addi %mul3A_625, %add3A_626 : i32
        %get3A_628 = arith.index_cast %add3A_627 : i32 to index
        %get3A_629 = tpu.vector_load %arg6[%get3A_628] {strides = array<i32>} : memref<20000xi32, #tpu.memory_space<vmem>>, vector<16xi32>,
        %get3A_630 = vector.shape_cast %get3A_629 : vector<16xi32> to vector<16xi32>
        %swap3A_631 = arith.constant 0 : i32
        %swap3A_632 = arith.index_cast %swap3A_631 : i32 to index
        %swap3A_633 = arith.constant 0 : index
        %swap3A_634 = tpu.vector_load %arg8[%swap3A_632, %swap3A_633] {strides = array<i32>} : memref<5x32xi32, #tpu.memory_space<vmem>>, vector<1x16xi32>,
        %swap3A_635 = vector.shape_cast %swap3A_634 : vector<1x16xi32> to vector<16xi32>
        %swap3A_636 = vector.shape_cast %get3A_630 : vector<16xi32> to vector<1x16xi32>
        tpu.vector_store %arg8[%swap3A_632, %swap3A_633], %swap3A_636 {strides = array<i32>} : memref<5x32xi32, #tpu.memory_space<vmem>>, vector<1x16xi32>,
        %mul3A_637 = arith.constant 32 : i32
        %mul3A_638 = arith.muli %add3A_623, %mul3A_637 : i32
        %add3A_639 = arith.constant 16 : i32
        %add3A_640 = arith.addi %mul3A_638, %add3A_639 : i32
        %get3A_641 = arith.index_cast %add3A_640 : i32 to index
        %get3A_642 = tpu.vector_load %arg6[%get3A_641] {strides = array<i32>} : memref<20000xi32, #tpu.memory_space<vmem>>, vector<16xi32>,
        %get3A_643 = vector.shape_cast %get3A_642 : vector<16xi32> to vector<16xi32>
        %swap3A_644 = arith.constant 0 : i32
        %swap3A_645 = arith.index_cast %swap3A_644 : i32 to index
        %swap3A_646 = arith.constant 16 : index
        %swap3A_647 = tpu.vector_load %arg8[%swap3A_645, %swap3A_646] {strides = array<i32>} : memref<5x32xi32, #tpu.memory_space<vmem>>, vector<1x16xi32>,
        %swap3A_648 = vector.shape_cast %swap3A_647 : vector<1x16xi32> to vector<16xi32>
        %swap3A_649 = vector.shape_cast %get3A_643 : vector<16xi32> to vector<1x16xi32>
        tpu.vector_store %arg8[%swap3A_645, %swap3A_646], %swap3A_649 {strides = array<i32>} : memref<5x32xi32, #tpu.memory_space<vmem>>, vector<1x16xi32>,
        %dma_start3A_650 = arith.constant 0 : i32
        %dma_start3A_651 = arith.constant 0 : i32
        %dma_start3A_652 = arith.constant 0 : i32
        %dma_start3A_653 = arith.constant 0 : i32
        %dma_start3A_654 = arith.constant 0 : i32
        %dma_start3A_655 = tpu.memref_slice %arg14[%dma_start3A_651, %dma_start3A_653, %dma_start3A_654] : memref<5x32x128xf32, #tpu.memory_space<vmem>> -> memref<1x32x128xf32, #tpu.memory_space<vmem>>
        %dma_start3A_656 = tpu.memref_squeeze %dma_start3A_655 : memref<1x32x128xf32, #tpu.memory_space<vmem>> -> memref<32x128xf32, #tpu.memory_space<vmem>>
        %dma_start3A_657 = arith.constant 0 : i32
        %dma_start3A_658 = tpu.memref_slice %arg8[%dma_start3A_650, %dma_start3A_657] : memref<5x32xi32, #tpu.memory_space<vmem>> -> memref<1x32xi32, #tpu.memory_space<vmem>>
        %dma_start3A_659 = tpu.memref_squeeze %dma_start3A_658 : memref<1x32xi32, #tpu.memory_space<vmem>> -> memref<32xi32, #tpu.memory_space<vmem>>
        %dma_start3A_660 = arith.constant 0 : i32
        %dma_start3A_661 = arith.constant 0 : i32
        %dma_start3A_662 = tpu.memref_slice %arg2[%dma_start3A_660, %dma_start3A_661] : memref<10000x128xf32, #tpu.memory_space<hbm>> -> memref<10000x128xf32, #tpu.memory_space<hbm>>
        %dma_start3A_663 = tpu.memref_slice %arg15[%dma_start3A_652] : memref<5x!tpu.dma_semaphore, #tpu.memory_space<semaphore_mem>> -> memref<1x!tpu.dma_semaphore, #tpu.memory_space<semaphore_mem>>
        %dma_start3A_664 = tpu.memref_squeeze %dma_start3A_663 : memref<1x!tpu.dma_semaphore, #tpu.memory_space<semaphore_mem>> -> memref<!tpu.dma_semaphore, #tpu.memory_space<semaphore_mem>>
        tpu.enqueue_indirect_dma source(%dma_start3A_662 : memref<10000x128xf32, #tpu.memory_space<hbm>>) target(%dma_start3A_656 : memref<32x128xf32, #tpu.memory_space<vmem>>) offsets(%dma_start3A_659 : memref<32xi32, #tpu.memory_space<vmem>>) semaphore(%dma_start3A_664 : memref<!tpu.dma_semaphore, #tpu.memory_space<semaphore_mem>>)
      } else {
      }
      %dma_wait3A_378 = arith.constant 2 : i32
      %dma_wait3A_379 = arith.constant 2 : i32
      %dma_wait3A_380 = arith.constant 2 : i32
      %dma_wait3A_381 = arith.constant 0 : i32
      %dma_wait3A_382 = arith.constant 0 : i32
      %dma_wait3A_383 = tpu.memref_slice %arg14[%dma_wait3A_379, %dma_wait3A_381, %dma_wait3A_382] : memref<5x32x128xf32, #tpu.memory_space<vmem>> -> memref<1x32x128xf32, #tpu.memory_space<vmem>>
      %dma_wait3A_384 = tpu.memref_squeeze %dma_wait3A_383 : memref<1x32x128xf32, #tpu.memory_space<vmem>> -> memref<32x128xf32, #tpu.memory_space<vmem>>
      %dma_wait3A_385 = arith.constant 0 : i32
      %dma_wait3A_386 = tpu.memref_slice %arg8[%dma_wait3A_378, %dma_wait3A_385] : memref<5x32xi32, #tpu.memory_space<vmem>> -> memref<1x32xi32, #tpu.memory_space<vmem>>
      %dma_wait3A_387 = tpu.memref_squeeze %dma_wait3A_386 : memref<1x32xi32, #tpu.memory_space<vmem>> -> memref<32xi32, #tpu.memory_space<vmem>>
      %dma_wait3A_388 = arith.constant 0 : i32
      %dma_wait3A_389 = arith.constant 0 : i32
      %dma_wait3A_390 = tpu.memref_slice %arg2[%dma_wait3A_388, %dma_wait3A_389] : memref<10000x128xf32, #tpu.memory_space<hbm>> -> memref<10000x128xf32, #tpu.memory_space<hbm>>
      %dma_wait3A_391 = tpu.memref_slice %arg15[%dma_wait3A_380] : memref<5x!tpu.dma_semaphore, #tpu.memory_space<semaphore_mem>> -> memref<1x!tpu.dma_semaphore, #tpu.memory_space<semaphore_mem>>
      %dma_wait3A_392 = tpu.memref_squeeze %dma_wait3A_391 : memref<1x!tpu.dma_semaphore, #tpu.memory_space<semaphore_mem>> -> memref<!tpu.dma_semaphore, #tpu.memory_space<semaphore_mem>>
      tpu.wait_indirect_dma semaphore(%dma_wait3A_392 : memref<!tpu.dma_semaphore, #tpu.memory_space<semaphore_mem>>) src(%dma_wait3A_390 : memref<10000x128xf32, #tpu.memory_space<hbm>>) dst(%dma_wait3A_384 : memref<32x128xf32, #tpu.memory_space<vmem>>)
      %mul3A_393 = arith.constant 32 : i32
      %mul3A_394 = arith.muli %add3A_370, %mul3A_393 : i32
      %add3A_395 = arith.constant 0 : i32
      %add3A_396 = arith.addi %mul3A_394, %add3A_395 : i32
      %get3A_397 = arith.index_cast %add3A_396 : i32 to index
      %get3A_398 = tpu.vector_load %arg7[%get3A_397] {strides = array<i32>} : memref<20000xi32, #tpu.memory_space<vmem>>, vector<16xi32>,
      %get3A_399 = vector.shape_cast %get3A_398 : vector<16xi32> to vector<16xi32>
      %ge3A_400 = vector.broadcast %mul3A_0 : i32 to vector<16xi32>
      %ge3A_401 = arith.cmpi sge, %get3A_399, %ge3A_400 : vector<16xi32>
      %add3A_402 = arith.constant 5000 : i32
      %add3A_403 = arith.addi %mul3A_0, %add3A_402 : i32
      %lt3A_404 = vector.broadcast %add3A_403 : i32 to vector<16xi32>
      %lt3A_405 = arith.cmpi slt, %get3A_399, %lt3A_404 : vector<16xi32>
      %and3A_406 = arith.andi %ge3A_401, %lt3A_405 : vector<16xi1>
      %sub3A_407 = vector.broadcast %mul3A_0 : i32 to vector<16xi32>
      %sub3A_408 = arith.subi %get3A_399, %sub3A_407 : vector<16xi32>
      %jit3A_409 = arith.constant 5000 : i32
      %broadcast_in_dim3A_410 = vector.broadcast %jit3A_409 : i32 to vector<16xi32>
      %select_n3A_411 = arith.select %and3A_406, %sub3A_408, %broadcast_in_dim3A_410 : vector<16xi1>, vector<16xi32>
      %swap3A_412 = arith.constant 0 : index
      %swap3A_413 = tpu.vector_load %arg11[%swap3A_412] {strides = array<i32>} : memref<32xi32, #tpu.memory_space<vmem>>, vector<16xi32>,
      %swap3A_414 = vector.shape_cast %swap3A_413 : vector<16xi32> to vector<16xi32>
      %swap3A_415 = vector.shape_cast %select_n3A_411 : vector<16xi32> to vector<16xi32>
      tpu.vector_store %arg11[%swap3A_412], %swap3A_415 {strides = array<i32>} : memref<32xi32, #tpu.memory_space<vmem>>, vector<16xi32>,
      %mul3A_416 = arith.constant 32 : i32
      %mul3A_417 = arith.muli %add3A_370, %mul3A_416 : i32
      %add3A_418 = arith.constant 16 : i32
      %add3A_419 = arith.addi %mul3A_417, %add3A_418 : i32
      %get3A_420 = arith.index_cast %add3A_419 : i32 to index
      %get3A_421 = tpu.vector_load %arg7[%get3A_420] {strides = array<i32>} : memref<20000xi32, #tpu.memory_space<vmem>>, vector<16xi32>,
      %get3A_422 = vector.shape_cast %get3A_421 : vector<16xi32> to vector<16xi32>
      %ge3A_423 = vector.broadcast %mul3A_0 : i32 to vector<16xi32>
      %ge3A_424 = arith.cmpi sge, %get3A_422, %ge3A_423 : vector<16xi32>
      %add3A_425 = arith.constant 5000 : i32
      %add3A_426 = arith.addi %mul3A_0, %add3A_425 : i32
      %lt3A_427 = vector.broadcast %add3A_426 : i32 to vector<16xi32>
      %lt3A_428 = arith.cmpi slt, %get3A_422, %lt3A_427 : vector<16xi32>
      %and3A_429 = arith.andi %ge3A_424, %lt3A_428 : vector<16xi1>
      %sub3A_430 = vector.broadcast %mul3A_0 : i32 to vector<16xi32>
      %sub3A_431 = arith.subi %get3A_422, %sub3A_430 : vector<16xi32>
      %jit3A_432 = arith.constant 5000 : i32
      %broadcast_in_dim3A_433 = vector.broadcast %jit3A_432 : i32 to vector<16xi32>
      %select_n3A_434 = arith.select %and3A_429, %sub3A_431, %broadcast_in_dim3A_433 : vector<16xi1>, vector<16xi32>
      %swap3A_435 = arith.constant 16 : index
      %swap3A_436 = tpu.vector_load %arg11[%swap3A_435] {strides = array<i32>} : memref<32xi32, #tpu.memory_space<vmem>>, vector<16xi32>,
      %swap3A_437 = vector.shape_cast %swap3A_436 : vector<16xi32> to vector<16xi32>
      %swap3A_438 = vector.shape_cast %select_n3A_434 : vector<16xi32> to vector<16xi32>
      tpu.vector_store %arg11[%swap3A_435], %swap3A_438 {strides = array<i32>} : memref<32xi32, #tpu.memory_space<vmem>>, vector<16xi32>,
      %dma_start3A_439 = arith.constant 2 : i32
      %dma_start3A_440 = arith.constant 2 : i32
      %dma_start3A_441 = arith.constant 0 : i32
      %dma_start3A_442 = arith.constant 0 : i32
      %dma_start3A_443 = tpu.memref_slice %arg14[%dma_start3A_439, %dma_start3A_441, %dma_start3A_442] : memref<5x32x128xf32, #tpu.memory_space<vmem>> -> memref<1x32x128xf32, #tpu.memory_space<vmem>>
      %dma_start3A_444 = tpu.memref_squeeze %dma_start3A_443 : memref<1x32x128xf32, #tpu.memory_space<vmem>> -> memref<32x128xf32, #tpu.memory_space<vmem>>
      %dma_start3A_445 = arith.constant 0 : i32
      %dma_start3A_446 = arith.constant 0 : i32
      %dma_start3A_447 = tpu.memref_slice %arg17[%dma_start3A_445, %dma_start3A_446] : memref<5008x128xf32, #tpu.memory_space<vmem_shared>> -> memref<5008x128xf32, #tpu.memory_space<vmem_shared>>
      %dma_start3A_448 = tpu.memref_slice %arg16[%dma_start3A_440] : memref<5x!tpu.dma_semaphore, #tpu.memory_space<semaphore_mem>> -> memref<1x!tpu.dma_semaphore, #tpu.memory_space<semaphore_mem>>
      %dma_start3A_449 = tpu.memref_squeeze %dma_start3A_448 : memref<1x!tpu.dma_semaphore, #tpu.memory_space<semaphore_mem>> -> memref<!tpu.dma_semaphore, #tpu.memory_space<semaphore_mem>>
      tpu.enqueue_indirect_dma source(%dma_start3A_444 : memref<32x128xf32, #tpu.memory_space<vmem>>) target(%dma_start3A_447 : memref<5008x128xf32, #tpu.memory_space<vmem_shared>>) offsets(%arg11 : memref<32xi32, #tpu.memory_space<vmem>>) semaphore(%dma_start3A_449 : memref<!tpu.dma_semaphore, #tpu.memory_space<semaphore_mem>>) {add = true}
      %mul3A_450 = arith.constant 5 : i32
      %mul3A_451 = arith.muli %scan3A_205, %mul3A_450 : i32
      %add3A_452 = arith.constant 3 : i32
      %add3A_453 = arith.addi %mul3A_451, %add3A_452 : i32
      %add3A_454 = arith.constant 3 : i32
      %add3A_455 = arith.addi %add3A_453, %add3A_454 : i32
      %lt3A_456 = arith.constant 625 : i32
      %lt3A_457 = arith.cmpi slt, %add3A_455, %lt3A_456 : i32
      %convert_element_type3A_458 = arith.extui %lt3A_457 : i1 to i32
      %cond3A_459 = arith.constant 0 : i32
      %cond3A_460 = arith.cmpi ne, %convert_element_type3A_458, %cond3A_459 : i32
      scf.if %cond3A_460 {
        %ge3A_617 = arith.constant 2 : i32
        %ge3A_618 = arith.cmpi sge, %add3A_453, %ge3A_617 : i32
        %convert_element_type3A_619 = arith.extui %ge3A_618 : i1 to i32
        %cond3A_620 = arith.constant 0 : i32
        %cond3A_621 = arith.cmpi ne, %convert_element_type3A_619, %cond3A_620 : i32
        scf.if %cond3A_621 {
          %dma_wait3A_665 = arith.constant 1 : i32
          %dma_wait3A_666 = arith.constant 1 : i32
          %dma_wait3A_667 = arith.constant 0 : i32
          %dma_wait3A_668 = arith.constant 0 : i32
          %dma_wait3A_669 = tpu.memref_slice %arg14[%dma_wait3A_665, %dma_wait3A_667, %dma_wait3A_668] : memref<5x32x128xf32, #tpu.memory_space<vmem>> -> memref<1x32x128xf32, #tpu.memory_space<vmem>>
          %dma_wait3A_670 = tpu.memref_squeeze %dma_wait3A_669 : memref<1x32x128xf32, #tpu.memory_space<vmem>> -> memref<32x128xf32, #tpu.memory_space<vmem>>
          %dma_wait3A_671 = arith.constant 0 : i32
          %dma_wait3A_672 = arith.constant 0 : i32
          %dma_wait3A_673 = tpu.memref_slice %arg17[%dma_wait3A_671, %dma_wait3A_672] : memref<5008x128xf32, #tpu.memory_space<vmem_shared>> -> memref<5008x128xf32, #tpu.memory_space<vmem_shared>>
          %dma_wait3A_674 = tpu.memref_slice %arg16[%dma_wait3A_666] : memref<5x!tpu.dma_semaphore, #tpu.memory_space<semaphore_mem>> -> memref<1x!tpu.dma_semaphore, #tpu.memory_space<semaphore_mem>>
          %dma_wait3A_675 = tpu.memref_squeeze %dma_wait3A_674 : memref<1x!tpu.dma_semaphore, #tpu.memory_space<semaphore_mem>> -> memref<!tpu.dma_semaphore, #tpu.memory_space<semaphore_mem>>
          tpu.wait_indirect_dma semaphore(%dma_wait3A_675 : memref<!tpu.dma_semaphore, #tpu.memory_space<semaphore_mem>>) src(%dma_wait3A_670 : memref<32x128xf32, #tpu.memory_space<vmem>>) dst(%dma_wait3A_673 : memref<5008x128xf32, #tpu.memory_space<vmem_shared>>)
        } else {
        }
        %add3A_622 = arith.constant 3 : i32
        %add3A_623 = arith.addi %add3A_453, %add3A_622 : i32
        %mul3A_624 = arith.constant 32 : i32
        %mul3A_625 = arith.muli %add3A_623, %mul3A_624 : i32
        %add3A_626 = arith.constant 0 : i32
        %add3A_627 = arith.addi %mul3A_625, %add3A_626 : i32
        %get3A_628 = arith.index_cast %add3A_627 : i32 to index
        %get3A_629 = tpu.vector_load %arg6[%get3A_628] {strides = array<i32>} : memref<20000xi32, #tpu.memory_space<vmem>>, vector<16xi32>,
        %get3A_630 = vector.shape_cast %get3A_629 : vector<16xi32> to vector<16xi32>
        %swap3A_631 = arith.constant 1 : i32
        %swap3A_632 = arith.index_cast %swap3A_631 : i32 to index
        %swap3A_633 = arith.constant 0 : index
        %swap3A_634 = tpu.vector_load %arg8[%swap3A_632, %swap3A_633] {strides = array<i32>} : memref<5x32xi32, #tpu.memory_space<vmem>>, vector<1x16xi32>,
        %swap3A_635 = vector.shape_cast %swap3A_634 : vector<1x16xi32> to vector<16xi32>
        %swap3A_636 = vector.shape_cast %get3A_630 : vector<16xi32> to vector<1x16xi32>
        tpu.vector_store %arg8[%swap3A_632, %swap3A_633], %swap3A_636 {strides = array<i32>} : memref<5x32xi32, #tpu.memory_space<vmem>>, vector<1x16xi32>,
        %mul3A_637 = arith.constant 32 : i32
        %mul3A_638 = arith.muli %add3A_623, %mul3A_637 : i32
        %add3A_639 = arith.constant 16 : i32
        %add3A_640 = arith.addi %mul3A_638, %add3A_639 : i32
        %get3A_641 = arith.index_cast %add3A_640 : i32 to index
        %get3A_642 = tpu.vector_load %arg6[%get3A_641] {strides = array<i32>} : memref<20000xi32, #tpu.memory_space<vmem>>, vector<16xi32>,
        %get3A_643 = vector.shape_cast %get3A_642 : vector<16xi32> to vector<16xi32>
        %swap3A_644 = arith.constant 1 : i32
        %swap3A_645 = arith.index_cast %swap3A_644 : i32 to index
        %swap3A_646 = arith.constant 16 : index
        %swap3A_647 = tpu.vector_load %arg8[%swap3A_645, %swap3A_646] {strides = array<i32>} : memref<5x32xi32, #tpu.memory_space<vmem>>, vector<1x16xi32>,
        %swap3A_648 = vector.shape_cast %swap3A_647 : vector<1x16xi32> to vector<16xi32>
        %swap3A_649 = vector.shape_cast %get3A_643 : vector<16xi32> to vector<1x16xi32>
        tpu.vector_store %arg8[%swap3A_645, %swap3A_646], %swap3A_649 {strides = array<i32>} : memref<5x32xi32, #tpu.memory_space<vmem>>, vector<1x16xi32>,
        %dma_start3A_650 = arith.constant 1 : i32
        %dma_start3A_651 = arith.constant 1 : i32
        %dma_start3A_652 = arith.constant 1 : i32
        %dma_start3A_653 = arith.constant 0 : i32
        %dma_start3A_654 = arith.constant 0 : i32
        %dma_start3A_655 = tpu.memref_slice %arg14[%dma_start3A_651, %dma_start3A_653, %dma_start3A_654] : memref<5x32x128xf32, #tpu.memory_space<vmem>> -> memref<1x32x128xf32, #tpu.memory_space<vmem>>
        %dma_start3A_656 = tpu.memref_squeeze %dma_start3A_655 : memref<1x32x128xf32, #tpu.memory_space<vmem>> -> memref<32x128xf32, #tpu.memory_space<vmem>>
        %dma_start3A_657 = arith.constant 0 : i32
        %dma_start3A_658 = tpu.memref_slice %arg8[%dma_start3A_650, %dma_start3A_657] : memref<5x32xi32, #tpu.memory_space<vmem>> -> memref<1x32xi32, #tpu.memory_space<vmem>>
        %dma_start3A_659 = tpu.memref_squeeze %dma_start3A_658 : memref<1x32xi32, #tpu.memory_space<vmem>> -> memref<32xi32, #tpu.memory_space<vmem>>
        %dma_start3A_660 = arith.constant 0 : i32
        %dma_start3A_661 = arith.constant 0 : i32
        %dma_start3A_662 = tpu.memref_slice %arg2[%dma_start3A_660, %dma_start3A_661] : memref<10000x128xf32, #tpu.memory_space<hbm>> -> memref<10000x128xf32, #tpu.memory_space<hbm>>
        %dma_start3A_663 = tpu.memref_slice %arg15[%dma_start3A_652] : memref<5x!tpu.dma_semaphore, #tpu.memory_space<semaphore_mem>> -> memref<1x!tpu.dma_semaphore, #tpu.memory_space<semaphore_mem>>
        %dma_start3A_664 = tpu.memref_squeeze %dma_start3A_663 : memref<1x!tpu.dma_semaphore, #tpu.memory_space<semaphore_mem>> -> memref<!tpu.dma_semaphore, #tpu.memory_space<semaphore_mem>>
        tpu.enqueue_indirect_dma source(%dma_start3A_662 : memref<10000x128xf32, #tpu.memory_space<hbm>>) target(%dma_start3A_656 : memref<32x128xf32, #tpu.memory_space<vmem>>) offsets(%dma_start3A_659 : memref<32xi32, #tpu.memory_space<vmem>>) semaphore(%dma_start3A_664 : memref<!tpu.dma_semaphore, #tpu.memory_space<semaphore_mem>>)
      } else {
      }
      %dma_wait3A_461 = arith.constant 3 : i32
      %dma_wait3A_462 = arith.constant 3 : i32
      %dma_wait3A_463 = arith.constant 3 : i32
      %dma_wait3A_464 = arith.constant 0 : i32
      %dma_wait3A_465 = arith.constant 0 : i32
      %dma_wait3A_466 = tpu.memref_slice %arg14[%dma_wait3A_462, %dma_wait3A_464, %dma_wait3A_465] : memref<5x32x128xf32, #tpu.memory_space<vmem>> -> memref<1x32x128xf32, #tpu.memory_space<vmem>>
      %dma_wait3A_467 = tpu.memref_squeeze %dma_wait3A_466 : memref<1x32x128xf32, #tpu.memory_space<vmem>> -> memref<32x128xf32, #tpu.memory_space<vmem>>
      %dma_wait3A_468 = arith.constant 0 : i32
      %dma_wait3A_469 = tpu.memref_slice %arg8[%dma_wait3A_461, %dma_wait3A_468] : memref<5x32xi32, #tpu.memory_space<vmem>> -> memref<1x32xi32, #tpu.memory_space<vmem>>
      %dma_wait3A_470 = tpu.memref_squeeze %dma_wait3A_469 : memref<1x32xi32, #tpu.memory_space<vmem>> -> memref<32xi32, #tpu.memory_space<vmem>>
      %dma_wait3A_471 = arith.constant 0 : i32
      %dma_wait3A_472 = arith.constant 0 : i32
      %dma_wait3A_473 = tpu.memref_slice %arg2[%dma_wait3A_471, %dma_wait3A_472] : memref<10000x128xf32, #tpu.memory_space<hbm>> -> memref<10000x128xf32, #tpu.memory_space<hbm>>
      %dma_wait3A_474 = tpu.memref_slice %arg15[%dma_wait3A_463] : memref<5x!tpu.dma_semaphore, #tpu.memory_space<semaphore_mem>> -> memref<1x!tpu.dma_semaphore, #tpu.memory_space<semaphore_mem>>
      %dma_wait3A_475 = tpu.memref_squeeze %dma_wait3A_474 : memref<1x!tpu.dma_semaphore, #tpu.memory_space<semaphore_mem>> -> memref<!tpu.dma_semaphore, #tpu.memory_space<semaphore_mem>>
      tpu.wait_indirect_dma semaphore(%dma_wait3A_475 : memref<!tpu.dma_semaphore, #tpu.memory_space<semaphore_mem>>) src(%dma_wait3A_473 : memref<10000x128xf32, #tpu.memory_space<hbm>>) dst(%dma_wait3A_467 : memref<32x128xf32, #tpu.memory_space<vmem>>)
      %mul3A_476 = arith.constant 32 : i32
      %mul3A_477 = arith.muli %add3A_453, %mul3A_476 : i32
      %add3A_478 = arith.constant 0 : i32
      %add3A_479 = arith.addi %mul3A_477, %add3A_478 : i32
      %get3A_480 = arith.index_cast %add3A_479 : i32 to index
      %get3A_481 = tpu.vector_load %arg7[%get3A_480] {strides = array<i32>} : memref<20000xi32, #tpu.memory_space<vmem>>, vector<16xi32>,
      %get3A_482 = vector.shape_cast %get3A_481 : vector<16xi32> to vector<16xi32>
      %ge3A_483 = vector.broadcast %mul3A_0 : i32 to vector<16xi32>
      %ge3A_484 = arith.cmpi sge, %get3A_482, %ge3A_483 : vector<16xi32>
      %add3A_485 = arith.constant 5000 : i32
      %add3A_486 = arith.addi %mul3A_0, %add3A_485 : i32
      %lt3A_487 = vector.broadcast %add3A_486 : i32 to vector<16xi32>
      %lt3A_488 = arith.cmpi slt, %get3A_482, %lt3A_487 : vector<16xi32>
      %and3A_489 = arith.andi %ge3A_484, %lt3A_488 : vector<16xi1>
      %sub3A_490 = vector.broadcast %mul3A_0 : i32 to vector<16xi32>
      %sub3A_491 = arith.subi %get3A_482, %sub3A_490 : vector<16xi32>
      %jit3A_492 = arith.constant 5000 : i32
      %broadcast_in_dim3A_493 = vector.broadcast %jit3A_492 : i32 to vector<16xi32>
      %select_n3A_494 = arith.select %and3A_489, %sub3A_491, %broadcast_in_dim3A_493 : vector<16xi1>, vector<16xi32>
      %swap3A_495 = arith.constant 0 : index
      %swap3A_496 = tpu.vector_load %arg12[%swap3A_495] {strides = array<i32>} : memref<32xi32, #tpu.memory_space<vmem>>, vector<16xi32>,
      %swap3A_497 = vector.shape_cast %swap3A_496 : vector<16xi32> to vector<16xi32>
      %swap3A_498 = vector.shape_cast %select_n3A_494 : vector<16xi32> to vector<16xi32>
      tpu.vector_store %arg12[%swap3A_495], %swap3A_498 {strides = array<i32>} : memref<32xi32, #tpu.memory_space<vmem>>, vector<16xi32>,
      %mul3A_499 = arith.constant 32 : i32
      %mul3A_500 = arith.muli %add3A_453, %mul3A_499 : i32
      %add3A_501 = arith.constant 16 : i32
      %add3A_502 = arith.addi %mul3A_500, %add3A_501 : i32
      %get3A_503 = arith.index_cast %add3A_502 : i32 to index
      %get3A_504 = tpu.vector_load %arg7[%get3A_503] {strides = array<i32>} : memref<20000xi32, #tpu.memory_space<vmem>>, vector<16xi32>,
      %get3A_505 = vector.shape_cast %get3A_504 : vector<16xi32> to vector<16xi32>
      %ge3A_506 = vector.broadcast %mul3A_0 : i32 to vector<16xi32>
      %ge3A_507 = arith.cmpi sge, %get3A_505, %ge3A_506 : vector<16xi32>
      %add3A_508 = arith.constant 5000 : i32
      %add3A_509 = arith.addi %mul3A_0, %add3A_508 : i32
      %lt3A_510 = vector.broadcast %add3A_509 : i32 to vector<16xi32>
      %lt3A_511 = arith.cmpi slt, %get3A_505, %lt3A_510 : vector<16xi32>
      %and3A_512 = arith.andi %ge3A_507, %lt3A_511 : vector<16xi1>
      %sub3A_513 = vector.broadcast %mul3A_0 : i32 to vector<16xi32>
      %sub3A_514 = arith.subi %get3A_505, %sub3A_513 : vector<16xi32>
      %jit3A_515 = arith.constant 5000 : i32
      %broadcast_in_dim3A_516 = vector.broadcast %jit3A_515 : i32 to vector<16xi32>
      %select_n3A_517 = arith.select %and3A_512, %sub3A_514, %broadcast_in_dim3A_516 : vector<16xi1>, vector<16xi32>
      %swap3A_518 = arith.constant 16 : index
      %swap3A_519 = tpu.vector_load %arg12[%swap3A_518] {strides = array<i32>} : memref<32xi32, #tpu.memory_space<vmem>>, vector<16xi32>,
      %swap3A_520 = vector.shape_cast %swap3A_519 : vector<16xi32> to vector<16xi32>
      %swap3A_521 = vector.shape_cast %select_n3A_517 : vector<16xi32> to vector<16xi32>
      tpu.vector_store %arg12[%swap3A_518], %swap3A_521 {strides = array<i32>} : memref<32xi32, #tpu.memory_space<vmem>>, vector<16xi32>,
      %dma_start3A_522 = arith.constant 3 : i32
      %dma_start3A_523 = arith.constant 3 : i32
      %dma_start3A_524 = arith.constant 0 : i32
      %dma_start3A_525 = arith.constant 0 : i32
      %dma_start3A_526 = tpu.memref_slice %arg14[%dma_start3A_522, %dma_start3A_524, %dma_start3A_525] : memref<5x32x128xf32, #tpu.memory_space<vmem>> -> memref<1x32x128xf32, #tpu.memory_space<vmem>>
      %dma_start3A_527 = tpu.memref_squeeze %dma_start3A_526 : memref<1x32x128xf32, #tpu.memory_space<vmem>> -> memref<32x128xf32, #tpu.memory_space<vmem>>
      %dma_start3A_528 = arith.constant 0 : i32
      %dma_start3A_529 = arith.constant 0 : i32
      %dma_start3A_530 = tpu.memref_slice %arg17[%dma_start3A_528, %dma_start3A_529] : memref<5008x128xf32, #tpu.memory_space<vmem_shared>> -> memref<5008x128xf32, #tpu.memory_space<vmem_shared>>
      %dma_start3A_531 = tpu.memref_slice %arg16[%dma_start3A_523] : memref<5x!tpu.dma_semaphore, #tpu.memory_space<semaphore_mem>> -> memref<1x!tpu.dma_semaphore, #tpu.memory_space<semaphore_mem>>
      %dma_start3A_532 = tpu.memref_squeeze %dma_start3A_531 : memref<1x!tpu.dma_semaphore, #tpu.memory_space<semaphore_mem>> -> memref<!tpu.dma_semaphore, #tpu.memory_space<semaphore_mem>>
      tpu.enqueue_indirect_dma source(%dma_start3A_527 : memref<32x128xf32, #tpu.memory_space<vmem>>) target(%dma_start3A_530 : memref<5008x128xf32, #tpu.memory_space<vmem_shared>>) offsets(%arg12 : memref<32xi32, #tpu.memory_space<vmem>>) semaphore(%dma_start3A_532 : memref<!tpu.dma_semaphore, #tpu.memory_space<semaphore_mem>>) {add = true}
      %mul3A_533 = arith.constant 5 : i32
      %mul3A_534 = arith.muli %scan3A_205, %mul3A_533 : i32
      %add3A_535 = arith.constant 4 : i32
      %add3A_536 = arith.addi %mul3A_534, %add3A_535 : i32
      %add3A_537 = arith.constant 3 : i32
      %add3A_538 = arith.addi %add3A_536, %add3A_537 : i32
      %lt3A_539 = arith.constant 625 : i32
      %lt3A_540 = arith.cmpi slt, %add3A_538, %lt3A_539 : i32
      %convert_element_type3A_541 = arith.extui %lt3A_540 : i1 to i32
      %cond3A_542 = arith.constant 0 : i32
      %cond3A_543 = arith.cmpi ne, %convert_element_type3A_541, %cond3A_542 : i32
      scf.if %cond3A_543 {
        %ge3A_617 = arith.constant 2 : i32
        %ge3A_618 = arith.cmpi sge, %add3A_536, %ge3A_617 : i32
        %convert_element_type3A_619 = arith.extui %ge3A_618 : i1 to i32
        %cond3A_620 = arith.constant 0 : i32
        %cond3A_621 = arith.cmpi ne, %convert_element_type3A_619, %cond3A_620 : i32
        scf.if %cond3A_621 {
          %dma_wait3A_665 = arith.constant 2 : i32
          %dma_wait3A_666 = arith.constant 2 : i32
          %dma_wait3A_667 = arith.constant 0 : i32
          %dma_wait3A_668 = arith.constant 0 : i32
          %dma_wait3A_669 = tpu.memref_slice %arg14[%dma_wait3A_665, %dma_wait3A_667, %dma_wait3A_668] : memref<5x32x128xf32, #tpu.memory_space<vmem>> -> memref<1x32x128xf32, #tpu.memory_space<vmem>>
          %dma_wait3A_670 = tpu.memref_squeeze %dma_wait3A_669 : memref<1x32x128xf32, #tpu.memory_space<vmem>> -> memref<32x128xf32, #tpu.memory_space<vmem>>
          %dma_wait3A_671 = arith.constant 0 : i32
          %dma_wait3A_672 = arith.constant 0 : i32
          %dma_wait3A_673 = tpu.memref_slice %arg17[%dma_wait3A_671, %dma_wait3A_672] : memref<5008x128xf32, #tpu.memory_space<vmem_shared>> -> memref<5008x128xf32, #tpu.memory_space<vmem_shared>>
          %dma_wait3A_674 = tpu.memref_slice %arg16[%dma_wait3A_666] : memref<5x!tpu.dma_semaphore, #tpu.memory_space<semaphore_mem>> -> memref<1x!tpu.dma_semaphore, #tpu.memory_space<semaphore_mem>>
          %dma_wait3A_675 = tpu.memref_squeeze %dma_wait3A_674 : memref<1x!tpu.dma_semaphore, #tpu.memory_space<semaphore_mem>> -> memref<!tpu.dma_semaphore, #tpu.memory_space<semaphore_mem>>
          tpu.wait_indirect_dma semaphore(%dma_wait3A_675 : memref<!tpu.dma_semaphore, #tpu.memory_space<semaphore_mem>>) src(%dma_wait3A_670 : memref<32x128xf32, #tpu.memory_space<vmem>>) dst(%dma_wait3A_673 : memref<5008x128xf32, #tpu.memory_space<vmem_shared>>)
        } else {
        }
        %add3A_622 = arith.constant 3 : i32
        %add3A_623 = arith.addi %add3A_536, %add3A_622 : i32
        %mul3A_624 = arith.constant 32 : i32
        %mul3A_625 = arith.muli %add3A_623, %mul3A_624 : i32
        %add3A_626 = arith.constant 0 : i32
        %add3A_627 = arith.addi %mul3A_625, %add3A_626 : i32
        %get3A_628 = arith.index_cast %add3A_627 : i32 to index
        %get3A_629 = tpu.vector_load %arg6[%get3A_628] {strides = array<i32>} : memref<20000xi32, #tpu.memory_space<vmem>>, vector<16xi32>,
        %get3A_630 = vector.shape_cast %get3A_629 : vector<16xi32> to vector<16xi32>
        %swap3A_631 = arith.constant 2 : i32
        %swap3A_632 = arith.index_cast %swap3A_631 : i32 to index
        %swap3A_633 = arith.constant 0 : index
        %swap3A_634 = tpu.vector_load %arg8[%swap3A_632, %swap3A_633] {strides = array<i32>} : memref<5x32xi32, #tpu.memory_space<vmem>>, vector<1x16xi32>,
        %swap3A_635 = vector.shape_cast %swap3A_634 : vector<1x16xi32> to vector<16xi32>
        %swap3A_636 = vector.shape_cast %get3A_630 : vector<16xi32> to vector<1x16xi32>
        tpu.vector_store %arg8[%swap3A_632, %swap3A_633], %swap3A_636 {strides = array<i32>} : memref<5x32xi32, #tpu.memory_space<vmem>>, vector<1x16xi32>,
        %mul3A_637 = arith.constant 32 : i32
        %mul3A_638 = arith.muli %add3A_623, %mul3A_637 : i32
        %add3A_639 = arith.constant 16 : i32
        %add3A_640 = arith.addi %mul3A_638, %add3A_639 : i32
        %get3A_641 = arith.index_cast %add3A_640 : i32 to index
        %get3A_642 = tpu.vector_load %arg6[%get3A_641] {strides = array<i32>} : memref<20000xi32, #tpu.memory_space<vmem>>, vector<16xi32>,
        %get3A_643 = vector.shape_cast %get3A_642 : vector<16xi32> to vector<16xi32>
        %swap3A_644 = arith.constant 2 : i32
        %swap3A_645 = arith.index_cast %swap3A_644 : i32 to index
        %swap3A_646 = arith.constant 16 : index
        %swap3A_647 = tpu.vector_load %arg8[%swap3A_645, %swap3A_646] {strides = array<i32>} : memref<5x32xi32, #tpu.memory_space<vmem>>, vector<1x16xi32>,
        %swap3A_648 = vector.shape_cast %swap3A_647 : vector<1x16xi32> to vector<16xi32>
        %swap3A_649 = vector.shape_cast %get3A_643 : vector<16xi32> to vector<1x16xi32>
        tpu.vector_store %arg8[%swap3A_645, %swap3A_646], %swap3A_649 {strides = array<i32>} : memref<5x32xi32, #tpu.memory_space<vmem>>, vector<1x16xi32>,
        %dma_start3A_650 = arith.constant 2 : i32
        %dma_start3A_651 = arith.constant 2 : i32
        %dma_start3A_652 = arith.constant 2 : i32
        %dma_start3A_653 = arith.constant 0 : i32
        %dma_start3A_654 = arith.constant 0 : i32
        %dma_start3A_655 = tpu.memref_slice %arg14[%dma_start3A_651, %dma_start3A_653, %dma_start3A_654] : memref<5x32x128xf32, #tpu.memory_space<vmem>> -> memref<1x32x128xf32, #tpu.memory_space<vmem>>
        %dma_start3A_656 = tpu.memref_squeeze %dma_start3A_655 : memref<1x32x128xf32, #tpu.memory_space<vmem>> -> memref<32x128xf32, #tpu.memory_space<vmem>>
        %dma_start3A_657 = arith.constant 0 : i32
        %dma_start3A_658 = tpu.memref_slice %arg8[%dma_start3A_650, %dma_start3A_657] : memref<5x32xi32, #tpu.memory_space<vmem>> -> memref<1x32xi32, #tpu.memory_space<vmem>>
        %dma_start3A_659 = tpu.memref_squeeze %dma_start3A_658 : memref<1x32xi32, #tpu.memory_space<vmem>> -> memref<32xi32, #tpu.memory_space<vmem>>
        %dma_start3A_660 = arith.constant 0 : i32
        %dma_start3A_661 = arith.constant 0 : i32
        %dma_start3A_662 = tpu.memref_slice %arg2[%dma_start3A_660, %dma_start3A_661] : memref<10000x128xf32, #tpu.memory_space<hbm>> -> memref<10000x128xf32, #tpu.memory_space<hbm>>
        %dma_start3A_663 = tpu.memref_slice %arg15[%dma_start3A_652] : memref<5x!tpu.dma_semaphore, #tpu.memory_space<semaphore_mem>> -> memref<1x!tpu.dma_semaphore, #tpu.memory_space<semaphore_mem>>
        %dma_start3A_664 = tpu.memref_squeeze %dma_start3A_663 : memref<1x!tpu.dma_semaphore, #tpu.memory_space<semaphore_mem>> -> memref<!tpu.dma_semaphore, #tpu.memory_space<semaphore_mem>>
        tpu.enqueue_indirect_dma source(%dma_start3A_662 : memref<10000x128xf32, #tpu.memory_space<hbm>>) target(%dma_start3A_656 : memref<32x128xf32, #tpu.memory_space<vmem>>) offsets(%dma_start3A_659 : memref<32xi32, #tpu.memory_space<vmem>>) semaphore(%dma_start3A_664 : memref<!tpu.dma_semaphore, #tpu.memory_space<semaphore_mem>>)
      } else {
      }
      %dma_wait3A_544 = arith.constant 4 : i32
      %dma_wait3A_545 = arith.constant 4 : i32
      %dma_wait3A_546 = arith.constant 4 : i32
      %dma_wait3A_547 = arith.constant 0 : i32
      %dma_wait3A_548 = arith.constant 0 : i32
      %dma_wait3A_549 = tpu.memref_slice %arg14[%dma_wait3A_545, %dma_wait3A_547, %dma_wait3A_548] : memref<5x32x128xf32, #tpu.memory_space<vmem>> -> memref<1x32x128xf32, #tpu.memory_space<vmem>>
      %dma_wait3A_550 = tpu.memref_squeeze %dma_wait3A_549 : memref<1x32x128xf32, #tpu.memory_space<vmem>> -> memref<32x128xf32, #tpu.memory_space<vmem>>
      %dma_wait3A_551 = arith.constant 0 : i32
      %dma_wait3A_552 = tpu.memref_slice %arg8[%dma_wait3A_544, %dma_wait3A_551] : memref<5x32xi32, #tpu.memory_space<vmem>> -> memref<1x32xi32, #tpu.memory_space<vmem>>
      %dma_wait3A_553 = tpu.memref_squeeze %dma_wait3A_552 : memref<1x32xi32, #tpu.memory_space<vmem>> -> memref<32xi32, #tpu.memory_space<vmem>>
      %dma_wait3A_554 = arith.constant 0 : i32
      %dma_wait3A_555 = arith.constant 0 : i32
      %dma_wait3A_556 = tpu.memref_slice %arg2[%dma_wait3A_554, %dma_wait3A_555] : memref<10000x128xf32, #tpu.memory_space<hbm>> -> memref<10000x128xf32, #tpu.memory_space<hbm>>
      %dma_wait3A_557 = tpu.memref_slice %arg15[%dma_wait3A_546] : memref<5x!tpu.dma_semaphore, #tpu.memory_space<semaphore_mem>> -> memref<1x!tpu.dma_semaphore, #tpu.memory_space<semaphore_mem>>
      %dma_wait3A_558 = tpu.memref_squeeze %dma_wait3A_557 : memref<1x!tpu.dma_semaphore, #tpu.memory_space<semaphore_mem>> -> memref<!tpu.dma_semaphore, #tpu.memory_space<semaphore_mem>>
      tpu.wait_indirect_dma semaphore(%dma_wait3A_558 : memref<!tpu.dma_semaphore, #tpu.memory_space<semaphore_mem>>) src(%dma_wait3A_556 : memref<10000x128xf32, #tpu.memory_space<hbm>>) dst(%dma_wait3A_550 : memref<32x128xf32, #tpu.memory_space<vmem>>)
      %mul3A_559 = arith.constant 32 : i32
      %mul3A_560 = arith.muli %add3A_536, %mul3A_559 : i32
      %add3A_561 = arith.constant 0 : i32
      %add3A_562 = arith.addi %mul3A_560, %add3A_561 : i32
      %get3A_563 = arith.index_cast %add3A_562 : i32 to index
      %get3A_564 = tpu.vector_load %arg7[%get3A_563] {strides = array<i32>} : memref<20000xi32, #tpu.memory_space<vmem>>, vector<16xi32>,
      %get3A_565 = vector.shape_cast %get3A_564 : vector<16xi32> to vector<16xi32>
      %ge3A_566 = vector.broadcast %mul3A_0 : i32 to vector<16xi32>
      %ge3A_567 = arith.cmpi sge, %get3A_565, %ge3A_566 : vector<16xi32>
      %add3A_568 = arith.constant 5000 : i32
      %add3A_569 = arith.addi %mul3A_0, %add3A_568 : i32
      %lt3A_570 = vector.broadcast %add3A_569 : i32 to vector<16xi32>
      %lt3A_571 = arith.cmpi slt, %get3A_565, %lt3A_570 : vector<16xi32>
      %and3A_572 = arith.andi %ge3A_567, %lt3A_571 : vector<16xi1>
      %sub3A_573 = vector.broadcast %mul3A_0 : i32 to vector<16xi32>
      %sub3A_574 = arith.subi %get3A_565, %sub3A_573 : vector<16xi32>
      %jit3A_575 = arith.constant 5000 : i32
      %broadcast_in_dim3A_576 = vector.broadcast %jit3A_575 : i32 to vector<16xi32>
      %select_n3A_577 = arith.select %and3A_572, %sub3A_574, %broadcast_in_dim3A_576 : vector<16xi1>, vector<16xi32>
      %swap3A_578 = arith.constant 0 : index
      %swap3A_579 = tpu.vector_load %arg13[%swap3A_578] {strides = array<i32>} : memref<32xi32, #tpu.memory_space<vmem>>, vector<16xi32>,
      %swap3A_580 = vector.shape_cast %swap3A_579 : vector<16xi32> to vector<16xi32>
      %swap3A_581 = vector.shape_cast %select_n3A_577 : vector<16xi32> to vector<16xi32>
      tpu.vector_store %arg13[%swap3A_578], %swap3A_581 {strides = array<i32>} : memref<32xi32, #tpu.memory_space<vmem>>, vector<16xi32>,
      %mul3A_582 = arith.constant 32 : i32
      %mul3A_583 = arith.muli %add3A_536, %mul3A_582 : i32
      %add3A_584 = arith.constant 16 : i32
      %add3A_585 = arith.addi %mul3A_583, %add3A_584 : i32
      %get3A_586 = arith.index_cast %add3A_585 : i32 to index
      %get3A_587 = tpu.vector_load %arg7[%get3A_586] {strides = array<i32>} : memref<20000xi32, #tpu.memory_space<vmem>>, vector<16xi32>,
      %get3A_588 = vector.shape_cast %get3A_587 : vector<16xi32> to vector<16xi32>
      %ge3A_589 = vector.broadcast %mul3A_0 : i32 to vector<16xi32>
      %ge3A_590 = arith.cmpi sge, %get3A_588, %ge3A_589 : vector<16xi32>
      %add3A_591 = arith.constant 5000 : i32
      %add3A_592 = arith.addi %mul3A_0, %add3A_591 : i32
      %lt3A_593 = vector.broadcast %add3A_592 : i32 to vector<16xi32>
      %lt3A_594 = arith.cmpi slt, %get3A_588, %lt3A_593 : vector<16xi32>
      %and3A_595 = arith.andi %ge3A_590, %lt3A_594 : vector<16xi1>
      %sub3A_596 = vector.broadcast %mul3A_0 : i32 to vector<16xi32>
      %sub3A_597 = arith.subi %get3A_588, %sub3A_596 : vector<16xi32>
      %jit3A_598 = arith.constant 5000 : i32
      %broadcast_in_dim3A_599 = vector.broadcast %jit3A_598 : i32 to vector<16xi32>
      %select_n3A_600 = arith.select %and3A_595, %sub3A_597, %broadcast_in_dim3A_599 : vector<16xi1>, vector<16xi32>
      %swap3A_601 = arith.constant 16 : index
      %swap3A_602 = tpu.vector_load %arg13[%swap3A_601] {strides = array<i32>} : memref<32xi32, #tpu.memory_space<vmem>>, vector<16xi32>,
      %swap3A_603 = vector.shape_cast %swap3A_602 : vector<16xi32> to vector<16xi32>
      %swap3A_604 = vector.shape_cast %select_n3A_600 : vector<16xi32> to vector<16xi32>
      tpu.vector_store %arg13[%swap3A_601], %swap3A_604 {strides = array<i32>} : memref<32xi32, #tpu.memory_space<vmem>>, vector<16xi32>,
      %dma_start3A_605 = arith.constant 4 : i32
      %dma_start3A_606 = arith.constant 4 : i32
      %dma_start3A_607 = arith.constant 0 : i32
      %dma_start3A_608 = arith.constant 0 : i32
      %dma_start3A_609 = tpu.memref_slice %arg14[%dma_start3A_605, %dma_start3A_607, %dma_start3A_608] : memref<5x32x128xf32, #tpu.memory_space<vmem>> -> memref<1x32x128xf32, #tpu.memory_space<vmem>>
      %dma_start3A_610 = tpu.memref_squeeze %dma_start3A_609 : memref<1x32x128xf32, #tpu.memory_space<vmem>> -> memref<32x128xf32, #tpu.memory_space<vmem>>
      %dma_start3A_611 = arith.constant 0 : i32
      %dma_start3A_612 = arith.constant 0 : i32
      %dma_start3A_613 = tpu.memref_slice %arg17[%dma_start3A_611, %dma_start3A_612] : memref<5008x128xf32, #tpu.memory_space<vmem_shared>> -> memref<5008x128xf32, #tpu.memory_space<vmem_shared>>
      %dma_start3A_614 = tpu.memref_slice %arg16[%dma_start3A_606] : memref<5x!tpu.dma_semaphore, #tpu.memory_space<semaphore_mem>> -> memref<1x!tpu.dma_semaphore, #tpu.memory_space<semaphore_mem>>
      %dma_start3A_615 = tpu.memref_squeeze %dma_start3A_614 : memref<1x!tpu.dma_semaphore, #tpu.memory_space<semaphore_mem>> -> memref<!tpu.dma_semaphore, #tpu.memory_space<semaphore_mem>>
      tpu.enqueue_indirect_dma source(%dma_start3A_610 : memref<32x128xf32, #tpu.memory_space<vmem>>) target(%dma_start3A_613 : memref<5008x128xf32, #tpu.memory_space<vmem_shared>>) offsets(%arg13 : memref<32xi32, #tpu.memory_space<vmem>>) semaphore(%dma_start3A_615 : memref<!tpu.dma_semaphore, #tpu.memory_space<semaphore_mem>>) {add = true}
      %scan3A_616 = arith.constant 0 : i32
      scf.yield %scan3A_616 : i32
    }
    %scan3A_139 = arith.constant 125 : i32
    %dma_wait3A = arith.constant 0 : i32
    %dma_wait3A_140 = arith.constant 0 : i32
    %dma_wait3A_141 = arith.constant 0 : i32
    %dma_wait3A_142 = arith.constant 0 : i32
    %dma_wait3A_143 = tpu.memref_slice %arg14[%dma_wait3A, %dma_wait3A_141, %dma_wait3A_142] : memref<5x32x128xf32, #tpu.memory_space<vmem>> -> memref<1x32x128xf32, #tpu.memory_space<vmem>>
    %dma_wait3A_144 = tpu.memref_squeeze %dma_wait3A_143 : memref<1x32x128xf32, #tpu.memory_space<vmem>> -> memref<32x128xf32, #tpu.memory_space<vmem>>
    %dma_wait3A_145 = arith.constant 0 : i32
    %dma_wait3A_146 = arith.constant 0 : i32
    %dma_wait3A_147 = tpu.memref_slice %arg17[%dma_wait3A_145, %dma_wait3A_146] : memref<5008x128xf32, #tpu.memory_space<vmem_shared>> -> memref<5008x128xf32, #tpu.memory_space<vmem_shared>>
    %dma_wait3A_148 = tpu.memref_slice %arg16[%dma_wait3A_140] : memref<5x!tpu.dma_semaphore, #tpu.memory_space<semaphore_mem>> -> memref<1x!tpu.dma_semaphore, #tpu.memory_space<semaphore_mem>>
    %dma_wait3A_149 = tpu.memref_squeeze %dma_wait3A_148 : memref<1x!tpu.dma_semaphore, #tpu.memory_space<semaphore_mem>> -> memref<!tpu.dma_semaphore, #tpu.memory_space<semaphore_mem>>
    tpu.wait_indirect_dma semaphore(%dma_wait3A_149 : memref<!tpu.dma_semaphore, #tpu.memory_space<semaphore_mem>>) src(%dma_wait3A_144 : memref<32x128xf32, #tpu.memory_space<vmem>>) dst(%dma_wait3A_147 : memref<5008x128xf32, #tpu.memory_space<vmem_shared>>)
    %dma_wait3A_150 = arith.constant 1 : i32
    %dma_wait3A_151 = arith.constant 1 : i32
    %dma_wait3A_152 = arith.constant 0 : i32
    %dma_wait3A_153 = arith.constant 0 : i32
    %dma_wait3A_154 = tpu.memref_slice %arg14[%dma_wait3A_150, %dma_wait3A_152, %dma_wait3A_153] : memref<5x32x128xf32, #tpu.memory_space<vmem>> -> memref<1x32x128xf32, #tpu.memory_space<vmem>>
    %dma_wait3A_155 = tpu.memref_squeeze %dma_wait3A_154 : memref<1x32x128xf32, #tpu.memory_space<vmem>> -> memref<32x128xf32, #tpu.memory_space<vmem>>
    %dma_wait3A_156 = arith.constant 0 : i32
    %dma_wait3A_157 = arith.constant 0 : i32
    %dma_wait3A_158 = tpu.memref_slice %arg17[%dma_wait3A_156, %dma_wait3A_157] : memref<5008x128xf32, #tpu.memory_space<vmem_shared>> -> memref<5008x128xf32, #tpu.memory_space<vmem_shared>>
    %dma_wait3A_159 = tpu.memref_slice %arg16[%dma_wait3A_151] : memref<5x!tpu.dma_semaphore, #tpu.memory_space<semaphore_mem>> -> memref<1x!tpu.dma_semaphore, #tpu.memory_space<semaphore_mem>>
    %dma_wait3A_160 = tpu.memref_squeeze %dma_wait3A_159 : memref<1x!tpu.dma_semaphore, #tpu.memory_space<semaphore_mem>> -> memref<!tpu.dma_semaphore, #tpu.memory_space<semaphore_mem>>
    tpu.wait_indirect_dma semaphore(%dma_wait3A_160 : memref<!tpu.dma_semaphore, #tpu.memory_space<semaphore_mem>>) src(%dma_wait3A_155 : memref<32x128xf32, #tpu.memory_space<vmem>>) dst(%dma_wait3A_158 : memref<5008x128xf32, #tpu.memory_space<vmem_shared>>)
    %dma_wait3A_161 = arith.constant 2 : i32
    %dma_wait3A_162 = arith.constant 2 : i32
    %dma_wait3A_163 = arith.constant 0 : i32
    %dma_wait3A_164 = arith.constant 0 : i32
    %dma_wait3A_165 = tpu.memref_slice %arg14[%dma_wait3A_161, %dma_wait3A_163, %dma_wait3A_164] : memref<5x32x128xf32, #tpu.memory_space<vmem>> -> memref<1x32x128xf32, #tpu.memory_space<vmem>>
    %dma_wait3A_166 = tpu.memref_squeeze %dma_wait3A_165 : memref<1x32x128xf32, #tpu.memory_space<vmem>> -> memref<32x128xf32, #tpu.memory_space<vmem>>
    %dma_wait3A_167 = arith.constant 0 : i32
    %dma_wait3A_168 = arith.constant 0 : i32
    %dma_wait3A_169 = tpu.memref_slice %arg17[%dma_wait3A_167, %dma_wait3A_168] : memref<5008x128xf32, #tpu.memory_space<vmem_shared>> -> memref<5008x128xf32, #tpu.memory_space<vmem_shared>>
    %dma_wait3A_170 = tpu.memref_slice %arg16[%dma_wait3A_162] : memref<5x!tpu.dma_semaphore, #tpu.memory_space<semaphore_mem>> -> memref<1x!tpu.dma_semaphore, #tpu.memory_space<semaphore_mem>>
    %dma_wait3A_171 = tpu.memref_squeeze %dma_wait3A_170 : memref<1x!tpu.dma_semaphore, #tpu.memory_space<semaphore_mem>> -> memref<!tpu.dma_semaphore, #tpu.memory_space<semaphore_mem>>
    tpu.wait_indirect_dma semaphore(%dma_wait3A_171 : memref<!tpu.dma_semaphore, #tpu.memory_space<semaphore_mem>>) src(%dma_wait3A_166 : memref<32x128xf32, #tpu.memory_space<vmem>>) dst(%dma_wait3A_169 : memref<5008x128xf32, #tpu.memory_space<vmem_shared>>)
    %dma_wait3A_172 = arith.constant 3 : i32
    %dma_wait3A_173 = arith.constant 3 : i32
    %dma_wait3A_174 = arith.constant 0 : i32
    %dma_wait3A_175 = arith.constant 0 : i32
    %dma_wait3A_176 = tpu.memref_slice %arg14[%dma_wait3A_172, %dma_wait3A_174, %dma_wait3A_175] : memref<5x32x128xf32, #tpu.memory_space<vmem>> -> memref<1x32x128xf32, #tpu.memory_space<vmem>>
    %dma_wait3A_177 = tpu.memref_squeeze %dma_wait3A_176 : memref<1x32x128xf32, #tpu.memory_space<vmem>> -> memref<32x128xf32, #tpu.memory_space<vmem>>
    %dma_wait3A_178 = arith.constant 0 : i32
    %dma_wait3A_179 = arith.constant 0 : i32
    %dma_wait3A_180 = tpu.memref_slice %arg17[%dma_wait3A_178, %dma_wait3A_179] : memref<5008x128xf32, #tpu.memory_space<vmem_shared>> -> memref<5008x128xf32, #tpu.memory_space<vmem_shared>>
    %dma_wait3A_181 = tpu.memref_slice %arg16[%dma_wait3A_173] : memref<5x!tpu.dma_semaphore, #tpu.memory_space<semaphore_mem>> -> memref<1x!tpu.dma_semaphore, #tpu.memory_space<semaphore_mem>>
    %dma_wait3A_182 = tpu.memref_squeeze %dma_wait3A_181 : memref<1x!tpu.dma_semaphore, #tpu.memory_space<semaphore_mem>> -> memref<!tpu.dma_semaphore, #tpu.memory_space<semaphore_mem>>
    tpu.wait_indirect_dma semaphore(%dma_wait3A_182 : memref<!tpu.dma_semaphore, #tpu.memory_space<semaphore_mem>>) src(%dma_wait3A_177 : memref<32x128xf32, #tpu.memory_space<vmem>>) dst(%dma_wait3A_180 : memref<5008x128xf32, #tpu.memory_space<vmem_shared>>)
    %dma_wait3A_183 = arith.constant 4 : i32
    %dma_wait3A_184 = arith.constant 4 : i32
    %dma_wait3A_185 = arith.constant 0 : i32
    %dma_wait3A_186 = arith.constant 0 : i32
    %dma_wait3A_187 = tpu.memref_slice %arg14[%dma_wait3A_183, %dma_wait3A_185, %dma_wait3A_186] : memref<5x32x128xf32, #tpu.memory_space<vmem>> -> memref<1x32x128xf32, #tpu.memory_space<vmem>>
    %dma_wait3A_188 = tpu.memref_squeeze %dma_wait3A_187 : memref<1x32x128xf32, #tpu.memory_space<vmem>> -> memref<32x128xf32, #tpu.memory_space<vmem>>
    %dma_wait3A_189 = arith.constant 0 : i32
    %dma_wait3A_190 = arith.constant 0 : i32
    %dma_wait3A_191 = tpu.memref_slice %arg17[%dma_wait3A_189, %dma_wait3A_190] : memref<5008x128xf32, #tpu.memory_space<vmem_shared>> -> memref<5008x128xf32, #tpu.memory_space<vmem_shared>>
    %dma_wait3A_192 = tpu.memref_slice %arg16[%dma_wait3A_184] : memref<5x!tpu.dma_semaphore, #tpu.memory_space<semaphore_mem>> -> memref<1x!tpu.dma_semaphore, #tpu.memory_space<semaphore_mem>>
    %dma_wait3A_193 = tpu.memref_squeeze %dma_wait3A_192 : memref<1x!tpu.dma_semaphore, #tpu.memory_space<semaphore_mem>> -> memref<!tpu.dma_semaphore, #tpu.memory_space<semaphore_mem>>
    tpu.wait_indirect_dma semaphore(%dma_wait3A_193 : memref<!tpu.dma_semaphore, #tpu.memory_space<semaphore_mem>>) src(%dma_wait3A_188 : memref<32x128xf32, #tpu.memory_space<vmem>>) dst(%dma_wait3A_191 : memref<5008x128xf32, #tpu.memory_space<vmem_shared>>)
    %barrier3A_194 = arith.constant 0 : index
    tpu.barrier barrier_id(%barrier3A_194)
    %lt3A_195 = arith.constant 15 : i32
    %lt3A_196 = arith.cmpi slt, %arg1, %lt3A_195 : i32
    %convert_element_type3A_197 = arith.extui %lt3A_196 : i1 to i32
    %cond3A_198 = arith.constant 0 : i32
    %cond3A_199 = arith.cmpi ne, %convert_element_type3A_197, %cond3A_198 : i32
    scf.if %cond3A_199 {
      %add3A_205 = arith.addi %mul3A_0, %mul3A_2 : i32
      "tpu.region"() ({
        %run_scoped3A = tpu.sem_alloc : memref<!tpu.dma_semaphore, #tpu.memory_space<semaphore_mem>>
        %dma_start3A_206 = arith.constant 0 : i32
        %dma_start3A_207 = tpu.memref_slice %arg5[%add3A_205, %dma_start3A_206] : memref<10000x128xf32, #tpu.memory_space<hbm>> -> memref<320x128xf32, #tpu.memory_space<hbm>>
        %dma_start3A_208 = arith.constant 0 : i32
        %dma_start3A_209 = tpu.memref_slice %arg17[%mul3A_2, %dma_start3A_208] : memref<5008x128xf32, #tpu.memory_space<vmem_shared>> -> memref<320x128xf32, #tpu.memory_space<vmem_shared>>
        tpu.enqueue_dma source(%dma_start3A_209 : memref<320x128xf32, #tpu.memory_space<vmem_shared>>) target(%dma_start3A_207 : memref<320x128xf32, #tpu.memory_space<hbm>>) target_semaphore(%run_scoped3A : memref<!tpu.dma_semaphore, #tpu.memory_space<semaphore_mem>>)
        %dma_wait3A_210 = arith.constant 0 : i32
        %dma_wait3A_211 = tpu.memref_slice %arg5[%add3A_205, %dma_wait3A_210] : memref<10000x128xf32, #tpu.memory_space<hbm>> -> memref<320x128xf32, #tpu.memory_space<hbm>>
        %dma_wait3A_212 = arith.constant 0 : i32
        %dma_wait3A_213 = tpu.memref_slice %arg17[%mul3A_2, %dma_wait3A_212] : memref<5008x128xf32, #tpu.memory_space<vmem_shared>> -> memref<320x128xf32, #tpu.memory_space<vmem_shared>>
        tpu.wait_dma2 semaphore(%run_scoped3A : memref<!tpu.dma_semaphore, #tpu.memory_space<semaphore_mem>>) src(%dma_wait3A_213 : memref<320x128xf32, #tpu.memory_space<vmem_shared>>) dst(%dma_wait3A_211 : memref<320x128xf32, #tpu.memory_space<hbm>>)
        tpu.yield
      }) : () -> ()
    } else {
    }
    %eq3A_200 = arith.constant 15 : i32
    %eq3A_201 = arith.cmpi eq, %arg1, %eq3A_200 : i32
    %convert_element_type3A_202 = arith.extui %eq3A_201 : i1 to i32
    %cond3A_203 = arith.constant 0 : i32
    %cond3A_204 = arith.cmpi ne, %convert_element_type3A_202, %cond3A_203 : i32
    scf.if %cond3A_204 {
      %add3A_205 = arith.addi %mul3A_0, %mul3A_2 : i32
      "tpu.region"() ({
        %run_scoped3A = tpu.sem_alloc : memref<!tpu.dma_semaphore, #tpu.memory_space<semaphore_mem>>
        %dma_start3A_206 = arith.constant 0 : i32
        %dma_start3A_207 = tpu.memref_slice %arg5[%add3A_205, %dma_start3A_206] : memref<10000x128xf32, #tpu.memory_space<hbm>> -> memref<200x128xf32, #tpu.memory_space<hbm>>
        %dma_start3A_208 = arith.constant 0 : i32
        %dma_start3A_209 = tpu.memref_slice %arg17[%mul3A_2, %dma_start3A_208] : memref<5008x128xf32, #tpu.memory_space<vmem_shared>> -> memref<200x128xf32, #tpu.memory_space<vmem_shared>>
        tpu.enqueue_dma source(%dma_start3A_209 : memref<200x128xf32, #tpu.memory_space<vmem_shared>>) target(%dma_start3A_207 : memref<200x128xf32, #tpu.memory_space<hbm>>) target_semaphore(%run_scoped3A : memref<!tpu.dma_semaphore, #tpu.memory_space<semaphore_mem>>)
        %dma_wait3A_210 = arith.constant 0 : i32
        %dma_wait3A_211 = tpu.memref_slice %arg5[%add3A_205, %dma_wait3A_210] : memref<10000x128xf32, #tpu.memory_space<hbm>> -> memref<200x128xf32, #tpu.memory_space<hbm>>
        %dma_wait3A_212 = arith.constant 0 : i32
        %dma_wait3A_213 = tpu.memref_slice %arg17[%mul3A_2, %dma_wait3A_212] : memref<5008x128xf32, #tpu.memory_space<vmem_shared>> -> memref<200x128xf32, #tpu.memory_space<vmem_shared>>
        tpu.wait_dma2 semaphore(%run_scoped3A : memref<!tpu.dma_semaphore, #tpu.memory_space<semaphore_mem>>) src(%dma_wait3A_213 : memref<200x128xf32, #tpu.memory_space<vmem_shared>>) dst(%dma_wait3A_211 : memref<200x128xf32, #tpu.memory_space<hbm>>)
        tpu.yield
      }) : () -> ()
    } else {
    }
    return
  }
}

#map = affine_map<(d0, d1) -> (0, 0)>
module attributes {stable_mosaic.version = 14 : i64} {
  func.func @_prop(%arg0: i32, %arg1: i32, %arg2: memref<10000x128xf32, #tpu.memory_space<hbm>>, %arg3: memref<16x20000xi32, #tpu.memory_space<hbm>>, %arg4: memref<16x20000xi32, #tpu.memory_space<hbm>>, %arg5: memref<10000x128xf32, #tpu.memory_space<hbm>>, %arg6: memref<20000xi32, #tpu.memory_space<vmem>>, %arg7: memref<20000xi32, #tpu.memory_space<vmem>>, %arg8: memref<5x32xi32, #tpu.memory_space<vmem>>, %arg9: memref<32xi32, #tpu.memory_space<vmem>>, %arg10: memref<32xi32, #tpu.memory_space<vmem>>, %arg11: memref<32xi32, #tpu.memory_space<vmem>>, %arg12: memref<32xi32, #tpu.memory_space<vmem>>, %arg13: memref<32xi32, #tpu.memory_space<vmem>>, %arg14: memref<5x32x128xf32, #tpu.memory_space<vmem>>, %arg15: memref<5x!tpu.dma_semaphore, #tpu.memory_space<semaphore_mem>>, %arg16: memref<5x!tpu.dma_semaphore, #tpu.memory_space<semaphore_mem>>, %arg17: memref<5008x128xf32, #tpu.memory_space<vmem_shared>>) attributes {dimension_semantics = [#tpu.dimension_semantics<core_parallel>, #tpu.dimension_semantics<subcore_parallel>], iteration_bounds = array<i64: 2, 16>, scalar_prefetch = 0 : i64, scratch_operands = 12 : i64, tpu.core_type = #tpu.core_type<sc_vector_subcore>, window_params = [{transform_indices = #map}, {transform_indices = #map}, {transform_indices = #map}, {transform_indices = #map}]} {
    %mul3A = arith.constant 5000 : i32
    %mul3A_0 = arith.muli %arg0, %mul3A : i32
    %mul3A_1 = arith.constant 320 : i32
    %mul3A_2 = arith.muli %arg1, %mul3A_1 : i32
    %lt3A = arith.constant 15 : i32
    %lt3A_3 = arith.cmpi slt, %arg1, %lt3A : i32
    %convert_element_type3A = arith.extui %lt3A_3 : i1 to i32
    %cond3A = arith.constant 0 : i32
    %cond3A_4 = arith.cmpi ne, %convert_element_type3A, %cond3A : i32
    scf.if %cond3A_4 {
      %add3A_205 = arith.addi %mul3A_0, %mul3A_2 : i32
      "tpu.region"() ({
        %run_scoped3A = tpu.sem_alloc : memref<!tpu.dma_semaphore, #tpu.memory_space<semaphore_mem>>
        %dma_start3A_206 = arith.constant 0 : i32
        %dma_start3A_207 = tpu.memref_slice %arg17[%mul3A_2, %dma_start3A_206] : memref<5008x128xf32, #tpu.memory_space<vmem_shared>> -> memref<320x128xf32, #tpu.memory_space<vmem_shared>>
        %dma_start3A_208 = arith.constant 0 : i32
        %dma_start3A_209 = tpu.memref_slice %arg2[%add3A_205, %dma_start3A_208] : memref<10000x128xf32, #tpu.memory_space<hbm>> -> memref<320x128xf32, #tpu.memory_space<hbm>>
        tpu.enqueue_dma source(%dma_start3A_209 : memref<320x128xf32, #tpu.memory_space<hbm>>) target(%dma_start3A_207 : memref<320x128xf32, #tpu.memory_space<vmem_shared>>) target_semaphore(%run_scoped3A : memref<!tpu.dma_semaphore, #tpu.memory_space<semaphore_mem>>)
        %dma_wait3A_210 = arith.constant 0 : i32
        %dma_wait3A_211 = tpu.memref_slice %arg17[%mul3A_2, %dma_wait3A_210] : memref<5008x128xf32, #tpu.memory_space<vmem_shared>> -> memref<320x128xf32, #tpu.memory_space<vmem_shared>>
        %dma_wait3A_212 = arith.constant 0 : i32
        %dma_wait3A_213 = tpu.memref_slice %arg2[%add3A_205, %dma_wait3A_212] : memref<10000x128xf32, #tpu.memory_space<hbm>> -> memref<320x128xf32, #tpu.memory_space<hbm>>
        tpu.wait_dma2 semaphore(%run_scoped3A : memref<!tpu.dma_semaphore, #tpu.memory_space<semaphore_mem>>) src(%dma_wait3A_213 : memref<320x128xf32, #tpu.memory_space<hbm>>) dst(%dma_wait3A_211 : memref<320x128xf32, #tpu.memory_space<vmem_shared>>)
        tpu.yield
      }) : () -> ()
    } else {
    }
    %eq3A = arith.constant 15 : i32
    %eq3A_5 = arith.cmpi eq, %arg1, %eq3A : i32
    %convert_element_type3A_6 = arith.extui %eq3A_5 : i1 to i32
    %cond3A_7 = arith.constant 0 : i32
    %cond3A_8 = arith.cmpi ne, %convert_element_type3A_6, %cond3A_7 : i32
    scf.if %cond3A_8 {
      %add3A_205 = arith.addi %mul3A_0, %mul3A_2 : i32
      "tpu.region"() ({
        %run_scoped3A = tpu.sem_alloc : memref<!tpu.dma_semaphore, #tpu.memory_space<semaphore_mem>>
        %dma_start3A_206 = arith.constant 0 : i32
        %dma_start3A_207 = tpu.memref_slice %arg17[%mul3A_2, %dma_start3A_206] : memref<5008x128xf32, #tpu.memory_space<vmem_shared>> -> memref<200x128xf32, #tpu.memory_space<vmem_shared>>
        %dma_start3A_208 = arith.constant 0 : i32
        %dma_start3A_209 = tpu.memref_slice %arg2[%add3A_205, %dma_start3A_208] : memref<10000x128xf32, #tpu.memory_space<hbm>> -> memref<200x128xf32, #tpu.memory_space<hbm>>
        tpu.enqueue_dma source(%dma_start3A_209 : memref<200x128xf32, #tpu.memory_space<hbm>>) target(%dma_start3A_207 : memref<200x128xf32, #tpu.memory_space<vmem_shared>>) target_semaphore(%run_scoped3A : memref<!tpu.dma_semaphore, #tpu.memory_space<semaphore_mem>>)
        %dma_wait3A_210 = arith.constant 0 : i32
        %dma_wait3A_211 = tpu.memref_slice %arg17[%mul3A_2, %dma_wait3A_210] : memref<5008x128xf32, #tpu.memory_space<vmem_shared>> -> memref<200x128xf32, #tpu.memory_space<vmem_shared>>
        %dma_wait3A_212 = arith.constant 0 : i32
        %dma_wait3A_213 = tpu.memref_slice %arg2[%add3A_205, %dma_wait3A_212] : memref<10000x128xf32, #tpu.memory_space<hbm>> -> memref<200x128xf32, #tpu.memory_space<hbm>>
        tpu.wait_dma2 semaphore(%run_scoped3A : memref<!tpu.dma_semaphore, #tpu.memory_space<semaphore_mem>>) src(%dma_wait3A_213 : memref<200x128xf32, #tpu.memory_space<hbm>>) dst(%dma_wait3A_211 : memref<200x128xf32, #tpu.memory_space<vmem_shared>>)
        tpu.yield
      }) : () -> ()
    } else {
    }
    "tpu.region"() ({
      %run_scoped3A = tpu.sem_alloc : memref<!tpu.dma_semaphore, #tpu.memory_space<semaphore_mem>>
      %dma_start3A_205 = arith.constant 0 : i32
      %dma_start3A_206 = tpu.memref_slice %arg3[%arg1, %dma_start3A_205] : memref<16x20000xi32, #tpu.memory_space<hbm>> -> memref<1x20000xi32, #tpu.memory_space<hbm>>
      %dma_start3A_207 = tpu.memref_squeeze %dma_start3A_206 : memref<1x20000xi32, #tpu.memory_space<hbm>> -> memref<20000xi32, #tpu.memory_space<hbm>>
      %dma_start3A_208 = arith.constant 0 : i32
      %dma_start3A_209 = tpu.memref_slice %arg3[%arg1, %dma_start3A_208] : memref<16x20000xi32, #tpu.memory_space<hbm>> -> memref<1x20000xi32, #tpu.memory_space<hbm>>
      %dma_start3A_210 = tpu.memref_squeeze %dma_start3A_209 : memref<1x20000xi32, #tpu.memory_space<hbm>> -> memref<20000xi32, #tpu.memory_space<hbm>>
      tpu.enqueue_dma source(%dma_start3A_210 : memref<20000xi32, #tpu.memory_space<hbm>>) target(%arg6 : memref<20000xi32, #tpu.memory_space<vmem>>) target_semaphore(%run_scoped3A : memref<!tpu.dma_semaphore, #tpu.memory_space<semaphore_mem>>)
      %dma_wait3A_211 = arith.constant 0 : i32
      %dma_wait3A_212 = tpu.memref_slice %arg3[%arg1, %dma_wait3A_211] : memref<16x20000xi32, #tpu.memory_space<hbm>> -> memref<1x20000xi32, #tpu.memory_space<hbm>>
      %dma_wait3A_213 = tpu.memref_squeeze %dma_wait3A_212 : memref<1x20000xi32, #tpu.memory_space<hbm>> -> memref<20000xi32, #tpu.memory_space<hbm>>
      %dma_wait3A_214 = arith.constant 0 : i32
      %dma_wait3A_215 = tpu.memref_slice %arg3[%arg1, %dma_wait3A_214] : memref<16x20000xi32, #tpu.memory_space<hbm>> -> memref<1x20000xi32, #tpu.memory_space<hbm>>
      %dma_wait3A_216 = tpu.memref_squeeze %dma_wait3A_215 : memref<1x20000xi32, #tpu.memory_space<hbm>> -> memref<20000xi32, #tpu.memory_space<hbm>>
      tpu.wait_dma2 semaphore(%run_scoped3A : memref<!tpu.dma_semaphore, #tpu.memory_space<semaphore_mem>>) src(%dma_wait3A_216 : memref<20000xi32, #tpu.memory_space<hbm>>) dst(%arg6 : memref<20000xi32, #tpu.memory_space<vmem>>)
      tpu.yield
    }) : () -> ()
    "tpu.region"() ({
      %run_scoped3A = tpu.sem_alloc : memref<!tpu.dma_semaphore, #tpu.memory_space<semaphore_mem>>
      %dma_start3A_205 = arith.constant 0 : i32
      %dma_start3A_206 = tpu.memref_slice %arg4[%arg1, %dma_start3A_205] : memref<16x20000xi32, #tpu.memory_space<hbm>> -> memref<1x20000xi32, #tpu.memory_space<hbm>>
      %dma_start3A_207 = tpu.memref_squeeze %dma_start3A_206 : memref<1x20000xi32, #tpu.memory_space<hbm>> -> memref<20000xi32, #tpu.memory_space<hbm>>
      %dma_start3A_208 = arith.constant 0 : i32
      %dma_start3A_209 = tpu.memref_slice %arg4[%arg1, %dma_start3A_208] : memref<16x20000xi32, #tpu.memory_space<hbm>> -> memref<1x20000xi32, #tpu.memory_space<hbm>>
      %dma_start3A_210 = tpu.memref_squeeze %dma_start3A_209 : memref<1x20000xi32, #tpu.memory_space<hbm>> -> memref<20000xi32, #tpu.memory_space<hbm>>
      tpu.enqueue_dma source(%dma_start3A_210 : memref<20000xi32, #tpu.memory_space<hbm>>) target(%arg7 : memref<20000xi32, #tpu.memory_space<vmem>>) target_semaphore(%run_scoped3A : memref<!tpu.dma_semaphore, #tpu.memory_space<semaphore_mem>>)
      %dma_wait3A_211 = arith.constant 0 : i32
      %dma_wait3A_212 = tpu.memref_slice %arg4[%arg1, %dma_wait3A_211] : memref<16x20000xi32, #tpu.memory_space<hbm>> -> memref<1x20000xi32, #tpu.memory_space<hbm>>
      %dma_wait3A_213 = tpu.memref_squeeze %dma_wait3A_212 : memref<1x20000xi32, #tpu.memory_space<hbm>> -> memref<20000xi32, #tpu.memory_space<hbm>>
      %dma_wait3A_214 = arith.constant 0 : i32
      %dma_wait3A_215 = tpu.memref_slice %arg4[%arg1, %dma_wait3A_214] : memref<16x20000xi32, #tpu.memory_space<hbm>> -> memref<1x20000xi32, #tpu.memory_space<hbm>>
      %dma_wait3A_216 = tpu.memref_squeeze %dma_wait3A_215 : memref<1x20000xi32, #tpu.memory_space<hbm>> -> memref<20000xi32, #tpu.memory_space<hbm>>
      tpu.wait_dma2 semaphore(%run_scoped3A : memref<!tpu.dma_semaphore, #tpu.memory_space<semaphore_mem>>) src(%dma_wait3A_216 : memref<20000xi32, #tpu.memory_space<hbm>>) dst(%arg7 : memref<20000xi32, #tpu.memory_space<vmem>>)
      tpu.yield
    }) : () -> ()
    %barrier3A = arith.constant 0 : index
    tpu.barrier barrier_id(%barrier3A)
    %mul3A_9 = arith.constant 0 : i32
    %mul3A_10 = arith.constant 32 : i32
    %mul3A_11 = arith.muli %mul3A_9, %mul3A_10 : i32
    %add3A = arith.constant 0 : i32
    %add3A_12 = arith.addi %mul3A_11, %add3A : i32
    %get3A = arith.index_cast %add3A_12 : i32 to index
    %get3A_13 = tpu.vector_load %arg6[%get3A] {strides = array<i32>} : memref<20000xi32, #tpu.memory_space<vmem>>, vector<16xi32>,
    %get3A_14 = vector.shape_cast %get3A_13 : vector<16xi32> to vector<16xi32>
    %swap3A = arith.constant 0 : i32
    %swap3A_15 = arith.index_cast %swap3A : i32 to index
    %swap3A_16 = arith.constant 0 : index
    %swap3A_17 = tpu.vector_load %arg8[%swap3A_15, %swap3A_16] {strides = array<i32>} : memref<5x32xi32, #tpu.memory_space<vmem>>, vector<1x16xi32>,
    %swap3A_18 = vector.shape_cast %swap3A_17 : vector<1x16xi32> to vector<16xi32>
    %swap3A_19 = vector.shape_cast %get3A_14 : vector<16xi32> to vector<1x16xi32>
    tpu.vector_store %arg8[%swap3A_15, %swap3A_16], %swap3A_19 {strides = array<i32>} : memref<5x32xi32, #tpu.memory_space<vmem>>, vector<1x16xi32>,
    %mul3A_20 = arith.constant 0 : i32
    %mul3A_21 = arith.constant 32 : i32
    %mul3A_22 = arith.muli %mul3A_20, %mul3A_21 : i32
    %add3A_23 = arith.constant 16 : i32
    %add3A_24 = arith.addi %mul3A_22, %add3A_23 : i32
    %get3A_25 = arith.index_cast %add3A_24 : i32 to index
    %get3A_26 = tpu.vector_load %arg6[%get3A_25] {strides = array<i32>} : memref<20000xi32, #tpu.memory_space<vmem>>, vector<16xi32>,
    %get3A_27 = vector.shape_cast %get3A_26 : vector<16xi32> to vector<16xi32>
    %swap3A_28 = arith.constant 0 : i32
    %swap3A_29 = arith.index_cast %swap3A_28 : i32 to index
    %swap3A_30 = arith.constant 16 : index
    %swap3A_31 = tpu.vector_load %arg8[%swap3A_29, %swap3A_30] {strides = array<i32>} : memref<5x32xi32, #tpu.memory_space<vmem>>, vector<1x16xi32>,
    %swap3A_32 = vector.shape_cast %swap3A_31 : vector<1x16xi32> to vector<16xi32>
    %swap3A_33 = vector.shape_cast %get3A_27 : vector<16xi32> to vector<1x16xi32>
    tpu.vector_store %arg8[%swap3A_29, %swap3A_30], %swap3A_33 {strides = array<i32>} : memref<5x32xi32, #tpu.memory_space<vmem>>, vector<1x16xi32>,
    %dma_start3A = arith.constant 0 : i32
    %dma_start3A_34 = arith.constant 0 : i32
    %dma_start3A_35 = arith.constant 0 : i32
    %dma_start3A_36 = arith.constant 0 : i32
    %dma_start3A_37 = arith.constant 0 : i32
    %dma_start3A_38 = tpu.memref_slice %arg14[%dma_start3A_34, %dma_start3A_36, %dma_start3A_37] : memref<5x32x128xf32, #tpu.memory_space<vmem>> -> memref<1x32x128xf32, #tpu.memory_space<vmem>>
    %dma_start3A_39 = tpu.memref_squeeze %dma_start3A_38 : memref<1x32x128xf32, #tpu.memory_space<vmem>> -> memref<32x128xf32, #tpu.memory_space<vmem>>
    %dma_start3A_40 = arith.constant 0 : i32
    %dma_start3A_41 = tpu.memref_slice %arg8[%dma_start3A, %dma_start3A_40] : memref<5x32xi32, #tpu.memory_space<vmem>> -> memref<1x32xi32, #tpu.memory_space<vmem>>
    %dma_start3A_42 = tpu.memref_squeeze %dma_start3A_41 : memref<1x32xi32, #tpu.memory_space<vmem>> -> memref<32xi32, #tpu.memory_space<vmem>>
    %dma_start3A_43 = arith.constant 0 : i32
    %dma_start3A_44 = arith.constant 0 : i32
    %dma_start3A_45 = tpu.memref_slice %arg2[%dma_start3A_43, %dma_start3A_44] : memref<10000x128xf32, #tpu.memory_space<hbm>> -> memref<10000x128xf32, #tpu.memory_space<hbm>>
    %dma_start3A_46 = tpu.memref_slice %arg15[%dma_start3A_35] : memref<5x!tpu.dma_semaphore, #tpu.memory_space<semaphore_mem>> -> memref<1x!tpu.dma_semaphore, #tpu.memory_space<semaphore_mem>>
    %dma_start3A_47 = tpu.memref_squeeze %dma_start3A_46 : memref<1x!tpu.dma_semaphore, #tpu.memory_space<semaphore_mem>> -> memref<!tpu.dma_semaphore, #tpu.memory_space<semaphore_mem>>
    tpu.enqueue_indirect_dma source(%dma_start3A_45 : memref<10000x128xf32, #tpu.memory_space<hbm>>) target(%dma_start3A_39 : memref<32x128xf32, #tpu.memory_space<vmem>>) offsets(%dma_start3A_42 : memref<32xi32, #tpu.memory_space<vmem>>) semaphore(%dma_start3A_47 : memref<!tpu.dma_semaphore, #tpu.memory_space<semaphore_mem>>)
    %mul3A_48 = arith.constant 1 : i32
    %mul3A_49 = arith.constant 32 : i32
    %mul3A_50 = arith.muli %mul3A_48, %mul3A_49 : i32
    %add3A_51 = arith.constant 0 : i32
    %add3A_52 = arith.addi %mul3A_50, %add3A_51 : i32
    %get3A_53 = arith.index_cast %add3A_52 : i32 to index
    %get3A_54 = tpu.vector_load %arg6[%get3A_53] {strides = array<i32>} : memref<20000xi32, #tpu.memory_space<vmem>>, vector<16xi32>,
    %get3A_55 = vector.shape_cast %get3A_54 : vector<16xi32> to vector<16xi32>
    %swap3A_56 = arith.constant 1 : i32
    %swap3A_57 = arith.index_cast %swap3A_56 : i32 to index
    %swap3A_58 = arith.constant 0 : index
    %swap3A_59 = tpu.vector_load %arg8[%swap3A_57, %swap3A_58] {strides = array<i32>} : memref<5x32xi32, #tpu.memory_space<vmem>>, vector<1x16xi32>,
    %swap3A_60 = vector.shape_cast %swap3A_59 : vector<1x16xi32> to vector<16xi32>
    %swap3A_61 = vector.shape_cast %get3A_55 : vector<16xi32> to vector<1x16xi32>
    tpu.vector_store %arg8[%swap3A_57, %swap3A_58], %swap3A_61 {strides = array<i32>} : memref<5x32xi32, #tpu.memory_space<vmem>>, vector<1x16xi32>,
    %mul3A_62 = arith.constant 1 : i32
    %mul3A_63 = arith.constant 32 : i32
    %mul3A_64 = arith.muli %mul3A_62, %mul3A_63 : i32
    %add3A_65 = arith.constant 16 : i32
    %add3A_66 = arith.addi %mul3A_64, %add3A_65 : i32
    %get3A_67 = arith.index_cast %add3A_66 : i32 to index
    %get3A_68 = tpu.vector_load %arg6[%get3A_67] {strides = array<i32>} : memref<20000xi32, #tpu.memory_space<vmem>>, vector<16xi32>,
    %get3A_69 = vector.shape_cast %get3A_68 : vector<16xi32> to vector<16xi32>
    %swap3A_70 = arith.constant 1 : i32
    %swap3A_71 = arith.index_cast %swap3A_70 : i32 to index
    %swap3A_72 = arith.constant 16 : index
    %swap3A_73 = tpu.vector_load %arg8[%swap3A_71, %swap3A_72] {strides = array<i32>} : memref<5x32xi32, #tpu.memory_space<vmem>>, vector<1x16xi32>,
    %swap3A_74 = vector.shape_cast %swap3A_73 : vector<1x16xi32> to vector<16xi32>
    %swap3A_75 = vector.shape_cast %get3A_69 : vector<16xi32> to vector<1x16xi32>
    tpu.vector_store %arg8[%swap3A_71, %swap3A_72], %swap3A_75 {strides = array<i32>} : memref<5x32xi32, #tpu.memory_space<vmem>>, vector<1x16xi32>,
    %dma_start3A_76 = arith.constant 1 : i32
    %dma_start3A_77 = arith.constant 1 : i32
    %dma_start3A_78 = arith.constant 1 : i32
    %dma_start3A_79 = arith.constant 0 : i32
    %dma_start3A_80 = arith.constant 0 : i32
    %dma_start3A_81 = tpu.memref_slice %arg14[%dma_start3A_77, %dma_start3A_79, %dma_start3A_80] : memref<5x32x128xf32, #tpu.memory_space<vmem>> -> memref<1x32x128xf32, #tpu.memory_space<vmem>>
    %dma_start3A_82 = tpu.memref_squeeze %dma_start3A_81 : memref<1x32x128xf32, #tpu.memory_space<vmem>> -> memref<32x128xf32, #tpu.memory_space<vmem>>
    %dma_start3A_83 = arith.constant 0 : i32
    %dma_start3A_84 = tpu.memref_slice %arg8[%dma_start3A_76, %dma_start3A_83] : memref<5x32xi32, #tpu.memory_space<vmem>> -> memref<1x32xi32, #tpu.memory_space<vmem>>
    %dma_start3A_85 = tpu.memref_squeeze %dma_start3A_84 : memref<1x32xi32, #tpu.memory_space<vmem>> -> memref<32xi32, #tpu.memory_space<vmem>>
    %dma_start3A_86 = arith.constant 0 : i32
    %dma_start3A_87 = arith.constant 0 : i32
    %dma_start3A_88 = tpu.memref_slice %arg2[%dma_start3A_86, %dma_start3A_87] : memref<10000x128xf32, #tpu.memory_space<hbm>> -> memref<10000x128xf32, #tpu.memory_space<hbm>>
    %dma_start3A_89 = tpu.memref_slice %arg15[%dma_start3A_78] : memref<5x!tpu.dma_semaphore, #tpu.memory_space<semaphore_mem>> -> memref<1x!tpu.dma_semaphore, #tpu.memory_space<semaphore_mem>>
    %dma_start3A_90 = tpu.memref_squeeze %dma_start3A_89 : memref<1x!tpu.dma_semaphore, #tpu.memory_space<semaphore_mem>> -> memref<!tpu.dma_semaphore, #tpu.memory_space<semaphore_mem>>
    tpu.enqueue_indirect_dma source(%dma_start3A_88 : memref<10000x128xf32, #tpu.memory_space<hbm>>) target(%dma_start3A_82 : memref<32x128xf32, #tpu.memory_space<vmem>>) offsets(%dma_start3A_85 : memref<32xi32, #tpu.memory_space<vmem>>) semaphore(%dma_start3A_90 : memref<!tpu.dma_semaphore, #tpu.memory_space<semaphore_mem>>)
    %mul3A_91 = arith.constant 2 : i32
    %mul3A_92 = arith.constant 32 : i32
    %mul3A_93 = arith.muli %mul3A_91, %mul3A_92 : i32
    %add3A_94 = arith.constant 0 : i32
    %add3A_95 = arith.addi %mul3A_93, %add3A_94 : i32
    %get3A_96 = arith.index_cast %add3A_95 : i32 to index
    %get3A_97 = tpu.vector_load %arg6[%get3A_96] {strides = array<i32>} : memref<20000xi32, #tpu.memory_space<vmem>>, vector<16xi32>,
    %get3A_98 = vector.shape_cast %get3A_97 : vector<16xi32> to vector<16xi32>
    %swap3A_99 = arith.constant 2 : i32
    %swap3A_100 = arith.index_cast %swap3A_99 : i32 to index
    %swap3A_101 = arith.constant 0 : index
    %swap3A_102 = tpu.vector_load %arg8[%swap3A_100, %swap3A_101] {strides = array<i32>} : memref<5x32xi32, #tpu.memory_space<vmem>>, vector<1x16xi32>,
    %swap3A_103 = vector.shape_cast %swap3A_102 : vector<1x16xi32> to vector<16xi32>
    %swap3A_104 = vector.shape_cast %get3A_98 : vector<16xi32> to vector<1x16xi32>
    tpu.vector_store %arg8[%swap3A_100, %swap3A_101], %swap3A_104 {strides = array<i32>} : memref<5x32xi32, #tpu.memory_space<vmem>>, vector<1x16xi32>,
    %mul3A_105 = arith.constant 2 : i32
    %mul3A_106 = arith.constant 32 : i32
    %mul3A_107 = arith.muli %mul3A_105, %mul3A_106 : i32
    %add3A_108 = arith.constant 16 : i32
    %add3A_109 = arith.addi %mul3A_107, %add3A_108 : i32
    %get3A_110 = arith.index_cast %add3A_109 : i32 to index
    %get3A_111 = tpu.vector_load %arg6[%get3A_110] {strides = array<i32>} : memref<20000xi32, #tpu.memory_space<vmem>>, vector<16xi32>,
    %get3A_112 = vector.shape_cast %get3A_111 : vector<16xi32> to vector<16xi32>
    %swap3A_113 = arith.constant 2 : i32
    %swap3A_114 = arith.index_cast %swap3A_113 : i32 to index
    %swap3A_115 = arith.constant 16 : index
    %swap3A_116 = tpu.vector_load %arg8[%swap3A_114, %swap3A_115] {strides = array<i32>} : memref<5x32xi32, #tpu.memory_space<vmem>>, vector<1x16xi32>,
    %swap3A_117 = vector.shape_cast %swap3A_116 : vector<1x16xi32> to vector<16xi32>
    %swap3A_118 = vector.shape_cast %get3A_112 : vector<16xi32> to vector<1x16xi32>
    tpu.vector_store %arg8[%swap3A_114, %swap3A_115], %swap3A_118 {strides = array<i32>} : memref<5x32xi32, #tpu.memory_space<vmem>>, vector<1x16xi32>,
    %dma_start3A_119 = arith.constant 2 : i32
    %dma_start3A_120 = arith.constant 2 : i32
    %dma_start3A_121 = arith.constant 2 : i32
    %dma_start3A_122 = arith.constant 0 : i32
    %dma_start3A_123 = arith.constant 0 : i32
    %dma_start3A_124 = tpu.memref_slice %arg14[%dma_start3A_120, %dma_start3A_122, %dma_start3A_123] : memref<5x32x128xf32, #tpu.memory_space<vmem>> -> memref<1x32x128xf32, #tpu.memory_space<vmem>>
    %dma_start3A_125 = tpu.memref_squeeze %dma_start3A_124 : memref<1x32x128xf32, #tpu.memory_space<vmem>> -> memref<32x128xf32, #tpu.memory_space<vmem>>
    %dma_start3A_126 = arith.constant 0 : i32
    %dma_start3A_127 = tpu.memref_slice %arg8[%dma_start3A_119, %dma_start3A_126] : memref<5x32xi32, #tpu.memory_space<vmem>> -> memref<1x32xi32, #tpu.memory_space<vmem>>
    %dma_start3A_128 = tpu.memref_squeeze %dma_start3A_127 : memref<1x32xi32, #tpu.memory_space<vmem>> -> memref<32xi32, #tpu.memory_space<vmem>>
    %dma_start3A_129 = arith.constant 0 : i32
    %dma_start3A_130 = arith.constant 0 : i32
    %dma_start3A_131 = tpu.memref_slice %arg2[%dma_start3A_129, %dma_start3A_130] : memref<10000x128xf32, #tpu.memory_space<hbm>> -> memref<10000x128xf32, #tpu.memory_space<hbm>>
    %dma_start3A_132 = tpu.memref_slice %arg15[%dma_start3A_121] : memref<5x!tpu.dma_semaphore, #tpu.memory_space<semaphore_mem>> -> memref<1x!tpu.dma_semaphore, #tpu.memory_space<semaphore_mem>>
    %dma_start3A_133 = tpu.memref_squeeze %dma_start3A_132 : memref<1x!tpu.dma_semaphore, #tpu.memory_space<semaphore_mem>> -> memref<!tpu.dma_semaphore, #tpu.memory_space<semaphore_mem>>
    tpu.enqueue_indirect_dma source(%dma_start3A_131 : memref<10000x128xf32, #tpu.memory_space<hbm>>) target(%dma_start3A_125 : memref<32x128xf32, #tpu.memory_space<vmem>>) offsets(%dma_start3A_128 : memref<32xi32, #tpu.memory_space<vmem>>) semaphore(%dma_start3A_133 : memref<!tpu.dma_semaphore, #tpu.memory_space<semaphore_mem>>)
    %scan3A = arith.constant 0 : i32
    %scan3A_134 = arith.constant 0 : i32
    %scan3A_135 = arith.constant 125 : i32
    %scan3A_136 = arith.addi %scan3A_134, %scan3A_135 : i32
    %scan3A_137 = arith.constant 1 : i32
    %scan3A_138 = scf.for %scan3A_205 = %scan3A_134 to %scan3A_136 step %scan3A_137 iter_args(%scan3A_206 = %scan3A) -> (i32)  : i32 {
      %mul3A_207 = arith.constant 5 : i32
      %mul3A_208 = arith.muli %scan3A_205, %mul3A_207 : i32
      %add3A_209 = arith.constant 0 : i32
      %add3A_210 = arith.addi %mul3A_208, %add3A_209 : i32
      %add3A_211 = arith.constant 3 : i32
      %add3A_212 = arith.addi %add3A_210, %add3A_211 : i32
      %lt3A_213 = arith.constant 625 : i32
      %lt3A_214 = arith.cmpi slt, %add3A_212, %lt3A_213 : i32
      %convert_element_type3A_215 = arith.extui %lt3A_214 : i1 to i32
      %cond3A_216 = arith.constant 0 : i32
      %cond3A_217 = arith.cmpi ne, %convert_element_type3A_215, %cond3A_216 : i32
      scf.if %cond3A_217 {
        %ge3A_617 = arith.constant 2 : i32
        %ge3A_618 = arith.cmpi sge, %add3A_210, %ge3A_617 : i32
        %convert_element_type3A_619 = arith.extui %ge3A_618 : i1 to i32
        %cond3A_620 = arith.constant 0 : i32
        %cond3A_621 = arith.cmpi ne, %convert_element_type3A_619, %cond3A_620 : i32
        scf.if %cond3A_621 {
          %dma_wait3A_665 = arith.constant 3 : i32
          %dma_wait3A_666 = arith.constant 3 : i32
          %dma_wait3A_667 = arith.constant 0 : i32
          %dma_wait3A_668 = arith.constant 0 : i32
          %dma_wait3A_669 = tpu.memref_slice %arg14[%dma_wait3A_665, %dma_wait3A_667, %dma_wait3A_668] : memref<5x32x128xf32, #tpu.memory_space<vmem>> -> memref<1x32x128xf32, #tpu.memory_space<vmem>>
          %dma_wait3A_670 = tpu.memref_squeeze %dma_wait3A_669 : memref<1x32x128xf32, #tpu.memory_space<vmem>> -> memref<32x128xf32, #tpu.memory_space<vmem>>
          %dma_wait3A_671 = arith.constant 0 : i32
          %dma_wait3A_672 = arith.constant 0 : i32
          %dma_wait3A_673 = tpu.memref_slice %arg17[%dma_wait3A_671, %dma_wait3A_672] : memref<5008x128xf32, #tpu.memory_space<vmem_shared>> -> memref<5008x128xf32, #tpu.memory_space<vmem_shared>>
          %dma_wait3A_674 = tpu.memref_slice %arg16[%dma_wait3A_666] : memref<5x!tpu.dma_semaphore, #tpu.memory_space<semaphore_mem>> -> memref<1x!tpu.dma_semaphore, #tpu.memory_space<semaphore_mem>>
          %dma_wait3A_675 = tpu.memref_squeeze %dma_wait3A_674 : memref<1x!tpu.dma_semaphore, #tpu.memory_space<semaphore_mem>> -> memref<!tpu.dma_semaphore, #tpu.memory_space<semaphore_mem>>
          tpu.wait_indirect_dma semaphore(%dma_wait3A_675 : memref<!tpu.dma_semaphore, #tpu.memory_space<semaphore_mem>>) src(%dma_wait3A_670 : memref<32x128xf32, #tpu.memory_space<vmem>>) dst(%dma_wait3A_673 : memref<5008x128xf32, #tpu.memory_space<vmem_shared>>)
        } else {
        }
        %add3A_622 = arith.constant 3 : i32
        %add3A_623 = arith.addi %add3A_210, %add3A_622 : i32
        %mul3A_624 = arith.constant 32 : i32
        %mul3A_625 = arith.muli %add3A_623, %mul3A_624 : i32
        %add3A_626 = arith.constant 0 : i32
        %add3A_627 = arith.addi %mul3A_625, %add3A_626 : i32
        %get3A_628 = arith.index_cast %add3A_627 : i32 to index
        %get3A_629 = tpu.vector_load %arg6[%get3A_628] {strides = array<i32>} : memref<20000xi32, #tpu.memory_space<vmem>>, vector<16xi32>,
        %get3A_630 = vector.shape_cast %get3A_629 : vector<16xi32> to vector<16xi32>
        %swap3A_631 = arith.constant 3 : i32
        %swap3A_632 = arith.index_cast %swap3A_631 : i32 to index
        %swap3A_633 = arith.constant 0 : index
        %swap3A_634 = tpu.vector_load %arg8[%swap3A_632, %swap3A_633] {strides = array<i32>} : memref<5x32xi32, #tpu.memory_space<vmem>>, vector<1x16xi32>,
        %swap3A_635 = vector.shape_cast %swap3A_634 : vector<1x16xi32> to vector<16xi32>
        %swap3A_636 = vector.shape_cast %get3A_630 : vector<16xi32> to vector<1x16xi32>
        tpu.vector_store %arg8[%swap3A_632, %swap3A_633], %swap3A_636 {strides = array<i32>} : memref<5x32xi32, #tpu.memory_space<vmem>>, vector<1x16xi32>,
        %mul3A_637 = arith.constant 32 : i32
        %mul3A_638 = arith.muli %add3A_623, %mul3A_637 : i32
        %add3A_639 = arith.constant 16 : i32
        %add3A_640 = arith.addi %mul3A_638, %add3A_639 : i32
        %get3A_641 = arith.index_cast %add3A_640 : i32 to index
        %get3A_642 = tpu.vector_load %arg6[%get3A_641] {strides = array<i32>} : memref<20000xi32, #tpu.memory_space<vmem>>, vector<16xi32>,
        %get3A_643 = vector.shape_cast %get3A_642 : vector<16xi32> to vector<16xi32>
        %swap3A_644 = arith.constant 3 : i32
        %swap3A_645 = arith.index_cast %swap3A_644 : i32 to index
        %swap3A_646 = arith.constant 16 : index
        %swap3A_647 = tpu.vector_load %arg8[%swap3A_645, %swap3A_646] {strides = array<i32>} : memref<5x32xi32, #tpu.memory_space<vmem>>, vector<1x16xi32>,
        %swap3A_648 = vector.shape_cast %swap3A_647 : vector<1x16xi32> to vector<16xi32>
        %swap3A_649 = vector.shape_cast %get3A_643 : vector<16xi32> to vector<1x16xi32>
        tpu.vector_store %arg8[%swap3A_645, %swap3A_646], %swap3A_649 {strides = array<i32>} : memref<5x32xi32, #tpu.memory_space<vmem>>, vector<1x16xi32>,
        %dma_start3A_650 = arith.constant 3 : i32
        %dma_start3A_651 = arith.constant 3 : i32
        %dma_start3A_652 = arith.constant 3 : i32
        %dma_start3A_653 = arith.constant 0 : i32
        %dma_start3A_654 = arith.constant 0 : i32
        %dma_start3A_655 = tpu.memref_slice %arg14[%dma_start3A_651, %dma_start3A_653, %dma_start3A_654] : memref<5x32x128xf32, #tpu.memory_space<vmem>> -> memref<1x32x128xf32, #tpu.memory_space<vmem>>
        %dma_start3A_656 = tpu.memref_squeeze %dma_start3A_655 : memref<1x32x128xf32, #tpu.memory_space<vmem>> -> memref<32x128xf32, #tpu.memory_space<vmem>>
        %dma_start3A_657 = arith.constant 0 : i32
        %dma_start3A_658 = tpu.memref_slice %arg8[%dma_start3A_650, %dma_start3A_657] : memref<5x32xi32, #tpu.memory_space<vmem>> -> memref<1x32xi32, #tpu.memory_space<vmem>>
        %dma_start3A_659 = tpu.memref_squeeze %dma_start3A_658 : memref<1x32xi32, #tpu.memory_space<vmem>> -> memref<32xi32, #tpu.memory_space<vmem>>
        %dma_start3A_660 = arith.constant 0 : i32
        %dma_start3A_661 = arith.constant 0 : i32
        %dma_start3A_662 = tpu.memref_slice %arg2[%dma_start3A_660, %dma_start3A_661] : memref<10000x128xf32, #tpu.memory_space<hbm>> -> memref<10000x128xf32, #tpu.memory_space<hbm>>
        %dma_start3A_663 = tpu.memref_slice %arg15[%dma_start3A_652] : memref<5x!tpu.dma_semaphore, #tpu.memory_space<semaphore_mem>> -> memref<1x!tpu.dma_semaphore, #tpu.memory_space<semaphore_mem>>
        %dma_start3A_664 = tpu.memref_squeeze %dma_start3A_663 : memref<1x!tpu.dma_semaphore, #tpu.memory_space<semaphore_mem>> -> memref<!tpu.dma_semaphore, #tpu.memory_space<semaphore_mem>>
        tpu.enqueue_indirect_dma source(%dma_start3A_662 : memref<10000x128xf32, #tpu.memory_space<hbm>>) target(%dma_start3A_656 : memref<32x128xf32, #tpu.memory_space<vmem>>) offsets(%dma_start3A_659 : memref<32xi32, #tpu.memory_space<vmem>>) semaphore(%dma_start3A_664 : memref<!tpu.dma_semaphore, #tpu.memory_space<semaphore_mem>>)
      } else {
      }
      %dma_wait3A_218 = arith.constant 0 : i32
      %dma_wait3A_219 = arith.constant 0 : i32
      %dma_wait3A_220 = arith.constant 0 : i32
      %dma_wait3A_221 = arith.constant 0 : i32
      %dma_wait3A_222 = arith.constant 0 : i32
      %dma_wait3A_223 = tpu.memref_slice %arg14[%dma_wait3A_219, %dma_wait3A_221, %dma_wait3A_222] : memref<5x32x128xf32, #tpu.memory_space<vmem>> -> memref<1x32x128xf32, #tpu.memory_space<vmem>>
      %dma_wait3A_224 = tpu.memref_squeeze %dma_wait3A_223 : memref<1x32x128xf32, #tpu.memory_space<vmem>> -> memref<32x128xf32, #tpu.memory_space<vmem>>
      %dma_wait3A_225 = arith.constant 0 : i32
      %dma_wait3A_226 = tpu.memref_slice %arg8[%dma_wait3A_218, %dma_wait3A_225] : memref<5x32xi32, #tpu.memory_space<vmem>> -> memref<1x32xi32, #tpu.memory_space<vmem>>
      %dma_wait3A_227 = tpu.memref_squeeze %dma_wait3A_226 : memref<1x32xi32, #tpu.memory_space<vmem>> -> memref<32xi32, #tpu.memory_space<vmem>>
      %dma_wait3A_228 = arith.constant 0 : i32
      %dma_wait3A_229 = arith.constant 0 : i32
      %dma_wait3A_230 = tpu.memref_slice %arg2[%dma_wait3A_228, %dma_wait3A_229] : memref<10000x128xf32, #tpu.memory_space<hbm>> -> memref<10000x128xf32, #tpu.memory_space<hbm>>
      %dma_wait3A_231 = tpu.memref_slice %arg15[%dma_wait3A_220] : memref<5x!tpu.dma_semaphore, #tpu.memory_space<semaphore_mem>> -> memref<1x!tpu.dma_semaphore, #tpu.memory_space<semaphore_mem>>
      %dma_wait3A_232 = tpu.memref_squeeze %dma_wait3A_231 : memref<1x!tpu.dma_semaphore, #tpu.memory_space<semaphore_mem>> -> memref<!tpu.dma_semaphore, #tpu.memory_space<semaphore_mem>>
      tpu.wait_indirect_dma semaphore(%dma_wait3A_232 : memref<!tpu.dma_semaphore, #tpu.memory_space<semaphore_mem>>) src(%dma_wait3A_230 : memref<10000x128xf32, #tpu.memory_space<hbm>>) dst(%dma_wait3A_224 : memref<32x128xf32, #tpu.memory_space<vmem>>)
      %mul3A_233 = arith.constant 32 : i32
      %mul3A_234 = arith.muli %add3A_210, %mul3A_233 : i32
      %add3A_235 = arith.constant 0 : i32
      %add3A_236 = arith.addi %mul3A_234, %add3A_235 : i32
      %get3A_237 = arith.index_cast %add3A_236 : i32 to index
      %get3A_238 = tpu.vector_load %arg7[%get3A_237] {strides = array<i32>} : memref<20000xi32, #tpu.memory_space<vmem>>, vector<16xi32>,
      %get3A_239 = vector.shape_cast %get3A_238 : vector<16xi32> to vector<16xi32>
      %ge3A = vector.broadcast %mul3A_0 : i32 to vector<16xi32>
      %ge3A_240 = arith.cmpi sge, %get3A_239, %ge3A : vector<16xi32>
      %add3A_241 = arith.constant 5000 : i32
      %add3A_242 = arith.addi %mul3A_0, %add3A_241 : i32
      %lt3A_243 = vector.broadcast %add3A_242 : i32 to vector<16xi32>
      %lt3A_244 = arith.cmpi slt, %get3A_239, %lt3A_243 : vector<16xi32>
      %and3A = arith.andi %ge3A_240, %lt3A_244 : vector<16xi1>
      %sub3A = vector.broadcast %mul3A_0 : i32 to vector<16xi32>
      %sub3A_245 = arith.subi %get3A_239, %sub3A : vector<16xi32>
      %jit3A = arith.constant 5000 : i32
      %broadcast_in_dim3A = vector.broadcast %jit3A : i32 to vector<16xi32>
      %select_n3A = arith.select %and3A, %sub3A_245, %broadcast_in_dim3A : vector<16xi1>, vector<16xi32>
      %swap3A_246 = arith.constant 0 : index
      %swap3A_247 = tpu.vector_load %arg9[%swap3A_246] {strides = array<i32>} : memref<32xi32, #tpu.memory_space<vmem>>, vector<16xi32>,
      %swap3A_248 = vector.shape_cast %swap3A_247 : vector<16xi32> to vector<16xi32>
      %swap3A_249 = vector.shape_cast %select_n3A : vector<16xi32> to vector<16xi32>
      tpu.vector_store %arg9[%swap3A_246], %swap3A_249 {strides = array<i32>} : memref<32xi32, #tpu.memory_space<vmem>>, vector<16xi32>,
      %mul3A_250 = arith.constant 32 : i32
      %mul3A_251 = arith.muli %add3A_210, %mul3A_250 : i32
      %add3A_252 = arith.constant 16 : i32
      %add3A_253 = arith.addi %mul3A_251, %add3A_252 : i32
      %get3A_254 = arith.index_cast %add3A_253 : i32 to index
      %get3A_255 = tpu.vector_load %arg7[%get3A_254] {strides = array<i32>} : memref<20000xi32, #tpu.memory_space<vmem>>, vector<16xi32>,
      %get3A_256 = vector.shape_cast %get3A_255 : vector<16xi32> to vector<16xi32>
      %ge3A_257 = vector.broadcast %mul3A_0 : i32 to vector<16xi32>
      %ge3A_258 = arith.cmpi sge, %get3A_256, %ge3A_257 : vector<16xi32>
      %add3A_259 = arith.constant 5000 : i32
      %add3A_260 = arith.addi %mul3A_0, %add3A_259 : i32
      %lt3A_261 = vector.broadcast %add3A_260 : i32 to vector<16xi32>
      %lt3A_262 = arith.cmpi slt, %get3A_256, %lt3A_261 : vector<16xi32>
      %and3A_263 = arith.andi %ge3A_258, %lt3A_262 : vector<16xi1>
      %sub3A_264 = vector.broadcast %mul3A_0 : i32 to vector<16xi32>
      %sub3A_265 = arith.subi %get3A_256, %sub3A_264 : vector<16xi32>
      %jit3A_266 = arith.constant 5000 : i32
      %broadcast_in_dim3A_267 = vector.broadcast %jit3A_266 : i32 to vector<16xi32>
      %select_n3A_268 = arith.select %and3A_263, %sub3A_265, %broadcast_in_dim3A_267 : vector<16xi1>, vector<16xi32>
      %swap3A_269 = arith.constant 16 : index
      %swap3A_270 = tpu.vector_load %arg9[%swap3A_269] {strides = array<i32>} : memref<32xi32, #tpu.memory_space<vmem>>, vector<16xi32>,
      %swap3A_271 = vector.shape_cast %swap3A_270 : vector<16xi32> to vector<16xi32>
      %swap3A_272 = vector.shape_cast %select_n3A_268 : vector<16xi32> to vector<16xi32>
      tpu.vector_store %arg9[%swap3A_269], %swap3A_272 {strides = array<i32>} : memref<32xi32, #tpu.memory_space<vmem>>, vector<16xi32>,
      %dma_start3A_273 = arith.constant 0 : i32
      %dma_start3A_274 = arith.constant 0 : i32
      %dma_start3A_275 = arith.constant 0 : i32
      %dma_start3A_276 = arith.constant 0 : i32
      %dma_start3A_277 = tpu.memref_slice %arg14[%dma_start3A_273, %dma_start3A_275, %dma_start3A_276] : memref<5x32x128xf32, #tpu.memory_space<vmem>> -> memref<1x32x128xf32, #tpu.memory_space<vmem>>
      %dma_start3A_278 = tpu.memref_squeeze %dma_start3A_277 : memref<1x32x128xf32, #tpu.memory_space<vmem>> -> memref<32x128xf32, #tpu.memory_space<vmem>>
      %dma_start3A_279 = arith.constant 0 : i32
      %dma_start3A_280 = arith.constant 0 : i32
      %dma_start3A_281 = tpu.memref_slice %arg17[%dma_start3A_279, %dma_start3A_280] : memref<5008x128xf32, #tpu.memory_space<vmem_shared>> -> memref<5008x128xf32, #tpu.memory_space<vmem_shared>>
      %dma_start3A_282 = tpu.memref_slice %arg16[%dma_start3A_274] : memref<5x!tpu.dma_semaphore, #tpu.memory_space<semaphore_mem>> -> memref<1x!tpu.dma_semaphore, #tpu.memory_space<semaphore_mem>>
      %dma_start3A_283 = tpu.memref_squeeze %dma_start3A_282 : memref<1x!tpu.dma_semaphore, #tpu.memory_space<semaphore_mem>> -> memref<!tpu.dma_semaphore, #tpu.memory_space<semaphore_mem>>
      tpu.enqueue_indirect_dma source(%dma_start3A_278 : memref<32x128xf32, #tpu.memory_space<vmem>>) target(%dma_start3A_281 : memref<5008x128xf32, #tpu.memory_space<vmem_shared>>) offsets(%arg9 : memref<32xi32, #tpu.memory_space<vmem>>) semaphore(%dma_start3A_283 : memref<!tpu.dma_semaphore, #tpu.memory_space<semaphore_mem>>) {add = true}
      %mul3A_284 = arith.constant 5 : i32
      %mul3A_285 = arith.muli %scan3A_205, %mul3A_284 : i32
      %add3A_286 = arith.constant 1 : i32
      %add3A_287 = arith.addi %mul3A_285, %add3A_286 : i32
      %add3A_288 = arith.constant 3 : i32
      %add3A_289 = arith.addi %add3A_287, %add3A_288 : i32
      %lt3A_290 = arith.constant 625 : i32
      %lt3A_291 = arith.cmpi slt, %add3A_289, %lt3A_290 : i32
      %convert_element_type3A_292 = arith.extui %lt3A_291 : i1 to i32
      %cond3A_293 = arith.constant 0 : i32
      %cond3A_294 = arith.cmpi ne, %convert_element_type3A_292, %cond3A_293 : i32
      scf.if %cond3A_294 {
        %ge3A_617 = arith.constant 2 : i32
        %ge3A_618 = arith.cmpi sge, %add3A_287, %ge3A_617 : i32
        %convert_element_type3A_619 = arith.extui %ge3A_618 : i1 to i32
        %cond3A_620 = arith.constant 0 : i32
        %cond3A_621 = arith.cmpi ne, %convert_element_type3A_619, %cond3A_620 : i32
        scf.if %cond3A_621 {
          %dma_wait3A_665 = arith.constant 4 : i32
          %dma_wait3A_666 = arith.constant 4 : i32
          %dma_wait3A_667 = arith.constant 0 : i32
          %dma_wait3A_668 = arith.constant 0 : i32
          %dma_wait3A_669 = tpu.memref_slice %arg14[%dma_wait3A_665, %dma_wait3A_667, %dma_wait3A_668] : memref<5x32x128xf32, #tpu.memory_space<vmem>> -> memref<1x32x128xf32, #tpu.memory_space<vmem>>
          %dma_wait3A_670 = tpu.memref_squeeze %dma_wait3A_669 : memref<1x32x128xf32, #tpu.memory_space<vmem>> -> memref<32x128xf32, #tpu.memory_space<vmem>>
          %dma_wait3A_671 = arith.constant 0 : i32
          %dma_wait3A_672 = arith.constant 0 : i32
          %dma_wait3A_673 = tpu.memref_slice %arg17[%dma_wait3A_671, %dma_wait3A_672] : memref<5008x128xf32, #tpu.memory_space<vmem_shared>> -> memref<5008x128xf32, #tpu.memory_space<vmem_shared>>
          %dma_wait3A_674 = tpu.memref_slice %arg16[%dma_wait3A_666] : memref<5x!tpu.dma_semaphore, #tpu.memory_space<semaphore_mem>> -> memref<1x!tpu.dma_semaphore, #tpu.memory_space<semaphore_mem>>
          %dma_wait3A_675 = tpu.memref_squeeze %dma_wait3A_674 : memref<1x!tpu.dma_semaphore, #tpu.memory_space<semaphore_mem>> -> memref<!tpu.dma_semaphore, #tpu.memory_space<semaphore_mem>>
          tpu.wait_indirect_dma semaphore(%dma_wait3A_675 : memref<!tpu.dma_semaphore, #tpu.memory_space<semaphore_mem>>) src(%dma_wait3A_670 : memref<32x128xf32, #tpu.memory_space<vmem>>) dst(%dma_wait3A_673 : memref<5008x128xf32, #tpu.memory_space<vmem_shared>>)
        } else {
        }
        %add3A_622 = arith.constant 3 : i32
        %add3A_623 = arith.addi %add3A_287, %add3A_622 : i32
        %mul3A_624 = arith.constant 32 : i32
        %mul3A_625 = arith.muli %add3A_623, %mul3A_624 : i32
        %add3A_626 = arith.constant 0 : i32
        %add3A_627 = arith.addi %mul3A_625, %add3A_626 : i32
        %get3A_628 = arith.index_cast %add3A_627 : i32 to index
        %get3A_629 = tpu.vector_load %arg6[%get3A_628] {strides = array<i32>} : memref<20000xi32, #tpu.memory_space<vmem>>, vector<16xi32>,
        %get3A_630 = vector.shape_cast %get3A_629 : vector<16xi32> to vector<16xi32>
        %swap3A_631 = arith.constant 4 : i32
        %swap3A_632 = arith.index_cast %swap3A_631 : i32 to index
        %swap3A_633 = arith.constant 0 : index
        %swap3A_634 = tpu.vector_load %arg8[%swap3A_632, %swap3A_633] {strides = array<i32>} : memref<5x32xi32, #tpu.memory_space<vmem>>, vector<1x16xi32>,
        %swap3A_635 = vector.shape_cast %swap3A_634 : vector<1x16xi32> to vector<16xi32>
        %swap3A_636 = vector.shape_cast %get3A_630 : vector<16xi32> to vector<1x16xi32>
        tpu.vector_store %arg8[%swap3A_632, %swap3A_633], %swap3A_636 {strides = array<i32>} : memref<5x32xi32, #tpu.memory_space<vmem>>, vector<1x16xi32>,
        %mul3A_637 = arith.constant 32 : i32
        %mul3A_638 = arith.muli %add3A_623, %mul3A_637 : i32
        %add3A_639 = arith.constant 16 : i32
        %add3A_640 = arith.addi %mul3A_638, %add3A_639 : i32
        %get3A_641 = arith.index_cast %add3A_640 : i32 to index
        %get3A_642 = tpu.vector_load %arg6[%get3A_641] {strides = array<i32>} : memref<20000xi32, #tpu.memory_space<vmem>>, vector<16xi32>,
        %get3A_643 = vector.shape_cast %get3A_642 : vector<16xi32> to vector<16xi32>
        %swap3A_644 = arith.constant 4 : i32
        %swap3A_645 = arith.index_cast %swap3A_644 : i32 to index
        %swap3A_646 = arith.constant 16 : index
        %swap3A_647 = tpu.vector_load %arg8[%swap3A_645, %swap3A_646] {strides = array<i32>} : memref<5x32xi32, #tpu.memory_space<vmem>>, vector<1x16xi32>,
        %swap3A_648 = vector.shape_cast %swap3A_647 : vector<1x16xi32> to vector<16xi32>
        %swap3A_649 = vector.shape_cast %get3A_643 : vector<16xi32> to vector<1x16xi32>
        tpu.vector_store %arg8[%swap3A_645, %swap3A_646], %swap3A_649 {strides = array<i32>} : memref<5x32xi32, #tpu.memory_space<vmem>>, vector<1x16xi32>,
        %dma_start3A_650 = arith.constant 4 : i32
        %dma_start3A_651 = arith.constant 4 : i32
        %dma_start3A_652 = arith.constant 4 : i32
        %dma_start3A_653 = arith.constant 0 : i32
        %dma_start3A_654 = arith.constant 0 : i32
        %dma_start3A_655 = tpu.memref_slice %arg14[%dma_start3A_651, %dma_start3A_653, %dma_start3A_654] : memref<5x32x128xf32, #tpu.memory_space<vmem>> -> memref<1x32x128xf32, #tpu.memory_space<vmem>>
        %dma_start3A_656 = tpu.memref_squeeze %dma_start3A_655 : memref<1x32x128xf32, #tpu.memory_space<vmem>> -> memref<32x128xf32, #tpu.memory_space<vmem>>
        %dma_start3A_657 = arith.constant 0 : i32
        %dma_start3A_658 = tpu.memref_slice %arg8[%dma_start3A_650, %dma_start3A_657] : memref<5x32xi32, #tpu.memory_space<vmem>> -> memref<1x32xi32, #tpu.memory_space<vmem>>
        %dma_start3A_659 = tpu.memref_squeeze %dma_start3A_658 : memref<1x32xi32, #tpu.memory_space<vmem>> -> memref<32xi32, #tpu.memory_space<vmem>>
        %dma_start3A_660 = arith.constant 0 : i32
        %dma_start3A_661 = arith.constant 0 : i32
        %dma_start3A_662 = tpu.memref_slice %arg2[%dma_start3A_660, %dma_start3A_661] : memref<10000x128xf32, #tpu.memory_space<hbm>> -> memref<10000x128xf32, #tpu.memory_space<hbm>>
        %dma_start3A_663 = tpu.memref_slice %arg15[%dma_start3A_652] : memref<5x!tpu.dma_semaphore, #tpu.memory_space<semaphore_mem>> -> memref<1x!tpu.dma_semaphore, #tpu.memory_space<semaphore_mem>>
        %dma_start3A_664 = tpu.memref_squeeze %dma_start3A_663 : memref<1x!tpu.dma_semaphore, #tpu.memory_space<semaphore_mem>> -> memref<!tpu.dma_semaphore, #tpu.memory_space<semaphore_mem>>
        tpu.enqueue_indirect_dma source(%dma_start3A_662 : memref<10000x128xf32, #tpu.memory_space<hbm>>) target(%dma_start3A_656 : memref<32x128xf32, #tpu.memory_space<vmem>>) offsets(%dma_start3A_659 : memref<32xi32, #tpu.memory_space<vmem>>) semaphore(%dma_start3A_664 : memref<!tpu.dma_semaphore, #tpu.memory_space<semaphore_mem>>)
      } else {
      }
      %dma_wait3A_295 = arith.constant 1 : i32
      %dma_wait3A_296 = arith.constant 1 : i32
      %dma_wait3A_297 = arith.constant 1 : i32
      %dma_wait3A_298 = arith.constant 0 : i32
      %dma_wait3A_299 = arith.constant 0 : i32
      %dma_wait3A_300 = tpu.memref_slice %arg14[%dma_wait3A_296, %dma_wait3A_298, %dma_wait3A_299] : memref<5x32x128xf32, #tpu.memory_space<vmem>> -> memref<1x32x128xf32, #tpu.memory_space<vmem>>
      %dma_wait3A_301 = tpu.memref_squeeze %dma_wait3A_300 : memref<1x32x128xf32, #tpu.memory_space<vmem>> -> memref<32x128xf32, #tpu.memory_space<vmem>>
      %dma_wait3A_302 = arith.constant 0 : i32
      %dma_wait3A_303 = tpu.memref_slice %arg8[%dma_wait3A_295, %dma_wait3A_302] : memref<5x32xi32, #tpu.memory_space<vmem>> -> memref<1x32xi32, #tpu.memory_space<vmem>>
      %dma_wait3A_304 = tpu.memref_squeeze %dma_wait3A_303 : memref<1x32xi32, #tpu.memory_space<vmem>> -> memref<32xi32, #tpu.memory_space<vmem>>
      %dma_wait3A_305 = arith.constant 0 : i32
      %dma_wait3A_306 = arith.constant 0 : i32
      %dma_wait3A_307 = tpu.memref_slice %arg2[%dma_wait3A_305, %dma_wait3A_306] : memref<10000x128xf32, #tpu.memory_space<hbm>> -> memref<10000x128xf32, #tpu.memory_space<hbm>>
      %dma_wait3A_308 = tpu.memref_slice %arg15[%dma_wait3A_297] : memref<5x!tpu.dma_semaphore, #tpu.memory_space<semaphore_mem>> -> memref<1x!tpu.dma_semaphore, #tpu.memory_space<semaphore_mem>>
      %dma_wait3A_309 = tpu.memref_squeeze %dma_wait3A_308 : memref<1x!tpu.dma_semaphore, #tpu.memory_space<semaphore_mem>> -> memref<!tpu.dma_semaphore, #tpu.memory_space<semaphore_mem>>
      tpu.wait_indirect_dma semaphore(%dma_wait3A_309 : memref<!tpu.dma_semaphore, #tpu.memory_space<semaphore_mem>>) src(%dma_wait3A_307 : memref<10000x128xf32, #tpu.memory_space<hbm>>) dst(%dma_wait3A_301 : memref<32x128xf32, #tpu.memory_space<vmem>>)
      %mul3A_310 = arith.constant 32 : i32
      %mul3A_311 = arith.muli %add3A_287, %mul3A_310 : i32
      %add3A_312 = arith.constant 0 : i32
      %add3A_313 = arith.addi %mul3A_311, %add3A_312 : i32
      %get3A_314 = arith.index_cast %add3A_313 : i32 to index
      %get3A_315 = tpu.vector_load %arg7[%get3A_314] {strides = array<i32>} : memref<20000xi32, #tpu.memory_space<vmem>>, vector<16xi32>,
      %get3A_316 = vector.shape_cast %get3A_315 : vector<16xi32> to vector<16xi32>
      %ge3A_317 = vector.broadcast %mul3A_0 : i32 to vector<16xi32>
      %ge3A_318 = arith.cmpi sge, %get3A_316, %ge3A_317 : vector<16xi32>
      %add3A_319 = arith.constant 5000 : i32
      %add3A_320 = arith.addi %mul3A_0, %add3A_319 : i32
      %lt3A_321 = vector.broadcast %add3A_320 : i32 to vector<16xi32>
      %lt3A_322 = arith.cmpi slt, %get3A_316, %lt3A_321 : vector<16xi32>
      %and3A_323 = arith.andi %ge3A_318, %lt3A_322 : vector<16xi1>
      %sub3A_324 = vector.broadcast %mul3A_0 : i32 to vector<16xi32>
      %sub3A_325 = arith.subi %get3A_316, %sub3A_324 : vector<16xi32>
      %jit3A_326 = arith.constant 5000 : i32
      %broadcast_in_dim3A_327 = vector.broadcast %jit3A_326 : i32 to vector<16xi32>
      %select_n3A_328 = arith.select %and3A_323, %sub3A_325, %broadcast_in_dim3A_327 : vector<16xi1>, vector<16xi32>
      %swap3A_329 = arith.constant 0 : index
      %swap3A_330 = tpu.vector_load %arg10[%swap3A_329] {strides = array<i32>} : memref<32xi32, #tpu.memory_space<vmem>>, vector<16xi32>,
      %swap3A_331 = vector.shape_cast %swap3A_330 : vector<16xi32> to vector<16xi32>
      %swap3A_332 = vector.shape_cast %select_n3A_328 : vector<16xi32> to vector<16xi32>
      tpu.vector_store %arg10[%swap3A_329], %swap3A_332 {strides = array<i32>} : memref<32xi32, #tpu.memory_space<vmem>>, vector<16xi32>,
      %mul3A_333 = arith.constant 32 : i32
      %mul3A_334 = arith.muli %add3A_287, %mul3A_333 : i32
      %add3A_335 = arith.constant 16 : i32
      %add3A_336 = arith.addi %mul3A_334, %add3A_335 : i32
      %get3A_337 = arith.index_cast %add3A_336 : i32 to index
      %get3A_338 = tpu.vector_load %arg7[%get3A_337] {strides = array<i32>} : memref<20000xi32, #tpu.memory_space<vmem>>, vector<16xi32>,
      %get3A_339 = vector.shape_cast %get3A_338 : vector<16xi32> to vector<16xi32>
      %ge3A_340 = vector.broadcast %mul3A_0 : i32 to vector<16xi32>
      %ge3A_341 = arith.cmpi sge, %get3A_339, %ge3A_340 : vector<16xi32>
      %add3A_342 = arith.constant 5000 : i32
      %add3A_343 = arith.addi %mul3A_0, %add3A_342 : i32
      %lt3A_344 = vector.broadcast %add3A_343 : i32 to vector<16xi32>
      %lt3A_345 = arith.cmpi slt, %get3A_339, %lt3A_344 : vector<16xi32>
      %and3A_346 = arith.andi %ge3A_341, %lt3A_345 : vector<16xi1>
      %sub3A_347 = vector.broadcast %mul3A_0 : i32 to vector<16xi32>
      %sub3A_348 = arith.subi %get3A_339, %sub3A_347 : vector<16xi32>
      %jit3A_349 = arith.constant 5000 : i32
      %broadcast_in_dim3A_350 = vector.broadcast %jit3A_349 : i32 to vector<16xi32>
      %select_n3A_351 = arith.select %and3A_346, %sub3A_348, %broadcast_in_dim3A_350 : vector<16xi1>, vector<16xi32>
      %swap3A_352 = arith.constant 16 : index
      %swap3A_353 = tpu.vector_load %arg10[%swap3A_352] {strides = array<i32>} : memref<32xi32, #tpu.memory_space<vmem>>, vector<16xi32>,
      %swap3A_354 = vector.shape_cast %swap3A_353 : vector<16xi32> to vector<16xi32>
      %swap3A_355 = vector.shape_cast %select_n3A_351 : vector<16xi32> to vector<16xi32>
      tpu.vector_store %arg10[%swap3A_352], %swap3A_355 {strides = array<i32>} : memref<32xi32, #tpu.memory_space<vmem>>, vector<16xi32>,
      %dma_start3A_356 = arith.constant 1 : i32
      %dma_start3A_357 = arith.constant 1 : i32
      %dma_start3A_358 = arith.constant 0 : i32
      %dma_start3A_359 = arith.constant 0 : i32
      %dma_start3A_360 = tpu.memref_slice %arg14[%dma_start3A_356, %dma_start3A_358, %dma_start3A_359] : memref<5x32x128xf32, #tpu.memory_space<vmem>> -> memref<1x32x128xf32, #tpu.memory_space<vmem>>
      %dma_start3A_361 = tpu.memref_squeeze %dma_start3A_360 : memref<1x32x128xf32, #tpu.memory_space<vmem>> -> memref<32x128xf32, #tpu.memory_space<vmem>>
      %dma_start3A_362 = arith.constant 0 : i32
      %dma_start3A_363 = arith.constant 0 : i32
      %dma_start3A_364 = tpu.memref_slice %arg17[%dma_start3A_362, %dma_start3A_363] : memref<5008x128xf32, #tpu.memory_space<vmem_shared>> -> memref<5008x128xf32, #tpu.memory_space<vmem_shared>>
      %dma_start3A_365 = tpu.memref_slice %arg16[%dma_start3A_357] : memref<5x!tpu.dma_semaphore, #tpu.memory_space<semaphore_mem>> -> memref<1x!tpu.dma_semaphore, #tpu.memory_space<semaphore_mem>>
      %dma_start3A_366 = tpu.memref_squeeze %dma_start3A_365 : memref<1x!tpu.dma_semaphore, #tpu.memory_space<semaphore_mem>> -> memref<!tpu.dma_semaphore, #tpu.memory_space<semaphore_mem>>
      tpu.enqueue_indirect_dma source(%dma_start3A_361 : memref<32x128xf32, #tpu.memory_space<vmem>>) target(%dma_start3A_364 : memref<5008x128xf32, #tpu.memory_space<vmem_shared>>) offsets(%arg10 : memref<32xi32, #tpu.memory_space<vmem>>) semaphore(%dma_start3A_366 : memref<!tpu.dma_semaphore, #tpu.memory_space<semaphore_mem>>) {add = true}
      %mul3A_367 = arith.constant 5 : i32
      %mul3A_368 = arith.muli %scan3A_205, %mul3A_367 : i32
      %add3A_369 = arith.constant 2 : i32
      %add3A_370 = arith.addi %mul3A_368, %add3A_369 : i32
      %add3A_371 = arith.constant 3 : i32
      %add3A_372 = arith.addi %add3A_370, %add3A_371 : i32
      %lt3A_373 = arith.constant 625 : i32
      %lt3A_374 = arith.cmpi slt, %add3A_372, %lt3A_373 : i32
      %convert_element_type3A_375 = arith.extui %lt3A_374 : i1 to i32
      %cond3A_376 = arith.constant 0 : i32
      %cond3A_377 = arith.cmpi ne, %convert_element_type3A_375, %cond3A_376 : i32
      scf.if %cond3A_377 {
        %ge3A_617 = arith.constant 2 : i32
        %ge3A_618 = arith.cmpi sge, %add3A_370, %ge3A_617 : i32
        %convert_element_type3A_619 = arith.extui %ge3A_618 : i1 to i32
        %cond3A_620 = arith.constant 0 : i32
        %cond3A_621 = arith.cmpi ne, %convert_element_type3A_619, %cond3A_620 : i32
        scf.if %cond3A_621 {
          %dma_wait3A_665 = arith.constant 0 : i32
          %dma_wait3A_666 = arith.constant 0 : i32
          %dma_wait3A_667 = arith.constant 0 : i32
          %dma_wait3A_668 = arith.constant 0 : i32
          %dma_wait3A_669 = tpu.memref_slice %arg14[%dma_wait3A_665, %dma_wait3A_667, %dma_wait3A_668] : memref<5x32x128xf32, #tpu.memory_space<vmem>> -> memref<1x32x128xf32, #tpu.memory_space<vmem>>
          %dma_wait3A_670 = tpu.memref_squeeze %dma_wait3A_669 : memref<1x32x128xf32, #tpu.memory_space<vmem>> -> memref<32x128xf32, #tpu.memory_space<vmem>>
          %dma_wait3A_671 = arith.constant 0 : i32
          %dma_wait3A_672 = arith.constant 0 : i32
          %dma_wait3A_673 = tpu.memref_slice %arg17[%dma_wait3A_671, %dma_wait3A_672] : memref<5008x128xf32, #tpu.memory_space<vmem_shared>> -> memref<5008x128xf32, #tpu.memory_space<vmem_shared>>
          %dma_wait3A_674 = tpu.memref_slice %arg16[%dma_wait3A_666] : memref<5x!tpu.dma_semaphore, #tpu.memory_space<semaphore_mem>> -> memref<1x!tpu.dma_semaphore, #tpu.memory_space<semaphore_mem>>
          %dma_wait3A_675 = tpu.memref_squeeze %dma_wait3A_674 : memref<1x!tpu.dma_semaphore, #tpu.memory_space<semaphore_mem>> -> memref<!tpu.dma_semaphore, #tpu.memory_space<semaphore_mem>>
          tpu.wait_indirect_dma semaphore(%dma_wait3A_675 : memref<!tpu.dma_semaphore, #tpu.memory_space<semaphore_mem>>) src(%dma_wait3A_670 : memref<32x128xf32, #tpu.memory_space<vmem>>) dst(%dma_wait3A_673 : memref<5008x128xf32, #tpu.memory_space<vmem_shared>>)
        } else {
        }
        %add3A_622 = arith.constant 3 : i32
        %add3A_623 = arith.addi %add3A_370, %add3A_622 : i32
        %mul3A_624 = arith.constant 32 : i32
        %mul3A_625 = arith.muli %add3A_623, %mul3A_624 : i32
        %add3A_626 = arith.constant 0 : i32
        %add3A_627 = arith.addi %mul3A_625, %add3A_626 : i32
        %get3A_628 = arith.index_cast %add3A_627 : i32 to index
        %get3A_629 = tpu.vector_load %arg6[%get3A_628] {strides = array<i32>} : memref<20000xi32, #tpu.memory_space<vmem>>, vector<16xi32>,
        %get3A_630 = vector.shape_cast %get3A_629 : vector<16xi32> to vector<16xi32>
        %swap3A_631 = arith.constant 0 : i32
        %swap3A_632 = arith.index_cast %swap3A_631 : i32 to index
        %swap3A_633 = arith.constant 0 : index
        %swap3A_634 = tpu.vector_load %arg8[%swap3A_632, %swap3A_633] {strides = array<i32>} : memref<5x32xi32, #tpu.memory_space<vmem>>, vector<1x16xi32>,
        %swap3A_635 = vector.shape_cast %swap3A_634 : vector<1x16xi32> to vector<16xi32>
        %swap3A_636 = vector.shape_cast %get3A_630 : vector<16xi32> to vector<1x16xi32>
        tpu.vector_store %arg8[%swap3A_632, %swap3A_633], %swap3A_636 {strides = array<i32>} : memref<5x32xi32, #tpu.memory_space<vmem>>, vector<1x16xi32>,
        %mul3A_637 = arith.constant 32 : i32
        %mul3A_638 = arith.muli %add3A_623, %mul3A_637 : i32
        %add3A_639 = arith.constant 16 : i32
        %add3A_640 = arith.addi %mul3A_638, %add3A_639 : i32
        %get3A_641 = arith.index_cast %add3A_640 : i32 to index
        %get3A_642 = tpu.vector_load %arg6[%get3A_641] {strides = array<i32>} : memref<20000xi32, #tpu.memory_space<vmem>>, vector<16xi32>,
        %get3A_643 = vector.shape_cast %get3A_642 : vector<16xi32> to vector<16xi32>
        %swap3A_644 = arith.constant 0 : i32
        %swap3A_645 = arith.index_cast %swap3A_644 : i32 to index
        %swap3A_646 = arith.constant 16 : index
        %swap3A_647 = tpu.vector_load %arg8[%swap3A_645, %swap3A_646] {strides = array<i32>} : memref<5x32xi32, #tpu.memory_space<vmem>>, vector<1x16xi32>,
        %swap3A_648 = vector.shape_cast %swap3A_647 : vector<1x16xi32> to vector<16xi32>
        %swap3A_649 = vector.shape_cast %get3A_643 : vector<16xi32> to vector<1x16xi32>
        tpu.vector_store %arg8[%swap3A_645, %swap3A_646], %swap3A_649 {strides = array<i32>} : memref<5x32xi32, #tpu.memory_space<vmem>>, vector<1x16xi32>,
        %dma_start3A_650 = arith.constant 0 : i32
        %dma_start3A_651 = arith.constant 0 : i32
        %dma_start3A_652 = arith.constant 0 : i32
        %dma_start3A_653 = arith.constant 0 : i32
        %dma_start3A_654 = arith.constant 0 : i32
        %dma_start3A_655 = tpu.memref_slice %arg14[%dma_start3A_651, %dma_start3A_653, %dma_start3A_654] : memref<5x32x128xf32, #tpu.memory_space<vmem>> -> memref<1x32x128xf32, #tpu.memory_space<vmem>>
        %dma_start3A_656 = tpu.memref_squeeze %dma_start3A_655 : memref<1x32x128xf32, #tpu.memory_space<vmem>> -> memref<32x128xf32, #tpu.memory_space<vmem>>
        %dma_start3A_657 = arith.constant 0 : i32
        %dma_start3A_658 = tpu.memref_slice %arg8[%dma_start3A_650, %dma_start3A_657] : memref<5x32xi32, #tpu.memory_space<vmem>> -> memref<1x32xi32, #tpu.memory_space<vmem>>
        %dma_start3A_659 = tpu.memref_squeeze %dma_start3A_658 : memref<1x32xi32, #tpu.memory_space<vmem>> -> memref<32xi32, #tpu.memory_space<vmem>>
        %dma_start3A_660 = arith.constant 0 : i32
        %dma_start3A_661 = arith.constant 0 : i32
        %dma_start3A_662 = tpu.memref_slice %arg2[%dma_start3A_660, %dma_start3A_661] : memref<10000x128xf32, #tpu.memory_space<hbm>> -> memref<10000x128xf32, #tpu.memory_space<hbm>>
        %dma_start3A_663 = tpu.memref_slice %arg15[%dma_start3A_652] : memref<5x!tpu.dma_semaphore, #tpu.memory_space<semaphore_mem>> -> memref<1x!tpu.dma_semaphore, #tpu.memory_space<semaphore_mem>>
        %dma_start3A_664 = tpu.memref_squeeze %dma_start3A_663 : memref<1x!tpu.dma_semaphore, #tpu.memory_space<semaphore_mem>> -> memref<!tpu.dma_semaphore, #tpu.memory_space<semaphore_mem>>
        tpu.enqueue_indirect_dma source(%dma_start3A_662 : memref<10000x128xf32, #tpu.memory_space<hbm>>) target(%dma_start3A_656 : memref<32x128xf32, #tpu.memory_space<vmem>>) offsets(%dma_start3A_659 : memref<32xi32, #tpu.memory_space<vmem>>) semaphore(%dma_start3A_664 : memref<!tpu.dma_semaphore, #tpu.memory_space<semaphore_mem>>)
      } else {
      }
      %dma_wait3A_378 = arith.constant 2 : i32
      %dma_wait3A_379 = arith.constant 2 : i32
      %dma_wait3A_380 = arith.constant 2 : i32
      %dma_wait3A_381 = arith.constant 0 : i32
      %dma_wait3A_382 = arith.constant 0 : i32
      %dma_wait3A_383 = tpu.memref_slice %arg14[%dma_wait3A_379, %dma_wait3A_381, %dma_wait3A_382] : memref<5x32x128xf32, #tpu.memory_space<vmem>> -> memref<1x32x128xf32, #tpu.memory_space<vmem>>
      %dma_wait3A_384 = tpu.memref_squeeze %dma_wait3A_383 : memref<1x32x128xf32, #tpu.memory_space<vmem>> -> memref<32x128xf32, #tpu.memory_space<vmem>>
      %dma_wait3A_385 = arith.constant 0 : i32
      %dma_wait3A_386 = tpu.memref_slice %arg8[%dma_wait3A_378, %dma_wait3A_385] : memref<5x32xi32, #tpu.memory_space<vmem>> -> memref<1x32xi32, #tpu.memory_space<vmem>>
      %dma_wait3A_387 = tpu.memref_squeeze %dma_wait3A_386 : memref<1x32xi32, #tpu.memory_space<vmem>> -> memref<32xi32, #tpu.memory_space<vmem>>
      %dma_wait3A_388 = arith.constant 0 : i32
      %dma_wait3A_389 = arith.constant 0 : i32
      %dma_wait3A_390 = tpu.memref_slice %arg2[%dma_wait3A_388, %dma_wait3A_389] : memref<10000x128xf32, #tpu.memory_space<hbm>> -> memref<10000x128xf32, #tpu.memory_space<hbm>>
      %dma_wait3A_391 = tpu.memref_slice %arg15[%dma_wait3A_380] : memref<5x!tpu.dma_semaphore, #tpu.memory_space<semaphore_mem>> -> memref<1x!tpu.dma_semaphore, #tpu.memory_space<semaphore_mem>>
      %dma_wait3A_392 = tpu.memref_squeeze %dma_wait3A_391 : memref<1x!tpu.dma_semaphore, #tpu.memory_space<semaphore_mem>> -> memref<!tpu.dma_semaphore, #tpu.memory_space<semaphore_mem>>
      tpu.wait_indirect_dma semaphore(%dma_wait3A_392 : memref<!tpu.dma_semaphore, #tpu.memory_space<semaphore_mem>>) src(%dma_wait3A_390 : memref<10000x128xf32, #tpu.memory_space<hbm>>) dst(%dma_wait3A_384 : memref<32x128xf32, #tpu.memory_space<vmem>>)
      %mul3A_393 = arith.constant 32 : i32
      %mul3A_394 = arith.muli %add3A_370, %mul3A_393 : i32
      %add3A_395 = arith.constant 0 : i32
      %add3A_396 = arith.addi %mul3A_394, %add3A_395 : i32
      %get3A_397 = arith.index_cast %add3A_396 : i32 to index
      %get3A_398 = tpu.vector_load %arg7[%get3A_397] {strides = array<i32>} : memref<20000xi32, #tpu.memory_space<vmem>>, vector<16xi32>,
      %get3A_399 = vector.shape_cast %get3A_398 : vector<16xi32> to vector<16xi32>
      %ge3A_400 = vector.broadcast %mul3A_0 : i32 to vector<16xi32>
      %ge3A_401 = arith.cmpi sge, %get3A_399, %ge3A_400 : vector<16xi32>
      %add3A_402 = arith.constant 5000 : i32
      %add3A_403 = arith.addi %mul3A_0, %add3A_402 : i32
      %lt3A_404 = vector.broadcast %add3A_403 : i32 to vector<16xi32>
      %lt3A_405 = arith.cmpi slt, %get3A_399, %lt3A_404 : vector<16xi32>
      %and3A_406 = arith.andi %ge3A_401, %lt3A_405 : vector<16xi1>
      %sub3A_407 = vector.broadcast %mul3A_0 : i32 to vector<16xi32>
      %sub3A_408 = arith.subi %get3A_399, %sub3A_407 : vector<16xi32>
      %jit3A_409 = arith.constant 5000 : i32
      %broadcast_in_dim3A_410 = vector.broadcast %jit3A_409 : i32 to vector<16xi32>
      %select_n3A_411 = arith.select %and3A_406, %sub3A_408, %broadcast_in_dim3A_410 : vector<16xi1>, vector<16xi32>
      %swap3A_412 = arith.constant 0 : index
      %swap3A_413 = tpu.vector_load %arg11[%swap3A_412] {strides = array<i32>} : memref<32xi32, #tpu.memory_space<vmem>>, vector<16xi32>,
      %swap3A_414 = vector.shape_cast %swap3A_413 : vector<16xi32> to vector<16xi32>
      %swap3A_415 = vector.shape_cast %select_n3A_411 : vector<16xi32> to vector<16xi32>
      tpu.vector_store %arg11[%swap3A_412], %swap3A_415 {strides = array<i32>} : memref<32xi32, #tpu.memory_space<vmem>>, vector<16xi32>,
      %mul3A_416 = arith.constant 32 : i32
      %mul3A_417 = arith.muli %add3A_370, %mul3A_416 : i32
      %add3A_418 = arith.constant 16 : i32
      %add3A_419 = arith.addi %mul3A_417, %add3A_418 : i32
      %get3A_420 = arith.index_cast %add3A_419 : i32 to index
      %get3A_421 = tpu.vector_load %arg7[%get3A_420] {strides = array<i32>} : memref<20000xi32, #tpu.memory_space<vmem>>, vector<16xi32>,
      %get3A_422 = vector.shape_cast %get3A_421 : vector<16xi32> to vector<16xi32>
      %ge3A_423 = vector.broadcast %mul3A_0 : i32 to vector<16xi32>
      %ge3A_424 = arith.cmpi sge, %get3A_422, %ge3A_423 : vector<16xi32>
      %add3A_425 = arith.constant 5000 : i32
      %add3A_426 = arith.addi %mul3A_0, %add3A_425 : i32
      %lt3A_427 = vector.broadcast %add3A_426 : i32 to vector<16xi32>
      %lt3A_428 = arith.cmpi slt, %get3A_422, %lt3A_427 : vector<16xi32>
      %and3A_429 = arith.andi %ge3A_424, %lt3A_428 : vector<16xi1>
      %sub3A_430 = vector.broadcast %mul3A_0 : i32 to vector<16xi32>
      %sub3A_431 = arith.subi %get3A_422, %sub3A_430 : vector<16xi32>
      %jit3A_432 = arith.constant 5000 : i32
      %broadcast_in_dim3A_433 = vector.broadcast %jit3A_432 : i32 to vector<16xi32>
      %select_n3A_434 = arith.select %and3A_429, %sub3A_431, %broadcast_in_dim3A_433 : vector<16xi1>, vector<16xi32>
      %swap3A_435 = arith.constant 16 : index
      %swap3A_436 = tpu.vector_load %arg11[%swap3A_435] {strides = array<i32>} : memref<32xi32, #tpu.memory_space<vmem>>, vector<16xi32>,
      %swap3A_437 = vector.shape_cast %swap3A_436 : vector<16xi32> to vector<16xi32>
      %swap3A_438 = vector.shape_cast %select_n3A_434 : vector<16xi32> to vector<16xi32>
      tpu.vector_store %arg11[%swap3A_435], %swap3A_438 {strides = array<i32>} : memref<32xi32, #tpu.memory_space<vmem>>, vector<16xi32>,
      %dma_start3A_439 = arith.constant 2 : i32
      %dma_start3A_440 = arith.constant 2 : i32
      %dma_start3A_441 = arith.constant 0 : i32
      %dma_start3A_442 = arith.constant 0 : i32
      %dma_start3A_443 = tpu.memref_slice %arg14[%dma_start3A_439, %dma_start3A_441, %dma_start3A_442] : memref<5x32x128xf32, #tpu.memory_space<vmem>> -> memref<1x32x128xf32, #tpu.memory_space<vmem>>
      %dma_start3A_444 = tpu.memref_squeeze %dma_start3A_443 : memref<1x32x128xf32, #tpu.memory_space<vmem>> -> memref<32x128xf32, #tpu.memory_space<vmem>>
      %dma_start3A_445 = arith.constant 0 : i32
      %dma_start3A_446 = arith.constant 0 : i32
      %dma_start3A_447 = tpu.memref_slice %arg17[%dma_start3A_445, %dma_start3A_446] : memref<5008x128xf32, #tpu.memory_space<vmem_shared>> -> memref<5008x128xf32, #tpu.memory_space<vmem_shared>>
      %dma_start3A_448 = tpu.memref_slice %arg16[%dma_start3A_440] : memref<5x!tpu.dma_semaphore, #tpu.memory_space<semaphore_mem>> -> memref<1x!tpu.dma_semaphore, #tpu.memory_space<semaphore_mem>>
      %dma_start3A_449 = tpu.memref_squeeze %dma_start3A_448 : memref<1x!tpu.dma_semaphore, #tpu.memory_space<semaphore_mem>> -> memref<!tpu.dma_semaphore, #tpu.memory_space<semaphore_mem>>
      tpu.enqueue_indirect_dma source(%dma_start3A_444 : memref<32x128xf32, #tpu.memory_space<vmem>>) target(%dma_start3A_447 : memref<5008x128xf32, #tpu.memory_space<vmem_shared>>) offsets(%arg11 : memref<32xi32, #tpu.memory_space<vmem>>) semaphore(%dma_start3A_449 : memref<!tpu.dma_semaphore, #tpu.memory_space<semaphore_mem>>) {add = true}
      %mul3A_450 = arith.constant 5 : i32
      %mul3A_451 = arith.muli %scan3A_205, %mul3A_450 : i32
      %add3A_452 = arith.constant 3 : i32
      %add3A_453 = arith.addi %mul3A_451, %add3A_452 : i32
      %add3A_454 = arith.constant 3 : i32
      %add3A_455 = arith.addi %add3A_453, %add3A_454 : i32
      %lt3A_456 = arith.constant 625 : i32
      %lt3A_457 = arith.cmpi slt, %add3A_455, %lt3A_456 : i32
      %convert_element_type3A_458 = arith.extui %lt3A_457 : i1 to i32
      %cond3A_459 = arith.constant 0 : i32
      %cond3A_460 = arith.cmpi ne, %convert_element_type3A_458, %cond3A_459 : i32
      scf.if %cond3A_460 {
        %ge3A_617 = arith.constant 2 : i32
        %ge3A_618 = arith.cmpi sge, %add3A_453, %ge3A_617 : i32
        %convert_element_type3A_619 = arith.extui %ge3A_618 : i1 to i32
        %cond3A_620 = arith.constant 0 : i32
        %cond3A_621 = arith.cmpi ne, %convert_element_type3A_619, %cond3A_620 : i32
        scf.if %cond3A_621 {
          %dma_wait3A_665 = arith.constant 1 : i32
          %dma_wait3A_666 = arith.constant 1 : i32
          %dma_wait3A_667 = arith.constant 0 : i32
          %dma_wait3A_668 = arith.constant 0 : i32
          %dma_wait3A_669 = tpu.memref_slice %arg14[%dma_wait3A_665, %dma_wait3A_667, %dma_wait3A_668] : memref<5x32x128xf32, #tpu.memory_space<vmem>> -> memref<1x32x128xf32, #tpu.memory_space<vmem>>
          %dma_wait3A_670 = tpu.memref_squeeze %dma_wait3A_669 : memref<1x32x128xf32, #tpu.memory_space<vmem>> -> memref<32x128xf32, #tpu.memory_space<vmem>>
          %dma_wait3A_671 = arith.constant 0 : i32
          %dma_wait3A_672 = arith.constant 0 : i32
          %dma_wait3A_673 = tpu.memref_slice %arg17[%dma_wait3A_671, %dma_wait3A_672] : memref<5008x128xf32, #tpu.memory_space<vmem_shared>> -> memref<5008x128xf32, #tpu.memory_space<vmem_shared>>
          %dma_wait3A_674 = tpu.memref_slice %arg16[%dma_wait3A_666] : memref<5x!tpu.dma_semaphore, #tpu.memory_space<semaphore_mem>> -> memref<1x!tpu.dma_semaphore, #tpu.memory_space<semaphore_mem>>
          %dma_wait3A_675 = tpu.memref_squeeze %dma_wait3A_674 : memref<1x!tpu.dma_semaphore, #tpu.memory_space<semaphore_mem>> -> memref<!tpu.dma_semaphore, #tpu.memory_space<semaphore_mem>>
          tpu.wait_indirect_dma semaphore(%dma_wait3A_675 : memref<!tpu.dma_semaphore, #tpu.memory_space<semaphore_mem>>) src(%dma_wait3A_670 : memref<32x128xf32, #tpu.memory_space<vmem>>) dst(%dma_wait3A_673 : memref<5008x128xf32, #tpu.memory_space<vmem_shared>>)
        } else {
        }
        %add3A_622 = arith.constant 3 : i32
        %add3A_623 = arith.addi %add3A_453, %add3A_622 : i32
        %mul3A_624 = arith.constant 32 : i32
        %mul3A_625 = arith.muli %add3A_623, %mul3A_624 : i32
        %add3A_626 = arith.constant 0 : i32
        %add3A_627 = arith.addi %mul3A_625, %add3A_626 : i32
        %get3A_628 = arith.index_cast %add3A_627 : i32 to index
        %get3A_629 = tpu.vector_load %arg6[%get3A_628] {strides = array<i32>} : memref<20000xi32, #tpu.memory_space<vmem>>, vector<16xi32>,
        %get3A_630 = vector.shape_cast %get3A_629 : vector<16xi32> to vector<16xi32>
        %swap3A_631 = arith.constant 1 : i32
        %swap3A_632 = arith.index_cast %swap3A_631 : i32 to index
        %swap3A_633 = arith.constant 0 : index
        %swap3A_634 = tpu.vector_load %arg8[%swap3A_632, %swap3A_633] {strides = array<i32>} : memref<5x32xi32, #tpu.memory_space<vmem>>, vector<1x16xi32>,
        %swap3A_635 = vector.shape_cast %swap3A_634 : vector<1x16xi32> to vector<16xi32>
        %swap3A_636 = vector.shape_cast %get3A_630 : vector<16xi32> to vector<1x16xi32>
        tpu.vector_store %arg8[%swap3A_632, %swap3A_633], %swap3A_636 {strides = array<i32>} : memref<5x32xi32, #tpu.memory_space<vmem>>, vector<1x16xi32>,
        %mul3A_637 = arith.constant 32 : i32
        %mul3A_638 = arith.muli %add3A_623, %mul3A_637 : i32
        %add3A_639 = arith.constant 16 : i32
        %add3A_640 = arith.addi %mul3A_638, %add3A_639 : i32
        %get3A_641 = arith.index_cast %add3A_640 : i32 to index
        %get3A_642 = tpu.vector_load %arg6[%get3A_641] {strides = array<i32>} : memref<20000xi32, #tpu.memory_space<vmem>>, vector<16xi32>,
        %get3A_643 = vector.shape_cast %get3A_642 : vector<16xi32> to vector<16xi32>
        %swap3A_644 = arith.constant 1 : i32
        %swap3A_645 = arith.index_cast %swap3A_644 : i32 to index
        %swap3A_646 = arith.constant 16 : index
        %swap3A_647 = tpu.vector_load %arg8[%swap3A_645, %swap3A_646] {strides = array<i32>} : memref<5x32xi32, #tpu.memory_space<vmem>>, vector<1x16xi32>,
        %swap3A_648 = vector.shape_cast %swap3A_647 : vector<1x16xi32> to vector<16xi32>
        %swap3A_649 = vector.shape_cast %get3A_643 : vector<16xi32> to vector<1x16xi32>
        tpu.vector_store %arg8[%swap3A_645, %swap3A_646], %swap3A_649 {strides = array<i32>} : memref<5x32xi32, #tpu.memory_space<vmem>>, vector<1x16xi32>,
        %dma_start3A_650 = arith.constant 1 : i32
        %dma_start3A_651 = arith.constant 1 : i32
        %dma_start3A_652 = arith.constant 1 : i32
        %dma_start3A_653 = arith.constant 0 : i32
        %dma_start3A_654 = arith.constant 0 : i32
        %dma_start3A_655 = tpu.memref_slice %arg14[%dma_start3A_651, %dma_start3A_653, %dma_start3A_654] : memref<5x32x128xf32, #tpu.memory_space<vmem>> -> memref<1x32x128xf32, #tpu.memory_space<vmem>>
        %dma_start3A_656 = tpu.memref_squeeze %dma_start3A_655 : memref<1x32x128xf32, #tpu.memory_space<vmem>> -> memref<32x128xf32, #tpu.memory_space<vmem>>
        %dma_start3A_657 = arith.constant 0 : i32
        %dma_start3A_658 = tpu.memref_slice %arg8[%dma_start3A_650, %dma_start3A_657] : memref<5x32xi32, #tpu.memory_space<vmem>> -> memref<1x32xi32, #tpu.memory_space<vmem>>
        %dma_start3A_659 = tpu.memref_squeeze %dma_start3A_658 : memref<1x32xi32, #tpu.memory_space<vmem>> -> memref<32xi32, #tpu.memory_space<vmem>>
        %dma_start3A_660 = arith.constant 0 : i32
        %dma_start3A_661 = arith.constant 0 : i32
        %dma_start3A_662 = tpu.memref_slice %arg2[%dma_start3A_660, %dma_start3A_661] : memref<10000x128xf32, #tpu.memory_space<hbm>> -> memref<10000x128xf32, #tpu.memory_space<hbm>>
        %dma_start3A_663 = tpu.memref_slice %arg15[%dma_start3A_652] : memref<5x!tpu.dma_semaphore, #tpu.memory_space<semaphore_mem>> -> memref<1x!tpu.dma_semaphore, #tpu.memory_space<semaphore_mem>>
        %dma_start3A_664 = tpu.memref_squeeze %dma_start3A_663 : memref<1x!tpu.dma_semaphore, #tpu.memory_space<semaphore_mem>> -> memref<!tpu.dma_semaphore, #tpu.memory_space<semaphore_mem>>
        tpu.enqueue_indirect_dma source(%dma_start3A_662 : memref<10000x128xf32, #tpu.memory_space<hbm>>) target(%dma_start3A_656 : memref<32x128xf32, #tpu.memory_space<vmem>>) offsets(%dma_start3A_659 : memref<32xi32, #tpu.memory_space<vmem>>) semaphore(%dma_start3A_664 : memref<!tpu.dma_semaphore, #tpu.memory_space<semaphore_mem>>)
      } else {
      }
      %dma_wait3A_461 = arith.constant 3 : i32
      %dma_wait3A_462 = arith.constant 3 : i32
      %dma_wait3A_463 = arith.constant 3 : i32
      %dma_wait3A_464 = arith.constant 0 : i32
      %dma_wait3A_465 = arith.constant 0 : i32
      %dma_wait3A_466 = tpu.memref_slice %arg14[%dma_wait3A_462, %dma_wait3A_464, %dma_wait3A_465] : memref<5x32x128xf32, #tpu.memory_space<vmem>> -> memref<1x32x128xf32, #tpu.memory_space<vmem>>
      %dma_wait3A_467 = tpu.memref_squeeze %dma_wait3A_466 : memref<1x32x128xf32, #tpu.memory_space<vmem>> -> memref<32x128xf32, #tpu.memory_space<vmem>>
      %dma_wait3A_468 = arith.constant 0 : i32
      %dma_wait3A_469 = tpu.memref_slice %arg8[%dma_wait3A_461, %dma_wait3A_468] : memref<5x32xi32, #tpu.memory_space<vmem>> -> memref<1x32xi32, #tpu.memory_space<vmem>>
      %dma_wait3A_470 = tpu.memref_squeeze %dma_wait3A_469 : memref<1x32xi32, #tpu.memory_space<vmem>> -> memref<32xi32, #tpu.memory_space<vmem>>
      %dma_wait3A_471 = arith.constant 0 : i32
      %dma_wait3A_472 = arith.constant 0 : i32
      %dma_wait3A_473 = tpu.memref_slice %arg2[%dma_wait3A_471, %dma_wait3A_472] : memref<10000x128xf32, #tpu.memory_space<hbm>> -> memref<10000x128xf32, #tpu.memory_space<hbm>>
      %dma_wait3A_474 = tpu.memref_slice %arg15[%dma_wait3A_463] : memref<5x!tpu.dma_semaphore, #tpu.memory_space<semaphore_mem>> -> memref<1x!tpu.dma_semaphore, #tpu.memory_space<semaphore_mem>>
      %dma_wait3A_475 = tpu.memref_squeeze %dma_wait3A_474 : memref<1x!tpu.dma_semaphore, #tpu.memory_space<semaphore_mem>> -> memref<!tpu.dma_semaphore, #tpu.memory_space<semaphore_mem>>
      tpu.wait_indirect_dma semaphore(%dma_wait3A_475 : memref<!tpu.dma_semaphore, #tpu.memory_space<semaphore_mem>>) src(%dma_wait3A_473 : memref<10000x128xf32, #tpu.memory_space<hbm>>) dst(%dma_wait3A_467 : memref<32x128xf32, #tpu.memory_space<vmem>>)
      %mul3A_476 = arith.constant 32 : i32
      %mul3A_477 = arith.muli %add3A_453, %mul3A_476 : i32
      %add3A_478 = arith.constant 0 : i32
      %add3A_479 = arith.addi %mul3A_477, %add3A_478 : i32
      %get3A_480 = arith.index_cast %add3A_479 : i32 to index
      %get3A_481 = tpu.vector_load %arg7[%get3A_480] {strides = array<i32>} : memref<20000xi32, #tpu.memory_space<vmem>>, vector<16xi32>,
      %get3A_482 = vector.shape_cast %get3A_481 : vector<16xi32> to vector<16xi32>
      %ge3A_483 = vector.broadcast %mul3A_0 : i32 to vector<16xi32>
      %ge3A_484 = arith.cmpi sge, %get3A_482, %ge3A_483 : vector<16xi32>
      %add3A_485 = arith.constant 5000 : i32
      %add3A_486 = arith.addi %mul3A_0, %add3A_485 : i32
      %lt3A_487 = vector.broadcast %add3A_486 : i32 to vector<16xi32>
      %lt3A_488 = arith.cmpi slt, %get3A_482, %lt3A_487 : vector<16xi32>
      %and3A_489 = arith.andi %ge3A_484, %lt3A_488 : vector<16xi1>
      %sub3A_490 = vector.broadcast %mul3A_0 : i32 to vector<16xi32>
      %sub3A_491 = arith.subi %get3A_482, %sub3A_490 : vector<16xi32>
      %jit3A_492 = arith.constant 5000 : i32
      %broadcast_in_dim3A_493 = vector.broadcast %jit3A_492 : i32 to vector<16xi32>
      %select_n3A_494 = arith.select %and3A_489, %sub3A_491, %broadcast_in_dim3A_493 : vector<16xi1>, vector<16xi32>
      %swap3A_495 = arith.constant 0 : index
      %swap3A_496 = tpu.vector_load %arg12[%swap3A_495] {strides = array<i32>} : memref<32xi32, #tpu.memory_space<vmem>>, vector<16xi32>,
      %swap3A_497 = vector.shape_cast %swap3A_496 : vector<16xi32> to vector<16xi32>
      %swap3A_498 = vector.shape_cast %select_n3A_494 : vector<16xi32> to vector<16xi32>
      tpu.vector_store %arg12[%swap3A_495], %swap3A_498 {strides = array<i32>} : memref<32xi32, #tpu.memory_space<vmem>>, vector<16xi32>,
      %mul3A_499 = arith.constant 32 : i32
      %mul3A_500 = arith.muli %add3A_453, %mul3A_499 : i32
      %add3A_501 = arith.constant 16 : i32
      %add3A_502 = arith.addi %mul3A_500, %add3A_501 : i32
      %get3A_503 = arith.index_cast %add3A_502 : i32 to index
      %get3A_504 = tpu.vector_load %arg7[%get3A_503] {strides = array<i32>} : memref<20000xi32, #tpu.memory_space<vmem>>, vector<16xi32>,
      %get3A_505 = vector.shape_cast %get3A_504 : vector<16xi32> to vector<16xi32>
      %ge3A_506 = vector.broadcast %mul3A_0 : i32 to vector<16xi32>
      %ge3A_507 = arith.cmpi sge, %get3A_505, %ge3A_506 : vector<16xi32>
      %add3A_508 = arith.constant 5000 : i32
      %add3A_509 = arith.addi %mul3A_0, %add3A_508 : i32
      %lt3A_510 = vector.broadcast %add3A_509 : i32 to vector<16xi32>
      %lt3A_511 = arith.cmpi slt, %get3A_505, %lt3A_510 : vector<16xi32>
      %and3A_512 = arith.andi %ge3A_507, %lt3A_511 : vector<16xi1>
      %sub3A_513 = vector.broadcast %mul3A_0 : i32 to vector<16xi32>
      %sub3A_514 = arith.subi %get3A_505, %sub3A_513 : vector<16xi32>
      %jit3A_515 = arith.constant 5000 : i32
      %broadcast_in_dim3A_516 = vector.broadcast %jit3A_515 : i32 to vector<16xi32>
      %select_n3A_517 = arith.select %and3A_512, %sub3A_514, %broadcast_in_dim3A_516 : vector<16xi1>, vector<16xi32>
      %swap3A_518 = arith.constant 16 : index
      %swap3A_519 = tpu.vector_load %arg12[%swap3A_518] {strides = array<i32>} : memref<32xi32, #tpu.memory_space<vmem>>, vector<16xi32>,
      %swap3A_520 = vector.shape_cast %swap3A_519 : vector<16xi32> to vector<16xi32>
      %swap3A_521 = vector.shape_cast %select_n3A_517 : vector<16xi32> to vector<16xi32>
      tpu.vector_store %arg12[%swap3A_518], %swap3A_521 {strides = array<i32>} : memref<32xi32, #tpu.memory_space<vmem>>, vector<16xi32>,
      %dma_start3A_522 = arith.constant 3 : i32
      %dma_start3A_523 = arith.constant 3 : i32
      %dma_start3A_524 = arith.constant 0 : i32
      %dma_start3A_525 = arith.constant 0 : i32
      %dma_start3A_526 = tpu.memref_slice %arg14[%dma_start3A_522, %dma_start3A_524, %dma_start3A_525] : memref<5x32x128xf32, #tpu.memory_space<vmem>> -> memref<1x32x128xf32, #tpu.memory_space<vmem>>
      %dma_start3A_527 = tpu.memref_squeeze %dma_start3A_526 : memref<1x32x128xf32, #tpu.memory_space<vmem>> -> memref<32x128xf32, #tpu.memory_space<vmem>>
      %dma_start3A_528 = arith.constant 0 : i32
      %dma_start3A_529 = arith.constant 0 : i32
      %dma_start3A_530 = tpu.memref_slice %arg17[%dma_start3A_528, %dma_start3A_529] : memref<5008x128xf32, #tpu.memory_space<vmem_shared>> -> memref<5008x128xf32, #tpu.memory_space<vmem_shared>>
      %dma_start3A_531 = tpu.memref_slice %arg16[%dma_start3A_523] : memref<5x!tpu.dma_semaphore, #tpu.memory_space<semaphore_mem>> -> memref<1x!tpu.dma_semaphore, #tpu.memory_space<semaphore_mem>>
      %dma_start3A_532 = tpu.memref_squeeze %dma_start3A_531 : memref<1x!tpu.dma_semaphore, #tpu.memory_space<semaphore_mem>> -> memref<!tpu.dma_semaphore, #tpu.memory_space<semaphore_mem>>
      tpu.enqueue_indirect_dma source(%dma_start3A_527 : memref<32x128xf32, #tpu.memory_space<vmem>>) target(%dma_start3A_530 : memref<5008x128xf32, #tpu.memory_space<vmem_shared>>) offsets(%arg12 : memref<32xi32, #tpu.memory_space<vmem>>) semaphore(%dma_start3A_532 : memref<!tpu.dma_semaphore, #tpu.memory_space<semaphore_mem>>) {add = true}
      %mul3A_533 = arith.constant 5 : i32
      %mul3A_534 = arith.muli %scan3A_205, %mul3A_533 : i32
      %add3A_535 = arith.constant 4 : i32
      %add3A_536 = arith.addi %mul3A_534, %add3A_535 : i32
      %add3A_537 = arith.constant 3 : i32
      %add3A_538 = arith.addi %add3A_536, %add3A_537 : i32
      %lt3A_539 = arith.constant 625 : i32
      %lt3A_540 = arith.cmpi slt, %add3A_538, %lt3A_539 : i32
      %convert_element_type3A_541 = arith.extui %lt3A_540 : i1 to i32
      %cond3A_542 = arith.constant 0 : i32
      %cond3A_543 = arith.cmpi ne, %convert_element_type3A_541, %cond3A_542 : i32
      scf.if %cond3A_543 {
        %ge3A_617 = arith.constant 2 : i32
        %ge3A_618 = arith.cmpi sge, %add3A_536, %ge3A_617 : i32
        %convert_element_type3A_619 = arith.extui %ge3A_618 : i1 to i32
        %cond3A_620 = arith.constant 0 : i32
        %cond3A_621 = arith.cmpi ne, %convert_element_type3A_619, %cond3A_620 : i32
        scf.if %cond3A_621 {
          %dma_wait3A_665 = arith.constant 2 : i32
          %dma_wait3A_666 = arith.constant 2 : i32
          %dma_wait3A_667 = arith.constant 0 : i32
          %dma_wait3A_668 = arith.constant 0 : i32
          %dma_wait3A_669 = tpu.memref_slice %arg14[%dma_wait3A_665, %dma_wait3A_667, %dma_wait3A_668] : memref<5x32x128xf32, #tpu.memory_space<vmem>> -> memref<1x32x128xf32, #tpu.memory_space<vmem>>
          %dma_wait3A_670 = tpu.memref_squeeze %dma_wait3A_669 : memref<1x32x128xf32, #tpu.memory_space<vmem>> -> memref<32x128xf32, #tpu.memory_space<vmem>>
          %dma_wait3A_671 = arith.constant 0 : i32
          %dma_wait3A_672 = arith.constant 0 : i32
          %dma_wait3A_673 = tpu.memref_slice %arg17[%dma_wait3A_671, %dma_wait3A_672] : memref<5008x128xf32, #tpu.memory_space<vmem_shared>> -> memref<5008x128xf32, #tpu.memory_space<vmem_shared>>
          %dma_wait3A_674 = tpu.memref_slice %arg16[%dma_wait3A_666] : memref<5x!tpu.dma_semaphore, #tpu.memory_space<semaphore_mem>> -> memref<1x!tpu.dma_semaphore, #tpu.memory_space<semaphore_mem>>
          %dma_wait3A_675 = tpu.memref_squeeze %dma_wait3A_674 : memref<1x!tpu.dma_semaphore, #tpu.memory_space<semaphore_mem>> -> memref<!tpu.dma_semaphore, #tpu.memory_space<semaphore_mem>>
          tpu.wait_indirect_dma semaphore(%dma_wait3A_675 : memref<!tpu.dma_semaphore, #tpu.memory_space<semaphore_mem>>) src(%dma_wait3A_670 : memref<32x128xf32, #tpu.memory_space<vmem>>) dst(%dma_wait3A_673 : memref<5008x128xf32, #tpu.memory_space<vmem_shared>>)
        } else {
        }
        %add3A_622 = arith.constant 3 : i32
        %add3A_623 = arith.addi %add3A_536, %add3A_622 : i32
        %mul3A_624 = arith.constant 32 : i32
        %mul3A_625 = arith.muli %add3A_623, %mul3A_624 : i32
        %add3A_626 = arith.constant 0 : i32
        %add3A_627 = arith.addi %mul3A_625, %add3A_626 : i32
        %get3A_628 = arith.index_cast %add3A_627 : i32 to index
        %get3A_629 = tpu.vector_load %arg6[%get3A_628] {strides = array<i32>} : memref<20000xi32, #tpu.memory_space<vmem>>, vector<16xi32>,
        %get3A_630 = vector.shape_cast %get3A_629 : vector<16xi32> to vector<16xi32>
        %swap3A_631 = arith.constant 2 : i32
        %swap3A_632 = arith.index_cast %swap3A_631 : i32 to index
        %swap3A_633 = arith.constant 0 : index
        %swap3A_634 = tpu.vector_load %arg8[%swap3A_632, %swap3A_633] {strides = array<i32>} : memref<5x32xi32, #tpu.memory_space<vmem>>, vector<1x16xi32>,
        %swap3A_635 = vector.shape_cast %swap3A_634 : vector<1x16xi32> to vector<16xi32>
        %swap3A_636 = vector.shape_cast %get3A_630 : vector<16xi32> to vector<1x16xi32>
        tpu.vector_store %arg8[%swap3A_632, %swap3A_633], %swap3A_636 {strides = array<i32>} : memref<5x32xi32, #tpu.memory_space<vmem>>, vector<1x16xi32>,
        %mul3A_637 = arith.constant 32 : i32
        %mul3A_638 = arith.muli %add3A_623, %mul3A_637 : i32
        %add3A_639 = arith.constant 16 : i32
        %add3A_640 = arith.addi %mul3A_638, %add3A_639 : i32
        %get3A_641 = arith.index_cast %add3A_640 : i32 to index
        %get3A_642 = tpu.vector_load %arg6[%get3A_641] {strides = array<i32>} : memref<20000xi32, #tpu.memory_space<vmem>>, vector<16xi32>,
        %get3A_643 = vector.shape_cast %get3A_642 : vector<16xi32> to vector<16xi32>
        %swap3A_644 = arith.constant 2 : i32
        %swap3A_645 = arith.index_cast %swap3A_644 : i32 to index
        %swap3A_646 = arith.constant 16 : index
        %swap3A_647 = tpu.vector_load %arg8[%swap3A_645, %swap3A_646] {strides = array<i32>} : memref<5x32xi32, #tpu.memory_space<vmem>>, vector<1x16xi32>,
        %swap3A_648 = vector.shape_cast %swap3A_647 : vector<1x16xi32> to vector<16xi32>
        %swap3A_649 = vector.shape_cast %get3A_643 : vector<16xi32> to vector<1x16xi32>
        tpu.vector_store %arg8[%swap3A_645, %swap3A_646], %swap3A_649 {strides = array<i32>} : memref<5x32xi32, #tpu.memory_space<vmem>>, vector<1x16xi32>,
        %dma_start3A_650 = arith.constant 2 : i32
        %dma_start3A_651 = arith.constant 2 : i32
        %dma_start3A_652 = arith.constant 2 : i32
        %dma_start3A_653 = arith.constant 0 : i32
        %dma_start3A_654 = arith.constant 0 : i32
        %dma_start3A_655 = tpu.memref_slice %arg14[%dma_start3A_651, %dma_start3A_653, %dma_start3A_654] : memref<5x32x128xf32, #tpu.memory_space<vmem>> -> memref<1x32x128xf32, #tpu.memory_space<vmem>>
        %dma_start3A_656 = tpu.memref_squeeze %dma_start3A_655 : memref<1x32x128xf32, #tpu.memory_space<vmem>> -> memref<32x128xf32, #tpu.memory_space<vmem>>
        %dma_start3A_657 = arith.constant 0 : i32
        %dma_start3A_658 = tpu.memref_slice %arg8[%dma_start3A_650, %dma_start3A_657] : memref<5x32xi32, #tpu.memory_space<vmem>> -> memref<1x32xi32, #tpu.memory_space<vmem>>
        %dma_start3A_659 = tpu.memref_squeeze %dma_start3A_658 : memref<1x32xi32, #tpu.memory_space<vmem>> -> memref<32xi32, #tpu.memory_space<vmem>>
        %dma_start3A_660 = arith.constant 0 : i32
        %dma_start3A_661 = arith.constant 0 : i32
        %dma_start3A_662 = tpu.memref_slice %arg2[%dma_start3A_660, %dma_start3A_661] : memref<10000x128xf32, #tpu.memory_space<hbm>> -> memref<10000x128xf32, #tpu.memory_space<hbm>>
        %dma_start3A_663 = tpu.memref_slice %arg15[%dma_start3A_652] : memref<5x!tpu.dma_semaphore, #tpu.memory_space<semaphore_mem>> -> memref<1x!tpu.dma_semaphore, #tpu.memory_space<semaphore_mem>>
        %dma_start3A_664 = tpu.memref_squeeze %dma_start3A_663 : memref<1x!tpu.dma_semaphore, #tpu.memory_space<semaphore_mem>> -> memref<!tpu.dma_semaphore, #tpu.memory_space<semaphore_mem>>
        tpu.enqueue_indirect_dma source(%dma_start3A_662 : memref<10000x128xf32, #tpu.memory_space<hbm>>) target(%dma_start3A_656 : memref<32x128xf32, #tpu.memory_space<vmem>>) offsets(%dma_start3A_659 : memref<32xi32, #tpu.memory_space<vmem>>) semaphore(%dma_start3A_664 : memref<!tpu.dma_semaphore, #tpu.memory_space<semaphore_mem>>)
      } else {
      }
      %dma_wait3A_544 = arith.constant 4 : i32
      %dma_wait3A_545 = arith.constant 4 : i32
      %dma_wait3A_546 = arith.constant 4 : i32
      %dma_wait3A_547 = arith.constant 0 : i32
      %dma_wait3A_548 = arith.constant 0 : i32
      %dma_wait3A_549 = tpu.memref_slice %arg14[%dma_wait3A_545, %dma_wait3A_547, %dma_wait3A_548] : memref<5x32x128xf32, #tpu.memory_space<vmem>> -> memref<1x32x128xf32, #tpu.memory_space<vmem>>
      %dma_wait3A_550 = tpu.memref_squeeze %dma_wait3A_549 : memref<1x32x128xf32, #tpu.memory_space<vmem>> -> memref<32x128xf32, #tpu.memory_space<vmem>>
      %dma_wait3A_551 = arith.constant 0 : i32
      %dma_wait3A_552 = tpu.memref_slice %arg8[%dma_wait3A_544, %dma_wait3A_551] : memref<5x32xi32, #tpu.memory_space<vmem>> -> memref<1x32xi32, #tpu.memory_space<vmem>>
      %dma_wait3A_553 = tpu.memref_squeeze %dma_wait3A_552 : memref<1x32xi32, #tpu.memory_space<vmem>> -> memref<32xi32, #tpu.memory_space<vmem>>
      %dma_wait3A_554 = arith.constant 0 : i32
      %dma_wait3A_555 = arith.constant 0 : i32
      %dma_wait3A_556 = tpu.memref_slice %arg2[%dma_wait3A_554, %dma_wait3A_555] : memref<10000x128xf32, #tpu.memory_space<hbm>> -> memref<10000x128xf32, #tpu.memory_space<hbm>>
      %dma_wait3A_557 = tpu.memref_slice %arg15[%dma_wait3A_546] : memref<5x!tpu.dma_semaphore, #tpu.memory_space<semaphore_mem>> -> memref<1x!tpu.dma_semaphore, #tpu.memory_space<semaphore_mem>>
      %dma_wait3A_558 = tpu.memref_squeeze %dma_wait3A_557 : memref<1x!tpu.dma_semaphore, #tpu.memory_space<semaphore_mem>> -> memref<!tpu.dma_semaphore, #tpu.memory_space<semaphore_mem>>
      tpu.wait_indirect_dma semaphore(%dma_wait3A_558 : memref<!tpu.dma_semaphore, #tpu.memory_space<semaphore_mem>>) src(%dma_wait3A_556 : memref<10000x128xf32, #tpu.memory_space<hbm>>) dst(%dma_wait3A_550 : memref<32x128xf32, #tpu.memory_space<vmem>>)
      %mul3A_559 = arith.constant 32 : i32
      %mul3A_560 = arith.muli %add3A_536, %mul3A_559 : i32
      %add3A_561 = arith.constant 0 : i32
      %add3A_562 = arith.addi %mul3A_560, %add3A_561 : i32
      %get3A_563 = arith.index_cast %add3A_562 : i32 to index
      %get3A_564 = tpu.vector_load %arg7[%get3A_563] {strides = array<i32>} : memref<20000xi32, #tpu.memory_space<vmem>>, vector<16xi32>,
      %get3A_565 = vector.shape_cast %get3A_564 : vector<16xi32> to vector<16xi32>
      %ge3A_566 = vector.broadcast %mul3A_0 : i32 to vector<16xi32>
      %ge3A_567 = arith.cmpi sge, %get3A_565, %ge3A_566 : vector<16xi32>
      %add3A_568 = arith.constant 5000 : i32
      %add3A_569 = arith.addi %mul3A_0, %add3A_568 : i32
      %lt3A_570 = vector.broadcast %add3A_569 : i32 to vector<16xi32>
      %lt3A_571 = arith.cmpi slt, %get3A_565, %lt3A_570 : vector<16xi32>
      %and3A_572 = arith.andi %ge3A_567, %lt3A_571 : vector<16xi1>
      %sub3A_573 = vector.broadcast %mul3A_0 : i32 to vector<16xi32>
      %sub3A_574 = arith.subi %get3A_565, %sub3A_573 : vector<16xi32>
      %jit3A_575 = arith.constant 5000 : i32
      %broadcast_in_dim3A_576 = vector.broadcast %jit3A_575 : i32 to vector<16xi32>
      %select_n3A_577 = arith.select %and3A_572, %sub3A_574, %broadcast_in_dim3A_576 : vector<16xi1>, vector<16xi32>
      %swap3A_578 = arith.constant 0 : index
      %swap3A_579 = tpu.vector_load %arg13[%swap3A_578] {strides = array<i32>} : memref<32xi32, #tpu.memory_space<vmem>>, vector<16xi32>,
      %swap3A_580 = vector.shape_cast %swap3A_579 : vector<16xi32> to vector<16xi32>
      %swap3A_581 = vector.shape_cast %select_n3A_577 : vector<16xi32> to vector<16xi32>
      tpu.vector_store %arg13[%swap3A_578], %swap3A_581 {strides = array<i32>} : memref<32xi32, #tpu.memory_space<vmem>>, vector<16xi32>,
      %mul3A_582 = arith.constant 32 : i32
      %mul3A_583 = arith.muli %add3A_536, %mul3A_582 : i32
      %add3A_584 = arith.constant 16 : i32
      %add3A_585 = arith.addi %mul3A_583, %add3A_584 : i32
      %get3A_586 = arith.index_cast %add3A_585 : i32 to index
      %get3A_587 = tpu.vector_load %arg7[%get3A_586] {strides = array<i32>} : memref<20000xi32, #tpu.memory_space<vmem>>, vector<16xi32>,
      %get3A_588 = vector.shape_cast %get3A_587 : vector<16xi32> to vector<16xi32>
      %ge3A_589 = vector.broadcast %mul3A_0 : i32 to vector<16xi32>
      %ge3A_590 = arith.cmpi sge, %get3A_588, %ge3A_589 : vector<16xi32>
      %add3A_591 = arith.constant 5000 : i32
      %add3A_592 = arith.addi %mul3A_0, %add3A_591 : i32
      %lt3A_593 = vector.broadcast %add3A_592 : i32 to vector<16xi32>
      %lt3A_594 = arith.cmpi slt, %get3A_588, %lt3A_593 : vector<16xi32>
      %and3A_595 = arith.andi %ge3A_590, %lt3A_594 : vector<16xi1>
      %sub3A_596 = vector.broadcast %mul3A_0 : i32 to vector<16xi32>
      %sub3A_597 = arith.subi %get3A_588, %sub3A_596 : vector<16xi32>
      %jit3A_598 = arith.constant 5000 : i32
      %broadcast_in_dim3A_599 = vector.broadcast %jit3A_598 : i32 to vector<16xi32>
      %select_n3A_600 = arith.select %and3A_595, %sub3A_597, %broadcast_in_dim3A_599 : vector<16xi1>, vector<16xi32>
      %swap3A_601 = arith.constant 16 : index
      %swap3A_602 = tpu.vector_load %arg13[%swap3A_601] {strides = array<i32>} : memref<32xi32, #tpu.memory_space<vmem>>, vector<16xi32>,
      %swap3A_603 = vector.shape_cast %swap3A_602 : vector<16xi32> to vector<16xi32>
      %swap3A_604 = vector.shape_cast %select_n3A_600 : vector<16xi32> to vector<16xi32>
      tpu.vector_store %arg13[%swap3A_601], %swap3A_604 {strides = array<i32>} : memref<32xi32, #tpu.memory_space<vmem>>, vector<16xi32>,
      %dma_start3A_605 = arith.constant 4 : i32
      %dma_start3A_606 = arith.constant 4 : i32
      %dma_start3A_607 = arith.constant 0 : i32
      %dma_start3A_608 = arith.constant 0 : i32
      %dma_start3A_609 = tpu.memref_slice %arg14[%dma_start3A_605, %dma_start3A_607, %dma_start3A_608] : memref<5x32x128xf32, #tpu.memory_space<vmem>> -> memref<1x32x128xf32, #tpu.memory_space<vmem>>
      %dma_start3A_610 = tpu.memref_squeeze %dma_start3A_609 : memref<1x32x128xf32, #tpu.memory_space<vmem>> -> memref<32x128xf32, #tpu.memory_space<vmem>>
      %dma_start3A_611 = arith.constant 0 : i32
      %dma_start3A_612 = arith.constant 0 : i32
      %dma_start3A_613 = tpu.memref_slice %arg17[%dma_start3A_611, %dma_start3A_612] : memref<5008x128xf32, #tpu.memory_space<vmem_shared>> -> memref<5008x128xf32, #tpu.memory_space<vmem_shared>>
      %dma_start3A_614 = tpu.memref_slice %arg16[%dma_start3A_606] : memref<5x!tpu.dma_semaphore, #tpu.memory_space<semaphore_mem>> -> memref<1x!tpu.dma_semaphore, #tpu.memory_space<semaphore_mem>>
      %dma_start3A_615 = tpu.memref_squeeze %dma_start3A_614 : memref<1x!tpu.dma_semaphore, #tpu.memory_space<semaphore_mem>> -> memref<!tpu.dma_semaphore, #tpu.memory_space<semaphore_mem>>
      tpu.enqueue_indirect_dma source(%dma_start3A_610 : memref<32x128xf32, #tpu.memory_space<vmem>>) target(%dma_start3A_613 : memref<5008x128xf32, #tpu.memory_space<vmem_shared>>) offsets(%arg13 : memref<32xi32, #tpu.memory_space<vmem>>) semaphore(%dma_start3A_615 : memref<!tpu.dma_semaphore, #tpu.memory_space<semaphore_mem>>) {add = true}
      %scan3A_616 = arith.constant 0 : i32
      scf.yield %scan3A_616 : i32
    }
    %scan3A_139 = arith.constant 125 : i32
    %dma_wait3A = arith.constant 0 : i32
    %dma_wait3A_140 = arith.constant 0 : i32
    %dma_wait3A_141 = arith.constant 0 : i32
    %dma_wait3A_142 = arith.constant 0 : i32
    %dma_wait3A_143 = tpu.memref_slice %arg14[%dma_wait3A, %dma_wait3A_141, %dma_wait3A_142] : memref<5x32x128xf32, #tpu.memory_space<vmem>> -> memref<1x32x128xf32, #tpu.memory_space<vmem>>
    %dma_wait3A_144 = tpu.memref_squeeze %dma_wait3A_143 : memref<1x32x128xf32, #tpu.memory_space<vmem>> -> memref<32x128xf32, #tpu.memory_space<vmem>>
    %dma_wait3A_145 = arith.constant 0 : i32
    %dma_wait3A_146 = arith.constant 0 : i32
    %dma_wait3A_147 = tpu.memref_slice %arg17[%dma_wait3A_145, %dma_wait3A_146] : memref<5008x128xf32, #tpu.memory_space<vmem_shared>> -> memref<5008x128xf32, #tpu.memory_space<vmem_shared>>
    %dma_wait3A_148 = tpu.memref_slice %arg16[%dma_wait3A_140] : memref<5x!tpu.dma_semaphore, #tpu.memory_space<semaphore_mem>> -> memref<1x!tpu.dma_semaphore, #tpu.memory_space<semaphore_mem>>
    %dma_wait3A_149 = tpu.memref_squeeze %dma_wait3A_148 : memref<1x!tpu.dma_semaphore, #tpu.memory_space<semaphore_mem>> -> memref<!tpu.dma_semaphore, #tpu.memory_space<semaphore_mem>>
    tpu.wait_indirect_dma semaphore(%dma_wait3A_149 : memref<!tpu.dma_semaphore, #tpu.memory_space<semaphore_mem>>) src(%dma_wait3A_144 : memref<32x128xf32, #tpu.memory_space<vmem>>) dst(%dma_wait3A_147 : memref<5008x128xf32, #tpu.memory_space<vmem_shared>>)
    %dma_wait3A_150 = arith.constant 1 : i32
    %dma_wait3A_151 = arith.constant 1 : i32
    %dma_wait3A_152 = arith.constant 0 : i32
    %dma_wait3A_153 = arith.constant 0 : i32
    %dma_wait3A_154 = tpu.memref_slice %arg14[%dma_wait3A_150, %dma_wait3A_152, %dma_wait3A_153] : memref<5x32x128xf32, #tpu.memory_space<vmem>> -> memref<1x32x128xf32, #tpu.memory_space<vmem>>
    %dma_wait3A_155 = tpu.memref_squeeze %dma_wait3A_154 : memref<1x32x128xf32, #tpu.memory_space<vmem>> -> memref<32x128xf32, #tpu.memory_space<vmem>>
    %dma_wait3A_156 = arith.constant 0 : i32
    %dma_wait3A_157 = arith.constant 0 : i32
    %dma_wait3A_158 = tpu.memref_slice %arg17[%dma_wait3A_156, %dma_wait3A_157] : memref<5008x128xf32, #tpu.memory_space<vmem_shared>> -> memref<5008x128xf32, #tpu.memory_space<vmem_shared>>
    %dma_wait3A_159 = tpu.memref_slice %arg16[%dma_wait3A_151] : memref<5x!tpu.dma_semaphore, #tpu.memory_space<semaphore_mem>> -> memref<1x!tpu.dma_semaphore, #tpu.memory_space<semaphore_mem>>
    %dma_wait3A_160 = tpu.memref_squeeze %dma_wait3A_159 : memref<1x!tpu.dma_semaphore, #tpu.memory_space<semaphore_mem>> -> memref<!tpu.dma_semaphore, #tpu.memory_space<semaphore_mem>>
    tpu.wait_indirect_dma semaphore(%dma_wait3A_160 : memref<!tpu.dma_semaphore, #tpu.memory_space<semaphore_mem>>) src(%dma_wait3A_155 : memref<32x128xf32, #tpu.memory_space<vmem>>) dst(%dma_wait3A_158 : memref<5008x128xf32, #tpu.memory_space<vmem_shared>>)
    %dma_wait3A_161 = arith.constant 2 : i32
    %dma_wait3A_162 = arith.constant 2 : i32
    %dma_wait3A_163 = arith.constant 0 : i32
    %dma_wait3A_164 = arith.constant 0 : i32
    %dma_wait3A_165 = tpu.memref_slice %arg14[%dma_wait3A_161, %dma_wait3A_163, %dma_wait3A_164] : memref<5x32x128xf32, #tpu.memory_space<vmem>> -> memref<1x32x128xf32, #tpu.memory_space<vmem>>
    %dma_wait3A_166 = tpu.memref_squeeze %dma_wait3A_165 : memref<1x32x128xf32, #tpu.memory_space<vmem>> -> memref<32x128xf32, #tpu.memory_space<vmem>>
    %dma_wait3A_167 = arith.constant 0 : i32
    %dma_wait3A_168 = arith.constant 0 : i32
    %dma_wait3A_169 = tpu.memref_slice %arg17[%dma_wait3A_167, %dma_wait3A_168] : memref<5008x128xf32, #tpu.memory_space<vmem_shared>> -> memref<5008x128xf32, #tpu.memory_space<vmem_shared>>
    %dma_wait3A_170 = tpu.memref_slice %arg16[%dma_wait3A_162] : memref<5x!tpu.dma_semaphore, #tpu.memory_space<semaphore_mem>> -> memref<1x!tpu.dma_semaphore, #tpu.memory_space<semaphore_mem>>
    %dma_wait3A_171 = tpu.memref_squeeze %dma_wait3A_170 : memref<1x!tpu.dma_semaphore, #tpu.memory_space<semaphore_mem>> -> memref<!tpu.dma_semaphore, #tpu.memory_space<semaphore_mem>>
    tpu.wait_indirect_dma semaphore(%dma_wait3A_171 : memref<!tpu.dma_semaphore, #tpu.memory_space<semaphore_mem>>) src(%dma_wait3A_166 : memref<32x128xf32, #tpu.memory_space<vmem>>) dst(%dma_wait3A_169 : memref<5008x128xf32, #tpu.memory_space<vmem_shared>>)
    %dma_wait3A_172 = arith.constant 3 : i32
    %dma_wait3A_173 = arith.constant 3 : i32
    %dma_wait3A_174 = arith.constant 0 : i32
    %dma_wait3A_175 = arith.constant 0 : i32
    %dma_wait3A_176 = tpu.memref_slice %arg14[%dma_wait3A_172, %dma_wait3A_174, %dma_wait3A_175] : memref<5x32x128xf32, #tpu.memory_space<vmem>> -> memref<1x32x128xf32, #tpu.memory_space<vmem>>
    %dma_wait3A_177 = tpu.memref_squeeze %dma_wait3A_176 : memref<1x32x128xf32, #tpu.memory_space<vmem>> -> memref<32x128xf32, #tpu.memory_space<vmem>>
    %dma_wait3A_178 = arith.constant 0 : i32
    %dma_wait3A_179 = arith.constant 0 : i32
    %dma_wait3A_180 = tpu.memref_slice %arg17[%dma_wait3A_178, %dma_wait3A_179] : memref<5008x128xf32, #tpu.memory_space<vmem_shared>> -> memref<5008x128xf32, #tpu.memory_space<vmem_shared>>
    %dma_wait3A_181 = tpu.memref_slice %arg16[%dma_wait3A_173] : memref<5x!tpu.dma_semaphore, #tpu.memory_space<semaphore_mem>> -> memref<1x!tpu.dma_semaphore, #tpu.memory_space<semaphore_mem>>
    %dma_wait3A_182 = tpu.memref_squeeze %dma_wait3A_181 : memref<1x!tpu.dma_semaphore, #tpu.memory_space<semaphore_mem>> -> memref<!tpu.dma_semaphore, #tpu.memory_space<semaphore_mem>>
    tpu.wait_indirect_dma semaphore(%dma_wait3A_182 : memref<!tpu.dma_semaphore, #tpu.memory_space<semaphore_mem>>) src(%dma_wait3A_177 : memref<32x128xf32, #tpu.memory_space<vmem>>) dst(%dma_wait3A_180 : memref<5008x128xf32, #tpu.memory_space<vmem_shared>>)
    %dma_wait3A_183 = arith.constant 4 : i32
    %dma_wait3A_184 = arith.constant 4 : i32
    %dma_wait3A_185 = arith.constant 0 : i32
    %dma_wait3A_186 = arith.constant 0 : i32
    %dma_wait3A_187 = tpu.memref_slice %arg14[%dma_wait3A_183, %dma_wait3A_185, %dma_wait3A_186] : memref<5x32x128xf32, #tpu.memory_space<vmem>> -> memref<1x32x128xf32, #tpu.memory_space<vmem>>
    %dma_wait3A_188 = tpu.memref_squeeze %dma_wait3A_187 : memref<1x32x128xf32, #tpu.memory_space<vmem>> -> memref<32x128xf32, #tpu.memory_space<vmem>>
    %dma_wait3A_189 = arith.constant 0 : i32
    %dma_wait3A_190 = arith.constant 0 : i32
    %dma_wait3A_191 = tpu.memref_slice %arg17[%dma_wait3A_189, %dma_wait3A_190] : memref<5008x128xf32, #tpu.memory_space<vmem_shared>> -> memref<5008x128xf32, #tpu.memory_space<vmem_shared>>
    %dma_wait3A_192 = tpu.memref_slice %arg16[%dma_wait3A_184] : memref<5x!tpu.dma_semaphore, #tpu.memory_space<semaphore_mem>> -> memref<1x!tpu.dma_semaphore, #tpu.memory_space<semaphore_mem>>
    %dma_wait3A_193 = tpu.memref_squeeze %dma_wait3A_192 : memref<1x!tpu.dma_semaphore, #tpu.memory_space<semaphore_mem>> -> memref<!tpu.dma_semaphore, #tpu.memory_space<semaphore_mem>>
    tpu.wait_indirect_dma semaphore(%dma_wait3A_193 : memref<!tpu.dma_semaphore, #tpu.memory_space<semaphore_mem>>) src(%dma_wait3A_188 : memref<32x128xf32, #tpu.memory_space<vmem>>) dst(%dma_wait3A_191 : memref<5008x128xf32, #tpu.memory_space<vmem_shared>>)
    %barrier3A_194 = arith.constant 0 : index
    tpu.barrier barrier_id(%barrier3A_194)
    %lt3A_195 = arith.constant 15 : i32
    %lt3A_196 = arith.cmpi slt, %arg1, %lt3A_195 : i32
    %convert_element_type3A_197 = arith.extui %lt3A_196 : i1 to i32
    %cond3A_198 = arith.constant 0 : i32
    %cond3A_199 = arith.cmpi ne, %convert_element_type3A_197, %cond3A_198 : i32
    scf.if %cond3A_199 {
      %add3A_205 = arith.addi %mul3A_0, %mul3A_2 : i32
      "tpu.region"() ({
        %run_scoped3A = tpu.sem_alloc : memref<!tpu.dma_semaphore, #tpu.memory_space<semaphore_mem>>
        %dma_start3A_206 = arith.constant 0 : i32
        %dma_start3A_207 = tpu.memref_slice %arg5[%add3A_205, %dma_start3A_206] : memref<10000x128xf32, #tpu.memory_space<hbm>> -> memref<320x128xf32, #tpu.memory_space<hbm>>
        %dma_start3A_208 = arith.constant 0 : i32
        %dma_start3A_209 = tpu.memref_slice %arg17[%mul3A_2, %dma_start3A_208] : memref<5008x128xf32, #tpu.memory_space<vmem_shared>> -> memref<320x128xf32, #tpu.memory_space<vmem_shared>>
        tpu.enqueue_dma source(%dma_start3A_209 : memref<320x128xf32, #tpu.memory_space<vmem_shared>>) target(%dma_start3A_207 : memref<320x128xf32, #tpu.memory_space<hbm>>) target_semaphore(%run_scoped3A : memref<!tpu.dma_semaphore, #tpu.memory_space<semaphore_mem>>)
        %dma_wait3A_210 = arith.constant 0 : i32
        %dma_wait3A_211 = tpu.memref_slice %arg5[%add3A_205, %dma_wait3A_210] : memref<10000x128xf32, #tpu.memory_space<hbm>> -> memref<320x128xf32, #tpu.memory_space<hbm>>
        %dma_wait3A_212 = arith.constant 0 : i32
        %dma_wait3A_213 = tpu.memref_slice %arg17[%mul3A_2, %dma_wait3A_212] : memref<5008x128xf32, #tpu.memory_space<vmem_shared>> -> memref<320x128xf32, #tpu.memory_space<vmem_shared>>
        tpu.wait_dma2 semaphore(%run_scoped3A : memref<!tpu.dma_semaphore, #tpu.memory_space<semaphore_mem>>) src(%dma_wait3A_213 : memref<320x128xf32, #tpu.memory_space<vmem_shared>>) dst(%dma_wait3A_211 : memref<320x128xf32, #tpu.memory_space<hbm>>)
        tpu.yield
      }) : () -> ()
    } else {
    }
    %eq3A_200 = arith.constant 15 : i32
    %eq3A_201 = arith.cmpi eq, %arg1, %eq3A_200 : i32
    %convert_element_type3A_202 = arith.extui %eq3A_201 : i1 to i32
    %cond3A_203 = arith.constant 0 : i32
    %cond3A_204 = arith.cmpi ne, %convert_element_type3A_202, %cond3A_203 : i32
    scf.if %cond3A_204 {
      %add3A_205 = arith.addi %mul3A_0, %mul3A_2 : i32
      "tpu.region"() ({
        %run_scoped3A = tpu.sem_alloc : memref<!tpu.dma_semaphore, #tpu.memory_space<semaphore_mem>>
        %dma_start3A_206 = arith.constant 0 : i32
        %dma_start3A_207 = tpu.memref_slice %arg5[%add3A_205, %dma_start3A_206] : memref<10000x128xf32, #tpu.memory_space<hbm>> -> memref<200x128xf32, #tpu.memory_space<hbm>>
        %dma_start3A_208 = arith.constant 0 : i32
        %dma_start3A_209 = tpu.memref_slice %arg17[%mul3A_2, %dma_start3A_208] : memref<5008x128xf32, #tpu.memory_space<vmem_shared>> -> memref<200x128xf32, #tpu.memory_space<vmem_shared>>
        tpu.enqueue_dma source(%dma_start3A_209 : memref<200x128xf32, #tpu.memory_space<vmem_shared>>) target(%dma_start3A_207 : memref<200x128xf32, #tpu.memory_space<hbm>>) target_semaphore(%run_scoped3A : memref<!tpu.dma_semaphore, #tpu.memory_space<semaphore_mem>>)
        %dma_wait3A_210 = arith.constant 0 : i32
        %dma_wait3A_211 = tpu.memref_slice %arg5[%add3A_205, %dma_wait3A_210] : memref<10000x128xf32, #tpu.memory_space<hbm>> -> memref<200x128xf32, #tpu.memory_space<hbm>>
        %dma_wait3A_212 = arith.constant 0 : i32
        %dma_wait3A_213 = tpu.memref_slice %arg17[%mul3A_2, %dma_wait3A_212] : memref<5008x128xf32, #tpu.memory_space<vmem_shared>> -> memref<200x128xf32, #tpu.memory_space<vmem_shared>>
        tpu.wait_dma2 semaphore(%run_scoped3A : memref<!tpu.dma_semaphore, #tpu.memory_space<semaphore_mem>>) src(%dma_wait3A_213 : memref<200x128xf32, #tpu.memory_space<vmem_shared>>) dst(%dma_wait3A_211 : memref<200x128xf32, #tpu.memory_space<hbm>>)
        tpu.yield
      }) : () -> ()
    } else {
    }
    return
  }
}

module attributes {stable_mosaic.version = 14 : i64} {
  func.func @_mm1_body(%arg0: i32, %arg1: memref<1000x128xf32, #tpu.memory_space<vmem>>, %arg2: memref<128x128xf32, #tpu.memory_space<vmem>>, %arg3: memref<1000x1xf32, #tpu.memory_space<vmem>>, %arg4: memref<1000x1xf32, #tpu.memory_space<vmem>>, %arg5: memref<1000x128xf32, #tpu.memory_space<vmem>>) attributes {dimension_semantics = [#tpu.dimension_semantics<arbitrary>], iteration_bounds = array<i64: 10>, scalar_prefetch = 0 : i64, scratch_operands = 0 : i64, tpu.core_type = #tpu.core_type<tc>, window_params = [{transform_indices = @transform_0, window_bounds = array<i64: 1000, 128>}, {pipeline_mode = #tpu.pipeline_mode<synchronous>, transform_indices = @transform_1, window_bounds = array<i64: 128, 128>}, {transform_indices = @transform_2, window_bounds = array<i64: 1000, 1>}, {transform_indices = @transform_3, window_bounds = array<i64: 1000, 1>}, {transform_indices = @transform_4, window_bounds = array<i64: 1000, 128>}]} {
    %get3A = arith.constant 0 : index
    %get3A_0 = arith.constant 0 : index
    %get3A_1 = vector.load %arg3[%get3A, %get3A_0] : memref<1000x1xf32, #tpu.memory_space<vmem>>, vector<1000x1xf32>
    %add3A = arith.constant 1.000000e+00 : f32
    %add3A_2 = vector.broadcast %add3A : f32 to vector<1000x1xf32>
    %add3A_3 = arith.addf %add3A_2, %get3A_1 : vector<1000x1xf32>
    %get3A_4 = arith.constant 0 : index
    %get3A_5 = arith.constant 0 : index
    %get3A_6 = vector.load %arg4[%get3A_4, %get3A_5] : memref<1000x1xf32, #tpu.memory_space<vmem>>, vector<1000x1xf32>
    %add3A_7 = arith.addf %add3A_3, %get3A_6 : vector<1000x1xf32>
    %rsqrt3A = math.rsqrt %add3A_7 : vector<1000x1xf32>
    %get3A_8 = arith.constant 0 : index
    %get3A_9 = arith.constant 0 : index
    %get3A_10 = vector.load %arg1[%get3A_8, %get3A_9] : memref<1000x128xf32, #tpu.memory_space<vmem>>, vector<1000x128xf32>
    %get3A_11 = arith.constant 0 : index
    %get3A_12 = arith.constant 0 : index
    %get3A_13 = vector.load %arg2[%get3A_11, %get3A_12] : memref<128x128xf32, #tpu.memory_space<vmem>>, vector<128x128xf32>
    %dot_general3A = arith.constant dense<0.000000e+00> : vector<1000x128xf32>
    %dot_general3A_14 = tpu.matmul %get3A_10, %get3A_13, %dot_general3A {dimension_numbers = #tpu.dot_dimension_numbers<[1], [0], [0], [1], [0, 0, 1, 1], [], []>, transpose_lhs_hint = false} : vector<1000x128xf32>, vector<128x128xf32>, vector<1000x128xf32> -> vector<1000x128xf32>
    %mul3A = vector.broadcast %rsqrt3A : vector<1000x1xf32> to vector<1000x128xf32>
    %mul3A_15 = arith.mulf %dot_general3A_14, %mul3A : vector<1000x128xf32>
    %swap3A = arith.constant 0 : index
    %swap3A_16 = arith.constant 0 : index
    %swap3A_17 = vector.load %arg5[%swap3A, %swap3A_16] : memref<1000x128xf32, #tpu.memory_space<vmem>>, vector<1000x128xf32>
    tpu.vector_store %arg5[%swap3A, %swap3A_16], %mul3A_15 {strides = array<i32>} : memref<1000x128xf32, #tpu.memory_space<vmem>>, vector<1000x128xf32>,
    return
  }
  func.func @transform_0(%arg0: i32) -> (i32, i32) {
    %c0_i32 = arith.constant 0 : i32
    %c0_i32_0 = arith.constant 0 : i32
    return %arg0, %c0_i32 : i32, i32
  }
  func.func @transform_1(%arg0: i32) -> (i32, i32) {
    %c0_i32 = arith.constant 0 : i32
    %c0_i32_0 = arith.constant 0 : i32
    %c0_i32_1 = arith.constant 0 : i32
    return %c0_i32, %c0_i32_0 : i32, i32
  }
  func.func @transform_2(%arg0: i32) -> (i32, i32) {
    %c0_i32 = arith.constant 0 : i32
    %c0_i32_0 = arith.constant 0 : i32
    return %arg0, %c0_i32 : i32, i32
  }
  func.func @transform_3(%arg0: i32) -> (i32, i32) {
    %c0_i32 = arith.constant 0 : i32
    %c0_i32_0 = arith.constant 0 : i32
    return %arg0, %c0_i32 : i32, i32
  }
  func.func @transform_4(%arg0: i32) -> (i32, i32) {
    %c0_i32 = arith.constant 0 : i32
    %c0_i32_0 = arith.constant 0 : i32
    return %arg0, %c0_i32 : i32, i32
  }
}

module attributes {stable_mosaic.version = 14 : i64} {
  func.func @_mid_body(%arg0: i32, %arg1: memref<1000x128xf32, #tpu.memory_space<vmem>>, %arg2: memref<1000x1xf32, #tpu.memory_space<vmem>>, %arg3: memref<1000x1xf32, #tpu.memory_space<vmem>>, %arg4: memref<1x128xf32, #tpu.memory_space<vmem>>, %arg5: memref<128x128xf32, #tpu.memory_space<vmem>>, %arg6: memref<1000x128xf32, #tpu.memory_space<vmem>>) attributes {dimension_semantics = [#tpu.dimension_semantics<arbitrary>], iteration_bounds = array<i64: 10>, scalar_prefetch = 0 : i64, scratch_operands = 0 : i64, tpu.core_type = #tpu.core_type<tc>, window_params = [{transform_indices = @transform_0, window_bounds = array<i64: 1000, 128>}, {transform_indices = @transform_1, window_bounds = array<i64: 1000, 1>}, {transform_indices = @transform_2, window_bounds = array<i64: 1000, 1>}, {pipeline_mode = #tpu.pipeline_mode<synchronous>, transform_indices = @transform_3, window_bounds = array<i64: 1, 128>}, {pipeline_mode = #tpu.pipeline_mode<synchronous>, transform_indices = @transform_4, window_bounds = array<i64: 128, 128>}, {transform_indices = @transform_5, window_bounds = array<i64: 1000, 128>}]} {
    %get3A = arith.constant 0 : index
    %get3A_0 = arith.constant 0 : index
    %get3A_1 = vector.load %arg2[%get3A, %get3A_0] : memref<1000x1xf32, #tpu.memory_space<vmem>>, vector<1000x1xf32>
    %add3A = arith.constant 1.000000e+00 : f32
    %add3A_2 = vector.broadcast %add3A : f32 to vector<1000x1xf32>
    %add3A_3 = arith.addf %add3A_2, %get3A_1 : vector<1000x1xf32>
    %get3A_4 = arith.constant 0 : index
    %get3A_5 = arith.constant 0 : index
    %get3A_6 = vector.load %arg3[%get3A_4, %get3A_5] : memref<1000x1xf32, #tpu.memory_space<vmem>>, vector<1000x1xf32>
    %add3A_7 = arith.addf %add3A_3, %get3A_6 : vector<1000x1xf32>
    %rsqrt3A = math.rsqrt %add3A_7 : vector<1000x1xf32>
    %get3A_8 = arith.constant 0 : index
    %get3A_9 = arith.constant 0 : index
    %get3A_10 = vector.load %arg1[%get3A_8, %get3A_9] : memref<1000x128xf32, #tpu.memory_space<vmem>>, vector<1000x128xf32>
    %mul3A = vector.broadcast %rsqrt3A : vector<1000x1xf32> to vector<1000x128xf32>
    %mul3A_11 = arith.mulf %get3A_10, %mul3A : vector<1000x128xf32>
    %get3A_12 = arith.constant 0 : index
    %get3A_13 = arith.constant 0 : index
    %get3A_14 = vector.load %arg4[%get3A_12, %get3A_13] : memref<1x128xf32, #tpu.memory_space<vmem>>, vector<1x128xf32>
    %add3A_15 = vector.broadcast %get3A_14 : vector<1x128xf32> to vector<1000x128xf32>
    %add3A_16 = arith.addf %mul3A_11, %add3A_15 : vector<1000x128xf32>
    %max3A = arith.constant 0.000000e+00 : f32
    %max3A_17 = vector.broadcast %max3A : f32 to vector<1000x128xf32>
    %max3A_18 = arith.maximumf %add3A_16, %max3A_17 : vector<1000x128xf32>
    %get3A_19 = arith.constant 0 : index
    %get3A_20 = arith.constant 0 : index
    %get3A_21 = vector.load %arg5[%get3A_19, %get3A_20] : memref<128x128xf32, #tpu.memory_space<vmem>>, vector<128x128xf32>
    %dot_general3A = arith.constant dense<0.000000e+00> : vector<1000x128xf32>
    %dot_general3A_22 = tpu.matmul %max3A_18, %get3A_21, %dot_general3A {dimension_numbers = #tpu.dot_dimension_numbers<[1], [0], [0], [1], [0, 0, 1, 1], [], []>, transpose_lhs_hint = false} : vector<1000x128xf32>, vector<128x128xf32>, vector<1000x128xf32> -> vector<1000x128xf32>
    %mul3A_23 = vector.broadcast %rsqrt3A : vector<1000x1xf32> to vector<1000x128xf32>
    %mul3A_24 = arith.mulf %dot_general3A_22, %mul3A_23 : vector<1000x128xf32>
    %swap3A = arith.constant 0 : index
    %swap3A_25 = arith.constant 0 : index
    %swap3A_26 = vector.load %arg6[%swap3A, %swap3A_25] : memref<1000x128xf32, #tpu.memory_space<vmem>>, vector<1000x128xf32>
    tpu.vector_store %arg6[%swap3A, %swap3A_25], %mul3A_24 {strides = array<i32>} : memref<1000x128xf32, #tpu.memory_space<vmem>>, vector<1000x128xf32>,
    return
  }
  func.func @transform_0(%arg0: i32) -> (i32, i32) {
    %c0_i32 = arith.constant 0 : i32
    %c0_i32_0 = arith.constant 0 : i32
    return %arg0, %c0_i32 : i32, i32
  }
  func.func @transform_1(%arg0: i32) -> (i32, i32) {
    %c0_i32 = arith.constant 0 : i32
    %c0_i32_0 = arith.constant 0 : i32
    return %arg0, %c0_i32 : i32, i32
  }
  func.func @transform_2(%arg0: i32) -> (i32, i32) {
    %c0_i32 = arith.constant 0 : i32
    %c0_i32_0 = arith.constant 0 : i32
    return %arg0, %c0_i32 : i32, i32
  }
  func.func @transform_3(%arg0: i32) -> (i32, i32) {
    %c0_i32 = arith.constant 0 : i32
    %c0_i32_0 = arith.constant 0 : i32
    %c0_i32_1 = arith.constant 0 : i32
    return %c0_i32, %c0_i32_0 : i32, i32
  }
  func.func @transform_4(%arg0: i32) -> (i32, i32) {
    %c0_i32 = arith.constant 0 : i32
    %c0_i32_0 = arith.constant 0 : i32
    %c0_i32_1 = arith.constant 0 : i32
    return %c0_i32, %c0_i32_0 : i32, i32
  }
  func.func @transform_5(%arg0: i32) -> (i32, i32) {
    %c0_i32 = arith.constant 0 : i32
    %c0_i32_0 = arith.constant 0 : i32
    return %arg0, %c0_i32 : i32, i32
  }
}

module attributes {stable_mosaic.version = 14 : i64} {
  func.func @_final_body(%arg0: i32, %arg1: memref<1000x128xf32, #tpu.memory_space<vmem>>, %arg2: memref<1000x1xf32, #tpu.memory_space<vmem>>, %arg3: memref<1000x1xf32, #tpu.memory_space<vmem>>, %arg4: memref<1x128xf32, #tpu.memory_space<vmem>>, %arg5: memref<1000x1xi32, #tpu.memory_space<vmem>>, %arg6: memref<64x128xf32, #tpu.memory_space<vmem>>) attributes {dimension_semantics = [#tpu.dimension_semantics<arbitrary>], iteration_bounds = array<i64: 10>, scalar_prefetch = 0 : i64, scratch_operands = 0 : i64, tpu.core_type = #tpu.core_type<tc>, window_params = [{transform_indices = @transform_0, window_bounds = array<i64: 1000, 128>}, {transform_indices = @transform_1, window_bounds = array<i64: 1000, 1>}, {transform_indices = @transform_2, window_bounds = array<i64: 1000, 1>}, {pipeline_mode = #tpu.pipeline_mode<synchronous>, transform_indices = @transform_3, window_bounds = array<i64: 1, 128>}, {transform_indices = @transform_4, window_bounds = array<i64: 1000, 1>}, {pipeline_mode = #tpu.pipeline_mode<synchronous>, transform_indices = @transform_5, window_bounds = array<i64: 64, 128>}]} {
    %get3A = arith.constant 0 : index
    %get3A_0 = arith.constant 0 : index
    %get3A_1 = vector.load %arg2[%get3A, %get3A_0] : memref<1000x1xf32, #tpu.memory_space<vmem>>, vector<1000x1xf32>
    %add3A = arith.constant 1.000000e+00 : f32
    %add3A_2 = vector.broadcast %add3A : f32 to vector<1000x1xf32>
    %add3A_3 = arith.addf %add3A_2, %get3A_1 : vector<1000x1xf32>
    %get3A_4 = arith.constant 0 : index
    %get3A_5 = arith.constant 0 : index
    %get3A_6 = vector.load %arg3[%get3A_4, %get3A_5] : memref<1000x1xf32, #tpu.memory_space<vmem>>, vector<1000x1xf32>
    %add3A_7 = arith.addf %add3A_3, %get3A_6 : vector<1000x1xf32>
    %rsqrt3A = math.rsqrt %add3A_7 : vector<1000x1xf32>
    %get3A_8 = arith.constant 0 : index
    %get3A_9 = arith.constant 0 : index
    %get3A_10 = vector.load %arg1[%get3A_8, %get3A_9] : memref<1000x128xf32, #tpu.memory_space<vmem>>, vector<1000x128xf32>
    %mul3A = vector.broadcast %rsqrt3A : vector<1000x1xf32> to vector<1000x128xf32>
    %mul3A_11 = arith.mulf %get3A_10, %mul3A : vector<1000x128xf32>
    %get3A_12 = arith.constant 0 : index
    %get3A_13 = arith.constant 0 : index
    %get3A_14 = vector.load %arg4[%get3A_12, %get3A_13] : memref<1x128xf32, #tpu.memory_space<vmem>>, vector<1x128xf32>
    %add3A_15 = vector.broadcast %get3A_14 : vector<1x128xf32> to vector<1000x128xf32>
    %add3A_16 = arith.addf %mul3A_11, %add3A_15 : vector<1000x128xf32>
    %iota3A = tpu.iota {dimensions = array<i32: 1>} : vector<1000x64xi32>
    %get3A_17 = arith.constant 0 : index
    %get3A_18 = arith.constant 0 : index
    %get3A_19 = vector.load %arg5[%get3A_17, %get3A_18] : memref<1000x1xi32, #tpu.memory_space<vmem>>, vector<1000x1xi32>
    %eq3A = vector.broadcast %get3A_19 : vector<1000x1xi32> to vector<1000x64xi32>
    %eq3A_20 = arith.cmpi eq, %iota3A, %eq3A : vector<1000x64xi32>
    %convert_element_type3A = arith.extui %eq3A_20 : vector<1000x64xi1> to vector<1000x64xi32>
    %convert_element_type3A_21 = arith.sitofp %convert_element_type3A : vector<1000x64xi32> to vector<1000x64xf32>
    %dot_general3A = arith.constant dense<0.000000e+00> : vector<64x128xf32>
    %dot_general3A_22 = tpu.matmul %convert_element_type3A_21, %add3A_16, %dot_general3A {dimension_numbers = #tpu.dot_dimension_numbers<[0], [0], [1], [1], [0, 1, 1, 1], [], []>, transpose_lhs_hint = false} : vector<1000x64xf32>, vector<1000x128xf32>, vector<64x128xf32> -> vector<64x128xf32>
    %eq3A_23 = arith.constant 0 : i32
    %eq3A_24 = arith.cmpi eq, %arg0, %eq3A_23 : i32
    %convert_element_type3A_25 = arith.extui %eq3A_24 : i1 to i32
    %cond3A = arith.constant 0 : i32
    %cond3A_26 = arith.cmpi ne, %convert_element_type3A_25, %cond3A : i32
    scf.if %cond3A_26 {
      %broadcast_in_dim3A = arith.constant 0.000000e+00 : f32
      %broadcast_in_dim3A_33 = vector.broadcast %broadcast_in_dim3A : f32 to vector<64x128xf32>
      %swap3A_34 = arith.constant 0 : index
      %swap3A_35 = arith.constant 0 : index
      %swap3A_36 = vector.load %arg6[%swap3A_34, %swap3A_35] : memref<64x128xf32, #tpu.memory_space<vmem>>, vector<64x128xf32>
      tpu.vector_store %arg6[%swap3A_34, %swap3A_35], %broadcast_in_dim3A_33 {strides = array<i32>} : memref<64x128xf32, #tpu.memory_space<vmem>>, vector<64x128xf32>,
    } else {
    }
    %get3A_27 = arith.constant 0 : index
    %get3A_28 = arith.constant 0 : index
    %get3A_29 = vector.load %arg6[%get3A_27, %get3A_28] : memref<64x128xf32, #tpu.memory_space<vmem>>, vector<64x128xf32>
    %add3A_30 = arith.addf %get3A_29, %dot_general3A_22 : vector<64x128xf32>
    %swap3A = arith.constant 0 : index
    %swap3A_31 = arith.constant 0 : index
    %swap3A_32 = vector.load %arg6[%swap3A, %swap3A_31] : memref<64x128xf32, #tpu.memory_space<vmem>>, vector<64x128xf32>
    tpu.vector_store %arg6[%swap3A, %swap3A_31], %add3A_30 {strides = array<i32>} : memref<64x128xf32, #tpu.memory_space<vmem>>, vector<64x128xf32>,
    return
  }
  func.func @transform_0(%arg0: i32) -> (i32, i32) {
    %c0_i32 = arith.constant 0 : i32
    %c0_i32_0 = arith.constant 0 : i32
    return %arg0, %c0_i32 : i32, i32
  }
  func.func @transform_1(%arg0: i32) -> (i32, i32) {
    %c0_i32 = arith.constant 0 : i32
    %c0_i32_0 = arith.constant 0 : i32
    return %arg0, %c0_i32 : i32, i32
  }
  func.func @transform_2(%arg0: i32) -> (i32, i32) {
    %c0_i32 = arith.constant 0 : i32
    %c0_i32_0 = arith.constant 0 : i32
    return %arg0, %c0_i32 : i32, i32
  }
  func.func @transform_3(%arg0: i32) -> (i32, i32) {
    %c0_i32 = arith.constant 0 : i32
    %c0_i32_0 = arith.constant 0 : i32
    %c0_i32_1 = arith.constant 0 : i32
    return %c0_i32, %c0_i32_0 : i32, i32
  }
  func.func @transform_4(%arg0: i32) -> (i32, i32) {
    %c0_i32 = arith.constant 0 : i32
    %c0_i32_0 = arith.constant 0 : i32
    return %arg0, %c0_i32 : i32, i32
  }
  func.func @transform_5(%arg0: i32) -> (i32, i32) {
    %c0_i32 = arith.constant 0 : i32
    %c0_i32_0 = arith.constant 0 : i32
    %c0_i32_1 = arith.constant 0 : i32
    return %c0_i32, %c0_i32_0 : i32, i32
  }
}

</mosaic_0001>

<sc_bundles>
// kernel: kernel.11.cloned.1.call-start
scs
__scs_entry_jumppad:
0x0: {  	(pc) =	sbr.rel $0x88, $3  }
0x1: {  	(tag) =	ssettag $0x0;
	lr =	simm.s32 $0x1  }
0x2: {  	[smem:$0x3F9A] =	sst lr;
	_ =	strace $0xD0000000  }
0x3: {  	_ = 	snop  }
0x4: {  	_ = 	snop  }
0x5: {  	_ = 	snop  }
0x6: {  	_ = 	snop  }
0x7: {  	_ = 	snop  }
__scs_overlays_trampoline_lowered:
0x8: {  	[smem:$0x3FA9] =	sst s0  }
0x9: {  	[smem:$0x3FAA] =	sst s1  }
0xa: {  	[smem:$0x3FAB] =	sst s2  }
0xb: {  	[smem:$0x3FAC] =	sst s3  }
0xc: {  	[smem:$0x3FAD] =	sst s4  }
0xd: {  	[smem:$0x3FAE] =	sst s5  }
0xe: {  	[smem:$0x3FAF] =	sst s6  }
0xf: {  	[smem:$0x3FB0] =	sst s7  }
0x10: {  	[smem:$0x3FB1] =	sst s8  }
0x11: {  	[smem:$0x3FB2] =	sst s9;
	s0 =	simm.s32 @!p0 $0x0  }
0x12: {  	s1 =	sld [smem:$0x3F98];
	s0 =	simm.s32 @p0 $0x1  }
0x13: {  	[smem:$0x3FB3] =	sst s0;
	s0 =	simm.s32 @!p1 $0x0  }
0x14: {  	s2 =	sld [smem:$0x3F97];
	s0 =	simm.s32 @p1 $0x1  }
0x15: {  	[smem:$0x3FB4] =	sst s0;
	s0 =	simm.s32 @!p2 $0x0  }
0x16: {  	s3 =	sld [smem:$0x3FDB];
	s0 =	simm.s32 @p2 $0x1  }
0x17: {  	s4 =	simm.s32 $0x1BF5;
	[smem:$0x3FB6] =	sst s0  }
0x18: {  	s0 =	sld [smem:$0x3F99];
	_ =	swait.ge [sflag:s4], $0x0  }
0x19: {  	s7 =	sld [smem:$0x3F9A]  }
0x1a: {  	s8 =	sadd.s32 $0xFFFFE003, lr  }
0x1b: {  	s9 =	sadd.s32 $0xFFFFFEF7, lr;
	s5 =	simm.s32 $0xFFFFFFFF;
	p2 =	slt.u32 s8, $0xFFFFF086  }
0x1c: {  	p1 =	slt.u32 s9, $0xF7A;
	s5 =	simm.s32 @!p2 $0x0  }
0x1d: {  	s5 =	simm.s32 @p1 $0x1;
	p0 =	seq.s32 s7, s2  }
0x1e: {  	s7 =	smul.u32 @!p0 $0xF7A, s2;
	p2 =	seq.s32 @!p0 s5, $0x0  }
0x1f: {  	s9 =	smul.u32 $0xF7A, s1;
	s8 =	simm.s32 @!p0 $0x1BF5;
	p2 =	por !p2, p0  }
0x20: {  	[sflag:s8] =	ssyncset.s32 @!p0 $0xFFFFF086;
	s6 =	sadd.s32 @!p0 s3, s7;
	s7 =	simm.s32 @!p0 $0x108  }
0x21: {  	s3 =	sadd.s32 s3, s9;
	s6 =	sadd.s32 @!p0 $0x88, s6;
	s7 =	simm.s32 @p2 $0x1082  }
0x22: {  	[simem:s7], [sflag:s8] =	dma.local @!p0 [hbm:s6], $0xF7A  }
0x23: {  	s9 =	sor.u32 $0xD0000000, s2;
	s6 =	simm.s32 $0x108;
	_ =	swait.ge @!p0 [sflag:s8], $0x0  }
0x24: {  	s3 =	sadd.s32 $0x88, s3;
	s6 =	simm.s32 @!p1 $0x1082;
	[sflag:s4] =	ssyncset.s32 $0xFFFFF086  }
0x25: {  	[simem:s6], [sflag:s4] =	dma.local [hbm:s3], $0xF7A  }
0x26: {  	[smem:$0x3F9A] =	sst s1;
	(tag) =	ssettag s2;
	_ =	strace s9  }
0x27: {  	s1 =	sld [smem:$0x3FAA]  }
0x28: {  	s2 =	sld [smem:$0x3FAB]  }
0x29: {  	s4 =	sld [smem:$0x3FAD]  }
0x2a: {  	p0 =	seq.s32 s5, $0x0;
	s5 =	sld [smem:$0x3FAE]  }
0x2b: {  	s6 =	sld [smem:$0x3FAF]  }
0x2c: {  	s7 =	sld [smem:$0x3FB0]  }
0x2d: {  	s3 =	simm.s32 $0x108;
	s8 =	sld [smem:$0x3FB1]  }
0x2e: {  	s3 =	simm.s32 @!p0 $0x1082;
	s9 =	sld [smem:$0x3FB2]  }
0x2f: {  	lr =	sadd.s32 s0, s3;
	s0 =	sld [smem:$0x3FA9]  }
0x30: {  	s3 =	sld [smem:$0x3FAC]  }
0x31: {  	[smem:$0x3FB5] =	sst s10  }
0x32: {  	s10 =	sld [smem:$0x3FB3];
	_ =	sdelay $0x3  }
0x33: {  	p0 =	seq.s32 s10, $0x1;
	s10 =	sld [smem:$0x3FB5];
	_ =	sdelay $0x3  }
0x34: {  	[smem:$0x3FB5] =	sst s10  }
0x35: {  	s10 =	sld [smem:$0x3FB4];
	_ =	sdelay $0x3  }
0x36: {  	p1 =	seq.s32 s10, $0x1;
	s10 =	sld [smem:$0x3FB5];
	_ =	sdelay $0x3  }
0x37: {  	[smem:$0x3FB5] =	sst s10  }
0x38: {  	s10 =	sld [smem:$0x3FB6]  }
0x39: {  	_ = 	snop;
	(pc) =	sbr.ind lr, $3  }
0x3a: {  	_ = 	snop  }
0x3b: {  	_ = 	snop  }
0x3c: {  	p2 =	seq.s32 s10, $0x1;
	s10 =	sld [smem:$0x3FB5]  }
0x3d: {  	_ =	shalt  }
0x3e: {  	_ =	shalt  }
0x3f: {  	_ =	shalt  }
0x40: {  	_ =	shalt  }
0x41: {  	_ =	shalt  }
0x42: {  	_ =	shalt  }
0x43: {  	_ =	shalt  }
0x44: {  	_ =	shalt  }
0x45: {  	_ =	shalt  }
0x46: {  	_ =	shalt  }
0x47: {  	_ =	shalt  }
0x48: {  	_ =	shalt  }
0x49: {  	_ =	shalt  }
0x4a: {  	_ =	shalt  }
0x4b: {  	_ =	shalt  }
0x4c: {  	_ =	shalt  }
0x4d: {  	_ =	shalt  }
0x4e: {  	_ =	shalt  }
0x4f: {  	_ =	shalt  }
0x50: {  	_ =	shalt  }
0x51: {  	_ =	shalt  }
0x52: {  	_ =	shalt  }
0x53: {  	_ =	shalt  }
0x54: {  	_ =	shalt  }
0x55: {  	_ =	shalt  }
0x56: {  	_ =	shalt  }
0x57: {  	_ =	shalt  }
0x58: {  	_ =	shalt  }
0x59: {  	_ =	shalt  }
0x5a: {  	_ =	shalt  }
0x5b: {  	_ =	shalt  }
0x5c: {  	_ =	shalt  }
0x5d: {  	_ =	shalt  }
0x5e: {  	_ =	shalt  }
0x5f: {  	_ =	shalt  }
0x60: {  	_ =	shalt  }
0x61: {  	_ =	shalt  }
0x62: {  	_ =	shalt  }
0x63: {  	_ =	shalt  }
0x64: {  	_ =	shalt  }
0x65: {  	_ =	shalt  }
0x66: {  	_ =	shalt  }
0x67: {  	_ =	shalt  }
0x68: {  	_ =	shalt  }
0x69: {  	_ =	shalt  }
0x6a: {  	_ =	shalt  }
0x6b: {  	_ =	shalt  }
0x6c: {  	_ =	shalt  }
0x6d: {  	_ =	shalt  }
0x6e: {  	_ =	shalt  }
0x6f: {  	_ =	shalt  }
0x70: {  	_ =	shalt  }
0x71: {  	_ =	shalt  }
0x72: {  	_ =	shalt  }
0x73: {  	_ =	shalt  }
0x74: {  	_ =	shalt  }
0x75: {  	_ =	shalt  }
0x76: {  	_ =	shalt  }
0x77: {  	_ =	shalt  }
0x78: {  	_ =	shalt  }
0x79: {  	_ =	shalt  }
0x7a: {  	_ =	shalt  }
0x7b: {  	_ =	shalt  }
0x7c: {  	_ =	shalt  }
0x7d: {  	_ =	shalt  }
0x7e: {  	_ =	shalt  }
0x7f: {  	_ =	shalt  }
0x80: {  	_ =	shalt  }
0x81: {  	_ =	shalt  }
0x82: {  	_ =	shalt  }
0x83: {  	_ =	shalt  }
0x84: {  	_ =	shalt  }
0x85: {  	_ =	shalt  }
0x86: {  	_ =	shalt  }
0x87: {  	_ =	shalt  }
.Lfunc_end0:
.L_simem_size_0:
called_computation.1_lowered:
.L_overlay_start_0:
0x88: {  	s2 =	sld [smem:$0x3FD9]  }
0x89: {  	s3 =	sld [smem:$0x3FFE];
	_ =	sdelay $0x1  }
0x8a: {  	s1 =	srdreg.scid  }
0x8b: {  	s0 =	sand.u32 $0x1, s1  }
0x8c: {  	s16 =	sshll.u32 s0, $0xA;
	s2 =	sadd.s32 s3, s2  }
0x8d: {  	s2 =	sadd.s32 s2, s16  }
0x8e: {  	[smem:$0x3FC1] =	sst s2  }
0x8f: {  	_ = 	snop  }
0x90: {  	(tm) =	ssettm $0x1  }
0x91: {  	s17 =	sld [smem:$0x3FFB];
	_ =	sdelay $0x3  }
0x92: {  	_ =	strace s17  }
0x93: {  	s2 =	sld [smem:$0x3FFC];
	_ =	sdelay $0x3  }
0x94: {  	_ =	strace s2  }
0x95: {  	s2 =	sld [smem:$0x3FFD];
	_ =	sdelay $0x3  }
0x96: {  	_ =	strace s2  }
0x97: {  	_ =	strace $0x8FFFFFFF  }
0x98: {  	s18 =	sld [smem:$0x3FDB];
	_ =	sdelay $0x1  }
0x99: {  	s19 =	simm.s32 $_scs_section_size  }
0x9a: {  	s4 =	simm.s32 $_size__tile_overlayer_lowered;
	s5 =	simm.s32 $_tile_overlayer_lowered  }
0x9b: {  	s22 =	simm.s32 $0x1BFF;
	s21 =	sshll.u32 s5, $0x1;
	s2 =	sadd.s32 s19, s18  }
0x9c: {  	s6 =	simm.s32 $0x0;
	s20 =	sshll.u32 s4, $0x1;
	s4 =	sadd.s32 s21, s2  }
0x9d: {  	[timem:s6], [sflag:s22] =	dma.local [hbm:s4], s20  }
0x9e: {  	_ =	swait.ge [sflag:s22], s20  }
0x9f: {  	s3 =	ssub.s32 $0x0, s20;
	[sflag:s22] =	ssyncset.done $0x0  }
0xa0: {  	[sflag:s22] =	ssyncadd.s32 s3;
	_ =	sdelay $0x1  }
0xa1: {  	s23 =	simm.s32 $0x1B8B  }
0xa2: {  	_ =	swait.ge [sflag:s23], $0x1  }
0xa3: {  	[sflag:s23] =	ssyncset.done $0x0  }
0xa4: {  	s25 =	simm.s32 $0x1B8E;
	s24 =	sld [smem:$0x3FFE];
	[sflag:s23] =	ssyncadd.s32 $0xFFFFFFFF  }
0xa5: {  	s26 =	simm.s32 $execute0_lowered;
	[smem:$0x3FD2] =	sst s25  }
0xa6: {  	s4 =	sshll.u32 s26, $0x1;
	_ =	strace $0x80000049;
	[dreg:$0x1] =	wrdreg $0xFFFFFFFF  }
0xa7: {  	s28 =	simm.s32 $_size_execute0_lowered;
	s2 =	sadd.s32 s2, s4;
	[dreg:$0x0] =	wrdreg $0x0  }
0xa8: {  	s4 =	sshll.u32 s28, $0x1;
	[dreg:$0x2] =	wrdreg s2  }
0xa9: {  	[dreg:$0x3] =	wrdreg s4  }
0xaa: {  	[dreg:$0x4] =	wrdreg $0xC0  }
0xab: {  	_ =	task [dreg:s6], $0x5FFFF  }
0xac: {  	[dreg:$0x1] =	wrdreg $0xFFFFFFFF  }
0xad: {  	[dreg:$0x0] =	wrdreg $0x60  }
0xae: {  	[dreg:$0x2] =	wrdreg s24  }
0xaf: {  	[dreg:$0x3] =	wrdreg $0xF3800  }
0xb0: {  	[dreg:$0x4] =	wrdreg $0x9  }
0xb1: {  	_ =	task.clear_ibuf [dreg:s6], $0x5FFFF;
	_ =	strace $0x90000049  }
0xb2: {  	s29 =	simm.s32 $0x9;
	_ =	strace $0x8000004B  }
0xb3: {  	_ =	swait.ge [sflag:s29], $0x1  }
0xb4: {  	[sflag:s29] =	ssyncadd.s32 $0xFFFFFFFF  }
0xb5: {  	_ =	strace $0x9000004B  }
0xb6: {  	_ =	sfence  }
0xb7: {  	s30 =	sld [smem:$0x0];
	_ =	sdelay $0x2  }
0xb8: {  	s31 =	sshll.u32 s1, $0xD;
	s1 =	sshrl.u32 s1, $0x2  }
0xb9: {  	s3 =	sand.u32 $0x4000, s31;
	s1 =	sadd.s32 s1, s30  }
0xba: {  	s0 =	sor.u32 s3, s0;
	s1 =	sshll.u32 s1, $0x11  }
0xbb: {  	s0 =	sor.u32 s1, s0  }
0xbc: {  	s0 =	sadd.s32 $0x8F2B, s0  }
0xbd: {  	[sflag:s0] =	ssyncadd.remote.s32 $0x1  }
0xbe: {  	_ =	sfence.sel $0xFFFF  }
0xbf: {  	[dreg:$0x0] =	wrdreg $0xFFFFFFFF;
	(pc) =	sbr.abs _section_cstart, $3  }
0xc0: {  	[dreg:$0x1] =	wrdreg $0xFFFFFFFF  }
0xc1: {  	_ =	task.clear_ibuf [dreg:s6], $0x2FFFF;
	_ =	strace $0x9FFFFFFF  }
0xc2: {  	(tm) =	ssettm $0x7FFFFFFF  }
0xc3: {  	_ =	shalt  }
tec
execute0_lowered:
.L_overlay_start_1:
0x0: {  	(tag) =	ssettag $0x1  }
0x1: {  	s0 =	rddreg [dreg:$0x0]  }
0x2: {  	s2 =	rddreg [dreg:$0x1];
	s11 =	stileid.u32;
	s4 =	simm.s32 $0x0  }
0x3: {  	s3 =	srdreg.scid;
	s17 =	simm.s32 $0xB;
	s19 =	simm.s32 $0x20  }
0x4: {  	s24 =	simm.s32 $0x9E80;
	s21 =	simm.s32 $0xA380;
	s25 =	simm.s32 $0xA100  }
0x5: {  	s26 =	simm.s32 $0x9F00;
	s28 =	simm.s32 $0x1;
	s29 =	simm.s32 $0xE380  }
0x6: {  	s30 =	simm.s32 $0x2;
	s31 =	simm.s32 $0xA180;
	s18 =	simm.s32 $0xA280  }
0x7: {  	s20 =	simm.s32 $0x5;
	s1 =	sshrl.u32 s11, $0x3;
	[smem:$0x7FF] =	sst s4  }
0x8: {  	s3 =	sand.u32 $0x1, s3;
	s5 =	sshll.u32 s11, $0x7;
	s6 =	smul.u32 $0x140, s11  }
0x9: {  	s4 =	sadd.s32 $0x2000, s0;
	s8 =	smul.u32 $0x28000, s11;
	p0 =	seq.s32 s11, $0xF  }
0xa: {  	s1 =	smul.u32 $0x27400, s1;
	_ =	strace $0x8000004A;
	[dreg:$0x3] =	wrdreg s24  }
0xb: {  	s7 =	smul.u32 $0x1388, s3;
	s5 =	sand.u32 $0x380, s5;
	[dreg:$0x4] =	wrdreg s25  }
0xc: {  	s13 =	ssub.s32 $0x2, s3;
	s3 =	smul.u32 $0x9C400, s3;
	[dreg:$0x5] =	wrdreg s26  }
0xd: {  	s25 =	simm.s32 $0xC380;
	s26 =	simm.s32 $0xD380;
	s9 =	sshrl.u32 s13, $0x1  }
0xe: {  	s8 =	sshrl.u32 s8, $0x2;
	s1 =	sor.u32 s5, s1;
	s5 =	ssub.s32 s13, s9  }
0xf: {  	s6 =	sadd.s32 s6, s7;
	s3 =	sshrl.u32 s3, $0x3;
	s8 =	sadd.s32 s8, s2  }
0x10: {  	s9 =	sadd.s32 $0x96000, s2;
	s16 =	sadd.s32 $0x1388, s7;
	v0 =	vmov s7;
	s7 =	simm.s32 $0xA  }
0x11: {  	s1 =	sshrl.u32 s1, $0x3;
	s6 =	sshll.u32 s6, $0x4;
	s23 =	smax.u32 s5, $0x1  }
0x12: {  	s3 =	sadd.s32 $0x12C00, s3;
	s14 =	sadd.s32 s4, s6;
	[dreg:$0xc] =	wrdreg s23  }
0x13: {  	s1 =	sadd.s32 s1, s0;
	s10 =	sadd.s32 s4, s3;
	[dreg:$0x6] =	wrdreg s14  }
0x14: {  	s12 =	sshrl.u32 @p0 s9, $0x3;
	[dreg:$0x7] =	wrdreg s10;
	s15 =	sadd.s32 $0x6A000, s1  }
0x15: {  	s0 =	sadd.s32 $0x29200, s0;
	s1 =	sadd.s32 $0x60200, s1;
	[dreg:$0x8] =	wrdreg s15  }
0x16: {  	v1 =	vmov s16;
	s16 =	simm.s32 $0x0;
	s22 =	sadd.s32 s0, s6;
	[dreg:$0x9] =	wrdreg s1  }
0x17: {  	s23 =	simm.s32 $0xB380;
	s0 =	sadd.s32 s0, s3;
	[dreg:$0xa] =	wrdreg s22  }
0x18: {  	s14 =	sshrl.u32 @!p0 s8, $0x3;
	s3 =	simm.s32 $0x4;
	[dreg:$0xb] =	wrdreg s0  }
0x19: {  	s0 =	sshll.u32 @!p0 s11, $0x6;
	s1 =	simm.s32 $0xA200;
	s22 =	simm.s32 $0xA300  }
0x1a: {  	s15 =	simm.s32 $0x9;
	s13 =	sor.u32 @!p0 $0x1C0B, s0;
	s0 =	simm.s32 $0x3  }
.LBB2_1:
0x1b: {  	s8 =	simm.s32 @p0 $0x1FCB;
	s5 =	rddreg [dreg:$0x7]  }
0x1c: {  	[spmem:s12], [sflag:s8] =	dma.local @p0 [hbm:s5], $0xC80  }
0x1d: {  	s8 =	simm.s32 @p0 $0xB  }
0x1e: {  	_ =	swait.ge @p0 [sflag:s8], $0xC80  }
0x1f: {  	[sflag:s8] =	ssyncset.done @p0 $0x0  }
0x20: {  	s5 =	rddreg [dreg:$0x6];
	[sflag:s8] =	ssyncadd.s32 @p0 $0xFFFFF380;
	s8 =	simm.s32 @!p0 $0xB  }
0x21: {  	[spmem:s14], [sflag:s13] =	dma.local @!p0 [hbm:s5], $0x1400  }
0x22: {  	_ =	swait.ge @!p0 [sflag:s8], $0x1400  }
0x23: {  	s10 =	simm.s32 $0x80;
	s9 =	simm.s32 $0x400;
	[sflag:s8] =	ssyncset.done @!p0 $0x0  }
0x24: {  	s6 =	rddreg [dreg:$0x8];
	[sflag:s8] =	ssyncadd.s32 @!p0 $0xFFFFEC00;
	s8 =	simm.s32 $0x0  }
0x25: {  	[tilespmem:s8], [sflag:$0xB] =	stream.strided.gather [hbm4b:s6+s10], $0x4E80, s9, s10, $0x38;
	[tilespmem:$0x19000] =	vst v63  }
0x26: {  	_ =	swait.ge [sflag:s17], $0x4E80  }
0x27: {  	[sflag:s17] =	ssyncset.done $0x0  }
0x28: {  	s24 =	simm.s32 $0x4E80;
	s11 =	rddreg [dreg:$0x9];
	[sflag:s17] =	ssyncadd.s32 $0xFFFFB180  }
0x29: {  	[tilespmem:s24], [sflag:$0xB] =	stream.strided.gather [hbm4b:s11+s10], $0x4E80, s9, s10, $0x38;
	[tilespmem:$0x19000] =	vst v63  }
0x2a: {  	_ =	swait.ge [sflag:s17], $0x4E80  }
0x2b: {  	[sflag:s17] =	ssyncset.done $0x0  }
0x2c: {  	[sflag:s17] =	ssyncadd.s32 $0xFFFFB180  }
0x2d: {  	[bflag:$0x0] =	sbarrier.arrive $0xFFFF  }
0x2e: {  	v2 =	vld [tilespmem:$0x0]  }
0x2f: {  	v3 =	vld [tilespmem:$0x10];
	_ =	sdelay $0x3  }
0x30: {  	[tilespmem:$0x9D00] =	vst v2  }
0x31: {  	s10 =	simm.s32 $0x9D00;
	[tilespmem:$0x9D10] =	vst v3  }
0x32: {  	[tilespmem:s21], [sflag:$0x1] =	stream.indirect.gather [hbm4b:s4+s19], $0x80, s10, s19, $0xb8;
	[tilespmem:$0x19000] =	vst v63  }
0x33: {  	v2 =	vld [tilespmem:$0x20]  }
0x34: {  	v3 =	vld [tilespmem:$0x30];
	_ =	sdelay $0x3  }
0x35: {  	[tilespmem:$0x9D80] =	vst v2  }
0x36: {  	s11 =	simm.s32 $0x9D80;
	[tilespmem:$0x9D90] =	vst v3  }
0x37: {  	[tilespmem:s23], [sflag:$0x2] =	stream.indirect.gather [hbm4b:s4+s19], $0x80, s11, s19, $0xb8;
	[tilespmem:$0x19000] =	vst v63  }
0x38: {  	v2 =	vld [tilespmem:$0x40]  }
0x39: {  	v3 =	vld [tilespmem:$0x50];
	_ =	sdelay $0x3  }
0x3a: {  	p1 =	por $0x1, $0x1;
	[tilespmem:$0x9E00] =	vst v2  }
0x3b: {  	s24 =	simm.s32 $0x9E00;
	s9 =	simm.s32 @!p1 $0x9;
	[tilespmem:$0x9E10] =	vst v3  }
0x3c: {  	[tilespmem:s25], [sflag:$0x3] =	stream.indirect.gather [hbm4b:s4+s19], $0x80, s24, s19, $0xb8;
	[tilespmem:$0x19000] =	vst v63  }
0x3d: {  	_ =	swait.ge @!p1 [sflag:s9], $0x1000  }
0x3e: {  	[sflag:s9] =	ssyncset.done @!p1 $0x0  }
0x3f: {  	s6 =	simm.s32 $0x0;
	[sflag:s9] =	ssyncadd.s32 @!p1 $0xFFFFF000  }
0x40: {  	v2 =	vld [tilespmem:s6+$0x60];
	_ =	sdelay $0x4  }
0x41: {  	[tilespmem:$0x9E80] =	vst v2  }
0x42: {  	v2 =	vld [tilespmem:s6+$0x70];
	_ =	sdelay $0x4  }
0x43: {  	s10 =	rddreg [dreg:$0x3];
	[tilespmem:$0x9E90] =	vst v2  }
0x44: {  	[tilespmem:s26], [sflag:$0x4] =	stream.indirect.gather [hbm4b:s4+s19], $0x80, s10, s19, $0xb8;
	[tilespmem:$0x19000] =	vst v63  }
0x45: {  	_ =	swait.ge [sflag:s28], $0x1000  }
0x46: {  	[sflag:s28] =	ssyncset.done $0x0  }
0x47: {  	[sflag:s28] =	ssyncadd.s32 $0xFFFFF000  }
0x48: {  	v2 =	vld [tilespmem:s6+$0x4E80];
	_ =	sdelay $0x4  }
0x49: {  	vm0 =	vge.s32 v2, v0;
	vm1 =	vlt.s32 v2, v1  }
0x4a: {  	v2 =	vsub.s32 v2, v0;
	vm0 =	vmand vm0, vm1  }
0x4b: {  	v2 =	vnsel vm0, $0x1388, v2  }
0x4c: {  	[tilespmem:$0xA100] =	vst v2  }
0x4d: {  	v2 =	vld [tilespmem:s6+$0x4E90];
	_ =	sdelay $0x4  }
0x4e: {  	vm0 =	vge.s32 v2, v0;
	vm1 =	vlt.s32 v2, v1  }
0x4f: {  	v2 =	vsub.s32 v2, v0;
	vm0 =	vmand vm0, vm1  }
0x50: {  	v2 =	vnsel vm0, $0x1388, v2  }
0x51: {  	s10 =	simm.s32 @!p1 $0xA;
	s11 =	rddreg [dreg:$0x4];
	[tilespmem:$0xA110] =	vst v2  }
0x52: {  	[spmem:s2] =	stream.indirect.scatter.add.f32 [tilespmem:s21], [sflag:$0x6], $0x80, s11, s19, $0xb8;
	[tilespmem:$0x19000] =	vst v63  }
0x53: {  	_ =	swait.ge @!p1 [sflag:s10], $0x1000  }
0x54: {  	[sflag:s10] =	ssyncset.done @!p1 $0x0  }
0x55: {  	[sflag:s10] =	ssyncadd.s32 @!p1 $0xFFFFF000  }
0x56: {  	v2 =	vld [tilespmem:s6+$0x80];
	_ =	sdelay $0x4  }
0x57: {  	[tilespmem:$0x9F00] =	vst v2  }
0x58: {  	v2 =	vld [tilespmem:s6+$0x90];
	_ =	sdelay $0x4  }
0x59: {  	s24 =	rddreg [dreg:$0x5];
	[tilespmem:$0x9F10] =	vst v2  }
0x5a: {  	[tilespmem:s29], [sflag:$0x5] =	stream.indirect.gather [hbm4b:s4+s19], $0x80, s24, s19, $0xb8;
	[tilespmem:$0x19000] =	vst v63  }
0x5b: {  	_ =	swait.ge [sflag:s30], $0x1000  }
0x5c: {  	[sflag:s30] =	ssyncset.done $0x0  }
0x5d: {  	[sflag:s30] =	ssyncadd.s32 $0xFFFFF000  }
0x5e: {  	v2 =	vld [tilespmem:s6+$0x4EA0];
	_ =	sdelay $0x4  }
0x5f: {  	vm0 =	vge.s32 v2, v0;
	vm1 =	vlt.s32 v2, v1  }
0x60: {  	v2 =	vsub.s32 v2, v0;
	vm0 =	vmand vm0, vm1  }
0x61: {  	v2 =	vnsel vm0, $0x1388, v2  }
0x62: {  	[tilespmem:$0xA180] =	vst v2  }
0x63: {  	v2 =	vld [tilespmem:s6+$0x4EB0];
	_ =	sdelay $0x4  }
0x64: {  	vm0 =	vge.s32 v2, v0;
	vm1 =	vlt.s32 v2, v1  }
0x65: {  	v2 =	vsub.s32 v2, v0;
	vm0 =	vmand vm0, vm1  }
0x66: {  	p1 =	por $0x0, $0x0;
	v2 =	vnsel vm0, $0x1388, v2  }
0x67: {  	s10 =	simm.s32 @!p1 $0x6;
	[tilespmem:$0xA190] =	vst v2  }
0x68: {  	[spmem:s2] =	stream.indirect.scatter.add.f32 [tilespmem:s23], [sflag:$0x7], $0x80, s31, s19, $0xb8;
	[tilespmem:$0x19000] =	vst v63  }
0x69: {  	_ =	swait.ge @!p1 [sflag:s10], $0x1000  }
0x6a: {  	[sflag:s10] =	ssyncset.done @!p1 $0x0  }
0x6b: {  	s9 =	simm.s32 @!p1 $0x0;
	[sflag:s10] =	ssyncadd.s32 @!p1 $0xFFFFF000  }
0x6c: {  	v2 =	vld @!p1 [tilespmem:s9+$0xA0];
	_ =	sdelay $0x4  }
0x6d: {  	[tilespmem:$0x9D00] =	vst @!p1 v2  }
0x6e: {  	v2 =	vld @!p1 [tilespmem:s9+$0xB0];
	_ =	sdelay $0x4  }
0x6f: {  	s11 =	simm.s32 @!p1 $0x9D00;
	s24 =	simm.s32 @!p1 $0xA380;
	s10 =	simm.s32 @!p1 $0x20;
	[tilespmem:$0x9D10] =	vst @!p1 v2  }
0x70: {  	[tilespmem:s24], [sflag:$0x1] =	stream.indirect.gather @!p1 [hbm4b:s4+s10], $0x80, s11, s10, $0xb8;
	[tilespmem:$0x19000] =	vst v63  }
0x71: {  	_ =	swait.ge [sflag:s0], $0x1000  }
0x72: {  	[sflag:s0] =	ssyncset.done $0x0  }
0x73: {  	[sflag:s0] =	ssyncadd.s32 $0xFFFFF000  }
0x74: {  	v2 =	vld [tilespmem:s6+$0x4EC0];
	_ =	sdelay $0x4  }
0x75: {  	vm0 =	vge.s32 v2, v0;
	vm1 =	vlt.s32 v2, v1  }
0x76: {  	v2 =	vsub.s32 v2, v0;
	vm0 =	vmand vm0, vm1  }
0x77: {  	v2 =	vnsel vm0, $0x1388, v2  }
0x78: {  	[tilespmem:$0xA200] =	vst v2  }
0x79: {  	v2 =	vld [tilespmem:s6+$0x4ED0];
	_ =	sdelay $0x4  }
0x7a: {  	vm0 =	vge.s32 v2, v0;
	vm1 =	vlt.s32 v2, v1  }
0x7b: {  	v2 =	vsub.s32 v2, v0;
	vm0 =	vmand vm0, vm1  }
0x7c: {  	v2 =	vnsel vm0, $0x1388, v2  }
0x7d: {  	s11 =	simm.s32 @!p1 $0x7;
	[tilespmem:$0xA210] =	vst v2  }
0x7e: {  	[spmem:s2] =	stream.indirect.scatter.add.f32 [tilespmem:s25], [sflag:$0x8], $0x80, s1, s19, $0xb8;
	[tilespmem:$0x19000] =	vst v63  }
0x7f: {  	_ =	swait.ge @!p1 [sflag:s11], $0x1000  }
0x80: {  	[sflag:s11] =	ssyncset.done @!p1 $0x0  }
0x81: {  	[sflag:s11] =	ssyncadd.s32 @!p1 $0xFFFFF000  }
0x82: {  	v2 =	vld @!p1 [tilespmem:s9+$0xC0];
	_ =	sdelay $0x4  }
0x83: {  	[tilespmem:$0x9D80] =	vst @!p1 v2  }
0x84: {  	v2 =	vld @!p1 [tilespmem:s9+$0xD0];
	_ =	sdelay $0x4  }
0x85: {  	s24 =	simm.s32 @!p1 $0xB380;
	s11 =	simm.s32 @!p1 $0x9D80;
	[tilespmem:$0x9D90] =	vst @!p1 v2  }
0x86: {  	[tilespmem:s24], [sflag:$0x2] =	stream.indirect.gather @!p1 [hbm4b:s4+s10], $0x80, s11, s10, $0xb8;
	[tilespmem:$0x19000] =	vst v63  }
0x87: {  	_ =	swait.ge [sflag:s3], $0x1000  }
0x88: {  	[sflag:s3] =	ssyncset.done $0x0  }
0x89: {  	[sflag:s3] =	ssyncadd.s32 $0xFFFFF000  }
0x8a: {  	v2 =	vld [tilespmem:s6+$0x4EE0];
	_ =	sdelay $0x4  }
0x8b: {  	vm0 =	vge.s32 v2, v0;
	vm1 =	vlt.s32 v2, v1  }
0x8c: {  	v2 =	vsub.s32 v2, v0;
	vm0 =	vmand vm0, vm1  }
0x8d: {  	v2 =	vnsel vm0, $0x1388, v2  }
0x8e: {  	[tilespmem:$0xA280] =	vst v2  }
0x8f: {  	v2 =	vld [tilespmem:s6+$0x4EF0];
	_ =	sdelay $0x4  }
0x90: {  	vm0 =	vge.s32 v2, v0;
	vm1 =	vlt.s32 v2, v1  }
0x91: {  	v2 =	vsub.s32 v2, v0;
	vm0 =	vmand vm0, vm1  }
0x92: {  	v2 =	vnsel vm0, $0x1388, v2  }
0x93: {  	s11 =	simm.s32 @!p1 $0x8;
	[tilespmem:$0xA290] =	vst v2  }
0x94: {  	[spmem:s2] =	stream.indirect.scatter.add.f32 [tilespmem:s26], [sflag:$0x9], $0x80, s18, s19, $0xb8;
	[tilespmem:$0x19000] =	vst v63  }
0x95: {  	_ =	swait.ge @!p1 [sflag:s11], $0x1000  }
0x96: {  	[sflag:s11] =	ssyncset.done @!p1 $0x0  }
0x97: {  	[sflag:s11] =	ssyncadd.s32 @!p1 $0xFFFFF000  }
0x98: {  	v2 =	vld @!p1 [tilespmem:s9+$0xE0];
	_ =	sdelay $0x4  }
0x99: {  	[tilespmem:$0x9E00] =	vst @!p1 v2  }
0x9a: {  	v2 =	vld @!p1 [tilespmem:s9+$0xF0];
	_ =	sdelay $0x4  }
0x9b: {  	s11 =	simm.s32 @!p1 $0xC380;
	s9 =	simm.s32 @!p1 $0x9E00;
	[tilespmem:$0x9E10] =	vst @!p1 v2  }
0x9c: {  	[tilespmem:s11], [sflag:$0x3] =	stream.indirect.gather @!p1 [hbm4b:s4+s10], $0x80, s9, s10, $0xb8;
	[tilespmem:$0x19000] =	vst v63  }
0x9d: {  	_ =	swait.ge [sflag:s20], $0x1000  }
0x9e: {  	[sflag:s20] =	ssyncset.done $0x0  }
0x9f: {  	[sflag:s20] =	ssyncadd.s32 $0xFFFFF000  }
0xa0: {  	v2 =	vld [tilespmem:s6+$0x4F00];
	_ =	sdelay $0x4  }
0xa1: {  	vm0 =	vge.s32 v2, v0;
	vm1 =	vlt.s32 v2, v1  }
0xa2: {  	v2 =	vsub.s32 v2, v0;
	vm0 =	vmand vm0, vm1  }
0xa3: {  	v2 =	vnsel vm0, $0x1388, v2  }
0xa4: {  	[tilespmem:$0xA300] =	vst v2  }
0xa5: {  	v2 =	vld [tilespmem:s6+$0x4F10];
	_ =	sdelay $0x4  }
0xa6: {  	vm0 =	vge.s32 v2, v0;
	vm1 =	vlt.s32 v2, v1  }
0xa7: {  	p2 =	por $0x0, $0x0;
	s8 =	simm.s32 $0x280;
	s9 =	simm.s32 $0x500;
	v2 =	vsub.s32 v2, v0;
	vm0 =	vmand vm0, vm1  }
.LBB2_2:
0xa8: {  	v2 =	vnsel vm0, $0x1388, v2  }
0xa9: {  	s11 =	simm.s32 @!p2 $0x9;
	[tilespmem:$0xA310] =	vst v2  }
0xaa: {  	[spmem:s2] =	stream.indirect.scatter.add.f32 [tilespmem:s29], [sflag:$0xA], $0x80, s22, s19, $0xb8;
	[tilespmem:$0x19000] =	vst v63  }
0xab: {  	_ =	swait.ge @!p2 [sflag:s11], $0x1000  }
0xac: {  	[sflag:s11] =	ssyncset.done @!p2 $0x0  }
0xad: {  	s10 =	sshra.s32 s8, $0x2;
	[sflag:s11] =	ssyncadd.s32 @!p2 $0xFFFFF000  }
0xae: {  	v2 =	vld [tilespmem:s10+$0x60];
	_ =	sdelay $0x4  }
0xaf: {  	[tilespmem:$0x9E80] =	vst v2  }
0xb0: {  	v2 =	vld [tilespmem:s10+$0x70];
	_ =	sdelay $0x4  }
0xb1: {  	s5 =	rddreg [dreg:$0x3];
	[tilespmem:$0x9E90] =	vst v2  }
0xb2: {  	[tilespmem:s26], [sflag:$0x4] =	stream.indirect.gather [hbm4b:s4+s19], $0x80, s5, s19, $0xb8;
	[tilespmem:$0x19000] =	vst v63  }
0xb3: {  	_ =	swait.ge [sflag:s28], $0x1000  }
0xb4: {  	[sflag:s28] =	ssyncset.done $0x0  }
0xb5: {  	[sflag:s28] =	ssyncadd.s32 $0xFFFFF000  }
0xb6: {  	v2 =	vld [tilespmem:s10+$0x4E80];
	_ =	sdelay $0x4  }
0xb7: {  	vm0 =	vge.s32 v2, v0;
	vm1 =	vlt.s32 v2, v1  }
0xb8: {  	v2 =	vsub.s32 v2, v0;
	vm0 =	vmand vm0, vm1  }
0xb9: {  	v2 =	vnsel vm0, $0x1388, v2  }
0xba: {  	[tilespmem:$0xA100] =	vst v2  }
0xbb: {  	v2 =	vld [tilespmem:s10+$0x4E90];
	_ =	sdelay $0x4  }
0xbc: {  	vm0 =	vge.s32 v2, v0;
	vm1 =	vlt.s32 v2, v1  }
0xbd: {  	v2 =	vsub.s32 v2, v0;
	vm0 =	vmand vm0, vm1  }
0xbe: {  	v2 =	vnsel vm0, $0x1388, v2  }
0xbf: {  	s5 =	simm.s32 @!p2 $0xA;
	s6 =	rddreg [dreg:$0x4];
	[tilespmem:$0xA110] =	vst v2  }
0xc0: {  	[spmem:s2] =	stream.indirect.scatter.add.f32 [tilespmem:s21], [sflag:$0x6], $0x80, s6, s19, $0xb8;
	[tilespmem:$0x19000] =	vst v63  }
0xc1: {  	_ =	swait.ge @!p2 [sflag:s5], $0x1000  }
0xc2: {  	[sflag:s5] =	ssyncset.done @!p2 $0x0  }
0xc3: {  	[sflag:s5] =	ssyncadd.s32 @!p2 $0xFFFFF000  }
0xc4: {  	v2 =	vld [tilespmem:s10+$0x80];
	_ =	sdelay $0x4  }
0xc5: {  	[tilespmem:$0x9F00] =	vst v2  }
0xc6: {  	v2 =	vld [tilespmem:s10+$0x90];
	_ =	sdelay $0x4  }
0xc7: {  	s11 =	rddreg [dreg:$0x5];
	[tilespmem:$0x9F10] =	vst v2  }
0xc8: {  	[tilespmem:s29], [sflag:$0x5] =	stream.indirect.gather [hbm4b:s4+s19], $0x80, s11, s19, $0xb8;
	[tilespmem:$0x19000] =	vst v63  }
0xc9: {  	_ =	swait.ge [sflag:s30], $0x1000  }
0xca: {  	[sflag:s30] =	ssyncset.done $0x0  }
0xcb: {  	[sflag:s30] =	ssyncadd.s32 $0xFFFFF000  }
0xcc: {  	v2 =	vld [tilespmem:s10+$0x4EA0];
	_ =	sdelay $0x4  }
0xcd: {  	vm0 =	vge.s32 v2, v0;
	vm1 =	vlt.s32 v2, v1  }
0xce: {  	v2 =	vsub.s32 v2, v0;
	vm0 =	vmand vm0, vm1  }
0xcf: {  	v2 =	vnsel vm0, $0x1388, v2  }
0xd0: {  	[tilespmem:$0xA180] =	vst v2  }
0xd1: {  	v2 =	vld [tilespmem:s10+$0x4EB0];
	_ =	sdelay $0x4  }
0xd2: {  	vm0 =	vge.s32 v2, v0;
	vm1 =	vlt.s32 v2, v1  }
0xd3: {  	v2 =	vsub.s32 v2, v0;
	vm0 =	vmand vm0, vm1  }
0xd4: {  	p2 =	seq.s32 s8, $0x13600;
	v2 =	vnsel vm0, $0x1388, v2  }
0xd5: {  	s5 =	simm.s32 @!p2 $0x6;
	[tilespmem:$0xA190] =	vst v2  }
0xd6: {  	[spmem:s2] =	stream.indirect.scatter.add.f32 [tilespmem:s23], [sflag:$0x7], $0x80, s31, s19, $0xb8;
	[tilespmem:$0x19000] =	vst v63  }
0xd7: {  	_ =	swait.ge @!p2 [sflag:s5], $0x1000  }
0xd8: {  	[sflag:s5] =	ssyncset.done @!p2 $0x0  }
0xd9: {  	s11 =	sshra.s32 @!p2 s8, $0x2;
	[sflag:s5] =	ssyncadd.s32 @!p2 $0xFFFFF000  }
0xda: {  	v2 =	vld @!p2 [tilespmem:s11+$0xA0];
	_ =	sdelay $0x4  }
0xdb: {  	[tilespmem:$0x9D00] =	vst @!p2 v2  }
0xdc: {  	v2 =	vld @!p2 [tilespmem:s11+$0xB0];
	_ =	sdelay $0x3  }
0xdd: {  	s24 =	smov.u32 s9;
	s6 =	simm.s32 @!p2 $0xA380  }
0xde: {  	s8 =	smov.u32 s24;
	s24 =	simm.s32 @!p2 $0x20;
	s5 =	simm.s32 @!p2 $0x9D00;
	[tilespmem:$0x9D10] =	vst @!p2 v2  }
0xdf: {  	[tilespmem:s6], [sflag:$0x1] =	stream.indirect.gather @!p2 [hbm4b:s4+s24], $0x80, s5, s24, $0xb8;
	[tilespmem:$0x19000] =	vst v63  }
0xe0: {  	_ =	swait.ge [sflag:s0], $0x1000  }
0xe1: {  	[sflag:s0] =	ssyncset.done $0x0  }
0xe2: {  	[sflag:s0] =	ssyncadd.s32 $0xFFFFF000  }
0xe3: {  	v2 =	vld [tilespmem:s10+$0x4EC0];
	_ =	sdelay $0x4  }
0xe4: {  	vm0 =	vge.s32 v2, v0;
	vm1 =	vlt.s32 v2, v1  }
0xe5: {  	v2 =	vsub.s32 v2, v0;
	vm0 =	vmand vm0, vm1  }
0xe6: {  	v2 =	vnsel vm0, $0x1388, v2  }
0xe7: {  	[tilespmem:$0xA200] =	vst v2  }
0xe8: {  	v2 =	vld [tilespmem:s10+$0x4ED0];
	_ =	sdelay $0x4  }
0xe9: {  	vm0 =	vge.s32 v2, v0;
	vm1 =	vlt.s32 v2, v1  }
0xea: {  	v2 =	vsub.s32 v2, v0;
	vm0 =	vmand vm0, vm1  }
0xeb: {  	v2 =	vnsel vm0, $0x1388, v2  }
0xec: {  	s5 =	simm.s32 @!p2 $0x7;
	[tilespmem:$0xA210] =	vst v2  }
0xed: {  	[spmem:s2] =	stream.indirect.scatter.add.f32 [tilespmem:s25], [sflag:$0x8], $0x80, s1, s19, $0xb8;
	[tilespmem:$0x19000] =	vst v63  }
0xee: {  	_ =	swait.ge @!p2 [sflag:s5], $0x1000  }
0xef: {  	[sflag:s5] =	ssyncset.done @!p2 $0x0  }
0xf0: {  	[sflag:s5] =	ssyncadd.s32 @!p2 $0xFFFFF000  }
0xf1: {  	v2 =	vld @!p2 [tilespmem:s11+$0xC0];
	_ =	sdelay $0x4  }
0xf2: {  	[tilespmem:$0x9D80] =	vst @!p2 v2  }
0xf3: {  	v2 =	vld @!p2 [tilespmem:s11+$0xD0];
	_ =	sdelay $0x4  }
0xf4: {  	s6 =	simm.s32 @!p2 $0xB380;
	s5 =	simm.s32 @!p2 $0x9D80;
	[tilespmem:$0x9D90] =	vst @!p2 v2  }
0xf5: {  	[tilespmem:s6], [sflag:$0x2] =	stream.indirect.gather @!p2 [hbm4b:s4+s24], $0x80, s5, s24, $0xb8;
	[tilespmem:$0x19000] =	vst v63  }
0xf6: {  	_ =	swait.ge [sflag:s3], $0x1000  }
0xf7: {  	[sflag:s3] =	ssyncset.done $0x0  }
0xf8: {  	[sflag:s3] =	ssyncadd.s32 $0xFFFFF000  }
0xf9: {  	v2 =	vld [tilespmem:s10+$0x4EE0];
	_ =	sdelay $0x4  }
0xfa: {  	vm0 =	vge.s32 v2, v0;
	vm1 =	vlt.s32 v2, v1  }
0xfb: {  	v2 =	vsub.s32 v2, v0;
	vm0 =	vmand vm0, vm1  }
0xfc: {  	v2 =	vnsel vm0, $0x1388, v2  }
0xfd: {  	[tilespmem:$0xA280] =	vst v2  }
0xfe: {  	v2 =	vld [tilespmem:s10+$0x4EF0];
	_ =	sdelay $0x4  }
0xff: {  	vm0 =	vge.s32 v2, v0;
	vm1 =	vlt.s32 v2, v1  }
0x100: {  	v2 =	vsub.s32 v2, v0;
	vm0 =	vmand vm0, vm1  }
0x101: {  	v2 =	vnsel vm0, $0x1388, v2  }
0x102: {  	s5 =	simm.s32 @!p2 $0x8;
	[tilespmem:$0xA290] =	vst v2  }
0x103: {  	[spmem:s2] =	stream.indirect.scatter.add.f32 [tilespmem:s26], [sflag:$0x9], $0x80, s18, s19, $0xb8;
	[tilespmem:$0x19000] =	vst v63  }
0x104: {  	_ =	swait.ge @!p2 [sflag:s5], $0x1000  }
0x105: {  	[sflag:s5] =	ssyncset.done @!p2 $0x0  }
0x106: {  	[sflag:s5] =	ssyncadd.s32 @!p2 $0xFFFFF000  }
0x107: {  	v2 =	vld @!p2 [tilespmem:s11+$0xE0];
	_ =	sdelay $0x4  }
0x108: {  	[tilespmem:$0x9E00] =	vst @!p2 v2  }
0x109: {  	v2 =	vld @!p2 [tilespmem:s11+$0xF0];
	_ =	sdelay $0x4  }
0x10a: {  	s6 =	simm.s32 @!p2 $0xC380;
	s5 =	simm.s32 @!p2 $0x9E00;
	[tilespmem:$0x9E10] =	vst @!p2 v2  }
0x10b: {  	[tilespmem:s6], [sflag:$0x3] =	stream.indirect.gather @!p2 [hbm4b:s4+s24], $0x80, s5, s24, $0xb8;
	[tilespmem:$0x19000] =	vst v63  }
0x10c: {  	_ =	swait.ge [sflag:s20], $0x1000  }
0x10d: {  	[sflag:s20] =	ssyncset.done $0x0  }
0x10e: {  	[sflag:s20] =	ssyncadd.s32 $0xFFFFF000  }
0x10f: {  	v2 =	vld [tilespmem:s10+$0x4F00];
	_ =	sdelay $0x4  }
0x110: {  	vm0 =	vge.s32 v2, v0;
	vm1 =	vlt.s32 v2, v1  }
0x111: {  	v2 =	vsub.s32 v2, v0;
	vm0 =	vmand vm0, vm1  }
0x112: {  	v2 =	vnsel vm0, $0x1388, v2  }
0x113: {  	[tilespmem:$0xA300] =	vst v2  }
0x114: {  	s9 =	sadd.s32 $0x280, s9;
	v2 =	vld [tilespmem:s10+$0x4F10]  }
0x115: {  	p1 =	sne.s32 s9, $0x13880  }
.Ltmp0:
0x116: {  	_ = 	snop;
	(pc) =	sbr.rel @p1 .LBB2_2-.Ltmp0, $3  }
0x117: {  	_ =	sdelay $0x1  }
0x118: {  	vm0 =	vge.s32 v2, v0;
	vm1 =	vlt.s32 v2, v1  }
0x119: {  	p2 =	seq.s32 s8, $0x0;
	v2 =	vsub.s32 v2, v0;
	vm0 =	vmand vm0, vm1  }
0x11a: {  	v2 =	vnsel vm0, $0x1388, v2  }
0x11b: {  	s5 =	simm.s32 @!p2 $0x9;
	[tilespmem:$0xA310] =	vst v2  }
0x11c: {  	[spmem:s2] =	stream.indirect.scatter.add.f32 [tilespmem:s29], [sflag:$0xA], $0x80, s22, s19, $0xb8;
	[tilespmem:$0x19000] =	vst v63  }
0x11d: {  	_ =	swait.ge @!p2 [sflag:s5], $0x1000  }
0x11e: {  	[sflag:s5] =	ssyncset.done @!p2 $0x0  }
0x11f: {  	s9 =	sshra.s32 s8, $0x2;
	[sflag:s5] =	ssyncadd.s32 @!p2 $0xFFFFF000  }
0x120: {  	v2 =	vld [tilespmem:s9+$0x60];
	_ =	sdelay $0x4  }
0x121: {  	[tilespmem:$0x9E80] =	vst v2  }
0x122: {  	v2 =	vld [tilespmem:s9+$0x70];
	_ =	sdelay $0x4  }
0x123: {  	s11 =	rddreg [dreg:$0x3];
	[tilespmem:$0x9E90] =	vst v2  }
0x124: {  	[tilespmem:s26], [sflag:$0x4] =	stream.indirect.gather [hbm4b:s4+s19], $0x80, s11, s19, $0xb8;
	[tilespmem:$0x19000] =	vst v63  }
0x125: {  	_ =	swait.ge [sflag:s28], $0x1000  }
0x126: {  	[sflag:s28] =	ssyncset.done $0x0  }
0x127: {  	[sflag:s28] =	ssyncadd.s32 $0xFFFFF000  }
0x128: {  	v2 =	vld [tilespmem:s9+$0x4E80];
	_ =	sdelay $0x4  }
0x129: {  	vm9 =	vge.s32 v2, v0;
	vm1 =	vlt.s32 v2, v1  }
0x12a: {  	v2 =	vsub.s32 v2, v0;
	vm0 =	vmand vm9, vm1  }
0x12b: {  	v2 =	vnsel vm0, $0x1388, v2  }
0x12c: {  	[tilespmem:$0xA100] =	vst v2  }
0x12d: {  	v2 =	vld [tilespmem:s9+$0x4E90];
	_ =	sdelay $0x4  }
0x12e: {  	vm10 =	vge.s32 v2, v0;
	vm11 =	vlt.s32 v2, v1  }
0x12f: {  	v2 =	vsub.s32 v2, v0;
	vm0 =	vmand vm10, vm11  }
0x130: {  	v2 =	vnsel vm0, $0x1388, v2  }
0x131: {  	s6 =	simm.s32 @!p2 $0xA;
	s24 =	rddreg [dreg:$0x4];
	[tilespmem:$0xA110] =	vst v2  }
0x132: {  	[spmem:s2] =	stream.indirect.scatter.add.f32 [tilespmem:s21], [sflag:$0x6], $0x80, s24, s19, $0xb8;
	[tilespmem:$0x19000] =	vst v63  }
0x133: {  	_ =	swait.ge @!p2 [sflag:s6], $0x1000  }
0x134: {  	[sflag:s6] =	ssyncset.done @!p2 $0x0  }
0x135: {  	[sflag:s6] =	ssyncadd.s32 @!p2 $0xFFFFF000  }
0x136: {  	v2 =	vld [tilespmem:s9+$0x80];
	_ =	sdelay $0x4  }
0x137: {  	[tilespmem:$0x9F00] =	vst v2  }
0x138: {  	v2 =	vld [tilespmem:s9+$0x90];
	_ =	sdelay $0x4  }
0x139: {  	s6 =	rddreg [dreg:$0x5];
	[tilespmem:$0x9F10] =	vst v2  }
0x13a: {  	[tilespmem:s29], [sflag:$0x5] =	stream.indirect.gather [hbm4b:s4+s19], $0x80, s6, s19, $0xb8;
	[tilespmem:$0x19000] =	vst v63  }
0x13b: {  	_ =	swait.ge [sflag:s30], $0x1000  }
0x13c: {  	[sflag:s30] =	ssyncset.done $0x0  }
0x13d: {  	[sflag:s30] =	ssyncadd.s32 $0xFFFFF000  }
0x13e: {  	v2 =	vld [tilespmem:s9+$0x4EA0];
	_ =	sdelay $0x4  }
0x13f: {  	vm12 =	vge.s32 v2, v0;
	vm13 =	vlt.s32 v2, v1  }
0x140: {  	v2 =	vsub.s32 v2, v0;
	vm0 =	vmand vm12, vm13  }
0x141: {  	v2 =	vnsel vm0, $0x1388, v2  }
0x142: {  	[tilespmem:$0xA180] =	vst v2  }
0x143: {  	v2 =	vld [tilespmem:s9+$0x4EB0];
	_ =	sdelay $0x4  }
0x144: {  	vm14 =	vge.s32 v2, v0;
	vm15 =	vlt.s32 v2, v1  }
0x145: {  	v2 =	vsub.s32 v2, v0;
	vm0 =	vmand vm14, vm15  }
0x146: {  	p1 =	seq.s32 s8, $0x13600;
	v2 =	vnsel vm0, $0x1388, v2  }
0x147: {  	s5 =	simm.s32 @!p1 $0x6;
	[tilespmem:$0xA190] =	vst v2  }
0x148: {  	[spmem:s2] =	stream.indirect.scatter.add.f32 [tilespmem:s23], [sflag:$0x7], $0x80, s31, s19, $0xb8;
	[tilespmem:$0x19000] =	vst v63  }
0x149: {  	_ =	swait.ge @!p1 [sflag:s5], $0x1000  }
0x14a: {  	[sflag:s5] =	ssyncset.done @!p1 $0x0  }
0x14b: {  	s8 =	sshra.s32 @!p1 s8, $0x2;
	[sflag:s5] =	ssyncadd.s32 @!p1 $0xFFFFF000  }
0x14c: {  	v2 =	vld @!p1 [tilespmem:s8+$0xA0];
	_ =	sdelay $0x4  }
0x14d: {  	[tilespmem:$0x9D00] =	vst @!p1 v2  }
0x14e: {  	v2 =	vld @!p1 [tilespmem:s8+$0xB0];
	_ =	sdelay $0x4  }
0x14f: {  	s10 =	simm.s32 @!p1 $0xA380;
	s6 =	simm.s32 @!p1 $0x9D00;
	s5 =	simm.s32 @!p1 $0x20;
	[tilespmem:$0x9D10] =	vst @!p1 v2  }
0x150: {  	[tilespmem:s10], [sflag:$0x1] =	stream.indirect.gather @!p1 [hbm4b:s4+s5], $0x80, s6, s5, $0xb8;
	[tilespmem:$0x19000] =	vst v63  }
0x151: {  	_ =	swait.ge [sflag:s0], $0x1000  }
0x152: {  	[sflag:s0] =	ssyncset.done $0x0  }
0x153: {  	[sflag:s0] =	ssyncadd.s32 $0xFFFFF000  }
0x154: {  	v2 =	vld [tilespmem:s9+$0x4EC0];
	_ =	sdelay $0x4  }
0x155: {  	vm4 =	vge.s32 v2, v0;
	vm5 =	vlt.s32 v2, v1  }
0x156: {  	v2 =	vsub.s32 v2, v0;
	vm0 =	vmand vm4, vm5  }
0x157: {  	v2 =	vnsel vm0, $0x1388, v2  }
0x158: {  	[tilespmem:$0xA200] =	vst v2  }
0x159: {  	v2 =	vld [tilespmem:s9+$0x4ED0];
	_ =	sdelay $0x4  }
0x15a: {  	vm6 =	vge.s32 v2, v0;
	vm7 =	vlt.s32 v2, v1  }
0x15b: {  	v2 =	vsub.s32 v2, v0;
	vm0 =	vmand vm6, vm7  }
0x15c: {  	v2 =	vnsel vm0, $0x1388, v2  }
0x15d: {  	s6 =	simm.s32 @!p1 $0x7;
	[tilespmem:$0xA210] =	vst v2  }
0x15e: {  	[spmem:s2] =	stream.indirect.scatter.add.f32 [tilespmem:s25], [sflag:$0x8], $0x80, s1, s19, $0xb8;
	[tilespmem:$0x19000] =	vst v63  }
0x15f: {  	_ =	swait.ge @!p1 [sflag:s6], $0x1000  }
0x160: {  	[sflag:s6] =	ssyncset.done @!p1 $0x0  }
0x161: {  	[sflag:s6] =	ssyncadd.s32 @!p1 $0xFFFFF000  }
0x162: {  	v2 =	vld @!p1 [tilespmem:s8+$0xC0];
	_ =	sdelay $0x4  }
0x163: {  	[tilespmem:$0x9D80] =	vst @!p1 v2  }
0x164: {  	v2 =	vld @!p1 [tilespmem:s8+$0xD0];
	_ =	sdelay $0x4  }
0x165: {  	s10 =	simm.s32 @!p1 $0xB380;
	s6 =	simm.s32 @!p1 $0x9D80;
	[tilespmem:$0x9D90] =	vst @!p1 v2  }
0x166: {  	[tilespmem:s10], [sflag:$0x2] =	stream.indirect.gather @!p1 [hbm4b:s4+s5], $0x80, s6, s5, $0xb8;
	[tilespmem:$0x19000] =	vst v63  }
0x167: {  	_ =	swait.ge [sflag:s3], $0x1000  }
0x168: {  	[sflag:s3] =	ssyncset.done $0x0  }
0x169: {  	[sflag:s3] =	ssyncadd.s32 $0xFFFFF000  }
0x16a: {  	v2 =	vld [tilespmem:s9+$0x4EE0];
	_ =	sdelay $0x4  }
0x16b: {  	vm8 =	vge.s32 v2, v0;
	vm9 =	vlt.s32 v2, v1  }
0x16c: {  	v2 =	vsub.s32 v2, v0;
	vm0 =	vmand vm8, vm9  }
0x16d: {  	v2 =	vnsel vm0, $0x1388, v2  }
0x16e: {  	[tilespmem:$0xA280] =	vst v2  }
0x16f: {  	v2 =	vld [tilespmem:s9+$0x4EF0];
	_ =	sdelay $0x4  }
0x170: {  	vm10 =	vge.s32 v2, v0;
	vm11 =	vlt.s32 v2, v1  }
0x171: {  	v2 =	vsub.s32 v2, v0;
	vm0 =	vmand vm10, vm11  }
0x172: {  	v2 =	vnsel vm0, $0x1388, v2  }
0x173: {  	s6 =	simm.s32 @!p1 $0x8;
	[tilespmem:$0xA290] =	vst v2  }
0x174: {  	[spmem:s2] =	stream.indirect.scatter.add.f32 [tilespmem:s26], [sflag:$0x9], $0x80, s18, s19, $0xb8;
	[tilespmem:$0x19000] =	vst v63  }
0x175: {  	_ =	swait.ge @!p1 [sflag:s6], $0x1000  }
0x176: {  	[sflag:s6] =	ssyncset.done @!p1 $0x0  }
0x177: {  	[sflag:s6] =	ssyncadd.s32 @!p1 $0xFFFFF000  }
0x178: {  	v2 =	vld @!p1 [tilespmem:s8+$0xE0];
	_ =	sdelay $0x4  }
0x179: {  	[tilespmem:$0x9E00] =	vst @!p1 v2  }
0x17a: {  	v2 =	vld @!p1 [tilespmem:s8+$0xF0];
	_ =	sdelay $0x4  }
0x17b: {  	s6 =	simm.s32 @!p1 $0x9E00;
	s8 =	simm.s32 @!p1 $0xC380;
	[tilespmem:$0x9E10] =	vst @!p1 v2  }
0x17c: {  	[tilespmem:s8], [sflag:$0x3] =	stream.indirect.gather @!p1 [hbm4b:s4+s5], $0x80, s6, s5, $0xb8;
	[tilespmem:$0x19000] =	vst v63  }
0x17d: {  	_ =	swait.ge [sflag:s20], $0x1000  }
0x17e: {  	[sflag:s20] =	ssyncset.done $0x0  }
0x17f: {  	[sflag:s20] =	ssyncadd.s32 $0xFFFFF000  }
0x180: {  	v2 =	vld [tilespmem:s9+$0x4F00];
	_ =	sdelay $0x4  }
0x181: {  	vm12 =	vge.s32 v2, v0;
	vm13 =	vlt.s32 v2, v1  }
0x182: {  	v2 =	vsub.s32 v2, v0;
	vm0 =	vmand vm12, vm13  }
0x183: {  	v2 =	vnsel vm0, $0x1388, v2  }
0x184: {  	[tilespmem:$0xA300] =	vst v2  }
0x185: {  	v2 =	vld [tilespmem:s9+$0x4F10];
	_ =	sdelay $0x4  }
0x186: {  	vm14 =	vge.s32 v2, v0;
	vm15 =	vlt.s32 v2, v1  }
0x187: {  	v2 =	vsub.s32 v2, v0;
	vm0 =	vmand vm14, vm15  }
0x188: {  	v2 =	vnsel vm0, $0x1388, v2  }
0x189: {  	s9 =	simm.s32 $0x6;
	[tilespmem:$0xA310] =	vst v2  }
0x18a: {  	[spmem:s2] =	stream.indirect.scatter.add.f32 [tilespmem:s29], [sflag:$0xA], $0x80, s22, s19, $0xb8;
	[tilespmem:$0x19000] =	vst v63  }
0x18b: {  	_ =	swait.ge [sflag:s9], $0x1000  }
0x18c: {  	[sflag:s9] =	ssyncset.done $0x0  }
0x18d: {  	s10 =	simm.s32 $0x7;
	[sflag:s9] =	ssyncadd.s32 $0xFFFFF000  }
0x18e: {  	_ =	swait.ge [sflag:s10], $0x1000  }
0x18f: {  	[sflag:s10] =	ssyncset.done $0x0  }
0x190: {  	s11 =	simm.s32 $0x8;
	[sflag:s10] =	ssyncadd.s32 $0xFFFFF000  }
0x191: {  	_ =	swait.ge [sflag:s11], $0x1000  }
0x192: {  	[sflag:s11] =	ssyncset.done $0x0  }
0x193: {  	[sflag:s11] =	ssyncadd.s32 $0xFFFFF000  }
0x194: {  	_ =	swait.ge [sflag:s15], $0x1000  }
0x195: {  	[sflag:s15] =	ssyncset.done $0x0  }
0x196: {  	[sflag:s15] =	ssyncadd.s32 $0xFFFFF000  }
0x197: {  	_ =	swait.ge [sflag:s7], $0x1000  }
0x198: {  	[sflag:s7] =	ssyncset.done $0x0  }
0x199: {  	[sflag:s7] =	ssyncadd.s32 $0xFFFFF000  }
0x19a: {  	[bflag:$0x0] =	sbarrier.arrive $0xFFFF  }
0x19b: {  	s5 =	simm.s32 @p0 $0x1FCB;
	s6 =	rddreg [dreg:$0xb]  }
0x19c: {  	[hbm:s6], [sflag:s5] =	dma.local @p0 [spmem:s12], $0xC80  }
0x19d: {  	s5 =	simm.s32 @p0 $0xB  }
0x19e: {  	_ =	swait.ge @p0 [sflag:s5], $0xC80  }
0x19f: {  	[sflag:s5] =	ssyncset.done @p0 $0x0  }
0x1a0: {  	[sflag:s5] =	ssyncadd.s32 @p0 $0xFFFFF380;
	s5 =	rddreg [dreg:$0xa]  }
0x1a1: {  	[hbm:s5], [sflag:s13] =	dma.local @!p0 [spmem:s14], $0x1400  }
0x1a2: {  	s5 =	simm.s32 @!p0 $0xB  }
0x1a3: {  	_ =	swait.ge @!p0 [sflag:s5], $0x1400  }
0x1a4: {  	s16 =	sadd.s32 $0x1, s16;
	s24 =	rddreg [dreg:$0xc]  }
0x1a5: {  	p1 =	sne.s32 s16, s24  }
.Ltmp1:
0x1a6: {  	_ = 	snop;
	(pc) =	sbr.rel @p1 .LBB2_1-.Ltmp1, $3  }
0x1a7: {  	_ =	sdelay $0x1  }
0x1a8: {  	[sflag:s5] =	ssyncset.done @!p0 $0x0  }
0x1a9: {  	[sflag:s5] =	ssyncadd.s32 @!p0 $0xFFFFEC00  }
0x1aa: {  	_ =	sfence.sel $0x180000  }
0x1ab: {  	[bflag:$0x0] =	sbarrier.arrive $0xFFFF  }
0x1ac: {  	_ =	strace $0x9000004A  }
0x1ad: {  	s0 =	stileid.u32;
	[bflag:$0x2] =	sbarrier.arrive $0xFFFF  }
0x1ae: {  	p0 =	sne.s32 s0, $0x0;
	s0 =	rddreg [dreg:$0x2]  }
0x1af: {  	s0 =	sadd.s32 @!p0 $0x100000, s0  }
0x1b0: {  	[sflag:s0] =	ssyncadd.tile.s32 @!p0 $0x1;
	_ =	shalt  }
.Lfunc_end2:
_tile_overlayer_lowered:
.L_overlay_start_2:
0x1b1: {  	(tag) =	ssettag $0x2  }
0x1b2: {  	s0 =	rddreg [dreg:$0x0];
	s2 =	stileid.u32  }
0x1b3: {  	s1 =	rddreg [dreg:$0x1];
	p0 =	sne.s32 s2, $0x0  }
0x1b4: {  	s3 =	rddreg [dreg:$0x2];
	[bflag:$0x3] =	sbarrier.arrive $0xFFFF;
	s2 =	simm.s32 @!p0 $0x1C0B  }
0x1b5: {  	[timem:s3], [sflag:s2] =	dma.local @!p0 [hbm:s0], s1  }
0x1b6: {  	s0 =	simm.s32 @!p0 $0xB  }
0x1b7: {  	_ =	swait.ge @!p0 [sflag:s0], s1  }
0x1b8: {  	s1 =	ssub.s32 @!p0 $0x0, s1;
	[sflag:s0] =	ssyncset.done @!p0 $0x0  }
0x1b9: {  	[sflag:s0] =	ssyncadd.s32 @!p0 s1  }
0x1ba: {  	[bflag:$0x3] =	sbarrier.arrive $0xFFFF  }
0x1bb: {  	_ =	shalt  }

// kernel: kernel.14.cloned.1.call-start
scs
__scs_entry_jumppad:
0x0: {  	(pc) =	sbr.rel $0x88, $3  }
0x1: {  	(tag) =	ssettag $0x0;
	lr =	simm.s32 $0x1  }
0x2: {  	[smem:$0x3F9A] =	sst lr;
	_ =	strace $0xD0000000  }
0x3: {  	_ = 	snop  }
0x4: {  	_ = 	snop  }
0x5: {  	_ = 	snop  }
0x6: {  	_ = 	snop  }
0x7: {  	_ = 	snop  }
__scs_overlays_trampoline_lowered:
0x8: {  	[smem:$0x3FA9] =	sst s0  }
0x9: {  	[smem:$0x3FAA] =	sst s1  }
0xa: {  	[smem:$0x3FAB] =	sst s2  }
0xb: {  	[smem:$0x3FAC] =	sst s3  }
0xc: {  	[smem:$0x3FAD] =	sst s4  }
0xd: {  	[smem:$0x3FAE] =	sst s5  }
0xe: {  	[smem:$0x3FAF] =	sst s6  }
0xf: {  	[smem:$0x3FB0] =	sst s7  }
0x10: {  	[smem:$0x3FB1] =	sst s8  }
0x11: {  	[smem:$0x3FB2] =	sst s9;
	s0 =	simm.s32 @!p0 $0x0  }
0x12: {  	s1 =	sld [smem:$0x3F98];
	s0 =	simm.s32 @p0 $0x1  }
0x13: {  	[smem:$0x3FB3] =	sst s0;
	s0 =	simm.s32 @!p1 $0x0  }
0x14: {  	s2 =	sld [smem:$0x3F97];
	s0 =	simm.s32 @p1 $0x1  }
0x15: {  	[smem:$0x3FB4] =	sst s0;
	s0 =	simm.s32 @!p2 $0x0  }
0x16: {  	s3 =	sld [smem:$0x3FDB];
	s0 =	simm.s32 @p2 $0x1  }
0x17: {  	s4 =	simm.s32 $0x1BF5;
	[smem:$0x3FB6] =	sst s0  }
0x18: {  	s0 =	sld [smem:$0x3F99];
	_ =	swait.ge [sflag:s4], $0x0  }
0x19: {  	s7 =	sld [smem:$0x3F9A]  }
0x1a: {  	s8 =	sadd.s32 $0xFFFFE003, lr  }
0x1b: {  	s9 =	sadd.s32 $0xFFFFFEF7, lr;
	s5 =	simm.s32 $0xFFFFFFFF;
	p2 =	slt.u32 s8, $0xFFFFF086  }
0x1c: {  	p1 =	slt.u32 s9, $0xF7A;
	s5 =	simm.s32 @!p2 $0x0  }
0x1d: {  	s5 =	simm.s32 @p1 $0x1;
	p0 =	seq.s32 s7, s2  }
0x1e: {  	s7 =	smul.u32 @!p0 $0xF7A, s2;
	p2 =	seq.s32 @!p0 s5, $0x0  }
0x1f: {  	s9 =	smul.u32 $0xF7A, s1;
	s8 =	simm.s32 @!p0 $0x1BF5;
	p2 =	por !p2, p0  }
0x20: {  	[sflag:s8] =	ssyncset.s32 @!p0 $0xFFFFF086;
	s6 =	sadd.s32 @!p0 s3, s7;
	s7 =	simm.s32 @!p0 $0x108  }
0x21: {  	s3 =	sadd.s32 s3, s9;
	s6 =	sadd.s32 @!p0 $0x88, s6;
	s7 =	simm.s32 @p2 $0x1082  }
0x22: {  	[simem:s7], [sflag:s8] =	dma.local @!p0 [hbm:s6], $0xF7A  }
0x23: {  	s9 =	sor.u32 $0xD0000000, s2;
	s6 =	simm.s32 $0x108;
	_ =	swait.ge @!p0 [sflag:s8], $0x0  }
0x24: {  	s3 =	sadd.s32 $0x88, s3;
	s6 =	simm.s32 @!p1 $0x1082;
	[sflag:s4] =	ssyncset.s32 $0xFFFFF086  }
0x25: {  	[simem:s6], [sflag:s4] =	dma.local [hbm:s3], $0xF7A  }
0x26: {  	[smem:$0x3F9A] =	sst s1;
	(tag) =	ssettag s2;
	_ =	strace s9  }
0x27: {  	s1 =	sld [smem:$0x3FAA]  }
0x28: {  	s2 =	sld [smem:$0x3FAB]  }
0x29: {  	s4 =	sld [smem:$0x3FAD]  }
0x2a: {  	p0 =	seq.s32 s5, $0x0;
	s5 =	sld [smem:$0x3FAE]  }
0x2b: {  	s6 =	sld [smem:$0x3FAF]  }
0x2c: {  	s7 =	sld [smem:$0x3FB0]  }
0x2d: {  	s3 =	simm.s32 $0x108;
	s8 =	sld [smem:$0x3FB1]  }
0x2e: {  	s3 =	simm.s32 @!p0 $0x1082;
	s9 =	sld [smem:$0x3FB2]  }
0x2f: {  	lr =	sadd.s32 s0, s3;
	s0 =	sld [smem:$0x3FA9]  }
0x30: {  	s3 =	sld [smem:$0x3FAC]  }
0x31: {  	[smem:$0x3FB5] =	sst s10  }
0x32: {  	s10 =	sld [smem:$0x3FB3];
	_ =	sdelay $0x3  }
0x33: {  	p0 =	seq.s32 s10, $0x1;
	s10 =	sld [smem:$0x3FB5];
	_ =	sdelay $0x3  }
0x34: {  	[smem:$0x3FB5] =	sst s10  }
0x35: {  	s10 =	sld [smem:$0x3FB4];
	_ =	sdelay $0x3  }
0x36: {  	p1 =	seq.s32 s10, $0x1;
	s10 =	sld [smem:$0x3FB5];
	_ =	sdelay $0x3  }
0x37: {  	[smem:$0x3FB5] =	sst s10  }
0x38: {  	s10 =	sld [smem:$0x3FB6]  }
0x39: {  	_ = 	snop;
	(pc) =	sbr.ind lr, $3  }
0x3a: {  	_ = 	snop  }
0x3b: {  	_ = 	snop  }
0x3c: {  	p2 =	seq.s32 s10, $0x1;
	s10 =	sld [smem:$0x3FB5]  }
0x3d: {  	_ =	shalt  }
0x3e: {  	_ =	shalt  }
0x3f: {  	_ =	shalt  }
0x40: {  	_ =	shalt  }
0x41: {  	_ =	shalt  }
0x42: {  	_ =	shalt  }
0x43: {  	_ =	shalt  }
0x44: {  	_ =	shalt  }
0x45: {  	_ =	shalt  }
0x46: {  	_ =	shalt  }
0x47: {  	_ =	shalt  }
0x48: {  	_ =	shalt  }
0x49: {  	_ =	shalt  }
0x4a: {  	_ =	shalt  }
0x4b: {  	_ =	shalt  }
0x4c: {  	_ =	shalt  }
0x4d: {  	_ =	shalt  }
0x4e: {  	_ =	shalt  }
0x4f: {  	_ =	shalt  }
0x50: {  	_ =	shalt  }
0x51: {  	_ =	shalt  }
0x52: {  	_ =	shalt  }
0x53: {  	_ =	shalt  }
0x54: {  	_ =	shalt  }
0x55: {  	_ =	shalt  }
0x56: {  	_ =	shalt  }
0x57: {  	_ =	shalt  }
0x58: {  	_ =	shalt  }
0x59: {  	_ =	shalt  }
0x5a: {  	_ =	shalt  }
0x5b: {  	_ =	shalt  }
0x5c: {  	_ =	shalt  }
0x5d: {  	_ =	shalt  }
0x5e: {  	_ =	shalt  }
0x5f: {  	_ =	shalt  }
0x60: {  	_ =	shalt  }
0x61: {  	_ =	shalt  }
0x62: {  	_ =	shalt  }
0x63: {  	_ =	shalt  }
0x64: {  	_ =	shalt  }
0x65: {  	_ =	shalt  }
0x66: {  	_ =	shalt  }
0x67: {  	_ =	shalt  }
0x68: {  	_ =	shalt  }
0x69: {  	_ =	shalt  }
0x6a: {  	_ =	shalt  }
0x6b: {  	_ =	shalt  }
0x6c: {  	_ =	shalt  }
0x6d: {  	_ =	shalt  }
0x6e: {  	_ =	shalt  }
0x6f: {  	_ =	shalt  }
0x70: {  	_ =	shalt  }
0x71: {  	_ =	shalt  }
0x72: {  	_ =	shalt  }
0x73: {  	_ =	shalt  }
0x74: {  	_ =	shalt  }
0x75: {  	_ =	shalt  }
0x76: {  	_ =	shalt  }
0x77: {  	_ =	shalt  }
0x78: {  	_ =	shalt  }
0x79: {  	_ =	shalt  }
0x7a: {  	_ =	shalt  }
0x7b: {  	_ =	shalt  }
0x7c: {  	_ =	shalt  }
0x7d: {  	_ =	shalt  }
0x7e: {  	_ =	shalt  }
0x7f: {  	_ =	shalt  }
0x80: {  	_ =	shalt  }
0x81: {  	_ =	shalt  }
0x82: {  	_ =	shalt  }
0x83: {  	_ =	shalt  }
0x84: {  	_ =	shalt  }
0x85: {  	_ =	shalt  }
0x86: {  	_ =	shalt  }
0x87: {  	_ =	shalt  }
.Lfunc_end0:
.L_simem_size_0:
called_computation.2_lowered:
.L_overlay_start_0:
0x88: {  	s2 =	sld [smem:$0x3FD9]  }
0x89: {  	s3 =	sld [smem:$0x3FFE];
	_ =	sdelay $0x1  }
0x8a: {  	s1 =	srdreg.scid  }
0x8b: {  	s0 =	sand.u32 $0x1, s1  }
0x8c: {  	s16 =	sshll.u32 s0, $0xA;
	s2 =	sadd.s32 s3, s2  }
0x8d: {  	s2 =	sadd.s32 s2, s16  }
0x8e: {  	[smem:$0x3FC1] =	sst s2  }
0x8f: {  	_ = 	snop  }
0x90: {  	(tm) =	ssettm $0x1  }
0x91: {  	s17 =	sld [smem:$0x3FFB];
	_ =	sdelay $0x3  }
0x92: {  	_ =	strace s17  }
0x93: {  	s2 =	sld [smem:$0x3FFC];
	_ =	sdelay $0x3  }
0x94: {  	_ =	strace s2  }
0x95: {  	s2 =	sld [smem:$0x3FFD];
	_ =	sdelay $0x3  }
0x96: {  	_ =	strace s2  }
0x97: {  	_ =	strace $0x8FFFFFFF  }
0x98: {  	s18 =	sld [smem:$0x3FDB];
	_ =	sdelay $0x1  }
0x99: {  	s19 =	simm.s32 $_scs_section_size  }
0x9a: {  	s4 =	simm.s32 $_size__tile_overlayer_lowered;
	s5 =	simm.s32 $_tile_overlayer_lowered  }
0x9b: {  	s22 =	simm.s32 $0x1BFF;
	s21 =	sshll.u32 s5, $0x1;
	s2 =	sadd.s32 s19, s18  }
0x9c: {  	s6 =	simm.s32 $0x0;
	s20 =	sshll.u32 s4, $0x1;
	s4 =	sadd.s32 s21, s2  }
0x9d: {  	[timem:s6], [sflag:s22] =	dma.local [hbm:s4], s20  }
0x9e: {  	_ =	swait.ge [sflag:s22], s20  }
0x9f: {  	s3 =	ssub.s32 $0x0, s20;
	[sflag:s22] =	ssyncset.done $0x0  }
0xa0: {  	[sflag:s22] =	ssyncadd.s32 s3;
	_ =	sdelay $0x1  }
0xa1: {  	s23 =	simm.s32 $0x1B8B  }
0xa2: {  	_ =	swait.ge [sflag:s23], $0x1  }
0xa3: {  	[sflag:s23] =	ssyncset.done $0x0  }
0xa4: {  	s25 =	simm.s32 $0x1B8E;
	s24 =	sld [smem:$0x3FFE];
	[sflag:s23] =	ssyncadd.s32 $0xFFFFFFFF  }
0xa5: {  	s26 =	simm.s32 $execute0_lowered;
	[smem:$0x3FD2] =	sst s25  }
0xa6: {  	s4 =	sshll.u32 s26, $0x1;
	_ =	strace $0x8000004C;
	[dreg:$0x1] =	wrdreg $0xFFFFFFFF  }
0xa7: {  	s28 =	simm.s32 $_size_execute0_lowered;
	s2 =	sadd.s32 s2, s4;
	[dreg:$0x0] =	wrdreg $0x0  }
0xa8: {  	s4 =	sshll.u32 s28, $0x1;
	[dreg:$0x2] =	wrdreg s2  }
0xa9: {  	[dreg:$0x3] =	wrdreg s4  }
0xaa: {  	[dreg:$0x4] =	wrdreg $0xC0  }
0xab: {  	_ =	task [dreg:s6], $0x5FFFF  }
0xac: {  	[dreg:$0x1] =	wrdreg $0xFFFFFFFF  }
0xad: {  	[dreg:$0x0] =	wrdreg $0x60  }
0xae: {  	[dreg:$0x2] =	wrdreg s24  }
0xaf: {  	[dreg:$0x3] =	wrdreg $0xF3800  }
0xb0: {  	[dreg:$0x4] =	wrdreg $0x9  }
0xb1: {  	_ =	task.clear_ibuf [dreg:s6], $0x5FFFF;
	_ =	strace $0x9000004C  }
0xb2: {  	s29 =	simm.s32 $0x9;
	_ =	strace $0x8000004E  }
0xb3: {  	_ =	swait.ge [sflag:s29], $0x1  }
0xb4: {  	[sflag:s29] =	ssyncadd.s32 $0xFFFFFFFF  }
0xb5: {  	_ =	strace $0x9000004E  }
0xb6: {  	_ =	sfence  }
0xb7: {  	s30 =	sld [smem:$0x0];
	_ =	sdelay $0x2  }
0xb8: {  	s31 =	sshll.u32 s1, $0xD;
	s1 =	sshrl.u32 s1, $0x2  }
0xb9: {  	s3 =	sand.u32 $0x4000, s31;
	s1 =	sadd.s32 s1, s30  }
0xba: {  	s0 =	sor.u32 s3, s0;
	s1 =	sshll.u32 s1, $0x11  }
0xbb: {  	s0 =	sor.u32 s1, s0  }
0xbc: {  	s0 =	sadd.s32 $0x8F2B, s0  }
0xbd: {  	[sflag:s0] =	ssyncadd.remote.s32 $0x1  }
0xbe: {  	_ =	sfence.sel $0xFFFF  }
0xbf: {  	[dreg:$0x0] =	wrdreg $0xFFFFFFFF;
	(pc) =	sbr.abs _section_cstart, $3  }
0xc0: {  	[dreg:$0x1] =	wrdreg $0xFFFFFFFF  }
0xc1: {  	_ =	task.clear_ibuf [dreg:s6], $0x2FFFF;
	_ =	strace $0x9FFFFFFF  }
0xc2: {  	(tm) =	ssettm $0x7FFFFFFF  }
0xc3: {  	_ =	shalt  }
tec
execute0_lowered:
.L_overlay_start_1:
0x0: {  	(tag) =	ssettag $0x1  }
0x1: {  	s0 =	rddreg [dreg:$0x0]  }
0x2: {  	s2 =	rddreg [dreg:$0x1];
	s11 =	stileid.u32;
	s4 =	simm.s32 $0x0  }
0x3: {  	s3 =	srdreg.scid;
	s17 =	simm.s32 $0xB;
	s19 =	simm.s32 $0x20  }
0x4: {  	s24 =	simm.s32 $0x9E80;
	s21 =	simm.s32 $0xA380;
	s25 =	simm.s32 $0xA100  }
0x5: {  	s26 =	simm.s32 $0x9F00;
	s28 =	simm.s32 $0x1;
	s29 =	simm.s32 $0xE380  }
0x6: {  	s30 =	simm.s32 $0x2;
	s31 =	simm.s32 $0xA180;
	s18 =	simm.s32 $0xA280  }
0x7: {  	s20 =	simm.s32 $0x5;
	s1 =	sshrl.u32 s11, $0x3;
	[smem:$0x7FF] =	sst s4  }
0x8: {  	s3 =	sand.u32 $0x1, s3;
	s5 =	sshll.u32 s11, $0x7;
	s6 =	smul.u32 $0x140, s11  }
0x9: {  	s4 =	sadd.s32 $0x2000, s0;
	s8 =	smul.u32 $0x28000, s11;
	p0 =	seq.s32 s11, $0xF  }
0xa: {  	s1 =	smul.u32 $0x27400, s1;
	_ =	strace $0x8000004D;
	[dreg:$0x3] =	wrdreg s24  }
0xb: {  	s7 =	smul.u32 $0x1388, s3;
	s5 =	sand.u32 $0x380, s5;
	[dreg:$0x4] =	wrdreg s25  }
0xc: {  	s13 =	ssub.s32 $0x2, s3;
	s3 =	smul.u32 $0x9C400, s3;
	[dreg:$0x5] =	wrdreg s26  }
0xd: {  	s25 =	simm.s32 $0xC380;
	s26 =	simm.s32 $0xD380;
	s9 =	sshrl.u32 s13, $0x1  }
0xe: {  	s8 =	sshrl.u32 s8, $0x2;
	s1 =	sor.u32 s5, s1;
	s5 =	ssub.s32 s13, s9  }
0xf: {  	s6 =	sadd.s32 s6, s7;
	s3 =	sshrl.u32 s3, $0x3;
	s8 =	sadd.s32 s8, s2  }
0x10: {  	s9 =	sadd.s32 $0x96000, s2;
	s16 =	sadd.s32 $0x1388, s7;
	v0 =	vmov s7;
	s7 =	simm.s32 $0xA  }
0x11: {  	s1 =	sshrl.u32 s1, $0x3;
	s6 =	sshll.u32 s6, $0x4;
	s23 =	smax.u32 s5, $0x1  }
0x12: {  	s3 =	sadd.s32 $0x12C00, s3;
	s14 =	sadd.s32 s4, s6;
	[dreg:$0xc] =	wrdreg s23  }
0x13: {  	s1 =	sadd.s32 s1, s0;
	s10 =	sadd.s32 s4, s3;
	[dreg:$0x6] =	wrdreg s14  }
0x14: {  	s12 =	sshrl.u32 @p0 s9, $0x3;
	[dreg:$0x7] =	wrdreg s10;
	s15 =	sadd.s32 $0x6A000, s1  }
0x15: {  	s0 =	sadd.s32 $0x29200, s0;
	s1 =	sadd.s32 $0x60200, s1;
	[dreg:$0x8] =	wrdreg s15  }
0x16: {  	v1 =	vmov s16;
	s16 =	simm.s32 $0x0;
	s22 =	sadd.s32 s0, s6;
	[dreg:$0x9] =	wrdreg s1  }
0x17: {  	s23 =	simm.s32 $0xB380;
	s0 =	sadd.s32 s0, s3;
	[dreg:$0xa] =	wrdreg s22  }
0x18: {  	s14 =	sshrl.u32 @!p0 s8, $0x3;
	s3 =	simm.s32 $0x4;
	[dreg:$0xb] =	wrdreg s0  }
0x19: {  	s0 =	sshll.u32 @!p0 s11, $0x6;
	s1 =	simm.s32 $0xA200;
	s22 =	simm.s32 $0xA300  }
0x1a: {  	s15 =	simm.s32 $0x9;
	s13 =	sor.u32 @!p0 $0x1C0B, s0;
	s0 =	simm.s32 $0x3  }
.LBB2_1:
0x1b: {  	s8 =	simm.s32 @p0 $0x1FCB;
	s5 =	rddreg [dreg:$0x7]  }
0x1c: {  	[spmem:s12], [sflag:s8] =	dma.local @p0 [hbm:s5], $0xC80  }
0x1d: {  	s8 =	simm.s32 @p0 $0xB  }
0x1e: {  	_ =	swait.ge @p0 [sflag:s8], $0xC80  }
0x1f: {  	[sflag:s8] =	ssyncset.done @p0 $0x0  }
0x20: {  	s5 =	rddreg [dreg:$0x6];
	[sflag:s8] =	ssyncadd.s32 @p0 $0xFFFFF380;
	s8 =	simm.s32 @!p0 $0xB  }
0x21: {  	[spmem:s14], [sflag:s13] =	dma.local @!p0 [hbm:s5], $0x1400  }
0x22: {  	_ =	swait.ge @!p0 [sflag:s8], $0x1400  }
0x23: {  	s10 =	simm.s32 $0x80;
	s9 =	simm.s32 $0x400;
	[sflag:s8] =	ssyncset.done @!p0 $0x0  }
0x24: {  	s6 =	rddreg [dreg:$0x8];
	[sflag:s8] =	ssyncadd.s32 @!p0 $0xFFFFEC00;
	s8 =	simm.s32 $0x0  }
0x25: {  	[tilespmem:s8], [sflag:$0xB] =	stream.strided.gather [hbm4b:s6+s10], $0x4E80, s9, s10, $0x38;
	[tilespmem:$0x19000] =	vst v63  }
0x26: {  	_ =	swait.ge [sflag:s17], $0x4E80  }
0x27: {  	[sflag:s17] =	ssyncset.done $0x0  }
0x28: {  	s24 =	simm.s32 $0x4E80;
	s11 =	rddreg [dreg:$0x9];
	[sflag:s17] =	ssyncadd.s32 $0xFFFFB180  }
0x29: {  	[tilespmem:s24], [sflag:$0xB] =	stream.strided.gather [hbm4b:s11+s10], $0x4E80, s9, s10, $0x38;
	[tilespmem:$0x19000] =	vst v63  }
0x2a: {  	_ =	swait.ge [sflag:s17], $0x4E80  }
0x2b: {  	[sflag:s17] =	ssyncset.done $0x0  }
0x2c: {  	[sflag:s17] =	ssyncadd.s32 $0xFFFFB180  }
0x2d: {  	[bflag:$0x0] =	sbarrier.arrive $0xFFFF  }
0x2e: {  	v2 =	vld [tilespmem:$0x0]  }
0x2f: {  	v3 =	vld [tilespmem:$0x10];
	_ =	sdelay $0x3  }
0x30: {  	[tilespmem:$0x9D00] =	vst v2  }
0x31: {  	s10 =	simm.s32 $0x9D00;
	[tilespmem:$0x9D10] =	vst v3  }
0x32: {  	[tilespmem:s21], [sflag:$0x1] =	stream.indirect.gather [hbm4b:s4+s19], $0x80, s10, s19, $0xb8;
	[tilespmem:$0x19000] =	vst v63  }
0x33: {  	v2 =	vld [tilespmem:$0x20]  }
0x34: {  	v3 =	vld [tilespmem:$0x30];
	_ =	sdelay $0x3  }
0x35: {  	[tilespmem:$0x9D80] =	vst v2  }
0x36: {  	s11 =	simm.s32 $0x9D80;
	[tilespmem:$0x9D90] =	vst v3  }
0x37: {  	[tilespmem:s23], [sflag:$0x2] =	stream.indirect.gather [hbm4b:s4+s19], $0x80, s11, s19, $0xb8;
	[tilespmem:$0x19000] =	vst v63  }
0x38: {  	v2 =	vld [tilespmem:$0x40]  }
0x39: {  	v3 =	vld [tilespmem:$0x50];
	_ =	sdelay $0x3  }
0x3a: {  	p1 =	por $0x1, $0x1;
	[tilespmem:$0x9E00] =	vst v2  }
0x3b: {  	s24 =	simm.s32 $0x9E00;
	s9 =	simm.s32 @!p1 $0x9;
	[tilespmem:$0x9E10] =	vst v3  }
0x3c: {  	[tilespmem:s25], [sflag:$0x3] =	stream.indirect.gather [hbm4b:s4+s19], $0x80, s24, s19, $0xb8;
	[tilespmem:$0x19000] =	vst v63  }
0x3d: {  	_ =	swait.ge @!p1 [sflag:s9], $0x1000  }
0x3e: {  	[sflag:s9] =	ssyncset.done @!p1 $0x0  }
0x3f: {  	s6 =	simm.s32 $0x0;
	[sflag:s9] =	ssyncadd.s32 @!p1 $0xFFFFF000  }
0x40: {  	v2 =	vld [tilespmem:s6+$0x60];
	_ =	sdelay $0x4  }
0x41: {  	[tilespmem:$0x9E80] =	vst v2  }
0x42: {  	v2 =	vld [tilespmem:s6+$0x70];
	_ =	sdelay $0x4  }
0x43: {  	s10 =	rddreg [dreg:$0x3];
	[tilespmem:$0x9E90] =	vst v2  }
0x44: {  	[tilespmem:s26], [sflag:$0x4] =	stream.indirect.gather [hbm4b:s4+s19], $0x80, s10, s19, $0xb8;
	[tilespmem:$0x19000] =	vst v63  }
0x45: {  	_ =	swait.ge [sflag:s28], $0x1000  }
0x46: {  	[sflag:s28] =	ssyncset.done $0x0  }
0x47: {  	[sflag:s28] =	ssyncadd.s32 $0xFFFFF000  }
0x48: {  	v2 =	vld [tilespmem:s6+$0x4E80];
	_ =	sdelay $0x4  }
0x49: {  	vm0 =	vge.s32 v2, v0;
	vm1 =	vlt.s32 v2, v1  }
0x4a: {  	v2 =	vsub.s32 v2, v0;
	vm0 =	vmand vm0, vm1  }
0x4b: {  	v2 =	vnsel vm0, $0x1388, v2  }
0x4c: {  	[tilespmem:$0xA100] =	vst v2  }
0x4d: {  	v2 =	vld [tilespmem:s6+$0x4E90];
	_ =	sdelay $0x4  }
0x4e: {  	vm0 =	vge.s32 v2, v0;
	vm1 =	vlt.s32 v2, v1  }
0x4f: {  	v2 =	vsub.s32 v2, v0;
	vm0 =	vmand vm0, vm1  }
0x50: {  	v2 =	vnsel vm0, $0x1388, v2  }
0x51: {  	s10 =	simm.s32 @!p1 $0xA;
	s11 =	rddreg [dreg:$0x4];
	[tilespmem:$0xA110] =	vst v2  }
0x52: {  	[spmem:s2] =	stream.indirect.scatter.add.f32 [tilespmem:s21], [sflag:$0x6], $0x80, s11, s19, $0xb8;
	[tilespmem:$0x19000] =	vst v63  }
0x53: {  	_ =	swait.ge @!p1 [sflag:s10], $0x1000  }
0x54: {  	[sflag:s10] =	ssyncset.done @!p1 $0x0  }
0x55: {  	[sflag:s10] =	ssyncadd.s32 @!p1 $0xFFFFF000  }
0x56: {  	v2 =	vld [tilespmem:s6+$0x80];
	_ =	sdelay $0x4  }
0x57: {  	[tilespmem:$0x9F00] =	vst v2  }
0x58: {  	v2 =	vld [tilespmem:s6+$0x90];
	_ =	sdelay $0x4  }
0x59: {  	s24 =	rddreg [dreg:$0x5];
	[tilespmem:$0x9F10] =	vst v2  }
0x5a: {  	[tilespmem:s29], [sflag:$0x5] =	stream.indirect.gather [hbm4b:s4+s19], $0x80, s24, s19, $0xb8;
	[tilespmem:$0x19000] =	vst v63  }
0x5b: {  	_ =	swait.ge [sflag:s30], $0x1000  }
0x5c: {  	[sflag:s30] =	ssyncset.done $0x0  }
0x5d: {  	[sflag:s30] =	ssyncadd.s32 $0xFFFFF000  }
0x5e: {  	v2 =	vld [tilespmem:s6+$0x4EA0];
	_ =	sdelay $0x4  }
0x5f: {  	vm0 =	vge.s32 v2, v0;
	vm1 =	vlt.s32 v2, v1  }
0x60: {  	v2 =	vsub.s32 v2, v0;
	vm0 =	vmand vm0, vm1  }
0x61: {  	v2 =	vnsel vm0, $0x1388, v2  }
0x62: {  	[tilespmem:$0xA180] =	vst v2  }
0x63: {  	v2 =	vld [tilespmem:s6+$0x4EB0];
	_ =	sdelay $0x4  }
0x64: {  	vm0 =	vge.s32 v2, v0;
	vm1 =	vlt.s32 v2, v1  }
0x65: {  	v2 =	vsub.s32 v2, v0;
	vm0 =	vmand vm0, vm1  }
0x66: {  	p1 =	por $0x0, $0x0;
	v2 =	vnsel vm0, $0x1388, v2  }
0x67: {  	s10 =	simm.s32 @!p1 $0x6;
	[tilespmem:$0xA190] =	vst v2  }
0x68: {  	[spmem:s2] =	stream.indirect.scatter.add.f32 [tilespmem:s23], [sflag:$0x7], $0x80, s31, s19, $0xb8;
	[tilespmem:$0x19000] =	vst v63  }
0x69: {  	_ =	swait.ge @!p1 [sflag:s10], $0x1000  }
0x6a: {  	[sflag:s10] =	ssyncset.done @!p1 $0x0  }
0x6b: {  	s9 =	simm.s32 @!p1 $0x0;
	[sflag:s10] =	ssyncadd.s32 @!p1 $0xFFFFF000  }
0x6c: {  	v2 =	vld @!p1 [tilespmem:s9+$0xA0];
	_ =	sdelay $0x4  }
0x6d: {  	[tilespmem:$0x9D00] =	vst @!p1 v2  }
0x6e: {  	v2 =	vld @!p1 [tilespmem:s9+$0xB0];
	_ =	sdelay $0x4  }
0x6f: {  	s11 =	simm.s32 @!p1 $0x9D00;
	s24 =	simm.s32 @!p1 $0xA380;
	s10 =	simm.s32 @!p1 $0x20;
	[tilespmem:$0x9D10] =	vst @!p1 v2  }
0x70: {  	[tilespmem:s24], [sflag:$0x1] =	stream.indirect.gather @!p1 [hbm4b:s4+s10], $0x80, s11, s10, $0xb8;
	[tilespmem:$0x19000] =	vst v63  }
0x71: {  	_ =	swait.ge [sflag:s0], $0x1000  }
0x72: {  	[sflag:s0] =	ssyncset.done $0x0  }
0x73: {  	[sflag:s0] =	ssyncadd.s32 $0xFFFFF000  }
0x74: {  	v2 =	vld [tilespmem:s6+$0x4EC0];
	_ =	sdelay $0x4  }
0x75: {  	vm0 =	vge.s32 v2, v0;
	vm1 =	vlt.s32 v2, v1  }
0x76: {  	v2 =	vsub.s32 v2, v0;
	vm0 =	vmand vm0, vm1  }
0x77: {  	v2 =	vnsel vm0, $0x1388, v2  }
0x78: {  	[tilespmem:$0xA200] =	vst v2  }
0x79: {  	v2 =	vld [tilespmem:s6+$0x4ED0];
	_ =	sdelay $0x4  }
0x7a: {  	vm0 =	vge.s32 v2, v0;
	vm1 =	vlt.s32 v2, v1  }
0x7b: {  	v2 =	vsub.s32 v2, v0;
	vm0 =	vmand vm0, vm1  }
0x7c: {  	v2 =	vnsel vm0, $0x1388, v2  }
0x7d: {  	s11 =	simm.s32 @!p1 $0x7;
	[tilespmem:$0xA210] =	vst v2  }
0x7e: {  	[spmem:s2] =	stream.indirect.scatter.add.f32 [tilespmem:s25], [sflag:$0x8], $0x80, s1, s19, $0xb8;
	[tilespmem:$0x19000] =	vst v63  }
0x7f: {  	_ =	swait.ge @!p1 [sflag:s11], $0x1000  }
0x80: {  	[sflag:s11] =	ssyncset.done @!p1 $0x0  }
0x81: {  	[sflag:s11] =	ssyncadd.s32 @!p1 $0xFFFFF000  }
0x82: {  	v2 =	vld @!p1 [tilespmem:s9+$0xC0];
	_ =	sdelay $0x4  }
0x83: {  	[tilespmem:$0x9D80] =	vst @!p1 v2  }
0x84: {  	v2 =	vld @!p1 [tilespmem:s9+$0xD0];
	_ =	sdelay $0x4  }
0x85: {  	s24 =	simm.s32 @!p1 $0xB380;
	s11 =	simm.s32 @!p1 $0x9D80;
	[tilespmem:$0x9D90] =	vst @!p1 v2  }
0x86: {  	[tilespmem:s24], [sflag:$0x2] =	stream.indirect.gather @!p1 [hbm4b:s4+s10], $0x80, s11, s10, $0xb8;
	[tilespmem:$0x19000] =	vst v63  }
0x87: {  	_ =	swait.ge [sflag:s3], $0x1000  }
0x88: {  	[sflag:s3] =	ssyncset.done $0x0  }
0x89: {  	[sflag:s3] =	ssyncadd.s32 $0xFFFFF000  }
0x8a: {  	v2 =	vld [tilespmem:s6+$0x4EE0];
	_ =	sdelay $0x4  }
0x8b: {  	vm0 =	vge.s32 v2, v0;
	vm1 =	vlt.s32 v2, v1  }
0x8c: {  	v2 =	vsub.s32 v2, v0;
	vm0 =	vmand vm0, vm1  }
0x8d: {  	v2 =	vnsel vm0, $0x1388, v2  }
0x8e: {  	[tilespmem:$0xA280] =	vst v2  }
0x8f: {  	v2 =	vld [tilespmem:s6+$0x4EF0];
	_ =	sdelay $0x4  }
0x90: {  	vm0 =	vge.s32 v2, v0;
	vm1 =	vlt.s32 v2, v1  }
0x91: {  	v2 =	vsub.s32 v2, v0;
	vm0 =	vmand vm0, vm1  }
0x92: {  	v2 =	vnsel vm0, $0x1388, v2  }
0x93: {  	s11 =	simm.s32 @!p1 $0x8;
	[tilespmem:$0xA290] =	vst v2  }
0x94: {  	[spmem:s2] =	stream.indirect.scatter.add.f32 [tilespmem:s26], [sflag:$0x9], $0x80, s18, s19, $0xb8;
	[tilespmem:$0x19000] =	vst v63  }
0x95: {  	_ =	swait.ge @!p1 [sflag:s11], $0x1000  }
0x96: {  	[sflag:s11] =	ssyncset.done @!p1 $0x0  }
0x97: {  	[sflag:s11] =	ssyncadd.s32 @!p1 $0xFFFFF000  }
0x98: {  	v2 =	vld @!p1 [tilespmem:s9+$0xE0];
	_ =	sdelay $0x4  }
0x99: {  	[tilespmem:$0x9E00] =	vst @!p1 v2  }
0x9a: {  	v2 =	vld @!p1 [tilespmem:s9+$0xF0];
	_ =	sdelay $0x4  }
0x9b: {  	s11 =	simm.s32 @!p1 $0xC380;
	s9 =	simm.s32 @!p1 $0x9E00;
	[tilespmem:$0x9E10] =	vst @!p1 v2  }
0x9c: {  	[tilespmem:s11], [sflag:$0x3] =	stream.indirect.gather @!p1 [hbm4b:s4+s10], $0x80, s9, s10, $0xb8;
	[tilespmem:$0x19000] =	vst v63  }
0x9d: {  	_ =	swait.ge [sflag:s20], $0x1000  }
0x9e: {  	[sflag:s20] =	ssyncset.done $0x0  }
0x9f: {  	[sflag:s20] =	ssyncadd.s32 $0xFFFFF000  }
0xa0: {  	v2 =	vld [tilespmem:s6+$0x4F00];
	_ =	sdelay $0x4  }
0xa1: {  	vm0 =	vge.s32 v2, v0;
	vm1 =	vlt.s32 v2, v1  }
0xa2: {  	v2 =	vsub.s32 v2, v0;
	vm0 =	vmand vm0, vm1  }
0xa3: {  	v2 =	vnsel vm0, $0x1388, v2  }
0xa4: {  	[tilespmem:$0xA300] =	vst v2  }
0xa5: {  	v2 =	vld [tilespmem:s6+$0x4F10];
	_ =	sdelay $0x4  }
0xa6: {  	vm0 =	vge.s32 v2, v0;
	vm1 =	vlt.s32 v2, v1  }
0xa7: {  	p2 =	por $0x0, $0x0;
	s8 =	simm.s32 $0x280;
	s9 =	simm.s32 $0x500;
	v2 =	vsub.s32 v2, v0;
	vm0 =	vmand vm0, vm1  }
.LBB2_2:
0xa8: {  	v2 =	vnsel vm0, $0x1388, v2  }
0xa9: {  	s11 =	simm.s32 @!p2 $0x9;
	[tilespmem:$0xA310] =	vst v2  }
0xaa: {  	[spmem:s2] =	stream.indirect.scatter.add.f32 [tilespmem:s29], [sflag:$0xA], $0x80, s22, s19, $0xb8;
	[tilespmem:$0x19000] =	vst v63  }
0xab: {  	_ =	swait.ge @!p2 [sflag:s11], $0x1000  }
0xac: {  	[sflag:s11] =	ssyncset.done @!p2 $0x0  }
0xad: {  	s10 =	sshra.s32 s8, $0x2;
	[sflag:s11] =	ssyncadd.s32 @!p2 $0xFFFFF000  }
0xae: {  	v2 =	vld [tilespmem:s10+$0x60];
	_ =	sdelay $0x4  }
0xaf: {  	[tilespmem:$0x9E80] =	vst v2  }
0xb0: {  	v2 =	vld [tilespmem:s10+$0x70];
	_ =	sdelay $0x4  }
0xb1: {  	s5 =	rddreg [dreg:$0x3];
	[tilespmem:$0x9E90] =	vst v2  }
0xb2: {  	[tilespmem:s26], [sflag:$0x4] =	stream.indirect.gather [hbm4b:s4+s19], $0x80, s5, s19, $0xb8;
	[tilespmem:$0x19000] =	vst v63  }
0xb3: {  	_ =	swait.ge [sflag:s28], $0x1000  }
0xb4: {  	[sflag:s28] =	ssyncset.done $0x0  }
0xb5: {  	[sflag:s28] =	ssyncadd.s32 $0xFFFFF000  }
0xb6: {  	v2 =	vld [tilespmem:s10+$0x4E80];
	_ =	sdelay $0x4  }
0xb7: {  	vm0 =	vge.s32 v2, v0;
	vm1 =	vlt.s32 v2, v1  }
0xb8: {  	v2 =	vsub.s32 v2, v0;
	vm0 =	vmand vm0, vm1  }
0xb9: {  	v2 =	vnsel vm0, $0x1388, v2  }
0xba: {  	[tilespmem:$0xA100] =	vst v2  }
0xbb: {  	v2 =	vld [tilespmem:s10+$0x4E90];
	_ =	sdelay $0x4  }
0xbc: {  	vm0 =	vge.s32 v2, v0;
	vm1 =	vlt.s32 v2, v1  }
0xbd: {  	v2 =	vsub.s32 v2, v0;
	vm0 =	vmand vm0, vm1  }
0xbe: {  	v2 =	vnsel vm0, $0x1388, v2  }
0xbf: {  	s5 =	simm.s32 @!p2 $0xA;
	s6 =	rddreg [dreg:$0x4];
	[tilespmem:$0xA110] =	vst v2  }
0xc0: {  	[spmem:s2] =	stream.indirect.scatter.add.f32 [tilespmem:s21], [sflag:$0x6], $0x80, s6, s19, $0xb8;
	[tilespmem:$0x19000] =	vst v63  }
0xc1: {  	_ =	swait.ge @!p2 [sflag:s5], $0x1000  }
0xc2: {  	[sflag:s5] =	ssyncset.done @!p2 $0x0  }
0xc3: {  	[sflag:s5] =	ssyncadd.s32 @!p2 $0xFFFFF000  }
0xc4: {  	v2 =	vld [tilespmem:s10+$0x80];
	_ =	sdelay $0x4  }
0xc5: {  	[tilespmem:$0x9F00] =	vst v2  }
0xc6: {  	v2 =	vld [tilespmem:s10+$0x90];
	_ =	sdelay $0x4  }
0xc7: {  	s11 =	rddreg [dreg:$0x5];
	[tilespmem:$0x9F10] =	vst v2  }
0xc8: {  	[tilespmem:s29], [sflag:$0x5] =	stream.indirect.gather [hbm4b:s4+s19], $0x80, s11, s19, $0xb8;
	[tilespmem:$0x19000] =	vst v63  }
0xc9: {  	_ =	swait.ge [sflag:s30], $0x1000  }
0xca: {  	[sflag:s30] =	ssyncset.done $0x0  }
0xcb: {  	[sflag:s30] =	ssyncadd.s32 $0xFFFFF000  }
0xcc: {  	v2 =	vld [tilespmem:s10+$0x4EA0];
	_ =	sdelay $0x4  }
0xcd: {  	vm0 =	vge.s32 v2, v0;
	vm1 =	vlt.s32 v2, v1  }
0xce: {  	v2 =	vsub.s32 v2, v0;
	vm0 =	vmand vm0, vm1  }
0xcf: {  	v2 =	vnsel vm0, $0x1388, v2  }
0xd0: {  	[tilespmem:$0xA180] =	vst v2  }
0xd1: {  	v2 =	vld [tilespmem:s10+$0x4EB0];
	_ =	sdelay $0x4  }
0xd2: {  	vm0 =	vge.s32 v2, v0;
	vm1 =	vlt.s32 v2, v1  }
0xd3: {  	v2 =	vsub.s32 v2, v0;
	vm0 =	vmand vm0, vm1  }
0xd4: {  	p2 =	seq.s32 s8, $0x13600;
	v2 =	vnsel vm0, $0x1388, v2  }
0xd5: {  	s5 =	simm.s32 @!p2 $0x6;
	[tilespmem:$0xA190] =	vst v2  }
0xd6: {  	[spmem:s2] =	stream.indirect.scatter.add.f32 [tilespmem:s23], [sflag:$0x7], $0x80, s31, s19, $0xb8;
	[tilespmem:$0x19000] =	vst v63  }
0xd7: {  	_ =	swait.ge @!p2 [sflag:s5], $0x1000  }
0xd8: {  	[sflag:s5] =	ssyncset.done @!p2 $0x0  }
0xd9: {  	s11 =	sshra.s32 @!p2 s8, $0x2;
	[sflag:s5] =	ssyncadd.s32 @!p2 $0xFFFFF000  }
0xda: {  	v2 =	vld @!p2 [tilespmem:s11+$0xA0];
	_ =	sdelay $0x4  }
0xdb: {  	[tilespmem:$0x9D00] =	vst @!p2 v2  }
0xdc: {  	v2 =	vld @!p2 [tilespmem:s11+$0xB0];
	_ =	sdelay $0x3  }
0xdd: {  	s24 =	smov.u32 s9;
	s6 =	simm.s32 @!p2 $0xA380  }
0xde: {  	s8 =	smov.u32 s24;
	s24 =	simm.s32 @!p2 $0x20;
	s5 =	simm.s32 @!p2 $0x9D00;
	[tilespmem:$0x9D10] =	vst @!p2 v2  }
0xdf: {  	[tilespmem:s6], [sflag:$0x1] =	stream.indirect.gather @!p2 [hbm4b:s4+s24], $0x80, s5, s24, $0xb8;
	[tilespmem:$0x19000] =	vst v63  }
0xe0: {  	_ =	swait.ge [sflag:s0], $0x1000  }
0xe1: {  	[sflag:s0] =	ssyncset.done $0x0  }
0xe2: {  	[sflag:s0] =	ssyncadd.s32 $0xFFFFF000  }
0xe3: {  	v2 =	vld [tilespmem:s10+$0x4EC0];
	_ =	sdelay $0x4  }
0xe4: {  	vm0 =	vge.s32 v2, v0;
	vm1 =	vlt.s32 v2, v1  }
0xe5: {  	v2 =	vsub.s32 v2, v0;
	vm0 =	vmand vm0, vm1  }
0xe6: {  	v2 =	vnsel vm0, $0x1388, v2  }
0xe7: {  	[tilespmem:$0xA200] =	vst v2  }
0xe8: {  	v2 =	vld [tilespmem:s10+$0x4ED0];
	_ =	sdelay $0x4  }
0xe9: {  	vm0 =	vge.s32 v2, v0;
	vm1 =	vlt.s32 v2, v1  }
0xea: {  	v2 =	vsub.s32 v2, v0;
	vm0 =	vmand vm0, vm1  }
0xeb: {  	v2 =	vnsel vm0, $0x1388, v2  }
0xec: {  	s5 =	simm.s32 @!p2 $0x7;
	[tilespmem:$0xA210] =	vst v2  }
0xed: {  	[spmem:s2] =	stream.indirect.scatter.add.f32 [tilespmem:s25], [sflag:$0x8], $0x80, s1, s19, $0xb8;
	[tilespmem:$0x19000] =	vst v63  }
0xee: {  	_ =	swait.ge @!p2 [sflag:s5], $0x1000  }
0xef: {  	[sflag:s5] =	ssyncset.done @!p2 $0x0  }
0xf0: {  	[sflag:s5] =	ssyncadd.s32 @!p2 $0xFFFFF000  }
0xf1: {  	v2 =	vld @!p2 [tilespmem:s11+$0xC0];
	_ =	sdelay $0x4  }
0xf2: {  	[tilespmem:$0x9D80] =	vst @!p2 v2  }
0xf3: {  	v2 =	vld @!p2 [tilespmem:s11+$0xD0];
	_ =	sdelay $0x4  }
0xf4: {  	s6 =	simm.s32 @!p2 $0xB380;
	s5 =	simm.s32 @!p2 $0x9D80;
	[tilespmem:$0x9D90] =	vst @!p2 v2  }
0xf5: {  	[tilespmem:s6], [sflag:$0x2] =	stream.indirect.gather @!p2 [hbm4b:s4+s24], $0x80, s5, s24, $0xb8;
	[tilespmem:$0x19000] =	vst v63  }
0xf6: {  	_ =	swait.ge [sflag:s3], $0x1000  }
0xf7: {  	[sflag:s3] =	ssyncset.done $0x0  }
0xf8: {  	[sflag:s3] =	ssyncadd.s32 $0xFFFFF000  }
0xf9: {  	v2 =	vld [tilespmem:s10+$0x4EE0];
	_ =	sdelay $0x4  }
0xfa: {  	vm0 =	vge.s32 v2, v0;
	vm1 =	vlt.s32 v2, v1  }
0xfb: {  	v2 =	vsub.s32 v2, v0;
	vm0 =	vmand vm0, vm1  }
0xfc: {  	v2 =	vnsel vm0, $0x1388, v2  }
0xfd: {  	[tilespmem:$0xA280] =	vst v2  }
0xfe: {  	v2 =	vld [tilespmem:s10+$0x4EF0];
	_ =	sdelay $0x4  }
0xff: {  	vm0 =	vge.s32 v2, v0;
	vm1 =	vlt.s32 v2, v1  }
0x100: {  	v2 =	vsub.s32 v2, v0;
	vm0 =	vmand vm0, vm1  }
0x101: {  	v2 =	vnsel vm0, $0x1388, v2  }
0x102: {  	s5 =	simm.s32 @!p2 $0x8;
	[tilespmem:$0xA290] =	vst v2  }
0x103: {  	[spmem:s2] =	stream.indirect.scatter.add.f32 [tilespmem:s26], [sflag:$0x9], $0x80, s18, s19, $0xb8;
	[tilespmem:$0x19000] =	vst v63  }
0x104: {  	_ =	swait.ge @!p2 [sflag:s5], $0x1000  }
0x105: {  	[sflag:s5] =	ssyncset.done @!p2 $0x0  }
0x106: {  	[sflag:s5] =	ssyncadd.s32 @!p2 $0xFFFFF000  }
0x107: {  	v2 =	vld @!p2 [tilespmem:s11+$0xE0];
	_ =	sdelay $0x4  }
0x108: {  	[tilespmem:$0x9E00] =	vst @!p2 v2  }
0x109: {  	v2 =	vld @!p2 [tilespmem:s11+$0xF0];
	_ =	sdelay $0x4  }
0x10a: {  	s6 =	simm.s32 @!p2 $0xC380;
	s5 =	simm.s32 @!p2 $0x9E00;
	[tilespmem:$0x9E10] =	vst @!p2 v2  }
0x10b: {  	[tilespmem:s6], [sflag:$0x3] =	stream.indirect.gather @!p2 [hbm4b:s4+s24], $0x80, s5, s24, $0xb8;
	[tilespmem:$0x19000] =	vst v63  }
0x10c: {  	_ =	swait.ge [sflag:s20], $0x1000  }
0x10d: {  	[sflag:s20] =	ssyncset.done $0x0  }
0x10e: {  	[sflag:s20] =	ssyncadd.s32 $0xFFFFF000  }
0x10f: {  	v2 =	vld [tilespmem:s10+$0x4F00];
	_ =	sdelay $0x4  }
0x110: {  	vm0 =	vge.s32 v2, v0;
	vm1 =	vlt.s32 v2, v1  }
0x111: {  	v2 =	vsub.s32 v2, v0;
	vm0 =	vmand vm0, vm1  }
0x112: {  	v2 =	vnsel vm0, $0x1388, v2  }
0x113: {  	[tilespmem:$0xA300] =	vst v2  }
0x114: {  	s9 =	sadd.s32 $0x280, s9;
	v2 =	vld [tilespmem:s10+$0x4F10]  }
0x115: {  	p1 =	sne.s32 s9, $0x13880  }
.Ltmp0:
0x116: {  	_ = 	snop;
	(pc) =	sbr.rel @p1 .LBB2_2-.Ltmp0, $3  }
0x117: {  	_ =	sdelay $0x1  }
0x118: {  	vm0 =	vge.s32 v2, v0;
	vm1 =	vlt.s32 v2, v1  }
0x119: {  	p2 =	seq.s32 s8, $0x0;
	v2 =	vsub.s32 v2, v0;
	vm0 =	vmand vm0, vm1  }
0x11a: {  	v2 =	vnsel vm0, $0x1388, v2  }
0x11b: {  	s5 =	simm.s32 @!p2 $0x9;
	[tilespmem:$0xA310] =	vst v2  }
0x11c: {  	[spmem:s2] =	stream.indirect.scatter.add.f32 [tilespmem:s29], [sflag:$0xA], $0x80, s22, s19, $0xb8;
	[tilespmem:$0x19000] =	vst v63  }
0x11d: {  	_ =	swait.ge @!p2 [sflag:s5], $0x1000  }
0x11e: {  	[sflag:s5] =	ssyncset.done @!p2 $0x0  }
0x11f: {  	s9 =	sshra.s32 s8, $0x2;
	[sflag:s5] =	ssyncadd.s32 @!p2 $0xFFFFF000  }
0x120: {  	v2 =	vld [tilespmem:s9+$0x60];
	_ =	sdelay $0x4  }
0x121: {  	[tilespmem:$0x9E80] =	vst v2  }
0x122: {  	v2 =	vld [tilespmem:s9+$0x70];
	_ =	sdelay $0x4  }
0x123: {  	s11 =	rddreg [dreg:$0x3];
	[tilespmem:$0x9E90] =	vst v2  }
0x124: {  	[tilespmem:s26], [sflag:$0x4] =	stream.indirect.gather [hbm4b:s4+s19], $0x80, s11, s19, $0xb8;
	[tilespmem:$0x19000] =	vst v63  }
0x125: {  	_ =	swait.ge [sflag:s28], $0x1000  }
0x126: {  	[sflag:s28] =	ssyncset.done $0x0  }
0x127: {  	[sflag:s28] =	ssyncadd.s32 $0xFFFFF000  }
0x128: {  	v2 =	vld [tilespmem:s9+$0x4E80];
	_ =	sdelay $0x4  }
0x129: {  	vm9 =	vge.s32 v2, v0;
	vm1 =	vlt.s32 v2, v1  }
0x12a: {  	v2 =	vsub.s32 v2, v0;
	vm0 =	vmand vm9, vm1  }
0x12b: {  	v2 =	vnsel vm0, $0x1388, v2  }
0x12c: {  	[tilespmem:$0xA100] =	vst v2  }
0x12d: {  	v2 =	vld [tilespmem:s9+$0x4E90];
	_ =	sdelay $0x4  }
0x12e: {  	vm10 =	vge.s32 v2, v0;
	vm11 =	vlt.s32 v2, v1  }
0x12f: {  	v2 =	vsub.s32 v2, v0;
	vm0 =	vmand vm10, vm11  }
0x130: {  	v2 =	vnsel vm0, $0x1388, v2  }
0x131: {  	s6 =	simm.s32 @!p2 $0xA;
	s24 =	rddreg [dreg:$0x4];
	[tilespmem:$0xA110] =	vst v2  }
0x132: {  	[spmem:s2] =	stream.indirect.scatter.add.f32 [tilespmem:s21], [sflag:$0x6], $0x80, s24, s19, $0xb8;
	[tilespmem:$0x19000] =	vst v63  }
0x133: {  	_ =	swait.ge @!p2 [sflag:s6], $0x1000  }
0x134: {  	[sflag:s6] =	ssyncset.done @!p2 $0x0  }
0x135: {  	[sflag:s6] =	ssyncadd.s32 @!p2 $0xFFFFF000  }
0x136: {  	v2 =	vld [tilespmem:s9+$0x80];
	_ =	sdelay $0x4  }
0x137: {  	[tilespmem:$0x9F00] =	vst v2  }
0x138: {  	v2 =	vld [tilespmem:s9+$0x90];
	_ =	sdelay $0x4  }
0x139: {  	s6 =	rddreg [dreg:$0x5];
	[tilespmem:$0x9F10] =	vst v2  }
0x13a: {  	[tilespmem:s29], [sflag:$0x5] =	stream.indirect.gather [hbm4b:s4+s19], $0x80, s6, s19, $0xb8;
	[tilespmem:$0x19000] =	vst v63  }
0x13b: {  	_ =	swait.ge [sflag:s30], $0x1000  }
0x13c: {  	[sflag:s30] =	ssyncset.done $0x0  }
0x13d: {  	[sflag:s30] =	ssyncadd.s32 $0xFFFFF000  }
0x13e: {  	v2 =	vld [tilespmem:s9+$0x4EA0];
	_ =	sdelay $0x4  }
0x13f: {  	vm12 =	vge.s32 v2, v0;
	vm13 =	vlt.s32 v2, v1  }
0x140: {  	v2 =	vsub.s32 v2, v0;
	vm0 =	vmand vm12, vm13  }
0x141: {  	v2 =	vnsel vm0, $0x1388, v2  }
0x142: {  	[tilespmem:$0xA180] =	vst v2  }
0x143: {  	v2 =	vld [tilespmem:s9+$0x4EB0];
	_ =	sdelay $0x4  }
0x144: {  	vm14 =	vge.s32 v2, v0;
	vm15 =	vlt.s32 v2, v1  }
0x145: {  	v2 =	vsub.s32 v2, v0;
	vm0 =	vmand vm14, vm15  }
0x146: {  	p1 =	seq.s32 s8, $0x13600;
	v2 =	vnsel vm0, $0x1388, v2  }
0x147: {  	s5 =	simm.s32 @!p1 $0x6;
	[tilespmem:$0xA190] =	vst v2  }
0x148: {  	[spmem:s2] =	stream.indirect.scatter.add.f32 [tilespmem:s23], [sflag:$0x7], $0x80, s31, s19, $0xb8;
	[tilespmem:$0x19000] =	vst v63  }
0x149: {  	_ =	swait.ge @!p1 [sflag:s5], $0x1000  }
0x14a: {  	[sflag:s5] =	ssyncset.done @!p1 $0x0  }
0x14b: {  	s8 =	sshra.s32 @!p1 s8, $0x2;
	[sflag:s5] =	ssyncadd.s32 @!p1 $0xFFFFF000  }
0x14c: {  	v2 =	vld @!p1 [tilespmem:s8+$0xA0];
	_ =	sdelay $0x4  }
0x14d: {  	[tilespmem:$0x9D00] =	vst @!p1 v2  }
0x14e: {  	v2 =	vld @!p1 [tilespmem:s8+$0xB0];
	_ =	sdelay $0x4  }
0x14f: {  	s10 =	simm.s32 @!p1 $0xA380;
	s6 =	simm.s32 @!p1 $0x9D00;
	s5 =	simm.s32 @!p1 $0x20;
	[tilespmem:$0x9D10] =	vst @!p1 v2  }
0x150: {  	[tilespmem:s10], [sflag:$0x1] =	stream.indirect.gather @!p1 [hbm4b:s4+s5], $0x80, s6, s5, $0xb8;
	[tilespmem:$0x19000] =	vst v63  }
0x151: {  	_ =	swait.ge [sflag:s0], $0x1000  }
0x152: {  	[sflag:s0] =	ssyncset.done $0x0  }
0x153: {  	[sflag:s0] =	ssyncadd.s32 $0xFFFFF000  }
0x154: {  	v2 =	vld [tilespmem:s9+$0x4EC0];
	_ =	sdelay $0x4  }
0x155: {  	vm4 =	vge.s32 v2, v0;
	vm5 =	vlt.s32 v2, v1  }
0x156: {  	v2 =	vsub.s32 v2, v0;
	vm0 =	vmand vm4, vm5  }
0x157: {  	v2 =	vnsel vm0, $0x1388, v2  }
0x158: {  	[tilespmem:$0xA200] =	vst v2  }
0x159: {  	v2 =	vld [tilespmem:s9+$0x4ED0];
	_ =	sdelay $0x4  }
0x15a: {  	vm6 =	vge.s32 v2, v0;
	vm7 =	vlt.s32 v2, v1  }
0x15b: {  	v2 =	vsub.s32 v2, v0;
	vm0 =	vmand vm6, vm7  }
0x15c: {  	v2 =	vnsel vm0, $0x1388, v2  }
0x15d: {  	s6 =	simm.s32 @!p1 $0x7;
	[tilespmem:$0xA210] =	vst v2  }
0x15e: {  	[spmem:s2] =	stream.indirect.scatter.add.f32 [tilespmem:s25], [sflag:$0x8], $0x80, s1, s19, $0xb8;
	[tilespmem:$0x19000] =	vst v63  }
0x15f: {  	_ =	swait.ge @!p1 [sflag:s6], $0x1000  }
0x160: {  	[sflag:s6] =	ssyncset.done @!p1 $0x0  }
0x161: {  	[sflag:s6] =	ssyncadd.s32 @!p1 $0xFFFFF000  }
0x162: {  	v2 =	vld @!p1 [tilespmem:s8+$0xC0];
	_ =	sdelay $0x4  }
0x163: {  	[tilespmem:$0x9D80] =	vst @!p1 v2  }
0x164: {  	v2 =	vld @!p1 [tilespmem:s8+$0xD0];
	_ =	sdelay $0x4  }
0x165: {  	s10 =	simm.s32 @!p1 $0xB380;
	s6 =	simm.s32 @!p1 $0x9D80;
	[tilespmem:$0x9D90] =	vst @!p1 v2  }
0x166: {  	[tilespmem:s10], [sflag:$0x2] =	stream.indirect.gather @!p1 [hbm4b:s4+s5], $0x80, s6, s5, $0xb8;
	[tilespmem:$0x19000] =	vst v63  }
0x167: {  	_ =	swait.ge [sflag:s3], $0x1000  }
0x168: {  	[sflag:s3] =	ssyncset.done $0x0  }
0x169: {  	[sflag:s3] =	ssyncadd.s32 $0xFFFFF000  }
0x16a: {  	v2 =	vld [tilespmem:s9+$0x4EE0];
	_ =	sdelay $0x4  }
0x16b: {  	vm8 =	vge.s32 v2, v0;
	vm9 =	vlt.s32 v2, v1  }
0x16c: {  	v2 =	vsub.s32 v2, v0;
	vm0 =	vmand vm8, vm9  }
0x16d: {  	v2 =	vnsel vm0, $0x1388, v2  }
0x16e: {  	[tilespmem:$0xA280] =	vst v2  }
0x16f: {  	v2 =	vld [tilespmem:s9+$0x4EF0];
	_ =	sdelay $0x4  }
0x170: {  	vm10 =	vge.s32 v2, v0;
	vm11 =	vlt.s32 v2, v1  }
0x171: {  	v2 =	vsub.s32 v2, v0;
	vm0 =	vmand vm10, vm11  }
0x172: {  	v2 =	vnsel vm0, $0x1388, v2  }
0x173: {  	s6 =	simm.s32 @!p1 $0x8;
	[tilespmem:$0xA290] =	vst v2  }
0x174: {  	[spmem:s2] =	stream.indirect.scatter.add.f32 [tilespmem:s26], [sflag:$0x9], $0x80, s18, s19, $0xb8;
	[tilespmem:$0x19000] =	vst v63  }
0x175: {  	_ =	swait.ge @!p1 [sflag:s6], $0x1000  }
0x176: {  	[sflag:s6] =	ssyncset.done @!p1 $0x0  }
0x177: {  	[sflag:s6] =	ssyncadd.s32 @!p1 $0xFFFFF000  }
0x178: {  	v2 =	vld @!p1 [tilespmem:s8+$0xE0];
	_ =	sdelay $0x4  }
0x179: {  	[tilespmem:$0x9E00] =	vst @!p1 v2  }
0x17a: {  	v2 =	vld @!p1 [tilespmem:s8+$0xF0];
	_ =	sdelay $0x4  }
0x17b: {  	s6 =	simm.s32 @!p1 $0x9E00;
	s8 =	simm.s32 @!p1 $0xC380;
	[tilespmem:$0x9E10] =	vst @!p1 v2  }
0x17c: {  	[tilespmem:s8], [sflag:$0x3] =	stream.indirect.gather @!p1 [hbm4b:s4+s5], $0x80, s6, s5, $0xb8;
	[tilespmem:$0x19000] =	vst v63  }
0x17d: {  	_ =	swait.ge [sflag:s20], $0x1000  }
0x17e: {  	[sflag:s20] =	ssyncset.done $0x0  }
0x17f: {  	[sflag:s20] =	ssyncadd.s32 $0xFFFFF000  }
0x180: {  	v2 =	vld [tilespmem:s9+$0x4F00];
	_ =	sdelay $0x4  }
0x181: {  	vm12 =	vge.s32 v2, v0;
	vm13 =	vlt.s32 v2, v1  }
0x182: {  	v2 =	vsub.s32 v2, v0;
	vm0 =	vmand vm12, vm13  }
0x183: {  	v2 =	vnsel vm0, $0x1388, v2  }
0x184: {  	[tilespmem:$0xA300] =	vst v2  }
0x185: {  	v2 =	vld [tilespmem:s9+$0x4F10];
	_ =	sdelay $0x4  }
0x186: {  	vm14 =	vge.s32 v2, v0;
	vm15 =	vlt.s32 v2, v1  }
0x187: {  	v2 =	vsub.s32 v2, v0;
	vm0 =	vmand vm14, vm15  }
0x188: {  	v2 =	vnsel vm0, $0x1388, v2  }
0x189: {  	s9 =	simm.s32 $0x6;
	[tilespmem:$0xA310] =	vst v2  }
0x18a: {  	[spmem:s2] =	stream.indirect.scatter.add.f32 [tilespmem:s29], [sflag:$0xA], $0x80, s22, s19, $0xb8;
	[tilespmem:$0x19000] =	vst v63  }
0x18b: {  	_ =	swait.ge [sflag:s9], $0x1000  }
0x18c: {  	[sflag:s9] =	ssyncset.done $0x0  }
0x18d: {  	s10 =	simm.s32 $0x7;
	[sflag:s9] =	ssyncadd.s32 $0xFFFFF000  }
0x18e: {  	_ =	swait.ge [sflag:s10], $0x1000  }
0x18f: {  	[sflag:s10] =	ssyncset.done $0x0  }
0x190: {  	s11 =	simm.s32 $0x8;
	[sflag:s10] =	ssyncadd.s32 $0xFFFFF000  }
0x191: {  	_ =	swait.ge [sflag:s11], $0x1000  }
0x192: {  	[sflag:s11] =	ssyncset.done $0x0  }
0x193: {  	[sflag:s11] =	ssyncadd.s32 $0xFFFFF000  }
0x194: {  	_ =	swait.ge [sflag:s15], $0x1000  }
0x195: {  	[sflag:s15] =	ssyncset.done $0x0  }
0x196: {  	[sflag:s15] =	ssyncadd.s32 $0xFFFFF000  }
0x197: {  	_ =	swait.ge [sflag:s7], $0x1000  }
0x198: {  	[sflag:s7] =	ssyncset.done $0x0  }
0x199: {  	[sflag:s7] =	ssyncadd.s32 $0xFFFFF000  }
0x19a: {  	[bflag:$0x0] =	sbarrier.arrive $0xFFFF  }
0x19b: {  	s5 =	simm.s32 @p0 $0x1FCB;
	s6 =	rddreg [dreg:$0xb]  }
0x19c: {  	[hbm:s6], [sflag:s5] =	dma.local @p0 [spmem:s12], $0xC80  }
0x19d: {  	s5 =	simm.s32 @p0 $0xB  }
0x19e: {  	_ =	swait.ge @p0 [sflag:s5], $0xC80  }
0x19f: {  	[sflag:s5] =	ssyncset.done @p0 $0x0  }
0x1a0: {  	[sflag:s5] =	ssyncadd.s32 @p0 $0xFFFFF380;
	s5 =	rddreg [dreg:$0xa]  }
0x1a1: {  	[hbm:s5], [sflag:s13] =	dma.local @!p0 [spmem:s14], $0x1400  }
0x1a2: {  	s5 =	simm.s32 @!p0 $0xB  }
0x1a3: {  	_ =	swait.ge @!p0 [sflag:s5], $0x1400  }
0x1a4: {  	s16 =	sadd.s32 $0x1, s16;
	s24 =	rddreg [dreg:$0xc]  }
0x1a5: {  	p1 =	sne.s32 s16, s24  }
.Ltmp1:
0x1a6: {  	_ = 	snop;
	(pc) =	sbr.rel @p1 .LBB2_1-.Ltmp1, $3  }
0x1a7: {  	_ =	sdelay $0x1  }
0x1a8: {  	[sflag:s5] =	ssyncset.done @!p0 $0x0  }
0x1a9: {  	[sflag:s5] =	ssyncadd.s32 @!p0 $0xFFFFEC00  }
0x1aa: {  	_ =	sfence.sel $0x180000  }
0x1ab: {  	[bflag:$0x0] =	sbarrier.arrive $0xFFFF  }
0x1ac: {  	_ =	strace $0x9000004D  }
0x1ad: {  	s0 =	stileid.u32;
	[bflag:$0x2] =	sbarrier.arrive $0xFFFF  }
0x1ae: {  	p0 =	sne.s32 s0, $0x0;
	s0 =	rddreg [dreg:$0x2]  }
0x1af: {  	s0 =	sadd.s32 @!p0 $0x100000, s0  }
0x1b0: {  	[sflag:s0] =	ssyncadd.tile.s32 @!p0 $0x1;
	_ =	shalt  }
.Lfunc_end2:
_tile_overlayer_lowered:
.L_overlay_start_2:
0x1b1: {  	(tag) =	ssettag $0x2  }
0x1b2: {  	s0 =	rddreg [dreg:$0x0];
	s2 =	stileid.u32  }
0x1b3: {  	s1 =	rddreg [dreg:$0x1];
	p0 =	sne.s32 s2, $0x0  }
0x1b4: {  	s3 =	rddreg [dreg:$0x2];
	[bflag:$0x3] =	sbarrier.arrive $0xFFFF;
	s2 =	simm.s32 @!p0 $0x1C0B  }
0x1b5: {  	[timem:s3], [sflag:s2] =	dma.local @!p0 [hbm:s0], s1  }
0x1b6: {  	s0 =	simm.s32 @!p0 $0xB  }
0x1b7: {  	_ =	swait.ge @!p0 [sflag:s0], s1  }
0x1b8: {  	s1 =	ssub.s32 @!p0 $0x0, s1;
	[sflag:s0] =	ssyncset.done @!p0 $0x0  }
0x1b9: {  	[sflag:s0] =	ssyncadd.s32 @!p0 s1  }
0x1ba: {  	[bflag:$0x3] =	sbarrier.arrive $0xFFFF  }
0x1bb: {  	_ =	shalt  }

// kernel: kernel.8.cloned.1.call-start
scs
__scs_entry_jumppad:
0x0: {  	(pc) =	sbr.rel $0x88, $3  }
0x1: {  	(tag) =	ssettag $0x0;
	lr =	simm.s32 $0x1  }
0x2: {  	[smem:$0x3F9A] =	sst lr;
	_ =	strace $0xD0000000  }
0x3: {  	_ = 	snop  }
0x4: {  	_ = 	snop  }
0x5: {  	_ = 	snop  }
0x6: {  	_ = 	snop  }
0x7: {  	_ = 	snop  }
__scs_overlays_trampoline_lowered:
0x8: {  	[smem:$0x3FA9] =	sst s0  }
0x9: {  	[smem:$0x3FAA] =	sst s1  }
0xa: {  	[smem:$0x3FAB] =	sst s2  }
0xb: {  	[smem:$0x3FAC] =	sst s3  }
0xc: {  	[smem:$0x3FAD] =	sst s4  }
0xd: {  	[smem:$0x3FAE] =	sst s5  }
0xe: {  	[smem:$0x3FAF] =	sst s6  }
0xf: {  	[smem:$0x3FB0] =	sst s7  }
0x10: {  	[smem:$0x3FB1] =	sst s8  }
0x11: {  	[smem:$0x3FB2] =	sst s9;
	s0 =	simm.s32 @!p0 $0x0  }
0x12: {  	s1 =	sld [smem:$0x3F98];
	s0 =	simm.s32 @p0 $0x1  }
0x13: {  	[smem:$0x3FB3] =	sst s0;
	s0 =	simm.s32 @!p1 $0x0  }
0x14: {  	s2 =	sld [smem:$0x3F97];
	s0 =	simm.s32 @p1 $0x1  }
0x15: {  	[smem:$0x3FB4] =	sst s0;
	s0 =	simm.s32 @!p2 $0x0  }
0x16: {  	s3 =	sld [smem:$0x3FDB];
	s0 =	simm.s32 @p2 $0x1  }
0x17: {  	s4 =	simm.s32 $0x1BF5;
	[smem:$0x3FB6] =	sst s0  }
0x18: {  	s0 =	sld [smem:$0x3F99];
	_ =	swait.ge [sflag:s4], $0x0  }
0x19: {  	s7 =	sld [smem:$0x3F9A]  }
0x1a: {  	s8 =	sadd.s32 $0xFFFFE003, lr  }
0x1b: {  	s9 =	sadd.s32 $0xFFFFFEF7, lr;
	s5 =	simm.s32 $0xFFFFFFFF;
	p2 =	slt.u32 s8, $0xFFFFF086  }
0x1c: {  	p1 =	slt.u32 s9, $0xF7A;
	s5 =	simm.s32 @!p2 $0x0  }
0x1d: {  	s5 =	simm.s32 @p1 $0x1;
	p0 =	seq.s32 s7, s2  }
0x1e: {  	s7 =	smul.u32 @!p0 $0xF7A, s2;
	p2 =	seq.s32 @!p0 s5, $0x0  }
0x1f: {  	s9 =	smul.u32 $0xF7A, s1;
	s8 =	simm.s32 @!p0 $0x1BF5;
	p2 =	por !p2, p0  }
0x20: {  	[sflag:s8] =	ssyncset.s32 @!p0 $0xFFFFF086;
	s6 =	sadd.s32 @!p0 s3, s7;
	s7 =	simm.s32 @!p0 $0x108  }
0x21: {  	s3 =	sadd.s32 s3, s9;
	s6 =	sadd.s32 @!p0 $0x88, s6;
	s7 =	simm.s32 @p2 $0x1082  }
0x22: {  	[simem:s7], [sflag:s8] =	dma.local @!p0 [hbm:s6], $0xF7A  }
0x23: {  	s9 =	sor.u32 $0xD0000000, s2;
	s6 =	simm.s32 $0x108;
	_ =	swait.ge @!p0 [sflag:s8], $0x0  }
0x24: {  	s3 =	sadd.s32 $0x88, s3;
	s6 =	simm.s32 @!p1 $0x1082;
	[sflag:s4] =	ssyncset.s32 $0xFFFFF086  }
0x25: {  	[simem:s6], [sflag:s4] =	dma.local [hbm:s3], $0xF7A  }
0x26: {  	[smem:$0x3F9A] =	sst s1;
	(tag) =	ssettag s2;
	_ =	strace s9  }
0x27: {  	s1 =	sld [smem:$0x3FAA]  }
0x28: {  	s2 =	sld [smem:$0x3FAB]  }
0x29: {  	s4 =	sld [smem:$0x3FAD]  }
0x2a: {  	p0 =	seq.s32 s5, $0x0;
	s5 =	sld [smem:$0x3FAE]  }
0x2b: {  	s6 =	sld [smem:$0x3FAF]  }
0x2c: {  	s7 =	sld [smem:$0x3FB0]  }
0x2d: {  	s3 =	simm.s32 $0x108;
	s8 =	sld [smem:$0x3FB1]  }
0x2e: {  	s3 =	simm.s32 @!p0 $0x1082;
	s9 =	sld [smem:$0x3FB2]  }
0x2f: {  	lr =	sadd.s32 s0, s3;
	s0 =	sld [smem:$0x3FA9]  }
0x30: {  	s3 =	sld [smem:$0x3FAC]  }
0x31: {  	[smem:$0x3FB5] =	sst s10  }
0x32: {  	s10 =	sld [smem:$0x3FB3];
	_ =	sdelay $0x3  }
0x33: {  	p0 =	seq.s32 s10, $0x1;
	s10 =	sld [smem:$0x3FB5];
	_ =	sdelay $0x3  }
0x34: {  	[smem:$0x3FB5] =	sst s10  }
0x35: {  	s10 =	sld [smem:$0x3FB4];
	_ =	sdelay $0x3  }
0x36: {  	p1 =	seq.s32 s10, $0x1;
	s10 =	sld [smem:$0x3FB5];
	_ =	sdelay $0x3  }
0x37: {  	[smem:$0x3FB5] =	sst s10  }
0x38: {  	s10 =	sld [smem:$0x3FB6]  }
0x39: {  	_ = 	snop;
	(pc) =	sbr.ind lr, $3  }
0x3a: {  	_ = 	snop  }
0x3b: {  	_ = 	snop  }
0x3c: {  	p2 =	seq.s32 s10, $0x1;
	s10 =	sld [smem:$0x3FB5]  }
0x3d: {  	_ =	shalt  }
0x3e: {  	_ =	shalt  }
0x3f: {  	_ =	shalt  }
0x40: {  	_ =	shalt  }
0x41: {  	_ =	shalt  }
0x42: {  	_ =	shalt  }
0x43: {  	_ =	shalt  }
0x44: {  	_ =	shalt  }
0x45: {  	_ =	shalt  }
0x46: {  	_ =	shalt  }
0x47: {  	_ =	shalt  }
0x48: {  	_ =	shalt  }
0x49: {  	_ =	shalt  }
0x4a: {  	_ =	shalt  }
0x4b: {  	_ =	shalt  }
0x4c: {  	_ =	shalt  }
0x4d: {  	_ =	shalt  }
0x4e: {  	_ =	shalt  }
0x4f: {  	_ =	shalt  }
0x50: {  	_ =	shalt  }
0x51: {  	_ =	shalt  }
0x52: {  	_ =	shalt  }
0x53: {  	_ =	shalt  }
0x54: {  	_ =	shalt  }
0x55: {  	_ =	shalt  }
0x56: {  	_ =	shalt  }
0x57: {  	_ =	shalt  }
0x58: {  	_ =	shalt  }
0x59: {  	_ =	shalt  }
0x5a: {  	_ =	shalt  }
0x5b: {  	_ =	shalt  }
0x5c: {  	_ =	shalt  }
0x5d: {  	_ =	shalt  }
0x5e: {  	_ =	shalt  }
0x5f: {  	_ =	shalt  }
0x60: {  	_ =	shalt  }
0x61: {  	_ =	shalt  }
0x62: {  	_ =	shalt  }
0x63: {  	_ =	shalt  }
0x64: {  	_ =	shalt  }
0x65: {  	_ =	shalt  }
0x66: {  	_ =	shalt  }
0x67: {  	_ =	shalt  }
0x68: {  	_ =	shalt  }
0x69: {  	_ =	shalt  }
0x6a: {  	_ =	shalt  }
0x6b: {  	_ =	shalt  }
0x6c: {  	_ =	shalt  }
0x6d: {  	_ =	shalt  }
0x6e: {  	_ =	shalt  }
0x6f: {  	_ =	shalt  }
0x70: {  	_ =	shalt  }
0x71: {  	_ =	shalt  }
0x72: {  	_ =	shalt  }
0x73: {  	_ =	shalt  }
0x74: {  	_ =	shalt  }
0x75: {  	_ =	shalt  }
0x76: {  	_ =	shalt  }
0x77: {  	_ =	shalt  }
0x78: {  	_ =	shalt  }
0x79: {  	_ =	shalt  }
0x7a: {  	_ =	shalt  }
0x7b: {  	_ =	shalt  }
0x7c: {  	_ =	shalt  }
0x7d: {  	_ =	shalt  }
0x7e: {  	_ =	shalt  }
0x7f: {  	_ =	shalt  }
0x80: {  	_ =	shalt  }
0x81: {  	_ =	shalt  }
0x82: {  	_ =	shalt  }
0x83: {  	_ =	shalt  }
0x84: {  	_ =	shalt  }
0x85: {  	_ =	shalt  }
0x86: {  	_ =	shalt  }
0x87: {  	_ =	shalt  }
.Lfunc_end0:
.L_simem_size_0:
called_computation_lowered:
.L_overlay_start_0:
0x88: {  	s2 =	sld [smem:$0x3FD9]  }
0x89: {  	s3 =	sld [smem:$0x3FFE];
	_ =	sdelay $0x1  }
0x8a: {  	s1 =	srdreg.scid  }
0x8b: {  	s0 =	sand.u32 $0x1, s1  }
0x8c: {  	s16 =	sshll.u32 s0, $0xA;
	s2 =	sadd.s32 s3, s2  }
0x8d: {  	s2 =	sadd.s32 s2, s16  }
0x8e: {  	[smem:$0x3FC1] =	sst s2  }
0x8f: {  	_ = 	snop  }
0x90: {  	(tm) =	ssettm $0x1  }
0x91: {  	s17 =	sld [smem:$0x3FFB];
	_ =	sdelay $0x3  }
0x92: {  	_ =	strace s17  }
0x93: {  	s2 =	sld [smem:$0x3FFC];
	_ =	sdelay $0x3  }
0x94: {  	_ =	strace s2  }
0x95: {  	s2 =	sld [smem:$0x3FFD];
	_ =	sdelay $0x3  }
0x96: {  	_ =	strace s2  }
0x97: {  	_ =	strace $0x8FFFFFFF  }
0x98: {  	s18 =	sld [smem:$0x3FDB];
	_ =	sdelay $0x1  }
0x99: {  	s19 =	simm.s32 $_scs_section_size  }
0x9a: {  	s4 =	simm.s32 $_size__tile_overlayer_lowered;
	s5 =	simm.s32 $_tile_overlayer_lowered  }
0x9b: {  	s22 =	simm.s32 $0x1BFF;
	s21 =	sshll.u32 s5, $0x1;
	s2 =	sadd.s32 s19, s18  }
0x9c: {  	s6 =	simm.s32 $0x0;
	s20 =	sshll.u32 s4, $0x1;
	s4 =	sadd.s32 s21, s2  }
0x9d: {  	[timem:s6], [sflag:s22] =	dma.local [hbm:s4], s20  }
0x9e: {  	_ =	swait.ge [sflag:s22], s20  }
0x9f: {  	s3 =	ssub.s32 $0x0, s20;
	[sflag:s22] =	ssyncset.done $0x0  }
0xa0: {  	[sflag:s22] =	ssyncadd.s32 s3;
	_ =	sdelay $0x1  }
0xa1: {  	s23 =	simm.s32 $0x1B8B  }
0xa2: {  	_ =	swait.ge [sflag:s23], $0x1  }
0xa3: {  	[sflag:s23] =	ssyncset.done $0x0  }
0xa4: {  	s25 =	simm.s32 $0x1B8E;
	s24 =	sld [smem:$0x3FFE];
	[sflag:s23] =	ssyncadd.s32 $0xFFFFFFFF  }
0xa5: {  	s26 =	simm.s32 $execute0_lowered;
	[smem:$0x3FD2] =	sst s25  }
0xa6: {  	s4 =	sshll.u32 s26, $0x1;
	_ =	strace $0x80000046;
	[dreg:$0x1] =	wrdreg $0xFFFFFFFF  }
0xa7: {  	s28 =	simm.s32 $_size_execute0_lowered;
	s2 =	sadd.s32 s2, s4;
	[dreg:$0x0] =	wrdreg $0x0  }
0xa8: {  	s4 =	sshll.u32 s28, $0x1;
	[dreg:$0x2] =	wrdreg s2  }
0xa9: {  	[dreg:$0x3] =	wrdreg s4  }
0xaa: {  	[dreg:$0x4] =	wrdreg $0xC0  }
0xab: {  	_ =	task [dreg:s6], $0x5FFFF  }
0xac: {  	[dreg:$0x1] =	wrdreg $0xFFFFFFFF  }
0xad: {  	[dreg:$0x0] =	wrdreg $0x60  }
0xae: {  	[dreg:$0x2] =	wrdreg s24  }
0xaf: {  	[dreg:$0x3] =	wrdreg $0x68800  }
0xb0: {  	[dreg:$0x4] =	wrdreg $0x9  }
0xb1: {  	_ =	task.clear_ibuf [dreg:s6], $0x5FFFF;
	_ =	strace $0x90000046  }
0xb2: {  	s29 =	simm.s32 $0x9;
	_ =	strace $0x80000048  }
0xb3: {  	_ =	swait.ge [sflag:s29], $0x1  }
0xb4: {  	[sflag:s29] =	ssyncadd.s32 $0xFFFFFFFF  }
0xb5: {  	_ =	strace $0x90000048  }
0xb6: {  	_ =	sfence  }
0xb7: {  	s30 =	sld [smem:$0x0];
	_ =	sdelay $0x2  }
0xb8: {  	s31 =	sshll.u32 s1, $0xD;
	s1 =	sshrl.u32 s1, $0x2  }
0xb9: {  	s3 =	sand.u32 $0x4000, s31;
	s1 =	sadd.s32 s1, s30  }
0xba: {  	s0 =	sor.u32 s3, s0;
	s1 =	sshll.u32 s1, $0x11  }
0xbb: {  	s0 =	sor.u32 s1, s0  }
0xbc: {  	s0 =	sadd.s32 $0x8F2B, s0  }
0xbd: {  	[sflag:s0] =	ssyncadd.remote.s32 $0x1  }
0xbe: {  	_ =	sfence.sel $0xFFFF  }
0xbf: {  	[dreg:$0x0] =	wrdreg $0xFFFFFFFF;
	(pc) =	sbr.abs _section_cstart, $3  }
0xc0: {  	[dreg:$0x1] =	wrdreg $0xFFFFFFFF  }
0xc1: {  	_ =	task.clear_ibuf [dreg:s6], $0x2FFFF;
	_ =	strace $0x9FFFFFFF  }
0xc2: {  	(tm) =	ssettm $0x7FFFFFFF  }
0xc3: {  	_ =	shalt  }
tec
execute0_lowered:
.L_overlay_start_1:
0x0: {  	(tag) =	ssettag $0x1  }
0x1: {  	s4 =	rddreg [dreg:$0x0]  }
0x2: {  	s2 =	rddreg [dreg:$0x1]  }
0x3: {  	s0 =	rddreg [dreg:$0x2];
	s3 =	simm.s32 $0x0;
	s1 =	stileid.u32  }
0x4: {  	s7 =	srdreg.scid;
	[smem:$0x7FF] =	sst s3  }
0x5: {  	s5 =	smul.u32 $0x50000, s1;
	s6 =	sshll.u32 s1, $0xB;
	s14 =	sand.u32 $0x1, s7  }
0x6: {  	s15 =	sadd.s32 $0x12000, s4;
	s12 =	sadd.s32 $0x12C000, s2;
	s19 =	sadd.s32 $0x131000, s2  }
0x7: {  	s20 =	smul.u32 $0x14000, s1;
	s21 =	sadd.s32 $0x133800, s2;
	s22 =	sadd.s32 $0x136000, s2  }
0x8: {  	p0 =	seq.s32 s1, $0xF;
	_ =	strace $0x80000047;
	s13 =	sadd.s32 s6, s4  }
0x9: {  	s16 =	ssub.s32 $0x2, s14;
	s18 =	smul.u32 $0x138800, s14;
	s14 =	sshll.u32 s14, $0xF  }
0xa: {  	s5 =	sshrl.u32 s5, $0x2;
	s17 =	sshrl.u32 s16, $0x1;
	s13 =	sadd.s32 s14, s13  }
0xb: {  	s4 =	sadd.s32 s5, s2;
	s16 =	ssub.s32 s16, s17;
	s17 =	sadd.s32 $0x12E800, s2  }
0xc: {  	s13 =	sadd.s32 $0x2000, s13;
	s31 =	sadd.s32 s20, s18;
	s18 =	sshrl.u32 s18, $0x3  }
0xd: {  	s20 =	simm.s32 $0x4000;
	s5 =	sadd.s32 $0x2800, s4;
	s6 =	sadd.s32 $0x5000, s4  }
0xe: {  	s7 =	sadd.s32 $0x7800, s4;
	s8 =	sadd.s32 $0xA000, s4;
	s9 =	sadd.s32 $0xC800, s4  }
0xf: {  	s10 =	sadd.s32 $0xF000, s4;
	s11 =	sadd.s32 $0x11800, s4;
	s14 =	sshrl.u32 s31, $0x3  }
0x10: {  	s18 =	sadd.s32 s15, s18;
	s16 =	smax.u32 s16, $0x1;
	s14 =	sadd.s32 s15, s14  }
0x11: {  	s15 =	sadd.s32 $0x25800, s18;
	s7 =	smov.u32 @p0 s12;
	s8 =	smov.u32 @p0 s17  }
0x12: {  	s9 =	smov.u32 @p0 s19;
	s10 =	smov.u32 @p0 s21;
	s11 =	smov.u32 @p0 s22  }
0x13: {  	v0 =	vimm.f32 $0.0e+00;
	v1 =	vimm.f32 $1.000000000e+00;
	s17 =	simm.s32 $0x4080;
	s18 =	simm.s32 $0x1;
	s19 =	simm.s32 $0x50  }
.LBB2_1:
0x14: {  	s21 =	simm.s32 $0x0;
	s22 =	simm.s32 $0x200  }
.LBB2_2:
0x15: {  	p1 =	sne.s32 s22, $0x9E00;
	[tilespmem:s21+$0x40F0] =	vst v0  }
0x16: {  	[tilespmem:s21+$0x4080] =	vst v0  }
0x17: {  	[tilespmem:s21+$0x4090] =	vst v0  }
.Ltmp0:
0x18: {  	[tilespmem:s21+$0x40A0] =	vst v0;
	(pc) =	sbr.rel @p1 .LBB2_2-.Ltmp0, $4  }
0x19: {  	[tilespmem:s21+$0x40B0] =	vst v0  }
0x1a: {  	[tilespmem:s21+$0x40C0] =	vst v0  }
0x1b: {  	[tilespmem:s21+$0x40D0] =	vst v0  }
0x1c: {  	[tilespmem:s21+$0x40E0] =	vst v0;
	s21 =	sshra.s32 s22, $0x2;
	s22 =	sadd.s32 $0x200, s22  }
0x1d: {  	[tilespmem:s21+$0x40F0] =	vst v0  }
0x1e: {  	[tilespmem:s21+$0x4080] =	vst v0  }
0x1f: {  	[tilespmem:s21+$0x4090] =	vst v0  }
0x20: {  	[tilespmem:s21+$0x40A0] =	vst v0  }
0x21: {  	[tilespmem:s21+$0x40B0] =	vst v0  }
0x22: {  	[tilespmem:s21+$0x40C0] =	vst v0  }
0x23: {  	[tilespmem:s21+$0x40D0] =	vst v0  }
0x24: {  	[tilespmem:s21+$0x40E0] =	vst v0;
	s21 =	simm.s32 @!p0 $0x4080;
	s22 =	simm.s32 @!p0 $0x1  }
0x25: {  	[spmem:s4] =	stream.linear.scatter @!p0 [tilespmem:s21], [sflag:$0x1], $0x2800, $0x38;
	[tilespmem:$0x1A100] =	vst v63  }
0x26: {  	_ =	swait.ge @!p0 [sflag:s22], $0x2800  }
0x27: {  	[sflag:s22] =	ssyncset.done @!p0 $0x0  }
0x28: {  	[sflag:s22] =	ssyncadd.s32 @!p0 $0xFFFFD800  }
0x29: {  	[spmem:s5] =	stream.linear.scatter @!p0 [tilespmem:s21], [sflag:$0x1], $0x2800, $0x38;
	[tilespmem:$0x1A100] =	vst v63  }
0x2a: {  	_ =	swait.ge @!p0 [sflag:s22], $0x2800  }
0x2b: {  	[sflag:s22] =	ssyncset.done @!p0 $0x0  }
0x2c: {  	[sflag:s22] =	ssyncadd.s32 @!p0 $0xFFFFD800  }
0x2d: {  	[spmem:s6] =	stream.linear.scatter @!p0 [tilespmem:s21], [sflag:$0x1], $0x2800, $0x38;
	[tilespmem:$0x1A100] =	vst v63  }
0x2e: {  	_ =	swait.ge @!p0 [sflag:s22], $0x2800  }
0x2f: {  	[sflag:s22] =	ssyncset.done @!p0 $0x0  }
0x30: {  	[sflag:s22] =	ssyncadd.s32 @!p0 $0xFFFFD800  }
0x31: {  	[spmem:s7] =	stream.linear.scatter [tilespmem:s17], [sflag:$0x1], $0x2800, $0x38;
	[tilespmem:$0x1A100] =	vst v63  }
0x32: {  	_ =	swait.ge [sflag:s18], $0x2800  }
0x33: {  	[sflag:s18] =	ssyncset.done $0x0  }
0x34: {  	[sflag:s18] =	ssyncadd.s32 $0xFFFFD800  }
0x35: {  	[spmem:s8] =	stream.linear.scatter [tilespmem:s17], [sflag:$0x1], $0x2800, $0x38;
	[tilespmem:$0x1A100] =	vst v63  }
0x36: {  	_ =	swait.ge [sflag:s18], $0x2800  }
0x37: {  	[sflag:s18] =	ssyncset.done $0x0  }
0x38: {  	[sflag:s18] =	ssyncadd.s32 $0xFFFFD800  }
0x39: {  	[spmem:s9] =	stream.linear.scatter [tilespmem:s17], [sflag:$0x1], $0x2800, $0x38;
	[tilespmem:$0x1A100] =	vst v63  }
0x3a: {  	_ =	swait.ge [sflag:s18], $0x2800  }
0x3b: {  	[sflag:s18] =	ssyncset.done $0x0  }
0x3c: {  	[sflag:s18] =	ssyncadd.s32 $0xFFFFD800  }
0x3d: {  	[spmem:s10] =	stream.linear.scatter [tilespmem:s17], [sflag:$0x1], $0x2800, $0x38;
	[tilespmem:$0x1A100] =	vst v63  }
0x3e: {  	_ =	swait.ge [sflag:s18], $0x2800  }
0x3f: {  	[sflag:s18] =	ssyncset.done $0x0  }
0x40: {  	[sflag:s18] =	ssyncadd.s32 $0xFFFFD800  }
0x41: {  	[spmem:s11] =	stream.linear.scatter [tilespmem:s17], [sflag:$0x1], $0x2800, $0x38;
	[tilespmem:$0x1A100] =	vst v63  }
0x42: {  	_ =	swait.ge [sflag:s18], $0x2800  }
0x43: {  	[sflag:s18] =	ssyncset.done $0x0  }
0x44: {  	s21 =	simm.s32 $0x0;
	s22 =	simm.s32 $0x200;
	[sflag:s18] =	ssyncadd.s32 $0xFFFFD800  }
.LBB2_4:
0x45: {  	p1 =	sne.s32 s22, $0x9E00;
	[tilespmem:s21+$0x40F0] =	vst v1  }
0x46: {  	[tilespmem:s21+$0x4080] =	vst v1  }
0x47: {  	[tilespmem:s21+$0x4090] =	vst v1  }
.Ltmp1:
0x48: {  	[tilespmem:s21+$0x40A0] =	vst v1;
	(pc) =	sbr.rel @p1 .LBB2_4-.Ltmp1, $4  }
0x49: {  	[tilespmem:s21+$0x40B0] =	vst v1  }
0x4a: {  	[tilespmem:s21+$0x40C0] =	vst v1  }
0x4b: {  	[tilespmem:s21+$0x40D0] =	vst v1  }
0x4c: {  	[tilespmem:s21+$0x40E0] =	vst v1;
	s21 =	sshra.s32 s22, $0x2;
	s22 =	sadd.s32 $0x200, s22  }
0x4d: {  	[tilespmem:s21+$0x40F0] =	vst v1  }
0x4e: {  	[tilespmem:s21+$0x4080] =	vst v1  }
0x4f: {  	[tilespmem:s21+$0x4090] =	vst v1  }
0x50: {  	[tilespmem:s21+$0x40A0] =	vst v1  }
0x51: {  	[tilespmem:s21+$0x40B0] =	vst v1  }
0x52: {  	[tilespmem:s21+$0x40C0] =	vst v1  }
0x53: {  	[tilespmem:s21+$0x40D0] =	vst v1  }
0x54: {  	[tilespmem:s21+$0x40E0] =	vst v1;
	s30 =	simm.s32 $0x0  }
0x55: {  	[tilespmem:s30], [sflag:$0x1] =	stream.linear.gather [hbm4b:s13+s30], $0x3E80, $0x38;
	[tilespmem:$0x1A100] =	vst v63  }
0x56: {  	_ =	swait.ge [sflag:s18], $0x3E80  }
0x57: {  	[sflag:s18] =	ssyncset.done $0x0  }
0x58: {  	[sflag:s18] =	ssyncadd.s32 $0xFFFFC180  }
0x59: {  	s31 =	simm.s32 $0x0;
	[bflag:$0x0] =	sbarrier.arrive $0xFFFF  }
0x5a: {  	v2 =	vld [tilespmem:s31+$0x0];
	_ =	sdelay $0x4  }
0x5b: {  	[tilespmem:$0x4000] =	vst v2  }
0x5c: {  	v2 =	vld [tilespmem:s31+$0x10];
	_ =	sdelay $0x4  }
0x5d: {  	[tilespmem:$0x4010] =	vst v2  }
0x5e: {  	v2 =	vld [tilespmem:s31+$0x20];
	_ =	sdelay $0x4  }
0x5f: {  	[tilespmem:$0x4020] =	vst v2  }
0x60: {  	v2 =	vld [tilespmem:s31+$0x30];
	_ =	sdelay $0x4  }
0x61: {  	[tilespmem:$0x4030] =	vst v2  }
0x62: {  	v2 =	vld [tilespmem:s31+$0x40];
	_ =	sdelay $0x4  }
0x63: {  	[tilespmem:$0x4040] =	vst v2  }
0x64: {  	[spmem:s2] =	stream.indirect.scatter.add.f32 [tilespmem:s17], [sflag:$0x1], $0x80, s20, s19, $0xb8;
	[tilespmem:$0x1A100] =	vst v63  }
0x65: {  	_ =	swait.ge [sflag:s18], $0x2800  }
0x66: {  	s21 =	simm.s32 $0x200;
	s22 =	simm.s32 $0x400;
	[sflag:s18] =	ssyncset.done $0x0  }
.LBB2_6:
0x67: {  	s23 =	sshra.s32 s21, $0x2  }
0x68: {  	[sflag:s18] =	ssyncadd.s32 $0xFFFFD800;
	s21 =	smov.u32 s22;
	s24 =	sadd.s32 $0x200, s22  }
0x69: {  	p1 =	sne.s32 s22, $0xF800;
	v2 =	vld [tilespmem:s23+$0x0];
	_ =	sdelay $0x4  }
0x6a: {  	[tilespmem:$0x4000] =	vst v2  }
0x6b: {  	v2 =	vld [tilespmem:s23+$0x10];
	_ =	sdelay $0x4  }
0x6c: {  	[tilespmem:$0x4010] =	vst v2  }
0x6d: {  	v2 =	vld [tilespmem:s23+$0x20];
	_ =	sdelay $0x4  }
0x6e: {  	[tilespmem:$0x4020] =	vst v2  }
0x6f: {  	v2 =	vld [tilespmem:s23+$0x30];
	_ =	sdelay $0x4  }
0x70: {  	[tilespmem:$0x4030] =	vst v2  }
0x71: {  	v2 =	vld [tilespmem:s23+$0x40];
	_ =	sdelay $0x3  }
.Ltmp2:
0x72: {  	(pc) =	sbr.rel @p1 .LBB2_6-.Ltmp2, $4  }
0x73: {  	[tilespmem:$0x4040] =	vst v2  }
0x74: {  	[spmem:s2] =	stream.indirect.scatter.add.f32 [tilespmem:s17], [sflag:$0x1], $0x80, s20, s19, $0xb8;
	[tilespmem:$0x1A100] =	vst v63  }
0x75: {  	_ =	swait.ge [sflag:s18], $0x2800  }
0x76: {  	s22 =	smov.u32 s24;
	[sflag:s18] =	ssyncset.done $0x0  }
0x77: {  	s21 =	sshra.s32 s21, $0x2;
	[sflag:s18] =	ssyncadd.s32 $0xFFFFD800  }
0x78: {  	v2 =	vld [tilespmem:s21+$0x0];
	_ =	sdelay $0x4  }
0x79: {  	[tilespmem:$0x4000] =	vst v2  }
0x7a: {  	v2 =	vld [tilespmem:s21+$0x10];
	_ =	sdelay $0x4  }
0x7b: {  	[tilespmem:$0x4010] =	vst v2  }
0x7c: {  	v2 =	vld [tilespmem:s21+$0x20];
	_ =	sdelay $0x4  }
0x7d: {  	[tilespmem:$0x4020] =	vst v2  }
0x7e: {  	v2 =	vld [tilespmem:s21+$0x30];
	_ =	sdelay $0x4  }
0x7f: {  	[tilespmem:$0x4030] =	vst v2  }
0x80: {  	v2 =	vld [tilespmem:s21+$0x40];
	_ =	sdelay $0x4  }
0x81: {  	[tilespmem:$0x4040] =	vst v2  }
0x82: {  	[spmem:s2] =	stream.indirect.scatter.add.f32 [tilespmem:s17], [sflag:$0x1], $0x80, s20, s19, $0xb8;
	[tilespmem:$0x1A100] =	vst v63  }
0x83: {  	_ =	swait.ge [sflag:s18], $0x2800  }
0x84: {  	[sflag:s18] =	ssyncset.done $0x0  }
0x85: {  	[sflag:s18] =	ssyncadd.s32 $0xFFFFD800  }
0x86: {  	s22 =	simm.s32 @p0 $0x1FC1;
	s21 =	sshrl.u32 @p0 s12, $0x3;
	[bflag:$0x0] =	sbarrier.arrive $0xFFFF  }
0x87: {  	[hbm:s15], [sflag:s22] =	dma.local @p0 [spmem:s21], $0x1900  }
0x88: {  	s21 =	simm.s32 @p0 $0x1  }
0x89: {  	s3 =	sadd.s32 $0x1, s3;
	_ =	swait.ge @p0 [sflag:s21], $0x1900  }
0x8a: {  	p1 =	sne.s32 s3, s16;
	s22 =	sshll.u32 @!p0 s1, $0x6;
	[sflag:s21] =	ssyncset.done @p0 $0x0  }
0x8b: {  	[sflag:s21] =	ssyncadd.s32 @p0 $0xFFFFE700;
	s21 =	sor.u32 @!p0 $0x1C01, s22;
	s22 =	sshrl.u32 @!p0 s4, $0x3  }
0x8c: {  	[hbm:s14], [sflag:s21] =	dma.local @!p0 [spmem:s22], $0x2800  }
.Ltmp3:
0x8d: {  	_ = 	snop;
	(pc) =	sbr.rel @p1 .LBB2_1-.Ltmp3, $4  }
0x8e: {  	s21 =	simm.s32 @!p0 $0x1  }
0x8f: {  	_ =	swait.ge @!p0 [sflag:s21], $0x2800  }
0x90: {  	[sflag:s21] =	ssyncset.done @!p0 $0x0  }
0x91: {  	[sflag:s21] =	ssyncadd.s32 @!p0 $0xFFFFD800  }
0x92: {  	_ =	sfence.sel $0x180000  }
0x93: {  	[bflag:$0x0] =	sbarrier.arrive $0xFFFF  }
0x94: {  	p0 =	sne.s32 s1, $0x0;
	_ =	strace $0x90000047  }
0x95: {  	s0 =	sadd.s32 @!p0 $0x100000, s0;
	[bflag:$0x2] =	sbarrier.arrive $0xFFFF  }
0x96: {  	[sflag:s0] =	ssyncadd.tile.s32 @!p0 $0x1;
	_ =	shalt  }
.Lfunc_end2:
_tile_overlayer_lowered:
.L_overlay_start_2:
0x97: {  	(tag) =	ssettag $0x2  }
0x98: {  	s0 =	rddreg [dreg:$0x0];
	s2 =	stileid.u32  }
0x99: {  	s1 =	rddreg [dreg:$0x1];
	p0 =	sne.s32 s2, $0x0  }
0x9a: {  	s3 =	rddreg [dreg:$0x2];
	[bflag:$0x3] =	sbarrier.arrive $0xFFFF;
	s2 =	simm.s32 @!p0 $0x1C01  }
0x9b: {  	[timem:s3], [sflag:s2] =	dma.local @!p0 [hbm:s0], s1  }
0x9c: {  	s0 =	simm.s32 @!p0 $0x1  }
0x9d: {  	_ =	swait.ge @!p0 [sflag:s0], s1  }
0x9e: {  	s1 =	ssub.s32 @!p0 $0x0, s1;
	[sflag:s0] =	ssyncset.done @!p0 $0x0  }
0x9f: {  	[sflag:s0] =	ssyncadd.s32 @!p0 s1  }
0xa0: {  	[bflag:$0x3] =	sbarrier.arrive $0xFFFF  }
0xa1: {  	_ =	shalt  }

</sc_bundles>
